<compile_context>
chip_gen: v7x
topology: tpu7x:2x2x1
jax: 0.10.2.dev20260603
libtpu: 0.0.44.dev20260713+nightly
codegen_flags: <defaults>
</compile_context>

<pallas_src>
import functools

import jax
import jax.numpy as jnp
from jax import lax
from jax.experimental import pallas as pl
from jax.experimental.pallas import tpu as pltpu
from jax.experimental.pallas import tpu_sc as plsc

N = 10000
M = 5000
NNZ = 320000
D = 128

NC = 2
NS = 16
NW = NC * NS

NP = 10112
MP = 5120
CHUNK = 128
IDXROWS = 2560
NNZP = IDXROWS * CHUNK
ROWS_PER_W = IDXROWS // NW
DEGW = 16

_MESH = dict(core_axis_name="c", subcore_axis_name="s")


def _make_sc_pass(T, S):
    rpt = T // NS
    mesh = plsc.VectorSubcoreMesh(**_MESH)

    @functools.partial(
        pl.kernel,
        out_type=jax.ShapeDtypeStruct((2 * T, D), jnp.float32),
        mesh=mesh,
        scratch_types=[
            pltpu.VMEM((ROWS_PER_W // 2, CHUNK), jnp.int32),
            pltpu.VMEM((ROWS_PER_W // 2, CHUNK), jnp.int32),
            pltpu.VMEM((CHUNK, D), jnp.float32),
            pltpu.VMEM((CHUNK, D), jnp.float32),
            pltpu.VMEM_SHARED((T, D), jnp.float32),
            pltpu.SemaphoreType.DMA,
            pltpu.SemaphoreType.DMA,
        ],
    )
    def sc_pass(src, gidx, sidx, zeros, out, gbuf, sbuf, rows0, rows1, acc,
                sem0, sem1):
        cid = lax.axis_index("c")
        sid = lax.axis_index("s")
        wid = sid * NC + cid
        half = ROWS_PER_W // 2
        pltpu.sync_copy(zeros.at[pl.ds(sid * rpt, rpt)],
                        acc.at[pl.ds(sid * rpt, rpt)])
        plsc.subcore_barrier()

        for h in range(2):
            base = wid * ROWS_PER_W + h * half
            pltpu.sync_copy(gidx.at[pl.ds(base, half)], gbuf)
            pltpu.sync_copy(sidx.at[pl.ds(base, half)], sbuf)
            pltpu.async_copy(src.at[gbuf.at[0]], rows0, sem0)

            def body(i, carry):
                j = 2 * i
                pltpu.async_copy(src.at[gbuf.at[j + 1]], rows1, sem1)
                pltpu.make_async_copy(src.at[gbuf.at[j]], rows0, sem0).wait()
                pltpu.sync_copy(rows0, acc.at[sbuf.at[j]], add=True)

                @pl.when(j + 2 < half)
                def _():
                    pltpu.async_copy(src.at[gbuf.at[j + 2]], rows0, sem0)

                pltpu.make_async_copy(src.at[gbuf.at[j + 1]], rows1,
                                      sem1).wait()
                pltpu.sync_copy(rows1, acc.at[sbuf.at[j + 1]], add=True)
                return carry

            lax.fori_loop(0, half // 2, body, 0)
        plsc.subcore_barrier()
        pltpu.sync_copy(acc.at[pl.ds(sid * rpt, rpt)],
                        out.at[pl.ds(cid * T + sid * rpt, rpt)])

    return sc_pass


def _make_sc_deg(T):
    rpt = T // NS
    mesh = plsc.VectorSubcoreMesh(**_MESH)

    @functools.partial(
        pl.kernel,
        out_type=jax.ShapeDtypeStruct((2 * T, D), jnp.float32),
        mesh=mesh,
        scratch_types=[
            pltpu.VMEM((ROWS_PER_W, CHUNK), jnp.int32),
            pltpu.VMEM((CHUNK, D), jnp.float32),
            pltpu.VMEM_SHARED((T, D), jnp.float32),
            pltpu.SemaphoreType.DMA,
        ],
    )
    def sc_deg(sidx, ones, zeros, out, sbuf, onesbuf, acc, sem):
        cid = lax.axis_index("c")
        sid = lax.axis_index("s")
        wid = sid * NC + cid
        pltpu.sync_copy(zeros.at[pl.ds(sid * rpt, rpt)],
                        acc.at[pl.ds(sid * rpt, rpt)])
        pltpu.sync_copy(sidx.at[pl.ds(wid * ROWS_PER_W, ROWS_PER_W)], sbuf)
        pltpu.sync_copy(ones, onesbuf)
        plsc.subcore_barrier()

        K = 8

        def body(i, carry):
            descs = [pltpu.async_copy(onesbuf, acc.at[sbuf.at[i * K + k]],
                                      sem, add=True) for k in range(K)]
            for d in descs:
                d.wait()
            return carry

        lax.fori_loop(0, ROWS_PER_W // K, body, 0)
        plsc.subcore_barrier()
        pltpu.sync_copy(acc.at[pl.ds(sid * rpt, rpt)],
                        out.at[pl.ds(cid * T + sid * rpt, rpt)])

    return sc_deg



def _tc_prep_body(x, w, b, dv2, hs, dvis):
    dv = dv2[0] + dv2[1]
    s = jnp.where(dv > 0, lax.rsqrt(dv), 0.0)
    h = jnp.dot(x[...], w[...], preferred_element_type=jnp.float32) + b[...]
    hs[...] = h * s
    dvis[...] = s


def _tc_prep(X, W1, b1, dv2):
    return pl.pallas_call(
        _tc_prep_body,
        out_shape=(jax.ShapeDtypeStruct((N, D), jnp.float32),
                   jax.ShapeDtypeStruct((N, 1), jnp.float32)),
    )(X, W1, b1, dv2)


def _tc_edge_body(p2, de2, out):
    de = de2[0] + de2[1]
    dei = jnp.where(de > 0, 1.0 / de, 0.0)
    out[...] = (p2[0] + p2[1]) * dei


def _tc_edge(p2, de2):
    return pl.pallas_call(
        _tc_edge_body,
        out_shape=jax.ShapeDtypeStruct((MP, D), jnp.float32),
    )(p2, de2)


def _tc_l2_body(q2, dvis, w, b, out):
    t = jnp.maximum((q2[0] + q2[1]) * dvis[...], 0.0)
    h2 = jnp.dot(t, w[...], preferred_element_type=jnp.float32) + b[...]
    out[...] = h2 * dvis[...]


def _tc_l2(q2, dvis, W2, b2):
    return pl.pallas_call(
        _tc_l2_body,
        out_shape=jax.ShapeDtypeStruct((N, D), jnp.float32),
    )(q2, dvis, W2, b2)


def _tc_final_body(q2, dvis, wvt, bv, out):
    t = jnp.maximum((q2[0] + q2[1]) * dvis[...], 0.0)
    pooled = jnp.sum(t, axis=0, keepdims=True) * (1.0 / N)
    out[...] = jnp.sum(pooled * wvt[...], axis=1, keepdims=True) + bv[...]


def _tc_final(q2, dvis, wvt, bv):
    return pl.pallas_call(
        _tc_final_body,
        out_shape=jax.ShapeDtypeStruct((1, 1), jnp.float32),
    )(q2, dvis, wvt, bv)


_sc_deg_vert = _make_sc_deg(NP)
_sc_deg_edge = _make_sc_deg(MP)
_sc_pass_edge = _make_sc_pass(MP, NP)
_sc_pass_vert = _make_sc_pass(NP, MP)


def kernel(X, vertex_idx, edge_idx, W1, b1, W2, b2, Wv, bv):
    vi = vertex_idx.astype(jnp.int32)
    ei = edge_idx.astype(jnp.int32)
    pad_ar = jnp.arange(NNZP - NNZ, dtype=jnp.int32)
    vip = jnp.concatenate(
        [vi, N + pad_ar % (NP - N)]).reshape(IDXROWS, CHUNK)
    eip = jnp.concatenate(
        [ei, M + pad_ar % (MP - M)]).reshape(IDXROWS, CHUNK)
    ones_deg = jnp.ones((CHUNK, D), jnp.float32)
    zN = jnp.zeros((NP, D), jnp.float32)
    zM = jnp.zeros((MP, D), jnp.float32)

    dv_out = _sc_deg_vert(vip, ones_deg, zN)
    de_out = _sc_deg_edge(eip, ones_deg, zM)
    dv2 = dv_out.reshape(2, NP, D)[:, :N, :1]
    de2 = de_out.reshape(2, MP, D)[:, :, :1]

    hs, dvis = _tc_prep(X, W1, b1.reshape(1, D), dv2)
    hsp = jnp.pad(hs, ((0, NP - N), (0, 0)))
    p = _sc_pass_edge(hsp, vip, eip, zM).reshape(2, MP, D)
    ef = _tc_edge(p, de2)
    q = _sc_pass_vert(ef, eip, vip, zN).reshape(2, NP, D)[:, :N]

    h2 = _tc_l2(q, dvis, W2, b2.reshape(1, D))
    h2p = jnp.pad(h2, ((0, NP - N), (0, 0)))
    p2 = _sc_pass_edge(h2p, vip, eip, zM).reshape(2, MP, D)
    ef2 = _tc_edge(p2, de2)
    q2 = _sc_pass_vert(ef2, eip, vip, zN).reshape(2, NP, D)[:, :N]

    v = _tc_final(q2, dvis, Wv[:, 0].reshape(1, D), bv.reshape(1, 1))
    return v[0]

# --- scband reference (transcript-rebuilt; emitter-appended) ---
"""Pipeline reference for scband-hgnncritic-9216999817277 (READ-ONLY COPY).

The authoritative reference and input builder live on the scoring server;
editing this copy changes nothing except your own understanding.
"""

import jax, jax.numpy as jnp
import numpy as np

N = 10000      # n_agents (vertices)
M = 5000       # n_hyperedges
NNZ = 320000   # incidence pairs
D_IN = 128     # observation_dim
D_H = 128      # hidden_dim


def setup_inputs(seed: int = 0) -> dict:
    key = jax.random.key(seed)
    ks = jax.random.split(key, 10)
    X = jax.random.normal(ks[0], (N, D_IN), dtype=jnp.float32)
    vertex_idx = jax.random.randint(ks[1], (NNZ,), 0, N, dtype=jnp.int64 if jax.config.jax_enable_x64 else jnp.int32)
    edge_idx = jax.random.randint(ks[2], (NNZ,), 0, M, dtype=jnp.int64 if jax.config.jax_enable_x64 else jnp.int32)
    s1 = 1.0 / np.sqrt(D_IN)
    W1 = jax.random.uniform(ks[3], (D_IN, D_H), minval=-s1, maxval=s1, dtype=jnp.float32)
    b1 = jax.random.uniform(ks[4], (D_H,), minval=-s1, maxval=s1, dtype=jnp.float32)
    s2 = 1.0 / np.sqrt(D_H)
    W2 = jax.random.uniform(ks[5], (D_H, D_H), minval=-s2, maxval=s2, dtype=jnp.float32)
    b2 = jax.random.uniform(ks[6], (D_H,), minval=-s2, maxval=s2, dtype=jnp.float32)
    Wv = jax.random.uniform(ks[7], (D_H, 1), minval=-s2, maxval=s2, dtype=jnp.float32)
    bv = jax.random.uniform(ks[8], (1,), minval=-s2, maxval=s2, dtype=jnp.float32)
    return {"X": X, "vertex_idx": vertex_idx, "edge_idx": edge_idx,
            "W1": W1, "b1": b1, "W2": W2, "b2": b2, "Wv": Wv, "bv": bv}


def _hgnn_smoothing(X, vertex_idx, edge_idx):
    # L = D_v^{-1/2} H W_e D_e^{-1} H^T D_v^{-1/2}, W_e = I
    dv = jnp.zeros((N,), dtype=X.dtype).at[vertex_idx].add(1.0)
    de = jnp.zeros((M,), dtype=X.dtype).at[edge_idx].add(1.0)
    dv_inv_sqrt = jnp.where(dv > 0, dv ** -0.5, 0.0)
    de_inv = jnp.where(de > 0, 1.0 / de, 0.0)
    Xs = X * dv_inv_sqrt[:, None]
    # H^T (D_v^{-1/2} X): scatter-add vertex features into hyperedges
    edge_feat = jax.ops.segment_sum(Xs[vertex_idx], edge_idx, num_segments=M)
    edge_feat = edge_feat * de_inv[:, None]
    # H (D_e^{-1} ...): scatter-add hyperedge features back to vertices
    out = jax.ops.segment_sum(edge_feat[edge_idx], vertex_idx, num_segments=N)
    return out * dv_inv_sqrt[:, None]


def reference(X, vertex_idx, edge_idx, W1, b1, W2, b2, Wv, bv):
    # HGNNConv layer 1: theta -> smoothing -> relu (dropout is identity at inference)
    h = X @ W1 + b1
    h = _hgnn_smoothing(h, vertex_idx, edge_idx)
    h = jax.nn.relu(h)
    # HGNNConv layer 2
    h = h @ W2 + b2
    h = _hgnn_smoothing(h, vertex_idx, edge_idx)
    h = jax.nn.relu(h)
    # value_mode == 'shared': mean-pool over agents, linear head, squeeze(0)
    pooled = jnp.mean(h, axis=0, keepdims=True)   # (1, D_H)
    v = pooled @ Wv + bv                          # (1, 1)
    return v.squeeze(0)                           # (1,)

if __name__ == "__main__":
    import jax
    _d = setup_inputs()
    print(jax.jit(kernel)(*tuple(_d.values())))

</pallas_src>

<mosaic_0001>
#map = affine_map<(d0, d1) -> (0, 0)>
module attributes {stable_mosaic.version = 14 : i64} {
  func.func @sc_pass(%arg0: i32, %arg1: i32, %arg2: memref<10112x128xf32, #tpu.memory_space<hbm>>, %arg3: memref<2560x128xi32, #tpu.memory_space<hbm>>, %arg4: memref<2560x128xi32, #tpu.memory_space<hbm>>, %arg5: memref<5120x128xf32, #tpu.memory_space<hbm>>, %arg6: memref<10240x128xf32, #tpu.memory_space<hbm>>, %arg7: memref<40x128xi32, #tpu.memory_space<vmem>>, %arg8: memref<40x128xi32, #tpu.memory_space<vmem>>, %arg9: memref<128x128xf32, #tpu.memory_space<vmem>>, %arg10: memref<128x128xf32, #tpu.memory_space<vmem>>, %arg11: memref<5120x128xf32, #tpu.memory_space<vmem_shared>>, %arg12: memref<!tpu.dma_semaphore, #tpu.memory_space<semaphore_mem>>, %arg13: memref<!tpu.dma_semaphore, #tpu.memory_space<semaphore_mem>>) attributes {dimension_semantics = [#tpu.dimension_semantics<core_parallel>, #tpu.dimension_semantics<subcore_parallel>], iteration_bounds = array<i64: 2, 16>, scalar_prefetch = 0 : i64, scratch_operands = 7 : i64, tpu.core_type = #tpu.core_type<sc_vector_subcore>, window_params = [{transform_indices = #map}, {transform_indices = #map}, {transform_indices = #map}, {transform_indices = #map}, {transform_indices = #map}]} {
    %mul3A = arith.constant 2 : i32
    %mul3A_0 = arith.muli %arg1, %mul3A : i32
    %add3A = arith.addi %mul3A_0, %arg0 : i32
    %mul3A_1 = arith.constant 320 : i32
    %mul3A_2 = arith.muli %arg1, %mul3A_1 : i32
    %mul3A_3 = arith.constant 320 : i32
    %mul3A_4 = arith.muli %arg1, %mul3A_3 : i32
    "tpu.region"() ({
      %run_scoped3A = tpu.sem_alloc : memref<!tpu.dma_semaphore, #tpu.memory_space<semaphore_mem>>
      %dma_start3A_45 = arith.constant 0 : i32
      %dma_start3A_46 = tpu.memref_slice %arg11[%mul3A_4, %dma_start3A_45] : memref<5120x128xf32, #tpu.memory_space<vmem_shared>> -> memref<320x128xf32, #tpu.memory_space<vmem_shared>>
      %dma_start3A_47 = arith.constant 0 : i32
      %dma_start3A_48 = tpu.memref_slice %arg5[%mul3A_2, %dma_start3A_47] : memref<5120x128xf32, #tpu.memory_space<hbm>> -> memref<320x128xf32, #tpu.memory_space<hbm>>
      tpu.enqueue_dma source(%dma_start3A_48 : memref<320x128xf32, #tpu.memory_space<hbm>>) target(%dma_start3A_46 : memref<320x128xf32, #tpu.memory_space<vmem_shared>>) target_semaphore(%run_scoped3A : memref<!tpu.dma_semaphore, #tpu.memory_space<semaphore_mem>>)
      %dma_wait3A = arith.constant 0 : i32
      %dma_wait3A_49 = tpu.memref_slice %arg11[%mul3A_4, %dma_wait3A] : memref<5120x128xf32, #tpu.memory_space<vmem_shared>> -> memref<320x128xf32, #tpu.memory_space<vmem_shared>>
      %dma_wait3A_50 = arith.constant 0 : i32
      %dma_wait3A_51 = tpu.memref_slice %arg5[%mul3A_2, %dma_wait3A_50] : memref<5120x128xf32, #tpu.memory_space<hbm>> -> memref<320x128xf32, #tpu.memory_space<hbm>>
      tpu.wait_dma2 semaphore(%run_scoped3A : memref<!tpu.dma_semaphore, #tpu.memory_space<semaphore_mem>>) src(%dma_wait3A_51 : memref<320x128xf32, #tpu.memory_space<hbm>>) dst(%dma_wait3A_49 : memref<320x128xf32, #tpu.memory_space<vmem_shared>>)
      tpu.yield
    }) : () -> ()
    %barrier3A = arith.constant 0 : index
    tpu.barrier barrier_id(%barrier3A)
    %mul3A_5 = arith.constant 80 : i32
    %mul3A_6 = arith.muli %add3A, %mul3A_5 : i32
    %add3A_7 = arith.constant 0 : i32
    %add3A_8 = arith.addi %mul3A_6, %add3A_7 : i32
    "tpu.region"() ({
      %run_scoped3A = tpu.sem_alloc : memref<!tpu.dma_semaphore, #tpu.memory_space<semaphore_mem>>
      %dma_start3A_45 = arith.constant 0 : i32
      %dma_start3A_46 = tpu.memref_slice %arg3[%add3A_8, %dma_start3A_45] : memref<2560x128xi32, #tpu.memory_space<hbm>> -> memref<40x128xi32, #tpu.memory_space<hbm>>
      %dma_start3A_47 = arith.constant 0 : i32
      %dma_start3A_48 = tpu.memref_slice %arg3[%add3A_8, %dma_start3A_47] : memref<2560x128xi32, #tpu.memory_space<hbm>> -> memref<40x128xi32, #tpu.memory_space<hbm>>
      tpu.enqueue_dma source(%dma_start3A_48 : memref<40x128xi32, #tpu.memory_space<hbm>>) target(%arg7 : memref<40x128xi32, #tpu.memory_space<vmem>>) target_semaphore(%run_scoped3A : memref<!tpu.dma_semaphore, #tpu.memory_space<semaphore_mem>>)
      %dma_wait3A = arith.constant 0 : i32
      %dma_wait3A_49 = tpu.memref_slice %arg3[%add3A_8, %dma_wait3A] : memref<2560x128xi32, #tpu.memory_space<hbm>> -> memref<40x128xi32, #tpu.memory_space<hbm>>
      %dma_wait3A_50 = arith.constant 0 : i32
      %dma_wait3A_51 = tpu.memref_slice %arg3[%add3A_8, %dma_wait3A_50] : memref<2560x128xi32, #tpu.memory_space<hbm>> -> memref<40x128xi32, #tpu.memory_space<hbm>>
      tpu.wait_dma2 semaphore(%run_scoped3A : memref<!tpu.dma_semaphore, #tpu.memory_space<semaphore_mem>>) src(%dma_wait3A_51 : memref<40x128xi32, #tpu.memory_space<hbm>>) dst(%arg7 : memref<40x128xi32, #tpu.memory_space<vmem>>)
      tpu.yield
    }) : () -> ()
    "tpu.region"() ({
      %run_scoped3A = tpu.sem_alloc : memref<!tpu.dma_semaphore, #tpu.memory_space<semaphore_mem>>
      %dma_start3A_45 = arith.constant 0 : i32
      %dma_start3A_46 = tpu.memref_slice %arg4[%add3A_8, %dma_start3A_45] : memref<2560x128xi32, #tpu.memory_space<hbm>> -> memref<40x128xi32, #tpu.memory_space<hbm>>
      %dma_start3A_47 = arith.constant 0 : i32
      %dma_start3A_48 = tpu.memref_slice %arg4[%add3A_8, %dma_start3A_47] : memref<2560x128xi32, #tpu.memory_space<hbm>> -> memref<40x128xi32, #tpu.memory_space<hbm>>
      tpu.enqueue_dma source(%dma_start3A_48 : memref<40x128xi32, #tpu.memory_space<hbm>>) target(%arg8 : memref<40x128xi32, #tpu.memory_space<vmem>>) target_semaphore(%run_scoped3A : memref<!tpu.dma_semaphore, #tpu.memory_space<semaphore_mem>>)
      %dma_wait3A = arith.constant 0 : i32
      %dma_wait3A_49 = tpu.memref_slice %arg4[%add3A_8, %dma_wait3A] : memref<2560x128xi32, #tpu.memory_space<hbm>> -> memref<40x128xi32, #tpu.memory_space<hbm>>
      %dma_wait3A_50 = arith.constant 0 : i32
      %dma_wait3A_51 = tpu.memref_slice %arg4[%add3A_8, %dma_wait3A_50] : memref<2560x128xi32, #tpu.memory_space<hbm>> -> memref<40x128xi32, #tpu.memory_space<hbm>>
      tpu.wait_dma2 semaphore(%run_scoped3A : memref<!tpu.dma_semaphore, #tpu.memory_space<semaphore_mem>>) src(%dma_wait3A_51 : memref<40x128xi32, #tpu.memory_space<hbm>>) dst(%arg8 : memref<40x128xi32, #tpu.memory_space<vmem>>)
      tpu.yield
    }) : () -> ()
    %dma_start3A = arith.constant 0 : i32
    %dma_start3A_9 = arith.constant 0 : i32
    %dma_start3A_10 = tpu.memref_slice %arg7[%dma_start3A, %dma_start3A_9] : memref<40x128xi32, #tpu.memory_space<vmem>> -> memref<1x128xi32, #tpu.memory_space<vmem>>
    %dma_start3A_11 = tpu.memref_squeeze %dma_start3A_10 : memref<1x128xi32, #tpu.memory_space<vmem>> -> memref<128xi32, #tpu.memory_space<vmem>>
    %dma_start3A_12 = arith.constant 0 : i32
    %dma_start3A_13 = arith.constant 0 : i32
    %dma_start3A_14 = tpu.memref_slice %arg2[%dma_start3A_12, %dma_start3A_13] : memref<10112x128xf32, #tpu.memory_space<hbm>> -> memref<10112x128xf32, #tpu.memory_space<hbm>>
    tpu.enqueue_indirect_dma source(%dma_start3A_14 : memref<10112x128xf32, #tpu.memory_space<hbm>>) target(%arg9 : memref<128x128xf32, #tpu.memory_space<vmem>>) offsets(%dma_start3A_11 : memref<128xi32, #tpu.memory_space<vmem>>) semaphore(%arg12 : memref<!tpu.dma_semaphore, #tpu.memory_space<semaphore_mem>>)
    %scan3A = arith.constant 0 : i32
    %scan3A_15 = arith.constant 0 : i32
    %scan3A_16 = arith.constant 20 : i32
    %scan3A_17 = arith.addi %scan3A_15, %scan3A_16 : i32
    %scan3A_18 = arith.constant 1 : i32
    scf.for %scan3A_45 = %scan3A_15 to %scan3A_17 step %scan3A_18  : i32 {
      %mul3A_46 = arith.constant 2 : i32
      %mul3A_47 = arith.muli %mul3A_46, %scan3A_45 : i32
      %add3A_48 = arith.constant 1 : i32
      %add3A_49 = arith.addi %mul3A_47, %add3A_48 : i32
      %dma_start3A_50 = arith.constant 0 : i32
      %dma_start3A_51 = tpu.memref_slice %arg7[%add3A_49, %dma_start3A_50] : memref<40x128xi32, #tpu.memory_space<vmem>> -> memref<1x128xi32, #tpu.memory_space<vmem>>
      %dma_start3A_52 = tpu.memref_squeeze %dma_start3A_51 : memref<1x128xi32, #tpu.memory_space<vmem>> -> memref<128xi32, #tpu.memory_space<vmem>>
      %dma_start3A_53 = arith.constant 0 : i32
      %dma_start3A_54 = arith.constant 0 : i32
      %dma_start3A_55 = tpu.memref_slice %arg2[%dma_start3A_53, %dma_start3A_54] : memref<10112x128xf32, #tpu.memory_space<hbm>> -> memref<10112x128xf32, #tpu.memory_space<hbm>>
      tpu.enqueue_indirect_dma source(%dma_start3A_55 : memref<10112x128xf32, #tpu.memory_space<hbm>>) target(%arg10 : memref<128x128xf32, #tpu.memory_space<vmem>>) offsets(%dma_start3A_52 : memref<128xi32, #tpu.memory_space<vmem>>) semaphore(%arg13 : memref<!tpu.dma_semaphore, #tpu.memory_space<semaphore_mem>>)
      %dma_wait3A = arith.constant 0 : i32
      %dma_wait3A_56 = tpu.memref_slice %arg7[%mul3A_47, %dma_wait3A] : memref<40x128xi32, #tpu.memory_space<vmem>> -> memref<1x128xi32, #tpu.memory_space<vmem>>
      %dma_wait3A_57 = tpu.memref_squeeze %dma_wait3A_56 : memref<1x128xi32, #tpu.memory_space<vmem>> -> memref<128xi32, #tpu.memory_space<vmem>>
      %dma_wait3A_58 = arith.constant 0 : i32
      %dma_wait3A_59 = arith.constant 0 : i32
      %dma_wait3A_60 = tpu.memref_slice %arg2[%dma_wait3A_58, %dma_wait3A_59] : memref<10112x128xf32, #tpu.memory_space<hbm>> -> memref<10112x128xf32, #tpu.memory_space<hbm>>
      tpu.wait_indirect_dma semaphore(%arg12 : memref<!tpu.dma_semaphore, #tpu.memory_space<semaphore_mem>>) src(%dma_wait3A_60 : memref<10112x128xf32, #tpu.memory_space<hbm>>) dst(%arg9 : memref<128x128xf32, #tpu.memory_space<vmem>>)
      "tpu.region"() ({
        %run_scoped3A = tpu.sem_alloc : memref<!tpu.dma_semaphore, #tpu.memory_space<semaphore_mem>>
        %dma_start3A_75 = arith.constant 0 : i32
        %dma_start3A_76 = tpu.memref_slice %arg8[%mul3A_47, %dma_start3A_75] : memref<40x128xi32, #tpu.memory_space<vmem>> -> memref<1x128xi32, #tpu.memory_space<vmem>>
        %dma_start3A_77 = tpu.memref_squeeze %dma_start3A_76 : memref<1x128xi32, #tpu.memory_space<vmem>> -> memref<128xi32, #tpu.memory_space<vmem>>
        %dma_start3A_78 = arith.constant 0 : i32
        %dma_start3A_79 = arith.constant 0 : i32
        %dma_start3A_80 = tpu.memref_slice %arg11[%dma_start3A_78, %dma_start3A_79] : memref<5120x128xf32, #tpu.memory_space<vmem_shared>> -> memref<5120x128xf32, #tpu.memory_space<vmem_shared>>
        tpu.enqueue_indirect_dma source(%arg9 : memref<128x128xf32, #tpu.memory_space<vmem>>) target(%dma_start3A_80 : memref<5120x128xf32, #tpu.memory_space<vmem_shared>>) offsets(%dma_start3A_77 : memref<128xi32, #tpu.memory_space<vmem>>) semaphore(%run_scoped3A : memref<!tpu.dma_semaphore, #tpu.memory_space<semaphore_mem>>) {add = true}
        %dma_wait3A_81 = arith.constant 0 : i32
        %dma_wait3A_82 = tpu.memref_slice %arg8[%mul3A_47, %dma_wait3A_81] : memref<40x128xi32, #tpu.memory_space<vmem>> -> memref<1x128xi32, #tpu.memory_space<vmem>>
        %dma_wait3A_83 = tpu.memref_squeeze %dma_wait3A_82 : memref<1x128xi32, #tpu.memory_space<vmem>> -> memref<128xi32, #tpu.memory_space<vmem>>
        %dma_wait3A_84 = arith.constant 0 : i32
        %dma_wait3A_85 = arith.constant 0 : i32
        %dma_wait3A_86 = tpu.memref_slice %arg11[%dma_wait3A_84, %dma_wait3A_85] : memref<5120x128xf32, #tpu.memory_space<vmem_shared>> -> memref<5120x128xf32, #tpu.memory_space<vmem_shared>>
        tpu.wait_indirect_dma semaphore(%run_scoped3A : memref<!tpu.dma_semaphore, #tpu.memory_space<semaphore_mem>>) src(%arg9 : memref<128x128xf32, #tpu.memory_space<vmem>>) dst(%dma_wait3A_86 : memref<5120x128xf32, #tpu.memory_space<vmem_shared>>)
        tpu.yield
      }) : () -> ()
      %add3A_61 = arith.constant 2 : i32
      %add3A_62 = arith.addi %mul3A_47, %add3A_61 : i32
      %lt3A = arith.constant 40 : i32
      %lt3A_63 = arith.cmpi slt, %add3A_62, %lt3A : i32
      %convert_element_type3A = arith.extui %lt3A_63 : i1 to i32
      %cond3A = arith.constant 0 : i32
      %cond3A_64 = arith.cmpi ne, %convert_element_type3A, %cond3A : i32
      scf.if %cond3A_64 {
        %add3A_75 = arith.constant 2 : i32
        %add3A_76 = arith.addi %mul3A_47, %add3A_75 : i32
        %dma_start3A_77 = arith.constant 0 : i32
        %dma_start3A_78 = tpu.memref_slice %arg7[%add3A_76, %dma_start3A_77] : memref<40x128xi32, #tpu.memory_space<vmem>> -> memref<1x128xi32, #tpu.memory_space<vmem>>
        %dma_start3A_79 = tpu.memref_squeeze %dma_start3A_78 : memref<1x128xi32, #tpu.memory_space<vmem>> -> memref<128xi32, #tpu.memory_space<vmem>>
        %dma_start3A_80 = arith.constant 0 : i32
        %dma_start3A_81 = arith.constant 0 : i32
        %dma_start3A_82 = tpu.memref_slice %arg2[%dma_start3A_80, %dma_start3A_81] : memref<10112x128xf32, #tpu.memory_space<hbm>> -> memref<10112x128xf32, #tpu.memory_space<hbm>>
        tpu.enqueue_indirect_dma source(%dma_start3A_82 : memref<10112x128xf32, #tpu.memory_space<hbm>>) target(%arg9 : memref<128x128xf32, #tpu.memory_space<vmem>>) offsets(%dma_start3A_79 : memref<128xi32, #tpu.memory_space<vmem>>) semaphore(%arg12 : memref<!tpu.dma_semaphore, #tpu.memory_space<semaphore_mem>>)
      } else {
      }
      %add3A_65 = arith.constant 1 : i32
      %add3A_66 = arith.addi %mul3A_47, %add3A_65 : i32
      %dma_wait3A_67 = arith.constant 0 : i32
      %dma_wait3A_68 = tpu.memref_slice %arg7[%add3A_66, %dma_wait3A_67] : memref<40x128xi32, #tpu.memory_space<vmem>> -> memref<1x128xi32, #tpu.memory_space<vmem>>
      %dma_wait3A_69 = tpu.memref_squeeze %dma_wait3A_68 : memref<1x128xi32, #tpu.memory_space<vmem>> -> memref<128xi32, #tpu.memory_space<vmem>>
      %dma_wait3A_70 = arith.constant 0 : i32
      %dma_wait3A_71 = arith.constant 0 : i32
      %dma_wait3A_72 = tpu.memref_slice %arg2[%dma_wait3A_70, %dma_wait3A_71] : memref<10112x128xf32, #tpu.memory_space<hbm>> -> memref<10112x128xf32, #tpu.memory_space<hbm>>
      tpu.wait_indirect_dma semaphore(%arg13 : memref<!tpu.dma_semaphore, #tpu.memory_space<semaphore_mem>>) src(%dma_wait3A_72 : memref<10112x128xf32, #tpu.memory_space<hbm>>) dst(%arg10 : memref<128x128xf32, #tpu.memory_space<vmem>>)
      %add3A_73 = arith.constant 1 : i32
      %add3A_74 = arith.addi %mul3A_47, %add3A_73 : i32
      "tpu.region"() ({
        %run_scoped3A = tpu.sem_alloc : memref<!tpu.dma_semaphore, #tpu.memory_space<semaphore_mem>>
        %dma_start3A_75 = arith.constant 0 : i32
        %dma_start3A_76 = tpu.memref_slice %arg8[%add3A_74, %dma_start3A_75] : memref<40x128xi32, #tpu.memory_space<vmem>> -> memref<1x128xi32, #tpu.memory_space<vmem>>
        %dma_start3A_77 = tpu.memref_squeeze %dma_start3A_76 : memref<1x128xi32, #tpu.memory_space<vmem>> -> memref<128xi32, #tpu.memory_space<vmem>>
        %dma_start3A_78 = arith.constant 0 : i32
        %dma_start3A_79 = arith.constant 0 : i32
        %dma_start3A_80 = tpu.memref_slice %arg11[%dma_start3A_78, %dma_start3A_79] : memref<5120x128xf32, #tpu.memory_space<vmem_shared>> -> memref<5120x128xf32, #tpu.memory_space<vmem_shared>>
        tpu.enqueue_indirect_dma source(%arg10 : memref<128x128xf32, #tpu.memory_space<vmem>>) target(%dma_start3A_80 : memref<5120x128xf32, #tpu.memory_space<vmem_shared>>) offsets(%dma_start3A_77 : memref<128xi32, #tpu.memory_space<vmem>>) semaphore(%run_scoped3A : memref<!tpu.dma_semaphore, #tpu.memory_space<semaphore_mem>>) {add = true}
        %dma_wait3A_81 = arith.constant 0 : i32
        %dma_wait3A_82 = tpu.memref_slice %arg8[%add3A_74, %dma_wait3A_81] : memref<40x128xi32, #tpu.memory_space<vmem>> -> memref<1x128xi32, #tpu.memory_space<vmem>>
        %dma_wait3A_83 = tpu.memref_squeeze %dma_wait3A_82 : memref<1x128xi32, #tpu.memory_space<vmem>> -> memref<128xi32, #tpu.memory_space<vmem>>
        %dma_wait3A_84 = arith.constant 0 : i32
        %dma_wait3A_85 = arith.constant 0 : i32
        %dma_wait3A_86 = tpu.memref_slice %arg11[%dma_wait3A_84, %dma_wait3A_85] : memref<5120x128xf32, #tpu.memory_space<vmem_shared>> -> memref<5120x128xf32, #tpu.memory_space<vmem_shared>>
        tpu.wait_indirect_dma semaphore(%run_scoped3A : memref<!tpu.dma_semaphore, #tpu.memory_space<semaphore_mem>>) src(%arg10 : memref<128x128xf32, #tpu.memory_space<vmem>>) dst(%dma_wait3A_86 : memref<5120x128xf32, #tpu.memory_space<vmem_shared>>)
        tpu.yield
      }) : () -> ()
    }
    %scan3A_19 = arith.constant 20 : i32
    %mul3A_20 = arith.constant 80 : i32
    %mul3A_21 = arith.muli %add3A, %mul3A_20 : i32
    %add3A_22 = arith.constant 40 : i32
    %add3A_23 = arith.addi %mul3A_21, %add3A_22 : i32
    "tpu.region"() ({
      %run_scoped3A = tpu.sem_alloc : memref<!tpu.dma_semaphore, #tpu.memory_space<semaphore_mem>>
      %dma_start3A_45 = arith.constant 0 : i32
      %dma_start3A_46 = tpu.memref_slice %arg3[%add3A_23, %dma_start3A_45] : memref<2560x128xi32, #tpu.memory_space<hbm>> -> memref<40x128xi32, #tpu.memory_space<hbm>>
      %dma_start3A_47 = arith.constant 0 : i32
      %dma_start3A_48 = tpu.memref_slice %arg3[%add3A_23, %dma_start3A_47] : memref<2560x128xi32, #tpu.memory_space<hbm>> -> memref<40x128xi32, #tpu.memory_space<hbm>>
      tpu.enqueue_dma source(%dma_start3A_48 : memref<40x128xi32, #tpu.memory_space<hbm>>) target(%arg7 : memref<40x128xi32, #tpu.memory_space<vmem>>) target_semaphore(%run_scoped3A : memref<!tpu.dma_semaphore, #tpu.memory_space<semaphore_mem>>)
      %dma_wait3A = arith.constant 0 : i32
      %dma_wait3A_49 = tpu.memref_slice %arg3[%add3A_23, %dma_wait3A] : memref<2560x128xi32, #tpu.memory_space<hbm>> -> memref<40x128xi32, #tpu.memory_space<hbm>>
      %dma_wait3A_50 = arith.constant 0 : i32
      %dma_wait3A_51 = tpu.memref_slice %arg3[%add3A_23, %dma_wait3A_50] : memref<2560x128xi32, #tpu.memory_space<hbm>> -> memref<40x128xi32, #tpu.memory_space<hbm>>
      tpu.wait_dma2 semaphore(%run_scoped3A : memref<!tpu.dma_semaphore, #tpu.memory_space<semaphore_mem>>) src(%dma_wait3A_51 : memref<40x128xi32, #tpu.memory_space<hbm>>) dst(%arg7 : memref<40x128xi32, #tpu.memory_space<vmem>>)
      tpu.yield
    }) : () -> ()
    "tpu.region"() ({
      %run_scoped3A = tpu.sem_alloc : memref<!tpu.dma_semaphore, #tpu.memory_space<semaphore_mem>>
      %dma_start3A_45 = arith.constant 0 : i32
      %dma_start3A_46 = tpu.memref_slice %arg4[%add3A_23, %dma_start3A_45] : memref<2560x128xi32, #tpu.memory_space<hbm>> -> memref<40x128xi32, #tpu.memory_space<hbm>>
      %dma_start3A_47 = arith.constant 0 : i32
      %dma_start3A_48 = tpu.memref_slice %arg4[%add3A_23, %dma_start3A_47] : memref<2560x128xi32, #tpu.memory_space<hbm>> -> memref<40x128xi32, #tpu.memory_space<hbm>>
      tpu.enqueue_dma source(%dma_start3A_48 : memref<40x128xi32, #tpu.memory_space<hbm>>) target(%arg8 : memref<40x128xi32, #tpu.memory_space<vmem>>) target_semaphore(%run_scoped3A : memref<!tpu.dma_semaphore, #tpu.memory_space<semaphore_mem>>)
      %dma_wait3A = arith.constant 0 : i32
      %dma_wait3A_49 = tpu.memref_slice %arg4[%add3A_23, %dma_wait3A] : memref<2560x128xi32, #tpu.memory_space<hbm>> -> memref<40x128xi32, #tpu.memory_space<hbm>>
      %dma_wait3A_50 = arith.constant 0 : i32
      %dma_wait3A_51 = tpu.memref_slice %arg4[%add3A_23, %dma_wait3A_50] : memref<2560x128xi32, #tpu.memory_space<hbm>> -> memref<40x128xi32, #tpu.memory_space<hbm>>
      tpu.wait_dma2 semaphore(%run_scoped3A : memref<!tpu.dma_semaphore, #tpu.memory_space<semaphore_mem>>) src(%dma_wait3A_51 : memref<40x128xi32, #tpu.memory_space<hbm>>) dst(%arg8 : memref<40x128xi32, #tpu.memory_space<vmem>>)
      tpu.yield
    }) : () -> ()
    %dma_start3A_24 = arith.constant 0 : i32
    %dma_start3A_25 = arith.constant 0 : i32
    %dma_start3A_26 = tpu.memref_slice %arg7[%dma_start3A_24, %dma_start3A_25] : memref<40x128xi32, #tpu.memory_space<vmem>> -> memref<1x128xi32, #tpu.memory_space<vmem>>
    %dma_start3A_27 = tpu.memref_squeeze %dma_start3A_26 : memref<1x128xi32, #tpu.memory_space<vmem>> -> memref<128xi32, #tpu.memory_space<vmem>>
    %dma_start3A_28 = arith.constant 0 : i32
    %dma_start3A_29 = arith.constant 0 : i32
    %dma_start3A_30 = tpu.memref_slice %arg2[%dma_start3A_28, %dma_start3A_29] : memref<10112x128xf32, #tpu.memory_space<hbm>> -> memref<10112x128xf32, #tpu.memory_space<hbm>>
    tpu.enqueue_indirect_dma source(%dma_start3A_30 : memref<10112x128xf32, #tpu.memory_space<hbm>>) target(%arg9 : memref<128x128xf32, #tpu.memory_space<vmem>>) offsets(%dma_start3A_27 : memref<128xi32, #tpu.memory_space<vmem>>) semaphore(%arg12 : memref<!tpu.dma_semaphore, #tpu.memory_space<semaphore_mem>>)
    %scan3A_31 = arith.constant 0 : i32
    %scan3A_32 = arith.constant 0 : i32
    %scan3A_33 = arith.constant 20 : i32
    %scan3A_34 = arith.addi %scan3A_32, %scan3A_33 : i32
    %scan3A_35 = arith.constant 1 : i32
    scf.for %scan3A_45 = %scan3A_32 to %scan3A_34 step %scan3A_35  : i32 {
      %mul3A_46 = arith.constant 2 : i32
      %mul3A_47 = arith.muli %mul3A_46, %scan3A_45 : i32
      %add3A_48 = arith.constant 1 : i32
      %add3A_49 = arith.addi %mul3A_47, %add3A_48 : i32
      %dma_start3A_50 = arith.constant 0 : i32
      %dma_start3A_51 = tpu.memref_slice %arg7[%add3A_49, %dma_start3A_50] : memref<40x128xi32, #tpu.memory_space<vmem>> -> memref<1x128xi32, #tpu.memory_space<vmem>>
      %dma_start3A_52 = tpu.memref_squeeze %dma_start3A_51 : memref<1x128xi32, #tpu.memory_space<vmem>> -> memref<128xi32, #tpu.memory_space<vmem>>
      %dma_start3A_53 = arith.constant 0 : i32
      %dma_start3A_54 = arith.constant 0 : i32
      %dma_start3A_55 = tpu.memref_slice %arg2[%dma_start3A_53, %dma_start3A_54] : memref<10112x128xf32, #tpu.memory_space<hbm>> -> memref<10112x128xf32, #tpu.memory_space<hbm>>
      tpu.enqueue_indirect_dma source(%dma_start3A_55 : memref<10112x128xf32, #tpu.memory_space<hbm>>) target(%arg10 : memref<128x128xf32, #tpu.memory_space<vmem>>) offsets(%dma_start3A_52 : memref<128xi32, #tpu.memory_space<vmem>>) semaphore(%arg13 : memref<!tpu.dma_semaphore, #tpu.memory_space<semaphore_mem>>)
      %dma_wait3A = arith.constant 0 : i32
      %dma_wait3A_56 = tpu.memref_slice %arg7[%mul3A_47, %dma_wait3A] : memref<40x128xi32, #tpu.memory_space<vmem>> -> memref<1x128xi32, #tpu.memory_space<vmem>>
      %dma_wait3A_57 = tpu.memref_squeeze %dma_wait3A_56 : memref<1x128xi32, #tpu.memory_space<vmem>> -> memref<128xi32, #tpu.memory_space<vmem>>
      %dma_wait3A_58 = arith.constant 0 : i32
      %dma_wait3A_59 = arith.constant 0 : i32
      %dma_wait3A_60 = tpu.memref_slice %arg2[%dma_wait3A_58, %dma_wait3A_59] : memref<10112x128xf32, #tpu.memory_space<hbm>> -> memref<10112x128xf32, #tpu.memory_space<hbm>>
      tpu.wait_indirect_dma semaphore(%arg12 : memref<!tpu.dma_semaphore, #tpu.memory_space<semaphore_mem>>) src(%dma_wait3A_60 : memref<10112x128xf32, #tpu.memory_space<hbm>>) dst(%arg9 : memref<128x128xf32, #tpu.memory_space<vmem>>)
      "tpu.region"() ({
        %run_scoped3A = tpu.sem_alloc : memref<!tpu.dma_semaphore, #tpu.memory_space<semaphore_mem>>
        %dma_start3A_75 = arith.constant 0 : i32
        %dma_start3A_76 = tpu.memref_slice %arg8[%mul3A_47, %dma_start3A_75] : memref<40x128xi32, #tpu.memory_space<vmem>> -> memref<1x128xi32, #tpu.memory_space<vmem>>
        %dma_start3A_77 = tpu.memref_squeeze %dma_start3A_76 : memref<1x128xi32, #tpu.memory_space<vmem>> -> memref<128xi32, #tpu.memory_space<vmem>>
        %dma_start3A_78 = arith.constant 0 : i32
        %dma_start3A_79 = arith.constant 0 : i32
        %dma_start3A_80 = tpu.memref_slice %arg11[%dma_start3A_78, %dma_start3A_79] : memref<5120x128xf32, #tpu.memory_space<vmem_shared>> -> memref<5120x128xf32, #tpu.memory_space<vmem_shared>>
        tpu.enqueue_indirect_dma source(%arg9 : memref<128x128xf32, #tpu.memory_space<vmem>>) target(%dma_start3A_80 : memref<5120x128xf32, #tpu.memory_space<vmem_shared>>) offsets(%dma_start3A_77 : memref<128xi32, #tpu.memory_space<vmem>>) semaphore(%run_scoped3A : memref<!tpu.dma_semaphore, #tpu.memory_space<semaphore_mem>>) {add = true}
        %dma_wait3A_81 = arith.constant 0 : i32
        %dma_wait3A_82 = tpu.memref_slice %arg8[%mul3A_47, %dma_wait3A_81] : memref<40x128xi32, #tpu.memory_space<vmem>> -> memref<1x128xi32, #tpu.memory_space<vmem>>
        %dma_wait3A_83 = tpu.memref_squeeze %dma_wait3A_82 : memref<1x128xi32, #tpu.memory_space<vmem>> -> memref<128xi32, #tpu.memory_space<vmem>>
        %dma_wait3A_84 = arith.constant 0 : i32
        %dma_wait3A_85 = arith.constant 0 : i32
        %dma_wait3A_86 = tpu.memref_slice %arg11[%dma_wait3A_84, %dma_wait3A_85] : memref<5120x128xf32, #tpu.memory_space<vmem_shared>> -> memref<5120x128xf32, #tpu.memory_space<vmem_shared>>
        tpu.wait_indirect_dma semaphore(%run_scoped3A : memref<!tpu.dma_semaphore, #tpu.memory_space<semaphore_mem>>) src(%arg9 : memref<128x128xf32, #tpu.memory_space<vmem>>) dst(%dma_wait3A_86 : memref<5120x128xf32, #tpu.memory_space<vmem_shared>>)
        tpu.yield
      }) : () -> ()
      %add3A_61 = arith.constant 2 : i32
      %add3A_62 = arith.addi %mul3A_47, %add3A_61 : i32
      %lt3A = arith.constant 40 : i32
      %lt3A_63 = arith.cmpi slt, %add3A_62, %lt3A : i32
      %convert_element_type3A = arith.extui %lt3A_63 : i1 to i32
      %cond3A = arith.constant 0 : i32
      %cond3A_64 = arith.cmpi ne, %convert_element_type3A, %cond3A : i32
      scf.if %cond3A_64 {
        %add3A_75 = arith.constant 2 : i32
        %add3A_76 = arith.addi %mul3A_47, %add3A_75 : i32
        %dma_start3A_77 = arith.constant 0 : i32
        %dma_start3A_78 = tpu.memref_slice %arg7[%add3A_76, %dma_start3A_77] : memref<40x128xi32, #tpu.memory_space<vmem>> -> memref<1x128xi32, #tpu.memory_space<vmem>>
        %dma_start3A_79 = tpu.memref_squeeze %dma_start3A_78 : memref<1x128xi32, #tpu.memory_space<vmem>> -> memref<128xi32, #tpu.memory_space<vmem>>
        %dma_start3A_80 = arith.constant 0 : i32
        %dma_start3A_81 = arith.constant 0 : i32
        %dma_start3A_82 = tpu.memref_slice %arg2[%dma_start3A_80, %dma_start3A_81] : memref<10112x128xf32, #tpu.memory_space<hbm>> -> memref<10112x128xf32, #tpu.memory_space<hbm>>
        tpu.enqueue_indirect_dma source(%dma_start3A_82 : memref<10112x128xf32, #tpu.memory_space<hbm>>) target(%arg9 : memref<128x128xf32, #tpu.memory_space<vmem>>) offsets(%dma_start3A_79 : memref<128xi32, #tpu.memory_space<vmem>>) semaphore(%arg12 : memref<!tpu.dma_semaphore, #tpu.memory_space<semaphore_mem>>)
      } else {
      }
      %add3A_65 = arith.constant 1 : i32
      %add3A_66 = arith.addi %mul3A_47, %add3A_65 : i32
      %dma_wait3A_67 = arith.constant 0 : i32
      %dma_wait3A_68 = tpu.memref_slice %arg7[%add3A_66, %dma_wait3A_67] : memref<40x128xi32, #tpu.memory_space<vmem>> -> memref<1x128xi32, #tpu.memory_space<vmem>>
      %dma_wait3A_69 = tpu.memref_squeeze %dma_wait3A_68 : memref<1x128xi32, #tpu.memory_space<vmem>> -> memref<128xi32, #tpu.memory_space<vmem>>
      %dma_wait3A_70 = arith.constant 0 : i32
      %dma_wait3A_71 = arith.constant 0 : i32
      %dma_wait3A_72 = tpu.memref_slice %arg2[%dma_wait3A_70, %dma_wait3A_71] : memref<10112x128xf32, #tpu.memory_space<hbm>> -> memref<10112x128xf32, #tpu.memory_space<hbm>>
      tpu.wait_indirect_dma semaphore(%arg13 : memref<!tpu.dma_semaphore, #tpu.memory_space<semaphore_mem>>) src(%dma_wait3A_72 : memref<10112x128xf32, #tpu.memory_space<hbm>>) dst(%arg10 : memref<128x128xf32, #tpu.memory_space<vmem>>)
      %add3A_73 = arith.constant 1 : i32
      %add3A_74 = arith.addi %mul3A_47, %add3A_73 : i32
      "tpu.region"() ({
        %run_scoped3A = tpu.sem_alloc : memref<!tpu.dma_semaphore, #tpu.memory_space<semaphore_mem>>
        %dma_start3A_75 = arith.constant 0 : i32
        %dma_start3A_76 = tpu.memref_slice %arg8[%add3A_74, %dma_start3A_75] : memref<40x128xi32, #tpu.memory_space<vmem>> -> memref<1x128xi32, #tpu.memory_space<vmem>>
        %dma_start3A_77 = tpu.memref_squeeze %dma_start3A_76 : memref<1x128xi32, #tpu.memory_space<vmem>> -> memref<128xi32, #tpu.memory_space<vmem>>
        %dma_start3A_78 = arith.constant 0 : i32
        %dma_start3A_79 = arith.constant 0 : i32
        %dma_start3A_80 = tpu.memref_slice %arg11[%dma_start3A_78, %dma_start3A_79] : memref<5120x128xf32, #tpu.memory_space<vmem_shared>> -> memref<5120x128xf32, #tpu.memory_space<vmem_shared>>
        tpu.enqueue_indirect_dma source(%arg10 : memref<128x128xf32, #tpu.memory_space<vmem>>) target(%dma_start3A_80 : memref<5120x128xf32, #tpu.memory_space<vmem_shared>>) offsets(%dma_start3A_77 : memref<128xi32, #tpu.memory_space<vmem>>) semaphore(%run_scoped3A : memref<!tpu.dma_semaphore, #tpu.memory_space<semaphore_mem>>) {add = true}
        %dma_wait3A_81 = arith.constant 0 : i32
        %dma_wait3A_82 = tpu.memref_slice %arg8[%add3A_74, %dma_wait3A_81] : memref<40x128xi32, #tpu.memory_space<vmem>> -> memref<1x128xi32, #tpu.memory_space<vmem>>
        %dma_wait3A_83 = tpu.memref_squeeze %dma_wait3A_82 : memref<1x128xi32, #tpu.memory_space<vmem>> -> memref<128xi32, #tpu.memory_space<vmem>>
        %dma_wait3A_84 = arith.constant 0 : i32
        %dma_wait3A_85 = arith.constant 0 : i32
        %dma_wait3A_86 = tpu.memref_slice %arg11[%dma_wait3A_84, %dma_wait3A_85] : memref<5120x128xf32, #tpu.memory_space<vmem_shared>> -> memref<5120x128xf32, #tpu.memory_space<vmem_shared>>
        tpu.wait_indirect_dma semaphore(%run_scoped3A : memref<!tpu.dma_semaphore, #tpu.memory_space<semaphore_mem>>) src(%arg10 : memref<128x128xf32, #tpu.memory_space<vmem>>) dst(%dma_wait3A_86 : memref<5120x128xf32, #tpu.memory_space<vmem_shared>>)
        tpu.yield
      }) : () -> ()
    }
    %scan3A_36 = arith.constant 20 : i32
    %barrier3A_37 = arith.constant 0 : index
    tpu.barrier barrier_id(%barrier3A_37)
    %mul3A_38 = arith.constant 320 : i32
    %mul3A_39 = arith.muli %arg1, %mul3A_38 : i32
    %mul3A_40 = arith.constant 5120 : i32
    %mul3A_41 = arith.muli %arg0, %mul3A_40 : i32
    %mul3A_42 = arith.constant 320 : i32
    %mul3A_43 = arith.muli %arg1, %mul3A_42 : i32
    %add3A_44 = arith.addi %mul3A_41, %mul3A_43 : i32
    "tpu.region"() ({
      %run_scoped3A = tpu.sem_alloc : memref<!tpu.dma_semaphore, #tpu.memory_space<semaphore_mem>>
      %dma_start3A_45 = arith.constant 0 : i32
      %dma_start3A_46 = tpu.memref_slice %arg6[%add3A_44, %dma_start3A_45] : memref<10240x128xf32, #tpu.memory_space<hbm>> -> memref<320x128xf32, #tpu.memory_space<hbm>>
      %dma_start3A_47 = arith.constant 0 : i32
      %dma_start3A_48 = tpu.memref_slice %arg11[%mul3A_39, %dma_start3A_47] : memref<5120x128xf32, #tpu.memory_space<vmem_shared>> -> memref<320x128xf32, #tpu.memory_space<vmem_shared>>
      tpu.enqueue_dma source(%dma_start3A_48 : memref<320x128xf32, #tpu.memory_space<vmem_shared>>) target(%dma_start3A_46 : memref<320x128xf32, #tpu.memory_space<hbm>>) target_semaphore(%run_scoped3A : memref<!tpu.dma_semaphore, #tpu.memory_space<semaphore_mem>>)
      %dma_wait3A = arith.constant 0 : i32
      %dma_wait3A_49 = tpu.memref_slice %arg6[%add3A_44, %dma_wait3A] : memref<10240x128xf32, #tpu.memory_space<hbm>> -> memref<320x128xf32, #tpu.memory_space<hbm>>
      %dma_wait3A_50 = arith.constant 0 : i32
      %dma_wait3A_51 = tpu.memref_slice %arg11[%mul3A_39, %dma_wait3A_50] : memref<5120x128xf32, #tpu.memory_space<vmem_shared>> -> memref<320x128xf32, #tpu.memory_space<vmem_shared>>
      tpu.wait_dma2 semaphore(%run_scoped3A : memref<!tpu.dma_semaphore, #tpu.memory_space<semaphore_mem>>) src(%dma_wait3A_51 : memref<320x128xf32, #tpu.memory_space<vmem_shared>>) dst(%dma_wait3A_49 : memref<320x128xf32, #tpu.memory_space<hbm>>)
      tpu.yield
    }) : () -> ()
    return
  }
}

#map = affine_map<(d0, d1) -> (0, 0)>
module attributes {stable_mosaic.version = 14 : i64} {
  func.func @sc_deg(%arg0: i32, %arg1: i32, %arg2: memref<2560x128xi32, #tpu.memory_space<hbm>>, %arg3: memref<128x128xf32, #tpu.memory_space<hbm>>, %arg4: memref<10112x128xf32, #tpu.memory_space<hbm>>, %arg5: memref<20224x128xf32, #tpu.memory_space<hbm>>, %arg6: memref<80x128xi32, #tpu.memory_space<vmem>>, %arg7: memref<128x128xf32, #tpu.memory_space<vmem>>, %arg8: memref<10112x128xf32, #tpu.memory_space<vmem_shared>>, %arg9: memref<!tpu.dma_semaphore, #tpu.memory_space<semaphore_mem>>) attributes {dimension_semantics = [#tpu.dimension_semantics<core_parallel>, #tpu.dimension_semantics<subcore_parallel>], iteration_bounds = array<i64: 2, 16>, scalar_prefetch = 0 : i64, scratch_operands = 4 : i64, tpu.core_type = #tpu.core_type<sc_vector_subcore>, window_params = [{transform_indices = #map}, {transform_indices = #map}, {transform_indices = #map}, {transform_indices = #map}]} {
    %mul3A = arith.constant 2 : i32
    %mul3A_0 = arith.muli %arg1, %mul3A : i32
    %add3A = arith.addi %mul3A_0, %arg0 : i32
    %mul3A_1 = arith.constant 632 : i32
    %mul3A_2 = arith.muli %arg1, %mul3A_1 : i32
    %mul3A_3 = arith.constant 632 : i32
    %mul3A_4 = arith.muli %arg1, %mul3A_3 : i32
    "tpu.region"() ({
      %run_scoped3A = tpu.sem_alloc : memref<!tpu.dma_semaphore, #tpu.memory_space<semaphore_mem>>
      %dma_start3A = arith.constant 0 : i32
      %dma_start3A_20 = tpu.memref_slice %arg8[%mul3A_4, %dma_start3A] : memref<10112x128xf32, #tpu.memory_space<vmem_shared>> -> memref<632x128xf32, #tpu.memory_space<vmem_shared>>
      %dma_start3A_21 = arith.constant 0 : i32
      %dma_start3A_22 = tpu.memref_slice %arg4[%mul3A_2, %dma_start3A_21] : memref<10112x128xf32, #tpu.memory_space<hbm>> -> memref<632x128xf32, #tpu.memory_space<hbm>>
      tpu.enqueue_dma source(%dma_start3A_22 : memref<632x128xf32, #tpu.memory_space<hbm>>) target(%dma_start3A_20 : memref<632x128xf32, #tpu.memory_space<vmem_shared>>) target_semaphore(%run_scoped3A : memref<!tpu.dma_semaphore, #tpu.memory_space<semaphore_mem>>)
      %dma_wait3A = arith.constant 0 : i32
      %dma_wait3A_23 = tpu.memref_slice %arg8[%mul3A_4, %dma_wait3A] : memref<10112x128xf32, #tpu.memory_space<vmem_shared>> -> memref<632x128xf32, #tpu.memory_space<vmem_shared>>
      %dma_wait3A_24 = arith.constant 0 : i32
      %dma_wait3A_25 = tpu.memref_slice %arg4[%mul3A_2, %dma_wait3A_24] : memref<10112x128xf32, #tpu.memory_space<hbm>> -> memref<632x128xf32, #tpu.memory_space<hbm>>
      tpu.wait_dma2 semaphore(%run_scoped3A : memref<!tpu.dma_semaphore, #tpu.memory_space<semaphore_mem>>) src(%dma_wait3A_25 : memref<632x128xf32, #tpu.memory_space<hbm>>) dst(%dma_wait3A_23 : memref<632x128xf32, #tpu.memory_space<vmem_shared>>)
      tpu.yield
    }) : () -> ()
    %mul3A_5 = arith.constant 80 : i32
    %mul3A_6 = arith.muli %add3A, %mul3A_5 : i32
    "tpu.region"() ({
      %run_scoped3A = tpu.sem_alloc : memref<!tpu.dma_semaphore, #tpu.memory_space<semaphore_mem>>
      %dma_start3A = arith.constant 0 : i32
      %dma_start3A_20 = tpu.memref_slice %arg2[%mul3A_6, %dma_start3A] : memref<2560x128xi32, #tpu.memory_space<hbm>> -> memref<80x128xi32, #tpu.memory_space<hbm>>
      %dma_start3A_21 = arith.constant 0 : i32
      %dma_start3A_22 = tpu.memref_slice %arg2[%mul3A_6, %dma_start3A_21] : memref<2560x128xi32, #tpu.memory_space<hbm>> -> memref<80x128xi32, #tpu.memory_space<hbm>>
      tpu.enqueue_dma source(%dma_start3A_22 : memref<80x128xi32, #tpu.memory_space<hbm>>) target(%arg6 : memref<80x128xi32, #tpu.memory_space<vmem>>) target_semaphore(%run_scoped3A : memref<!tpu.dma_semaphore, #tpu.memory_space<semaphore_mem>>)
      %dma_wait3A = arith.constant 0 : i32
      %dma_wait3A_23 = tpu.memref_slice %arg2[%mul3A_6, %dma_wait3A] : memref<2560x128xi32, #tpu.memory_space<hbm>> -> memref<80x128xi32, #tpu.memory_space<hbm>>
      %dma_wait3A_24 = arith.constant 0 : i32
      %dma_wait3A_25 = tpu.memref_slice %arg2[%mul3A_6, %dma_wait3A_24] : memref<2560x128xi32, #tpu.memory_space<hbm>> -> memref<80x128xi32, #tpu.memory_space<hbm>>
      tpu.wait_dma2 semaphore(%run_scoped3A : memref<!tpu.dma_semaphore, #tpu.memory_space<semaphore_mem>>) src(%dma_wait3A_25 : memref<80x128xi32, #tpu.memory_space<hbm>>) dst(%arg6 : memref<80x128xi32, #tpu.memory_space<vmem>>)
      tpu.yield
    }) : () -> ()
    "tpu.region"() ({
      %run_scoped3A = tpu.sem_alloc : memref<!tpu.dma_semaphore, #tpu.memory_space<semaphore_mem>>
      tpu.enqueue_dma source(%arg3 : memref<128x128xf32, #tpu.memory_space<hbm>>) target(%arg7 : memref<128x128xf32, #tpu.memory_space<vmem>>) target_semaphore(%run_scoped3A : memref<!tpu.dma_semaphore, #tpu.memory_space<semaphore_mem>>)
      tpu.wait_dma2 semaphore(%run_scoped3A : memref<!tpu.dma_semaphore, #tpu.memory_space<semaphore_mem>>) src(%arg3 : memref<128x128xf32, #tpu.memory_space<hbm>>) dst(%arg7 : memref<128x128xf32, #tpu.memory_space<vmem>>)
      tpu.yield
    }) : () -> ()
    %barrier3A = arith.constant 0 : index
    tpu.barrier barrier_id(%barrier3A)
    %scan3A = arith.constant 0 : i32
    %scan3A_7 = arith.constant 0 : i32
    %scan3A_8 = arith.constant 10 : i32
    %scan3A_9 = arith.addi %scan3A_7, %scan3A_8 : i32
    %scan3A_10 = arith.constant 1 : i32
    scf.for %scan3A_20 = %scan3A_7 to %scan3A_9 step %scan3A_10  : i32 {
      %mul3A_21 = arith.constant 8 : i32
      %mul3A_22 = arith.muli %scan3A_20, %mul3A_21 : i32
      %add3A_23 = arith.constant 0 : i32
      %add3A_24 = arith.addi %mul3A_22, %add3A_23 : i32
      %dma_start3A = arith.constant 0 : i32
      %dma_start3A_25 = tpu.memref_slice %arg6[%add3A_24, %dma_start3A] : memref<80x128xi32, #tpu.memory_space<vmem>> -> memref<1x128xi32, #tpu.memory_space<vmem>>
      %dma_start3A_26 = tpu.memref_squeeze %dma_start3A_25 : memref<1x128xi32, #tpu.memory_space<vmem>> -> memref<128xi32, #tpu.memory_space<vmem>>
      %dma_start3A_27 = arith.constant 0 : i32
      %dma_start3A_28 = arith.constant 0 : i32
      %dma_start3A_29 = tpu.memref_slice %arg8[%dma_start3A_27, %dma_start3A_28] : memref<10112x128xf32, #tpu.memory_space<vmem_shared>> -> memref<10112x128xf32, #tpu.memory_space<vmem_shared>>
      tpu.enqueue_indirect_dma source(%arg7 : memref<128x128xf32, #tpu.memory_space<vmem>>) target(%dma_start3A_29 : memref<10112x128xf32, #tpu.memory_space<vmem_shared>>) offsets(%dma_start3A_26 : memref<128xi32, #tpu.memory_space<vmem>>) semaphore(%arg9 : memref<!tpu.dma_semaphore, #tpu.memory_space<semaphore_mem>>) {add = true}
      %mul3A_30 = arith.constant 8 : i32
      %mul3A_31 = arith.muli %scan3A_20, %mul3A_30 : i32
      %add3A_32 = arith.constant 1 : i32
      %add3A_33 = arith.addi %mul3A_31, %add3A_32 : i32
      %dma_start3A_34 = arith.constant 0 : i32
      %dma_start3A_35 = tpu.memref_slice %arg6[%add3A_33, %dma_start3A_34] : memref<80x128xi32, #tpu.memory_space<vmem>> -> memref<1x128xi32, #tpu.memory_space<vmem>>
      %dma_start3A_36 = tpu.memref_squeeze %dma_start3A_35 : memref<1x128xi32, #tpu.memory_space<vmem>> -> memref<128xi32, #tpu.memory_space<vmem>>
      %dma_start3A_37 = arith.constant 0 : i32
      %dma_start3A_38 = arith.constant 0 : i32
      %dma_start3A_39 = tpu.memref_slice %arg8[%dma_start3A_37, %dma_start3A_38] : memref<10112x128xf32, #tpu.memory_space<vmem_shared>> -> memref<10112x128xf32, #tpu.memory_space<vmem_shared>>
      tpu.enqueue_indirect_dma source(%arg7 : memref<128x128xf32, #tpu.memory_space<vmem>>) target(%dma_start3A_39 : memref<10112x128xf32, #tpu.memory_space<vmem_shared>>) offsets(%dma_start3A_36 : memref<128xi32, #tpu.memory_space<vmem>>) semaphore(%arg9 : memref<!tpu.dma_semaphore, #tpu.memory_space<semaphore_mem>>) {add = true}
      %mul3A_40 = arith.constant 8 : i32
      %mul3A_41 = arith.muli %scan3A_20, %mul3A_40 : i32
      %add3A_42 = arith.constant 2 : i32
      %add3A_43 = arith.addi %mul3A_41, %add3A_42 : i32
      %dma_start3A_44 = arith.constant 0 : i32
      %dma_start3A_45 = tpu.memref_slice %arg6[%add3A_43, %dma_start3A_44] : memref<80x128xi32, #tpu.memory_space<vmem>> -> memref<1x128xi32, #tpu.memory_space<vmem>>
      %dma_start3A_46 = tpu.memref_squeeze %dma_start3A_45 : memref<1x128xi32, #tpu.memory_space<vmem>> -> memref<128xi32, #tpu.memory_space<vmem>>
      %dma_start3A_47 = arith.constant 0 : i32
      %dma_start3A_48 = arith.constant 0 : i32
      %dma_start3A_49 = tpu.memref_slice %arg8[%dma_start3A_47, %dma_start3A_48] : memref<10112x128xf32, #tpu.memory_space<vmem_shared>> -> memref<10112x128xf32, #tpu.memory_space<vmem_shared>>
      tpu.enqueue_indirect_dma source(%arg7 : memref<128x128xf32, #tpu.memory_space<vmem>>) target(%dma_start3A_49 : memref<10112x128xf32, #tpu.memory_space<vmem_shared>>) offsets(%dma_start3A_46 : memref<128xi32, #tpu.memory_space<vmem>>) semaphore(%arg9 : memref<!tpu.dma_semaphore, #tpu.memory_space<semaphore_mem>>) {add = true}
      %mul3A_50 = arith.constant 8 : i32
      %mul3A_51 = arith.muli %scan3A_20, %mul3A_50 : i32
      %add3A_52 = arith.constant 3 : i32
      %add3A_53 = arith.addi %mul3A_51, %add3A_52 : i32
      %dma_start3A_54 = arith.constant 0 : i32
      %dma_start3A_55 = tpu.memref_slice %arg6[%add3A_53, %dma_start3A_54] : memref<80x128xi32, #tpu.memory_space<vmem>> -> memref<1x128xi32, #tpu.memory_space<vmem>>
      %dma_start3A_56 = tpu.memref_squeeze %dma_start3A_55 : memref<1x128xi32, #tpu.memory_space<vmem>> -> memref<128xi32, #tpu.memory_space<vmem>>
      %dma_start3A_57 = arith.constant 0 : i32
      %dma_start3A_58 = arith.constant 0 : i32
      %dma_start3A_59 = tpu.memref_slice %arg8[%dma_start3A_57, %dma_start3A_58] : memref<10112x128xf32, #tpu.memory_space<vmem_shared>> -> memref<10112x128xf32, #tpu.memory_space<vmem_shared>>
      tpu.enqueue_indirect_dma source(%arg7 : memref<128x128xf32, #tpu.memory_space<vmem>>) target(%dma_start3A_59 : memref<10112x128xf32, #tpu.memory_space<vmem_shared>>) offsets(%dma_start3A_56 : memref<128xi32, #tpu.memory_space<vmem>>) semaphore(%arg9 : memref<!tpu.dma_semaphore, #tpu.memory_space<semaphore_mem>>) {add = true}
      %mul3A_60 = arith.constant 8 : i32
      %mul3A_61 = arith.muli %scan3A_20, %mul3A_60 : i32
      %add3A_62 = arith.constant 4 : i32
      %add3A_63 = arith.addi %mul3A_61, %add3A_62 : i32
      %dma_start3A_64 = arith.constant 0 : i32
      %dma_start3A_65 = tpu.memref_slice %arg6[%add3A_63, %dma_start3A_64] : memref<80x128xi32, #tpu.memory_space<vmem>> -> memref<1x128xi32, #tpu.memory_space<vmem>>
      %dma_start3A_66 = tpu.memref_squeeze %dma_start3A_65 : memref<1x128xi32, #tpu.memory_space<vmem>> -> memref<128xi32, #tpu.memory_space<vmem>>
      %dma_start3A_67 = arith.constant 0 : i32
      %dma_start3A_68 = arith.constant 0 : i32
      %dma_start3A_69 = tpu.memref_slice %arg8[%dma_start3A_67, %dma_start3A_68] : memref<10112x128xf32, #tpu.memory_space<vmem_shared>> -> memref<10112x128xf32, #tpu.memory_space<vmem_shared>>
      tpu.enqueue_indirect_dma source(%arg7 : memref<128x128xf32, #tpu.memory_space<vmem>>) target(%dma_start3A_69 : memref<10112x128xf32, #tpu.memory_space<vmem_shared>>) offsets(%dma_start3A_66 : memref<128xi32, #tpu.memory_space<vmem>>) semaphore(%arg9 : memref<!tpu.dma_semaphore, #tpu.memory_space<semaphore_mem>>) {add = true}
      %mul3A_70 = arith.constant 8 : i32
      %mul3A_71 = arith.muli %scan3A_20, %mul3A_70 : i32
      %add3A_72 = arith.constant 5 : i32
      %add3A_73 = arith.addi %mul3A_71, %add3A_72 : i32
      %dma_start3A_74 = arith.constant 0 : i32
      %dma_start3A_75 = tpu.memref_slice %arg6[%add3A_73, %dma_start3A_74] : memref<80x128xi32, #tpu.memory_space<vmem>> -> memref<1x128xi32, #tpu.memory_space<vmem>>
      %dma_start3A_76 = tpu.memref_squeeze %dma_start3A_75 : memref<1x128xi32, #tpu.memory_space<vmem>> -> memref<128xi32, #tpu.memory_space<vmem>>
      %dma_start3A_77 = arith.constant 0 : i32
      %dma_start3A_78 = arith.constant 0 : i32
      %dma_start3A_79 = tpu.memref_slice %arg8[%dma_start3A_77, %dma_start3A_78] : memref<10112x128xf32, #tpu.memory_space<vmem_shared>> -> memref<10112x128xf32, #tpu.memory_space<vmem_shared>>
      tpu.enqueue_indirect_dma source(%arg7 : memref<128x128xf32, #tpu.memory_space<vmem>>) target(%dma_start3A_79 : memref<10112x128xf32, #tpu.memory_space<vmem_shared>>) offsets(%dma_start3A_76 : memref<128xi32, #tpu.memory_space<vmem>>) semaphore(%arg9 : memref<!tpu.dma_semaphore, #tpu.memory_space<semaphore_mem>>) {add = true}
      %mul3A_80 = arith.constant 8 : i32
      %mul3A_81 = arith.muli %scan3A_20, %mul3A_80 : i32
      %add3A_82 = arith.constant 6 : i32
      %add3A_83 = arith.addi %mul3A_81, %add3A_82 : i32
      %dma_start3A_84 = arith.constant 0 : i32
      %dma_start3A_85 = tpu.memref_slice %arg6[%add3A_83, %dma_start3A_84] : memref<80x128xi32, #tpu.memory_space<vmem>> -> memref<1x128xi32, #tpu.memory_space<vmem>>
      %dma_start3A_86 = tpu.memref_squeeze %dma_start3A_85 : memref<1x128xi32, #tpu.memory_space<vmem>> -> memref<128xi32, #tpu.memory_space<vmem>>
      %dma_start3A_87 = arith.constant 0 : i32
      %dma_start3A_88 = arith.constant 0 : i32
      %dma_start3A_89 = tpu.memref_slice %arg8[%dma_start3A_87, %dma_start3A_88] : memref<10112x128xf32, #tpu.memory_space<vmem_shared>> -> memref<10112x128xf32, #tpu.memory_space<vmem_shared>>
      tpu.enqueue_indirect_dma source(%arg7 : memref<128x128xf32, #tpu.memory_space<vmem>>) target(%dma_start3A_89 : memref<10112x128xf32, #tpu.memory_space<vmem_shared>>) offsets(%dma_start3A_86 : memref<128xi32, #tpu.memory_space<vmem>>) semaphore(%arg9 : memref<!tpu.dma_semaphore, #tpu.memory_space<semaphore_mem>>) {add = true}
      %mul3A_90 = arith.constant 8 : i32
      %mul3A_91 = arith.muli %scan3A_20, %mul3A_90 : i32
      %add3A_92 = arith.constant 7 : i32
      %add3A_93 = arith.addi %mul3A_91, %add3A_92 : i32
      %dma_start3A_94 = arith.constant 0 : i32
      %dma_start3A_95 = tpu.memref_slice %arg6[%add3A_93, %dma_start3A_94] : memref<80x128xi32, #tpu.memory_space<vmem>> -> memref<1x128xi32, #tpu.memory_space<vmem>>
      %dma_start3A_96 = tpu.memref_squeeze %dma_start3A_95 : memref<1x128xi32, #tpu.memory_space<vmem>> -> memref<128xi32, #tpu.memory_space<vmem>>
      %dma_start3A_97 = arith.constant 0 : i32
      %dma_start3A_98 = arith.constant 0 : i32
      %dma_start3A_99 = tpu.memref_slice %arg8[%dma_start3A_97, %dma_start3A_98] : memref<10112x128xf32, #tpu.memory_space<vmem_shared>> -> memref<10112x128xf32, #tpu.memory_space<vmem_shared>>
      tpu.enqueue_indirect_dma source(%arg7 : memref<128x128xf32, #tpu.memory_space<vmem>>) target(%dma_start3A_99 : memref<10112x128xf32, #tpu.memory_space<vmem_shared>>) offsets(%dma_start3A_96 : memref<128xi32, #tpu.memory_space<vmem>>) semaphore(%arg9 : memref<!tpu.dma_semaphore, #tpu.memory_space<semaphore_mem>>) {add = true}
      %dma_wait3A = arith.constant 0 : i32
      %dma_wait3A_100 = tpu.memref_slice %arg6[%add3A_24, %dma_wait3A] : memref<80x128xi32, #tpu.memory_space<vmem>> -> memref<1x128xi32, #tpu.memory_space<vmem>>
      %dma_wait3A_101 = tpu.memref_squeeze %dma_wait3A_100 : memref<1x128xi32, #tpu.memory_space<vmem>> -> memref<128xi32, #tpu.memory_space<vmem>>
      %dma_wait3A_102 = arith.constant 0 : i32
      %dma_wait3A_103 = arith.constant 0 : i32
      %dma_wait3A_104 = tpu.memref_slice %arg8[%dma_wait3A_102, %dma_wait3A_103] : memref<10112x128xf32, #tpu.memory_space<vmem_shared>> -> memref<10112x128xf32, #tpu.memory_space<vmem_shared>>
      tpu.wait_indirect_dma semaphore(%arg9 : memref<!tpu.dma_semaphore, #tpu.memory_space<semaphore_mem>>) src(%arg7 : memref<128x128xf32, #tpu.memory_space<vmem>>) dst(%dma_wait3A_104 : memref<10112x128xf32, #tpu.memory_space<vmem_shared>>)
      %dma_wait3A_105 = arith.constant 0 : i32
      %dma_wait3A_106 = tpu.memref_slice %arg6[%add3A_33, %dma_wait3A_105] : memref<80x128xi32, #tpu.memory_space<vmem>> -> memref<1x128xi32, #tpu.memory_space<vmem>>
      %dma_wait3A_107 = tpu.memref_squeeze %dma_wait3A_106 : memref<1x128xi32, #tpu.memory_space<vmem>> -> memref<128xi32, #tpu.memory_space<vmem>>
      %dma_wait3A_108 = arith.constant 0 : i32
      %dma_wait3A_109 = arith.constant 0 : i32
      %dma_wait3A_110 = tpu.memref_slice %arg8[%dma_wait3A_108, %dma_wait3A_109] : memref<10112x128xf32, #tpu.memory_space<vmem_shared>> -> memref<10112x128xf32, #tpu.memory_space<vmem_shared>>
      tpu.wait_indirect_dma semaphore(%arg9 : memref<!tpu.dma_semaphore, #tpu.memory_space<semaphore_mem>>) src(%arg7 : memref<128x128xf32, #tpu.memory_space<vmem>>) dst(%dma_wait3A_110 : memref<10112x128xf32, #tpu.memory_space<vmem_shared>>)
      %dma_wait3A_111 = arith.constant 0 : i32
      %dma_wait3A_112 = tpu.memref_slice %arg6[%add3A_43, %dma_wait3A_111] : memref<80x128xi32, #tpu.memory_space<vmem>> -> memref<1x128xi32, #tpu.memory_space<vmem>>
      %dma_wait3A_113 = tpu.memref_squeeze %dma_wait3A_112 : memref<1x128xi32, #tpu.memory_space<vmem>> -> memref<128xi32, #tpu.memory_space<vmem>>
      %dma_wait3A_114 = arith.constant 0 : i32
      %dma_wait3A_115 = arith.constant 0 : i32
      %dma_wait3A_116 = tpu.memref_slice %arg8[%dma_wait3A_114, %dma_wait3A_115] : memref<10112x128xf32, #tpu.memory_space<vmem_shared>> -> memref<10112x128xf32, #tpu.memory_space<vmem_shared>>
      tpu.wait_indirect_dma semaphore(%arg9 : memref<!tpu.dma_semaphore, #tpu.memory_space<semaphore_mem>>) src(%arg7 : memref<128x128xf32, #tpu.memory_space<vmem>>) dst(%dma_wait3A_116 : memref<10112x128xf32, #tpu.memory_space<vmem_shared>>)
      %dma_wait3A_117 = arith.constant 0 : i32
      %dma_wait3A_118 = tpu.memref_slice %arg6[%add3A_53, %dma_wait3A_117] : memref<80x128xi32, #tpu.memory_space<vmem>> -> memref<1x128xi32, #tpu.memory_space<vmem>>
      %dma_wait3A_119 = tpu.memref_squeeze %dma_wait3A_118 : memref<1x128xi32, #tpu.memory_space<vmem>> -> memref<128xi32, #tpu.memory_space<vmem>>
      %dma_wait3A_120 = arith.constant 0 : i32
      %dma_wait3A_121 = arith.constant 0 : i32
      %dma_wait3A_122 = tpu.memref_slice %arg8[%dma_wait3A_120, %dma_wait3A_121] : memref<10112x128xf32, #tpu.memory_space<vmem_shared>> -> memref<10112x128xf32, #tpu.memory_space<vmem_shared>>
      tpu.wait_indirect_dma semaphore(%arg9 : memref<!tpu.dma_semaphore, #tpu.memory_space<semaphore_mem>>) src(%arg7 : memref<128x128xf32, #tpu.memory_space<vmem>>) dst(%dma_wait3A_122 : memref<10112x128xf32, #tpu.memory_space<vmem_shared>>)
      %dma_wait3A_123 = arith.constant 0 : i32
      %dma_wait3A_124 = tpu.memref_slice %arg6[%add3A_63, %dma_wait3A_123] : memref<80x128xi32, #tpu.memory_space<vmem>> -> memref<1x128xi32, #tpu.memory_space<vmem>>
      %dma_wait3A_125 = tpu.memref_squeeze %dma_wait3A_124 : memref<1x128xi32, #tpu.memory_space<vmem>> -> memref<128xi32, #tpu.memory_space<vmem>>
      %dma_wait3A_126 = arith.constant 0 : i32
      %dma_wait3A_127 = arith.constant 0 : i32
      %dma_wait3A_128 = tpu.memref_slice %arg8[%dma_wait3A_126, %dma_wait3A_127] : memref<10112x128xf32, #tpu.memory_space<vmem_shared>> -> memref<10112x128xf32, #tpu.memory_space<vmem_shared>>
      tpu.wait_indirect_dma semaphore(%arg9 : memref<!tpu.dma_semaphore, #tpu.memory_space<semaphore_mem>>) src(%arg7 : memref<128x128xf32, #tpu.memory_space<vmem>>) dst(%dma_wait3A_128 : memref<10112x128xf32, #tpu.memory_space<vmem_shared>>)
      %dma_wait3A_129 = arith.constant 0 : i32
      %dma_wait3A_130 = tpu.memref_slice %arg6[%add3A_73, %dma_wait3A_129] : memref<80x128xi32, #tpu.memory_space<vmem>> -> memref<1x128xi32, #tpu.memory_space<vmem>>
      %dma_wait3A_131 = tpu.memref_squeeze %dma_wait3A_130 : memref<1x128xi32, #tpu.memory_space<vmem>> -> memref<128xi32, #tpu.memory_space<vmem>>
      %dma_wait3A_132 = arith.constant 0 : i32
      %dma_wait3A_133 = arith.constant 0 : i32
      %dma_wait3A_134 = tpu.memref_slice %arg8[%dma_wait3A_132, %dma_wait3A_133] : memref<10112x128xf32, #tpu.memory_space<vmem_shared>> -> memref<10112x128xf32, #tpu.memory_space<vmem_shared>>
      tpu.wait_indirect_dma semaphore(%arg9 : memref<!tpu.dma_semaphore, #tpu.memory_space<semaphore_mem>>) src(%arg7 : memref<128x128xf32, #tpu.memory_space<vmem>>) dst(%dma_wait3A_134 : memref<10112x128xf32, #tpu.memory_space<vmem_shared>>)
      %dma_wait3A_135 = arith.constant 0 : i32
      %dma_wait3A_136 = tpu.memref_slice %arg6[%add3A_83, %dma_wait3A_135] : memref<80x128xi32, #tpu.memory_space<vmem>> -> memref<1x128xi32, #tpu.memory_space<vmem>>
      %dma_wait3A_137 = tpu.memref_squeeze %dma_wait3A_136 : memref<1x128xi32, #tpu.memory_space<vmem>> -> memref<128xi32, #tpu.memory_space<vmem>>
      %dma_wait3A_138 = arith.constant 0 : i32
      %dma_wait3A_139 = arith.constant 0 : i32
      %dma_wait3A_140 = tpu.memref_slice %arg8[%dma_wait3A_138, %dma_wait3A_139] : memref<10112x128xf32, #tpu.memory_space<vmem_shared>> -> memref<10112x128xf32, #tpu.memory_space<vmem_shared>>
      tpu.wait_indirect_dma semaphore(%arg9 : memref<!tpu.dma_semaphore, #tpu.memory_space<semaphore_mem>>) src(%arg7 : memref<128x128xf32, #tpu.memory_space<vmem>>) dst(%dma_wait3A_140 : memref<10112x128xf32, #tpu.memory_space<vmem_shared>>)
      %dma_wait3A_141 = arith.constant 0 : i32
      %dma_wait3A_142 = tpu.memref_slice %arg6[%add3A_93, %dma_wait3A_141] : memref<80x128xi32, #tpu.memory_space<vmem>> -> memref<1x128xi32, #tpu.memory_space<vmem>>
      %dma_wait3A_143 = tpu.memref_squeeze %dma_wait3A_142 : memref<1x128xi32, #tpu.memory_space<vmem>> -> memref<128xi32, #tpu.memory_space<vmem>>
      %dma_wait3A_144 = arith.constant 0 : i32
      %dma_wait3A_145 = arith.constant 0 : i32
      %dma_wait3A_146 = tpu.memref_slice %arg8[%dma_wait3A_144, %dma_wait3A_145] : memref<10112x128xf32, #tpu.memory_space<vmem_shared>> -> memref<10112x128xf32, #tpu.memory_space<vmem_shared>>
      tpu.wait_indirect_dma semaphore(%arg9 : memref<!tpu.dma_semaphore, #tpu.memory_space<semaphore_mem>>) src(%arg7 : memref<128x128xf32, #tpu.memory_space<vmem>>) dst(%dma_wait3A_146 : memref<10112x128xf32, #tpu.memory_space<vmem_shared>>)
    }
    %scan3A_11 = arith.constant 10 : i32
    %barrier3A_12 = arith.constant 0 : index
    tpu.barrier barrier_id(%barrier3A_12)
    %mul3A_13 = arith.constant 632 : i32
    %mul3A_14 = arith.muli %arg1, %mul3A_13 : i32
    %mul3A_15 = arith.constant 10112 : i32
    %mul3A_16 = arith.muli %arg0, %mul3A_15 : i32
    %mul3A_17 = arith.constant 632 : i32
    %mul3A_18 = arith.muli %arg1, %mul3A_17 : i32
    %add3A_19 = arith.addi %mul3A_16, %mul3A_18 : i32
    "tpu.region"() ({
      %run_scoped3A = tpu.sem_alloc : memref<!tpu.dma_semaphore, #tpu.memory_space<semaphore_mem>>
      %dma_start3A = arith.constant 0 : i32
      %dma_start3A_20 = tpu.memref_slice %arg5[%add3A_19, %dma_start3A] : memref<20224x128xf32, #tpu.memory_space<hbm>> -> memref<632x128xf32, #tpu.memory_space<hbm>>
      %dma_start3A_21 = arith.constant 0 : i32
      %dma_start3A_22 = tpu.memref_slice %arg8[%mul3A_14, %dma_start3A_21] : memref<10112x128xf32, #tpu.memory_space<vmem_shared>> -> memref<632x128xf32, #tpu.memory_space<vmem_shared>>
      tpu.enqueue_dma source(%dma_start3A_22 : memref<632x128xf32, #tpu.memory_space<vmem_shared>>) target(%dma_start3A_20 : memref<632x128xf32, #tpu.memory_space<hbm>>) target_semaphore(%run_scoped3A : memref<!tpu.dma_semaphore, #tpu.memory_space<semaphore_mem>>)
      %dma_wait3A = arith.constant 0 : i32
      %dma_wait3A_23 = tpu.memref_slice %arg5[%add3A_19, %dma_wait3A] : memref<20224x128xf32, #tpu.memory_space<hbm>> -> memref<632x128xf32, #tpu.memory_space<hbm>>
      %dma_wait3A_24 = arith.constant 0 : i32
      %dma_wait3A_25 = tpu.memref_slice %arg8[%mul3A_14, %dma_wait3A_24] : memref<10112x128xf32, #tpu.memory_space<vmem_shared>> -> memref<632x128xf32, #tpu.memory_space<vmem_shared>>
      tpu.wait_dma2 semaphore(%run_scoped3A : memref<!tpu.dma_semaphore, #tpu.memory_space<semaphore_mem>>) src(%dma_wait3A_25 : memref<632x128xf32, #tpu.memory_space<vmem_shared>>) dst(%dma_wait3A_23 : memref<632x128xf32, #tpu.memory_space<hbm>>)
      tpu.yield
    }) : () -> ()
    return
  }
}

#map = affine_map<(d0, d1) -> (0, 0)>
module attributes {stable_mosaic.version = 14 : i64} {
  func.func @sc_pass(%arg0: i32, %arg1: i32, %arg2: memref<5120x128xf32, #tpu.memory_space<hbm>>, %arg3: memref<2560x128xi32, #tpu.memory_space<hbm>>, %arg4: memref<2560x128xi32, #tpu.memory_space<hbm>>, %arg5: memref<10112x128xf32, #tpu.memory_space<hbm>>, %arg6: memref<20224x128xf32, #tpu.memory_space<hbm>>, %arg7: memref<40x128xi32, #tpu.memory_space<vmem>>, %arg8: memref<40x128xi32, #tpu.memory_space<vmem>>, %arg9: memref<128x128xf32, #tpu.memory_space<vmem>>, %arg10: memref<128x128xf32, #tpu.memory_space<vmem>>, %arg11: memref<10112x128xf32, #tpu.memory_space<vmem_shared>>, %arg12: memref<!tpu.dma_semaphore, #tpu.memory_space<semaphore_mem>>, %arg13: memref<!tpu.dma_semaphore, #tpu.memory_space<semaphore_mem>>) attributes {dimension_semantics = [#tpu.dimension_semantics<core_parallel>, #tpu.dimension_semantics<subcore_parallel>], iteration_bounds = array<i64: 2, 16>, scalar_prefetch = 0 : i64, scratch_operands = 7 : i64, tpu.core_type = #tpu.core_type<sc_vector_subcore>, window_params = [{transform_indices = #map}, {transform_indices = #map}, {transform_indices = #map}, {transform_indices = #map}, {transform_indices = #map}]} {
    %mul3A = arith.constant 2 : i32
    %mul3A_0 = arith.muli %arg1, %mul3A : i32
    %add3A = arith.addi %mul3A_0, %arg0 : i32
    %mul3A_1 = arith.constant 632 : i32
    %mul3A_2 = arith.muli %arg1, %mul3A_1 : i32
    %mul3A_3 = arith.constant 632 : i32
    %mul3A_4 = arith.muli %arg1, %mul3A_3 : i32
    "tpu.region"() ({
      %run_scoped3A = tpu.sem_alloc : memref<!tpu.dma_semaphore, #tpu.memory_space<semaphore_mem>>
      %dma_start3A_45 = arith.constant 0 : i32
      %dma_start3A_46 = tpu.memref_slice %arg11[%mul3A_4, %dma_start3A_45] : memref<10112x128xf32, #tpu.memory_space<vmem_shared>> -> memref<632x128xf32, #tpu.memory_space<vmem_shared>>
      %dma_start3A_47 = arith.constant 0 : i32
      %dma_start3A_48 = tpu.memref_slice %arg5[%mul3A_2, %dma_start3A_47] : memref<10112x128xf32, #tpu.memory_space<hbm>> -> memref<632x128xf32, #tpu.memory_space<hbm>>
      tpu.enqueue_dma source(%dma_start3A_48 : memref<632x128xf32, #tpu.memory_space<hbm>>) target(%dma_start3A_46 : memref<632x128xf32, #tpu.memory_space<vmem_shared>>) target_semaphore(%run_scoped3A : memref<!tpu.dma_semaphore, #tpu.memory_space<semaphore_mem>>)
      %dma_wait3A = arith.constant 0 : i32
      %dma_wait3A_49 = tpu.memref_slice %arg11[%mul3A_4, %dma_wait3A] : memref<10112x128xf32, #tpu.memory_space<vmem_shared>> -> memref<632x128xf32, #tpu.memory_space<vmem_shared>>
      %dma_wait3A_50 = arith.constant 0 : i32
      %dma_wait3A_51 = tpu.memref_slice %arg5[%mul3A_2, %dma_wait3A_50] : memref<10112x128xf32, #tpu.memory_space<hbm>> -> memref<632x128xf32, #tpu.memory_space<hbm>>
      tpu.wait_dma2 semaphore(%run_scoped3A : memref<!tpu.dma_semaphore, #tpu.memory_space<semaphore_mem>>) src(%dma_wait3A_51 : memref<632x128xf32, #tpu.memory_space<hbm>>) dst(%dma_wait3A_49 : memref<632x128xf32, #tpu.memory_space<vmem_shared>>)
      tpu.yield
    }) : () -> ()
    %barrier3A = arith.constant 0 : index
    tpu.barrier barrier_id(%barrier3A)
    %mul3A_5 = arith.constant 80 : i32
    %mul3A_6 = arith.muli %add3A, %mul3A_5 : i32
    %add3A_7 = arith.constant 0 : i32
    %add3A_8 = arith.addi %mul3A_6, %add3A_7 : i32
    "tpu.region"() ({
      %run_scoped3A = tpu.sem_alloc : memref<!tpu.dma_semaphore, #tpu.memory_space<semaphore_mem>>
      %dma_start3A_45 = arith.constant 0 : i32
      %dma_start3A_46 = tpu.memref_slice %arg3[%add3A_8, %dma_start3A_45] : memref<2560x128xi32, #tpu.memory_space<hbm>> -> memref<40x128xi32, #tpu.memory_space<hbm>>
      %dma_start3A_47 = arith.constant 0 : i32
      %dma_start3A_48 = tpu.memref_slice %arg3[%add3A_8, %dma_start3A_47] : memref<2560x128xi32, #tpu.memory_space<hbm>> -> memref<40x128xi32, #tpu.memory_space<hbm>>
      tpu.enqueue_dma source(%dma_start3A_48 : memref<40x128xi32, #tpu.memory_space<hbm>>) target(%arg7 : memref<40x128xi32, #tpu.memory_space<vmem>>) target_semaphore(%run_scoped3A : memref<!tpu.dma_semaphore, #tpu.memory_space<semaphore_mem>>)
      %dma_wait3A = arith.constant 0 : i32
      %dma_wait3A_49 = tpu.memref_slice %arg3[%add3A_8, %dma_wait3A] : memref<2560x128xi32, #tpu.memory_space<hbm>> -> memref<40x128xi32, #tpu.memory_space<hbm>>
      %dma_wait3A_50 = arith.constant 0 : i32
      %dma_wait3A_51 = tpu.memref_slice %arg3[%add3A_8, %dma_wait3A_50] : memref<2560x128xi32, #tpu.memory_space<hbm>> -> memref<40x128xi32, #tpu.memory_space<hbm>>
      tpu.wait_dma2 semaphore(%run_scoped3A : memref<!tpu.dma_semaphore, #tpu.memory_space<semaphore_mem>>) src(%dma_wait3A_51 : memref<40x128xi32, #tpu.memory_space<hbm>>) dst(%arg7 : memref<40x128xi32, #tpu.memory_space<vmem>>)
      tpu.yield
    }) : () -> ()
    "tpu.region"() ({
      %run_scoped3A = tpu.sem_alloc : memref<!tpu.dma_semaphore, #tpu.memory_space<semaphore_mem>>
      %dma_start3A_45 = arith.constant 0 : i32
      %dma_start3A_46 = tpu.memref_slice %arg4[%add3A_8, %dma_start3A_45] : memref<2560x128xi32, #tpu.memory_space<hbm>> -> memref<40x128xi32, #tpu.memory_space<hbm>>
      %dma_start3A_47 = arith.constant 0 : i32
      %dma_start3A_48 = tpu.memref_slice %arg4[%add3A_8, %dma_start3A_47] : memref<2560x128xi32, #tpu.memory_space<hbm>> -> memref<40x128xi32, #tpu.memory_space<hbm>>
      tpu.enqueue_dma source(%dma_start3A_48 : memref<40x128xi32, #tpu.memory_space<hbm>>) target(%arg8 : memref<40x128xi32, #tpu.memory_space<vmem>>) target_semaphore(%run_scoped3A : memref<!tpu.dma_semaphore, #tpu.memory_space<semaphore_mem>>)
      %dma_wait3A = arith.constant 0 : i32
      %dma_wait3A_49 = tpu.memref_slice %arg4[%add3A_8, %dma_wait3A] : memref<2560x128xi32, #tpu.memory_space<hbm>> -> memref<40x128xi32, #tpu.memory_space<hbm>>
      %dma_wait3A_50 = arith.constant 0 : i32
      %dma_wait3A_51 = tpu.memref_slice %arg4[%add3A_8, %dma_wait3A_50] : memref<2560x128xi32, #tpu.memory_space<hbm>> -> memref<40x128xi32, #tpu.memory_space<hbm>>
      tpu.wait_dma2 semaphore(%run_scoped3A : memref<!tpu.dma_semaphore, #tpu.memory_space<semaphore_mem>>) src(%dma_wait3A_51 : memref<40x128xi32, #tpu.memory_space<hbm>>) dst(%arg8 : memref<40x128xi32, #tpu.memory_space<vmem>>)
      tpu.yield
    }) : () -> ()
    %dma_start3A = arith.constant 0 : i32
    %dma_start3A_9 = arith.constant 0 : i32
    %dma_start3A_10 = tpu.memref_slice %arg7[%dma_start3A, %dma_start3A_9] : memref<40x128xi32, #tpu.memory_space<vmem>> -> memref<1x128xi32, #tpu.memory_space<vmem>>
    %dma_start3A_11 = tpu.memref_squeeze %dma_start3A_10 : memref<1x128xi32, #tpu.memory_space<vmem>> -> memref<128xi32, #tpu.memory_space<vmem>>
    %dma_start3A_12 = arith.constant 0 : i32
    %dma_start3A_13 = arith.constant 0 : i32
    %dma_start3A_14 = tpu.memref_slice %arg2[%dma_start3A_12, %dma_start3A_13] : memref<5120x128xf32, #tpu.memory_space<hbm>> -> memref<5120x128xf32, #tpu.memory_space<hbm>>
    tpu.enqueue_indirect_dma source(%dma_start3A_14 : memref<5120x128xf32, #tpu.memory_space<hbm>>) target(%arg9 : memref<128x128xf32, #tpu.memory_space<vmem>>) offsets(%dma_start3A_11 : memref<128xi32, #tpu.memory_space<vmem>>) semaphore(%arg12 : memref<!tpu.dma_semaphore, #tpu.memory_space<semaphore_mem>>)
    %scan3A = arith.constant 0 : i32
    %scan3A_15 = arith.constant 0 : i32
    %scan3A_16 = arith.constant 20 : i32
    %scan3A_17 = arith.addi %scan3A_15, %scan3A_16 : i32
    %scan3A_18 = arith.constant 1 : i32
    scf.for %scan3A_45 = %scan3A_15 to %scan3A_17 step %scan3A_18  : i32 {
      %mul3A_46 = arith.constant 2 : i32
      %mul3A_47 = arith.muli %mul3A_46, %scan3A_45 : i32
      %add3A_48 = arith.constant 1 : i32
      %add3A_49 = arith.addi %mul3A_47, %add3A_48 : i32
      %dma_start3A_50 = arith.constant 0 : i32
      %dma_start3A_51 = tpu.memref_slice %arg7[%add3A_49, %dma_start3A_50] : memref<40x128xi32, #tpu.memory_space<vmem>> -> memref<1x128xi32, #tpu.memory_space<vmem>>
      %dma_start3A_52 = tpu.memref_squeeze %dma_start3A_51 : memref<1x128xi32, #tpu.memory_space<vmem>> -> memref<128xi32, #tpu.memory_space<vmem>>
      %dma_start3A_53 = arith.constant 0 : i32
      %dma_start3A_54 = arith.constant 0 : i32
      %dma_start3A_55 = tpu.memref_slice %arg2[%dma_start3A_53, %dma_start3A_54] : memref<5120x128xf32, #tpu.memory_space<hbm>> -> memref<5120x128xf32, #tpu.memory_space<hbm>>
      tpu.enqueue_indirect_dma source(%dma_start3A_55 : memref<5120x128xf32, #tpu.memory_space<hbm>>) target(%arg10 : memref<128x128xf32, #tpu.memory_space<vmem>>) offsets(%dma_start3A_52 : memref<128xi32, #tpu.memory_space<vmem>>) semaphore(%arg13 : memref<!tpu.dma_semaphore, #tpu.memory_space<semaphore_mem>>)
      %dma_wait3A = arith.constant 0 : i32
      %dma_wait3A_56 = tpu.memref_slice %arg7[%mul3A_47, %dma_wait3A] : memref<40x128xi32, #tpu.memory_space<vmem>> -> memref<1x128xi32, #tpu.memory_space<vmem>>
      %dma_wait3A_57 = tpu.memref_squeeze %dma_wait3A_56 : memref<1x128xi32, #tpu.memory_space<vmem>> -> memref<128xi32, #tpu.memory_space<vmem>>
      %dma_wait3A_58 = arith.constant 0 : i32
      %dma_wait3A_59 = arith.constant 0 : i32
      %dma_wait3A_60 = tpu.memref_slice %arg2[%dma_wait3A_58, %dma_wait3A_59] : memref<5120x128xf32, #tpu.memory_space<hbm>> -> memref<5120x128xf32, #tpu.memory_space<hbm>>
      tpu.wait_indirect_dma semaphore(%arg12 : memref<!tpu.dma_semaphore, #tpu.memory_space<semaphore_mem>>) src(%dma_wait3A_60 : memref<5120x128xf32, #tpu.memory_space<hbm>>) dst(%arg9 : memref<128x128xf32, #tpu.memory_space<vmem>>)
      "tpu.region"() ({
        %run_scoped3A = tpu.sem_alloc : memref<!tpu.dma_semaphore, #tpu.memory_space<semaphore_mem>>
        %dma_start3A_75 = arith.constant 0 : i32
        %dma_start3A_76 = tpu.memref_slice %arg8[%mul3A_47, %dma_start3A_75] : memref<40x128xi32, #tpu.memory_space<vmem>> -> memref<1x128xi32, #tpu.memory_space<vmem>>
        %dma_start3A_77 = tpu.memref_squeeze %dma_start3A_76 : memref<1x128xi32, #tpu.memory_space<vmem>> -> memref<128xi32, #tpu.memory_space<vmem>>
        %dma_start3A_78 = arith.constant 0 : i32
        %dma_start3A_79 = arith.constant 0 : i32
        %dma_start3A_80 = tpu.memref_slice %arg11[%dma_start3A_78, %dma_start3A_79] : memref<10112x128xf32, #tpu.memory_space<vmem_shared>> -> memref<10112x128xf32, #tpu.memory_space<vmem_shared>>
        tpu.enqueue_indirect_dma source(%arg9 : memref<128x128xf32, #tpu.memory_space<vmem>>) target(%dma_start3A_80 : memref<10112x128xf32, #tpu.memory_space<vmem_shared>>) offsets(%dma_start3A_77 : memref<128xi32, #tpu.memory_space<vmem>>) semaphore(%run_scoped3A : memref<!tpu.dma_semaphore, #tpu.memory_space<semaphore_mem>>) {add = true}
        %dma_wait3A_81 = arith.constant 0 : i32
        %dma_wait3A_82 = tpu.memref_slice %arg8[%mul3A_47, %dma_wait3A_81] : memref<40x128xi32, #tpu.memory_space<vmem>> -> memref<1x128xi32, #tpu.memory_space<vmem>>
        %dma_wait3A_83 = tpu.memref_squeeze %dma_wait3A_82 : memref<1x128xi32, #tpu.memory_space<vmem>> -> memref<128xi32, #tpu.memory_space<vmem>>
        %dma_wait3A_84 = arith.constant 0 : i32
        %dma_wait3A_85 = arith.constant 0 : i32
        %dma_wait3A_86 = tpu.memref_slice %arg11[%dma_wait3A_84, %dma_wait3A_85] : memref<10112x128xf32, #tpu.memory_space<vmem_shared>> -> memref<10112x128xf32, #tpu.memory_space<vmem_shared>>
        tpu.wait_indirect_dma semaphore(%run_scoped3A : memref<!tpu.dma_semaphore, #tpu.memory_space<semaphore_mem>>) src(%arg9 : memref<128x128xf32, #tpu.memory_space<vmem>>) dst(%dma_wait3A_86 : memref<10112x128xf32, #tpu.memory_space<vmem_shared>>)
        tpu.yield
      }) : () -> ()
      %add3A_61 = arith.constant 2 : i32
      %add3A_62 = arith.addi %mul3A_47, %add3A_61 : i32
      %lt3A = arith.constant 40 : i32
      %lt3A_63 = arith.cmpi slt, %add3A_62, %lt3A : i32
      %convert_element_type3A = arith.extui %lt3A_63 : i1 to i32
      %cond3A = arith.constant 0 : i32
      %cond3A_64 = arith.cmpi ne, %convert_element_type3A, %cond3A : i32
      scf.if %cond3A_64 {
        %add3A_75 = arith.constant 2 : i32
        %add3A_76 = arith.addi %mul3A_47, %add3A_75 : i32
        %dma_start3A_77 = arith.constant 0 : i32
        %dma_start3A_78 = tpu.memref_slice %arg7[%add3A_76, %dma_start3A_77] : memref<40x128xi32, #tpu.memory_space<vmem>> -> memref<1x128xi32, #tpu.memory_space<vmem>>
        %dma_start3A_79 = tpu.memref_squeeze %dma_start3A_78 : memref<1x128xi32, #tpu.memory_space<vmem>> -> memref<128xi32, #tpu.memory_space<vmem>>
        %dma_start3A_80 = arith.constant 0 : i32
        %dma_start3A_81 = arith.constant 0 : i32
        %dma_start3A_82 = tpu.memref_slice %arg2[%dma_start3A_80, %dma_start3A_81] : memref<5120x128xf32, #tpu.memory_space<hbm>> -> memref<5120x128xf32, #tpu.memory_space<hbm>>
        tpu.enqueue_indirect_dma source(%dma_start3A_82 : memref<5120x128xf32, #tpu.memory_space<hbm>>) target(%arg9 : memref<128x128xf32, #tpu.memory_space<vmem>>) offsets(%dma_start3A_79 : memref<128xi32, #tpu.memory_space<vmem>>) semaphore(%arg12 : memref<!tpu.dma_semaphore, #tpu.memory_space<semaphore_mem>>)
      } else {
      }
      %add3A_65 = arith.constant 1 : i32
      %add3A_66 = arith.addi %mul3A_47, %add3A_65 : i32
      %dma_wait3A_67 = arith.constant 0 : i32
      %dma_wait3A_68 = tpu.memref_slice %arg7[%add3A_66, %dma_wait3A_67] : memref<40x128xi32, #tpu.memory_space<vmem>> -> memref<1x128xi32, #tpu.memory_space<vmem>>
      %dma_wait3A_69 = tpu.memref_squeeze %dma_wait3A_68 : memref<1x128xi32, #tpu.memory_space<vmem>> -> memref<128xi32, #tpu.memory_space<vmem>>
      %dma_wait3A_70 = arith.constant 0 : i32
      %dma_wait3A_71 = arith.constant 0 : i32
      %dma_wait3A_72 = tpu.memref_slice %arg2[%dma_wait3A_70, %dma_wait3A_71] : memref<5120x128xf32, #tpu.memory_space<hbm>> -> memref<5120x128xf32, #tpu.memory_space<hbm>>
      tpu.wait_indirect_dma semaphore(%arg13 : memref<!tpu.dma_semaphore, #tpu.memory_space<semaphore_mem>>) src(%dma_wait3A_72 : memref<5120x128xf32, #tpu.memory_space<hbm>>) dst(%arg10 : memref<128x128xf32, #tpu.memory_space<vmem>>)
      %add3A_73 = arith.constant 1 : i32
      %add3A_74 = arith.addi %mul3A_47, %add3A_73 : i32
      "tpu.region"() ({
        %run_scoped3A = tpu.sem_alloc : memref<!tpu.dma_semaphore, #tpu.memory_space<semaphore_mem>>
        %dma_start3A_75 = arith.constant 0 : i32
        %dma_start3A_76 = tpu.memref_slice %arg8[%add3A_74, %dma_start3A_75] : memref<40x128xi32, #tpu.memory_space<vmem>> -> memref<1x128xi32, #tpu.memory_space<vmem>>
        %dma_start3A_77 = tpu.memref_squeeze %dma_start3A_76 : memref<1x128xi32, #tpu.memory_space<vmem>> -> memref<128xi32, #tpu.memory_space<vmem>>
        %dma_start3A_78 = arith.constant 0 : i32
        %dma_start3A_79 = arith.constant 0 : i32
        %dma_start3A_80 = tpu.memref_slice %arg11[%dma_start3A_78, %dma_start3A_79] : memref<10112x128xf32, #tpu.memory_space<vmem_shared>> -> memref<10112x128xf32, #tpu.memory_space<vmem_shared>>
        tpu.enqueue_indirect_dma source(%arg10 : memref<128x128xf32, #tpu.memory_space<vmem>>) target(%dma_start3A_80 : memref<10112x128xf32, #tpu.memory_space<vmem_shared>>) offsets(%dma_start3A_77 : memref<128xi32, #tpu.memory_space<vmem>>) semaphore(%run_scoped3A : memref<!tpu.dma_semaphore, #tpu.memory_space<semaphore_mem>>) {add = true}
        %dma_wait3A_81 = arith.constant 0 : i32
        %dma_wait3A_82 = tpu.memref_slice %arg8[%add3A_74, %dma_wait3A_81] : memref<40x128xi32, #tpu.memory_space<vmem>> -> memref<1x128xi32, #tpu.memory_space<vmem>>
        %dma_wait3A_83 = tpu.memref_squeeze %dma_wait3A_82 : memref<1x128xi32, #tpu.memory_space<vmem>> -> memref<128xi32, #tpu.memory_space<vmem>>
        %dma_wait3A_84 = arith.constant 0 : i32
        %dma_wait3A_85 = arith.constant 0 : i32
        %dma_wait3A_86 = tpu.memref_slice %arg11[%dma_wait3A_84, %dma_wait3A_85] : memref<10112x128xf32, #tpu.memory_space<vmem_shared>> -> memref<10112x128xf32, #tpu.memory_space<vmem_shared>>
        tpu.wait_indirect_dma semaphore(%run_scoped3A : memref<!tpu.dma_semaphore, #tpu.memory_space<semaphore_mem>>) src(%arg10 : memref<128x128xf32, #tpu.memory_space<vmem>>) dst(%dma_wait3A_86 : memref<10112x128xf32, #tpu.memory_space<vmem_shared>>)
        tpu.yield
      }) : () -> ()
    }
    %scan3A_19 = arith.constant 20 : i32
    %mul3A_20 = arith.constant 80 : i32
    %mul3A_21 = arith.muli %add3A, %mul3A_20 : i32
    %add3A_22 = arith.constant 40 : i32
    %add3A_23 = arith.addi %mul3A_21, %add3A_22 : i32
    "tpu.region"() ({
      %run_scoped3A = tpu.sem_alloc : memref<!tpu.dma_semaphore, #tpu.memory_space<semaphore_mem>>
      %dma_start3A_45 = arith.constant 0 : i32
      %dma_start3A_46 = tpu.memref_slice %arg3[%add3A_23, %dma_start3A_45] : memref<2560x128xi32, #tpu.memory_space<hbm>> -> memref<40x128xi32, #tpu.memory_space<hbm>>
      %dma_start3A_47 = arith.constant 0 : i32
      %dma_start3A_48 = tpu.memref_slice %arg3[%add3A_23, %dma_start3A_47] : memref<2560x128xi32, #tpu.memory_space<hbm>> -> memref<40x128xi32, #tpu.memory_space<hbm>>
      tpu.enqueue_dma source(%dma_start3A_48 : memref<40x128xi32, #tpu.memory_space<hbm>>) target(%arg7 : memref<40x128xi32, #tpu.memory_space<vmem>>) target_semaphore(%run_scoped3A : memref<!tpu.dma_semaphore, #tpu.memory_space<semaphore_mem>>)
      %dma_wait3A = arith.constant 0 : i32
      %dma_wait3A_49 = tpu.memref_slice %arg3[%add3A_23, %dma_wait3A] : memref<2560x128xi32, #tpu.memory_space<hbm>> -> memref<40x128xi32, #tpu.memory_space<hbm>>
      %dma_wait3A_50 = arith.constant 0 : i32
      %dma_wait3A_51 = tpu.memref_slice %arg3[%add3A_23, %dma_wait3A_50] : memref<2560x128xi32, #tpu.memory_space<hbm>> -> memref<40x128xi32, #tpu.memory_space<hbm>>
      tpu.wait_dma2 semaphore(%run_scoped3A : memref<!tpu.dma_semaphore, #tpu.memory_space<semaphore_mem>>) src(%dma_wait3A_51 : memref<40x128xi32, #tpu.memory_space<hbm>>) dst(%arg7 : memref<40x128xi32, #tpu.memory_space<vmem>>)
      tpu.yield
    }) : () -> ()
    "tpu.region"() ({
      %run_scoped3A = tpu.sem_alloc : memref<!tpu.dma_semaphore, #tpu.memory_space<semaphore_mem>>
      %dma_start3A_45 = arith.constant 0 : i32
      %dma_start3A_46 = tpu.memref_slice %arg4[%add3A_23, %dma_start3A_45] : memref<2560x128xi32, #tpu.memory_space<hbm>> -> memref<40x128xi32, #tpu.memory_space<hbm>>
      %dma_start3A_47 = arith.constant 0 : i32
      %dma_start3A_48 = tpu.memref_slice %arg4[%add3A_23, %dma_start3A_47] : memref<2560x128xi32, #tpu.memory_space<hbm>> -> memref<40x128xi32, #tpu.memory_space<hbm>>
      tpu.enqueue_dma source(%dma_start3A_48 : memref<40x128xi32, #tpu.memory_space<hbm>>) target(%arg8 : memref<40x128xi32, #tpu.memory_space<vmem>>) target_semaphore(%run_scoped3A : memref<!tpu.dma_semaphore, #tpu.memory_space<semaphore_mem>>)
      %dma_wait3A = arith.constant 0 : i32
      %dma_wait3A_49 = tpu.memref_slice %arg4[%add3A_23, %dma_wait3A] : memref<2560x128xi32, #tpu.memory_space<hbm>> -> memref<40x128xi32, #tpu.memory_space<hbm>>
      %dma_wait3A_50 = arith.constant 0 : i32
      %dma_wait3A_51 = tpu.memref_slice %arg4[%add3A_23, %dma_wait3A_50] : memref<2560x128xi32, #tpu.memory_space<hbm>> -> memref<40x128xi32, #tpu.memory_space<hbm>>
      tpu.wait_dma2 semaphore(%run_scoped3A : memref<!tpu.dma_semaphore, #tpu.memory_space<semaphore_mem>>) src(%dma_wait3A_51 : memref<40x128xi32, #tpu.memory_space<hbm>>) dst(%arg8 : memref<40x128xi32, #tpu.memory_space<vmem>>)
      tpu.yield
    }) : () -> ()
    %dma_start3A_24 = arith.constant 0 : i32
    %dma_start3A_25 = arith.constant 0 : i32
    %dma_start3A_26 = tpu.memref_slice %arg7[%dma_start3A_24, %dma_start3A_25] : memref<40x128xi32, #tpu.memory_space<vmem>> -> memref<1x128xi32, #tpu.memory_space<vmem>>
    %dma_start3A_27 = tpu.memref_squeeze %dma_start3A_26 : memref<1x128xi32, #tpu.memory_space<vmem>> -> memref<128xi32, #tpu.memory_space<vmem>>
    %dma_start3A_28 = arith.constant 0 : i32
    %dma_start3A_29 = arith.constant 0 : i32
    %dma_start3A_30 = tpu.memref_slice %arg2[%dma_start3A_28, %dma_start3A_29] : memref<5120x128xf32, #tpu.memory_space<hbm>> -> memref<5120x128xf32, #tpu.memory_space<hbm>>
    tpu.enqueue_indirect_dma source(%dma_start3A_30 : memref<5120x128xf32, #tpu.memory_space<hbm>>) target(%arg9 : memref<128x128xf32, #tpu.memory_space<vmem>>) offsets(%dma_start3A_27 : memref<128xi32, #tpu.memory_space<vmem>>) semaphore(%arg12 : memref<!tpu.dma_semaphore, #tpu.memory_space<semaphore_mem>>)
    %scan3A_31 = arith.constant 0 : i32
    %scan3A_32 = arith.constant 0 : i32
    %scan3A_33 = arith.constant 20 : i32
    %scan3A_34 = arith.addi %scan3A_32, %scan3A_33 : i32
    %scan3A_35 = arith.constant 1 : i32
    scf.for %scan3A_45 = %scan3A_32 to %scan3A_34 step %scan3A_35  : i32 {
      %mul3A_46 = arith.constant 2 : i32
      %mul3A_47 = arith.muli %mul3A_46, %scan3A_45 : i32
      %add3A_48 = arith.constant 1 : i32
      %add3A_49 = arith.addi %mul3A_47, %add3A_48 : i32
      %dma_start3A_50 = arith.constant 0 : i32
      %dma_start3A_51 = tpu.memref_slice %arg7[%add3A_49, %dma_start3A_50] : memref<40x128xi32, #tpu.memory_space<vmem>> -> memref<1x128xi32, #tpu.memory_space<vmem>>
      %dma_start3A_52 = tpu.memref_squeeze %dma_start3A_51 : memref<1x128xi32, #tpu.memory_space<vmem>> -> memref<128xi32, #tpu.memory_space<vmem>>
      %dma_start3A_53 = arith.constant 0 : i32
      %dma_start3A_54 = arith.constant 0 : i32
      %dma_start3A_55 = tpu.memref_slice %arg2[%dma_start3A_53, %dma_start3A_54] : memref<5120x128xf32, #tpu.memory_space<hbm>> -> memref<5120x128xf32, #tpu.memory_space<hbm>>
      tpu.enqueue_indirect_dma source(%dma_start3A_55 : memref<5120x128xf32, #tpu.memory_space<hbm>>) target(%arg10 : memref<128x128xf32, #tpu.memory_space<vmem>>) offsets(%dma_start3A_52 : memref<128xi32, #tpu.memory_space<vmem>>) semaphore(%arg13 : memref<!tpu.dma_semaphore, #tpu.memory_space<semaphore_mem>>)
      %dma_wait3A = arith.constant 0 : i32
      %dma_wait3A_56 = tpu.memref_slice %arg7[%mul3A_47, %dma_wait3A] : memref<40x128xi32, #tpu.memory_space<vmem>> -> memref<1x128xi32, #tpu.memory_space<vmem>>
      %dma_wait3A_57 = tpu.memref_squeeze %dma_wait3A_56 : memref<1x128xi32, #tpu.memory_space<vmem>> -> memref<128xi32, #tpu.memory_space<vmem>>
      %dma_wait3A_58 = arith.constant 0 : i32
      %dma_wait3A_59 = arith.constant 0 : i32
      %dma_wait3A_60 = tpu.memref_slice %arg2[%dma_wait3A_58, %dma_wait3A_59] : memref<5120x128xf32, #tpu.memory_space<hbm>> -> memref<5120x128xf32, #tpu.memory_space<hbm>>
      tpu.wait_indirect_dma semaphore(%arg12 : memref<!tpu.dma_semaphore, #tpu.memory_space<semaphore_mem>>) src(%dma_wait3A_60 : memref<5120x128xf32, #tpu.memory_space<hbm>>) dst(%arg9 : memref<128x128xf32, #tpu.memory_space<vmem>>)
      "tpu.region"() ({
        %run_scoped3A = tpu.sem_alloc : memref<!tpu.dma_semaphore, #tpu.memory_space<semaphore_mem>>
        %dma_start3A_75 = arith.constant 0 : i32
        %dma_start3A_76 = tpu.memref_slice %arg8[%mul3A_47, %dma_start3A_75] : memref<40x128xi32, #tpu.memory_space<vmem>> -> memref<1x128xi32, #tpu.memory_space<vmem>>
        %dma_start3A_77 = tpu.memref_squeeze %dma_start3A_76 : memref<1x128xi32, #tpu.memory_space<vmem>> -> memref<128xi32, #tpu.memory_space<vmem>>
        %dma_start3A_78 = arith.constant 0 : i32
        %dma_start3A_79 = arith.constant 0 : i32
        %dma_start3A_80 = tpu.memref_slice %arg11[%dma_start3A_78, %dma_start3A_79] : memref<10112x128xf32, #tpu.memory_space<vmem_shared>> -> memref<10112x128xf32, #tpu.memory_space<vmem_shared>>
        tpu.enqueue_indirect_dma source(%arg9 : memref<128x128xf32, #tpu.memory_space<vmem>>) target(%dma_start3A_80 : memref<10112x128xf32, #tpu.memory_space<vmem_shared>>) offsets(%dma_start3A_77 : memref<128xi32, #tpu.memory_space<vmem>>) semaphore(%run_scoped3A : memref<!tpu.dma_semaphore, #tpu.memory_space<semaphore_mem>>) {add = true}
        %dma_wait3A_81 = arith.constant 0 : i32
        %dma_wait3A_82 = tpu.memref_slice %arg8[%mul3A_47, %dma_wait3A_81] : memref<40x128xi32, #tpu.memory_space<vmem>> -> memref<1x128xi32, #tpu.memory_space<vmem>>
        %dma_wait3A_83 = tpu.memref_squeeze %dma_wait3A_82 : memref<1x128xi32, #tpu.memory_space<vmem>> -> memref<128xi32, #tpu.memory_space<vmem>>
        %dma_wait3A_84 = arith.constant 0 : i32
        %dma_wait3A_85 = arith.constant 0 : i32
        %dma_wait3A_86 = tpu.memref_slice %arg11[%dma_wait3A_84, %dma_wait3A_85] : memref<10112x128xf32, #tpu.memory_space<vmem_shared>> -> memref<10112x128xf32, #tpu.memory_space<vmem_shared>>
        tpu.wait_indirect_dma semaphore(%run_scoped3A : memref<!tpu.dma_semaphore, #tpu.memory_space<semaphore_mem>>) src(%arg9 : memref<128x128xf32, #tpu.memory_space<vmem>>) dst(%dma_wait3A_86 : memref<10112x128xf32, #tpu.memory_space<vmem_shared>>)
        tpu.yield
      }) : () -> ()
      %add3A_61 = arith.constant 2 : i32
      %add3A_62 = arith.addi %mul3A_47, %add3A_61 : i32
      %lt3A = arith.constant 40 : i32
      %lt3A_63 = arith.cmpi slt, %add3A_62, %lt3A : i32
      %convert_element_type3A = arith.extui %lt3A_63 : i1 to i32
      %cond3A = arith.constant 0 : i32
      %cond3A_64 = arith.cmpi ne, %convert_element_type3A, %cond3A : i32
      scf.if %cond3A_64 {
        %add3A_75 = arith.constant 2 : i32
        %add3A_76 = arith.addi %mul3A_47, %add3A_75 : i32
        %dma_start3A_77 = arith.constant 0 : i32
        %dma_start3A_78 = tpu.memref_slice %arg7[%add3A_76, %dma_start3A_77] : memref<40x128xi32, #tpu.memory_space<vmem>> -> memref<1x128xi32, #tpu.memory_space<vmem>>
        %dma_start3A_79 = tpu.memref_squeeze %dma_start3A_78 : memref<1x128xi32, #tpu.memory_space<vmem>> -> memref<128xi32, #tpu.memory_space<vmem>>
        %dma_start3A_80 = arith.constant 0 : i32
        %dma_start3A_81 = arith.constant 0 : i32
        %dma_start3A_82 = tpu.memref_slice %arg2[%dma_start3A_80, %dma_start3A_81] : memref<5120x128xf32, #tpu.memory_space<hbm>> -> memref<5120x128xf32, #tpu.memory_space<hbm>>
        tpu.enqueue_indirect_dma source(%dma_start3A_82 : memref<5120x128xf32, #tpu.memory_space<hbm>>) target(%arg9 : memref<128x128xf32, #tpu.memory_space<vmem>>) offsets(%dma_start3A_79 : memref<128xi32, #tpu.memory_space<vmem>>) semaphore(%arg12 : memref<!tpu.dma_semaphore, #tpu.memory_space<semaphore_mem>>)
      } else {
      }
      %add3A_65 = arith.constant 1 : i32
      %add3A_66 = arith.addi %mul3A_47, %add3A_65 : i32
      %dma_wait3A_67 = arith.constant 0 : i32
      %dma_wait3A_68 = tpu.memref_slice %arg7[%add3A_66, %dma_wait3A_67] : memref<40x128xi32, #tpu.memory_space<vmem>> -> memref<1x128xi32, #tpu.memory_space<vmem>>
      %dma_wait3A_69 = tpu.memref_squeeze %dma_wait3A_68 : memref<1x128xi32, #tpu.memory_space<vmem>> -> memref<128xi32, #tpu.memory_space<vmem>>
      %dma_wait3A_70 = arith.constant 0 : i32
      %dma_wait3A_71 = arith.constant 0 : i32
      %dma_wait3A_72 = tpu.memref_slice %arg2[%dma_wait3A_70, %dma_wait3A_71] : memref<5120x128xf32, #tpu.memory_space<hbm>> -> memref<5120x128xf32, #tpu.memory_space<hbm>>
      tpu.wait_indirect_dma semaphore(%arg13 : memref<!tpu.dma_semaphore, #tpu.memory_space<semaphore_mem>>) src(%dma_wait3A_72 : memref<5120x128xf32, #tpu.memory_space<hbm>>) dst(%arg10 : memref<128x128xf32, #tpu.memory_space<vmem>>)
      %add3A_73 = arith.constant 1 : i32
      %add3A_74 = arith.addi %mul3A_47, %add3A_73 : i32
      "tpu.region"() ({
        %run_scoped3A = tpu.sem_alloc : memref<!tpu.dma_semaphore, #tpu.memory_space<semaphore_mem>>
        %dma_start3A_75 = arith.constant 0 : i32
        %dma_start3A_76 = tpu.memref_slice %arg8[%add3A_74, %dma_start3A_75] : memref<40x128xi32, #tpu.memory_space<vmem>> -> memref<1x128xi32, #tpu.memory_space<vmem>>
        %dma_start3A_77 = tpu.memref_squeeze %dma_start3A_76 : memref<1x128xi32, #tpu.memory_space<vmem>> -> memref<128xi32, #tpu.memory_space<vmem>>
        %dma_start3A_78 = arith.constant 0 : i32
        %dma_start3A_79 = arith.constant 0 : i32
        %dma_start3A_80 = tpu.memref_slice %arg11[%dma_start3A_78, %dma_start3A_79] : memref<10112x128xf32, #tpu.memory_space<vmem_shared>> -> memref<10112x128xf32, #tpu.memory_space<vmem_shared>>
        tpu.enqueue_indirect_dma source(%arg10 : memref<128x128xf32, #tpu.memory_space<vmem>>) target(%dma_start3A_80 : memref<10112x128xf32, #tpu.memory_space<vmem_shared>>) offsets(%dma_start3A_77 : memref<128xi32, #tpu.memory_space<vmem>>) semaphore(%run_scoped3A : memref<!tpu.dma_semaphore, #tpu.memory_space<semaphore_mem>>) {add = true}
        %dma_wait3A_81 = arith.constant 0 : i32
        %dma_wait3A_82 = tpu.memref_slice %arg8[%add3A_74, %dma_wait3A_81] : memref<40x128xi32, #tpu.memory_space<vmem>> -> memref<1x128xi32, #tpu.memory_space<vmem>>
        %dma_wait3A_83 = tpu.memref_squeeze %dma_wait3A_82 : memref<1x128xi32, #tpu.memory_space<vmem>> -> memref<128xi32, #tpu.memory_space<vmem>>
        %dma_wait3A_84 = arith.constant 0 : i32
        %dma_wait3A_85 = arith.constant 0 : i32
        %dma_wait3A_86 = tpu.memref_slice %arg11[%dma_wait3A_84, %dma_wait3A_85] : memref<10112x128xf32, #tpu.memory_space<vmem_shared>> -> memref<10112x128xf32, #tpu.memory_space<vmem_shared>>
        tpu.wait_indirect_dma semaphore(%run_scoped3A : memref<!tpu.dma_semaphore, #tpu.memory_space<semaphore_mem>>) src(%arg10 : memref<128x128xf32, #tpu.memory_space<vmem>>) dst(%dma_wait3A_86 : memref<10112x128xf32, #tpu.memory_space<vmem_shared>>)
        tpu.yield
      }) : () -> ()
    }
    %scan3A_36 = arith.constant 20 : i32
    %barrier3A_37 = arith.constant 0 : index
    tpu.barrier barrier_id(%barrier3A_37)
    %mul3A_38 = arith.constant 632 : i32
    %mul3A_39 = arith.muli %arg1, %mul3A_38 : i32
    %mul3A_40 = arith.constant 10112 : i32
    %mul3A_41 = arith.muli %arg0, %mul3A_40 : i32
    %mul3A_42 = arith.constant 632 : i32
    %mul3A_43 = arith.muli %arg1, %mul3A_42 : i32
    %add3A_44 = arith.addi %mul3A_41, %mul3A_43 : i32
    "tpu.region"() ({
      %run_scoped3A = tpu.sem_alloc : memref<!tpu.dma_semaphore, #tpu.memory_space<semaphore_mem>>
      %dma_start3A_45 = arith.constant 0 : i32
      %dma_start3A_46 = tpu.memref_slice %arg6[%add3A_44, %dma_start3A_45] : memref<20224x128xf32, #tpu.memory_space<hbm>> -> memref<632x128xf32, #tpu.memory_space<hbm>>
      %dma_start3A_47 = arith.constant 0 : i32
      %dma_start3A_48 = tpu.memref_slice %arg11[%mul3A_39, %dma_start3A_47] : memref<10112x128xf32, #tpu.memory_space<vmem_shared>> -> memref<632x128xf32, #tpu.memory_space<vmem_shared>>
      tpu.enqueue_dma source(%dma_start3A_48 : memref<632x128xf32, #tpu.memory_space<vmem_shared>>) target(%dma_start3A_46 : memref<632x128xf32, #tpu.memory_space<hbm>>) target_semaphore(%run_scoped3A : memref<!tpu.dma_semaphore, #tpu.memory_space<semaphore_mem>>)
      %dma_wait3A = arith.constant 0 : i32
      %dma_wait3A_49 = tpu.memref_slice %arg6[%add3A_44, %dma_wait3A] : memref<20224x128xf32, #tpu.memory_space<hbm>> -> memref<632x128xf32, #tpu.memory_space<hbm>>
      %dma_wait3A_50 = arith.constant 0 : i32
      %dma_wait3A_51 = tpu.memref_slice %arg11[%mul3A_39, %dma_wait3A_50] : memref<10112x128xf32, #tpu.memory_space<vmem_shared>> -> memref<632x128xf32, #tpu.memory_space<vmem_shared>>
      tpu.wait_dma2 semaphore(%run_scoped3A : memref<!tpu.dma_semaphore, #tpu.memory_space<semaphore_mem>>) src(%dma_wait3A_51 : memref<632x128xf32, #tpu.memory_space<vmem_shared>>) dst(%dma_wait3A_49 : memref<632x128xf32, #tpu.memory_space<hbm>>)
      tpu.yield
    }) : () -> ()
    return
  }
}

#map = affine_map<(d0, d1) -> (0, 0)>
module attributes {stable_mosaic.version = 14 : i64} {
  func.func @sc_deg(%arg0: i32, %arg1: i32, %arg2: memref<2560x128xi32, #tpu.memory_space<hbm>>, %arg3: memref<128x128xf32, #tpu.memory_space<hbm>>, %arg4: memref<5120x128xf32, #tpu.memory_space<hbm>>, %arg5: memref<10240x128xf32, #tpu.memory_space<hbm>>, %arg6: memref<80x128xi32, #tpu.memory_space<vmem>>, %arg7: memref<128x128xf32, #tpu.memory_space<vmem>>, %arg8: memref<5120x128xf32, #tpu.memory_space<vmem_shared>>, %arg9: memref<!tpu.dma_semaphore, #tpu.memory_space<semaphore_mem>>) attributes {dimension_semantics = [#tpu.dimension_semantics<core_parallel>, #tpu.dimension_semantics<subcore_parallel>], iteration_bounds = array<i64: 2, 16>, scalar_prefetch = 0 : i64, scratch_operands = 4 : i64, tpu.core_type = #tpu.core_type<sc_vector_subcore>, window_params = [{transform_indices = #map}, {transform_indices = #map}, {transform_indices = #map}, {transform_indices = #map}]} {
    %mul3A = arith.constant 2 : i32
    %mul3A_0 = arith.muli %arg1, %mul3A : i32
    %add3A = arith.addi %mul3A_0, %arg0 : i32
    %mul3A_1 = arith.constant 320 : i32
    %mul3A_2 = arith.muli %arg1, %mul3A_1 : i32
    %mul3A_3 = arith.constant 320 : i32
    %mul3A_4 = arith.muli %arg1, %mul3A_3 : i32
    "tpu.region"() ({
      %run_scoped3A = tpu.sem_alloc : memref<!tpu.dma_semaphore, #tpu.memory_space<semaphore_mem>>
      %dma_start3A = arith.constant 0 : i32
      %dma_start3A_20 = tpu.memref_slice %arg8[%mul3A_4, %dma_start3A] : memref<5120x128xf32, #tpu.memory_space<vmem_shared>> -> memref<320x128xf32, #tpu.memory_space<vmem_shared>>
      %dma_start3A_21 = arith.constant 0 : i32
      %dma_start3A_22 = tpu.memref_slice %arg4[%mul3A_2, %dma_start3A_21] : memref<5120x128xf32, #tpu.memory_space<hbm>> -> memref<320x128xf32, #tpu.memory_space<hbm>>
      tpu.enqueue_dma source(%dma_start3A_22 : memref<320x128xf32, #tpu.memory_space<hbm>>) target(%dma_start3A_20 : memref<320x128xf32, #tpu.memory_space<vmem_shared>>) target_semaphore(%run_scoped3A : memref<!tpu.dma_semaphore, #tpu.memory_space<semaphore_mem>>)
      %dma_wait3A = arith.constant 0 : i32
      %dma_wait3A_23 = tpu.memref_slice %arg8[%mul3A_4, %dma_wait3A] : memref<5120x128xf32, #tpu.memory_space<vmem_shared>> -> memref<320x128xf32, #tpu.memory_space<vmem_shared>>
      %dma_wait3A_24 = arith.constant 0 : i32
      %dma_wait3A_25 = tpu.memref_slice %arg4[%mul3A_2, %dma_wait3A_24] : memref<5120x128xf32, #tpu.memory_space<hbm>> -> memref<320x128xf32, #tpu.memory_space<hbm>>
      tpu.wait_dma2 semaphore(%run_scoped3A : memref<!tpu.dma_semaphore, #tpu.memory_space<semaphore_mem>>) src(%dma_wait3A_25 : memref<320x128xf32, #tpu.memory_space<hbm>>) dst(%dma_wait3A_23 : memref<320x128xf32, #tpu.memory_space<vmem_shared>>)
      tpu.yield
    }) : () -> ()
    %mul3A_5 = arith.constant 80 : i32
    %mul3A_6 = arith.muli %add3A, %mul3A_5 : i32
    "tpu.region"() ({
      %run_scoped3A = tpu.sem_alloc : memref<!tpu.dma_semaphore, #tpu.memory_space<semaphore_mem>>
      %dma_start3A = arith.constant 0 : i32
      %dma_start3A_20 = tpu.memref_slice %arg2[%mul3A_6, %dma_start3A] : memref<2560x128xi32, #tpu.memory_space<hbm>> -> memref<80x128xi32, #tpu.memory_space<hbm>>
      %dma_start3A_21 = arith.constant 0 : i32
      %dma_start3A_22 = tpu.memref_slice %arg2[%mul3A_6, %dma_start3A_21] : memref<2560x128xi32, #tpu.memory_space<hbm>> -> memref<80x128xi32, #tpu.memory_space<hbm>>
      tpu.enqueue_dma source(%dma_start3A_22 : memref<80x128xi32, #tpu.memory_space<hbm>>) target(%arg6 : memref<80x128xi32, #tpu.memory_space<vmem>>) target_semaphore(%run_scoped3A : memref<!tpu.dma_semaphore, #tpu.memory_space<semaphore_mem>>)
      %dma_wait3A = arith.constant 0 : i32
      %dma_wait3A_23 = tpu.memref_slice %arg2[%mul3A_6, %dma_wait3A] : memref<2560x128xi32, #tpu.memory_space<hbm>> -> memref<80x128xi32, #tpu.memory_space<hbm>>
      %dma_wait3A_24 = arith.constant 0 : i32
      %dma_wait3A_25 = tpu.memref_slice %arg2[%mul3A_6, %dma_wait3A_24] : memref<2560x128xi32, #tpu.memory_space<hbm>> -> memref<80x128xi32, #tpu.memory_space<hbm>>
      tpu.wait_dma2 semaphore(%run_scoped3A : memref<!tpu.dma_semaphore, #tpu.memory_space<semaphore_mem>>) src(%dma_wait3A_25 : memref<80x128xi32, #tpu.memory_space<hbm>>) dst(%arg6 : memref<80x128xi32, #tpu.memory_space<vmem>>)
      tpu.yield
    }) : () -> ()
    "tpu.region"() ({
      %run_scoped3A = tpu.sem_alloc : memref<!tpu.dma_semaphore, #tpu.memory_space<semaphore_mem>>
      tpu.enqueue_dma source(%arg3 : memref<128x128xf32, #tpu.memory_space<hbm>>) target(%arg7 : memref<128x128xf32, #tpu.memory_space<vmem>>) target_semaphore(%run_scoped3A : memref<!tpu.dma_semaphore, #tpu.memory_space<semaphore_mem>>)
      tpu.wait_dma2 semaphore(%run_scoped3A : memref<!tpu.dma_semaphore, #tpu.memory_space<semaphore_mem>>) src(%arg3 : memref<128x128xf32, #tpu.memory_space<hbm>>) dst(%arg7 : memref<128x128xf32, #tpu.memory_space<vmem>>)
      tpu.yield
    }) : () -> ()
    %barrier3A = arith.constant 0 : index
    tpu.barrier barrier_id(%barrier3A)
    %scan3A = arith.constant 0 : i32
    %scan3A_7 = arith.constant 0 : i32
    %scan3A_8 = arith.constant 10 : i32
    %scan3A_9 = arith.addi %scan3A_7, %scan3A_8 : i32
    %scan3A_10 = arith.constant 1 : i32
    scf.for %scan3A_20 = %scan3A_7 to %scan3A_9 step %scan3A_10  : i32 {
      %mul3A_21 = arith.constant 8 : i32
      %mul3A_22 = arith.muli %scan3A_20, %mul3A_21 : i32
      %add3A_23 = arith.constant 0 : i32
      %add3A_24 = arith.addi %mul3A_22, %add3A_23 : i32
      %dma_start3A = arith.constant 0 : i32
      %dma_start3A_25 = tpu.memref_slice %arg6[%add3A_24, %dma_start3A] : memref<80x128xi32, #tpu.memory_space<vmem>> -> memref<1x128xi32, #tpu.memory_space<vmem>>
      %dma_start3A_26 = tpu.memref_squeeze %dma_start3A_25 : memref<1x128xi32, #tpu.memory_space<vmem>> -> memref<128xi32, #tpu.memory_space<vmem>>
      %dma_start3A_27 = arith.constant 0 : i32
      %dma_start3A_28 = arith.constant 0 : i32
      %dma_start3A_29 = tpu.memref_slice %arg8[%dma_start3A_27, %dma_start3A_28] : memref<5120x128xf32, #tpu.memory_space<vmem_shared>> -> memref<5120x128xf32, #tpu.memory_space<vmem_shared>>
      tpu.enqueue_indirect_dma source(%arg7 : memref<128x128xf32, #tpu.memory_space<vmem>>) target(%dma_start3A_29 : memref<5120x128xf32, #tpu.memory_space<vmem_shared>>) offsets(%dma_start3A_26 : memref<128xi32, #tpu.memory_space<vmem>>) semaphore(%arg9 : memref<!tpu.dma_semaphore, #tpu.memory_space<semaphore_mem>>) {add = true}
      %mul3A_30 = arith.constant 8 : i32
      %mul3A_31 = arith.muli %scan3A_20, %mul3A_30 : i32
      %add3A_32 = arith.constant 1 : i32
      %add3A_33 = arith.addi %mul3A_31, %add3A_32 : i32
      %dma_start3A_34 = arith.constant 0 : i32
      %dma_start3A_35 = tpu.memref_slice %arg6[%add3A_33, %dma_start3A_34] : memref<80x128xi32, #tpu.memory_space<vmem>> -> memref<1x128xi32, #tpu.memory_space<vmem>>
      %dma_start3A_36 = tpu.memref_squeeze %dma_start3A_35 : memref<1x128xi32, #tpu.memory_space<vmem>> -> memref<128xi32, #tpu.memory_space<vmem>>
      %dma_start3A_37 = arith.constant 0 : i32
      %dma_start3A_38 = arith.constant 0 : i32
      %dma_start3A_39 = tpu.memref_slice %arg8[%dma_start3A_37, %dma_start3A_38] : memref<5120x128xf32, #tpu.memory_space<vmem_shared>> -> memref<5120x128xf32, #tpu.memory_space<vmem_shared>>
      tpu.enqueue_indirect_dma source(%arg7 : memref<128x128xf32, #tpu.memory_space<vmem>>) target(%dma_start3A_39 : memref<5120x128xf32, #tpu.memory_space<vmem_shared>>) offsets(%dma_start3A_36 : memref<128xi32, #tpu.memory_space<vmem>>) semaphore(%arg9 : memref<!tpu.dma_semaphore, #tpu.memory_space<semaphore_mem>>) {add = true}
      %mul3A_40 = arith.constant 8 : i32
      %mul3A_41 = arith.muli %scan3A_20, %mul3A_40 : i32
      %add3A_42 = arith.constant 2 : i32
      %add3A_43 = arith.addi %mul3A_41, %add3A_42 : i32
      %dma_start3A_44 = arith.constant 0 : i32
      %dma_start3A_45 = tpu.memref_slice %arg6[%add3A_43, %dma_start3A_44] : memref<80x128xi32, #tpu.memory_space<vmem>> -> memref<1x128xi32, #tpu.memory_space<vmem>>
      %dma_start3A_46 = tpu.memref_squeeze %dma_start3A_45 : memref<1x128xi32, #tpu.memory_space<vmem>> -> memref<128xi32, #tpu.memory_space<vmem>>
      %dma_start3A_47 = arith.constant 0 : i32
      %dma_start3A_48 = arith.constant 0 : i32
      %dma_start3A_49 = tpu.memref_slice %arg8[%dma_start3A_47, %dma_start3A_48] : memref<5120x128xf32, #tpu.memory_space<vmem_shared>> -> memref<5120x128xf32, #tpu.memory_space<vmem_shared>>
      tpu.enqueue_indirect_dma source(%arg7 : memref<128x128xf32, #tpu.memory_space<vmem>>) target(%dma_start3A_49 : memref<5120x128xf32, #tpu.memory_space<vmem_shared>>) offsets(%dma_start3A_46 : memref<128xi32, #tpu.memory_space<vmem>>) semaphore(%arg9 : memref<!tpu.dma_semaphore, #tpu.memory_space<semaphore_mem>>) {add = true}
      %mul3A_50 = arith.constant 8 : i32
      %mul3A_51 = arith.muli %scan3A_20, %mul3A_50 : i32
      %add3A_52 = arith.constant 3 : i32
      %add3A_53 = arith.addi %mul3A_51, %add3A_52 : i32
      %dma_start3A_54 = arith.constant 0 : i32
      %dma_start3A_55 = tpu.memref_slice %arg6[%add3A_53, %dma_start3A_54] : memref<80x128xi32, #tpu.memory_space<vmem>> -> memref<1x128xi32, #tpu.memory_space<vmem>>
      %dma_start3A_56 = tpu.memref_squeeze %dma_start3A_55 : memref<1x128xi32, #tpu.memory_space<vmem>> -> memref<128xi32, #tpu.memory_space<vmem>>
      %dma_start3A_57 = arith.constant 0 : i32
      %dma_start3A_58 = arith.constant 0 : i32
      %dma_start3A_59 = tpu.memref_slice %arg8[%dma_start3A_57, %dma_start3A_58] : memref<5120x128xf32, #tpu.memory_space<vmem_shared>> -> memref<5120x128xf32, #tpu.memory_space<vmem_shared>>
      tpu.enqueue_indirect_dma source(%arg7 : memref<128x128xf32, #tpu.memory_space<vmem>>) target(%dma_start3A_59 : memref<5120x128xf32, #tpu.memory_space<vmem_shared>>) offsets(%dma_start3A_56 : memref<128xi32, #tpu.memory_space<vmem>>) semaphore(%arg9 : memref<!tpu.dma_semaphore, #tpu.memory_space<semaphore_mem>>) {add = true}
      %mul3A_60 = arith.constant 8 : i32
      %mul3A_61 = arith.muli %scan3A_20, %mul3A_60 : i32
      %add3A_62 = arith.constant 4 : i32
      %add3A_63 = arith.addi %mul3A_61, %add3A_62 : i32
      %dma_start3A_64 = arith.constant 0 : i32
      %dma_start3A_65 = tpu.memref_slice %arg6[%add3A_63, %dma_start3A_64] : memref<80x128xi32, #tpu.memory_space<vmem>> -> memref<1x128xi32, #tpu.memory_space<vmem>>
      %dma_start3A_66 = tpu.memref_squeeze %dma_start3A_65 : memref<1x128xi32, #tpu.memory_space<vmem>> -> memref<128xi32, #tpu.memory_space<vmem>>
      %dma_start3A_67 = arith.constant 0 : i32
      %dma_start3A_68 = arith.constant 0 : i32
      %dma_start3A_69 = tpu.memref_slice %arg8[%dma_start3A_67, %dma_start3A_68] : memref<5120x128xf32, #tpu.memory_space<vmem_shared>> -> memref<5120x128xf32, #tpu.memory_space<vmem_shared>>
      tpu.enqueue_indirect_dma source(%arg7 : memref<128x128xf32, #tpu.memory_space<vmem>>) target(%dma_start3A_69 : memref<5120x128xf32, #tpu.memory_space<vmem_shared>>) offsets(%dma_start3A_66 : memref<128xi32, #tpu.memory_space<vmem>>) semaphore(%arg9 : memref<!tpu.dma_semaphore, #tpu.memory_space<semaphore_mem>>) {add = true}
      %mul3A_70 = arith.constant 8 : i32
      %mul3A_71 = arith.muli %scan3A_20, %mul3A_70 : i32
      %add3A_72 = arith.constant 5 : i32
      %add3A_73 = arith.addi %mul3A_71, %add3A_72 : i32
      %dma_start3A_74 = arith.constant 0 : i32
      %dma_start3A_75 = tpu.memref_slice %arg6[%add3A_73, %dma_start3A_74] : memref<80x128xi32, #tpu.memory_space<vmem>> -> memref<1x128xi32, #tpu.memory_space<vmem>>
      %dma_start3A_76 = tpu.memref_squeeze %dma_start3A_75 : memref<1x128xi32, #tpu.memory_space<vmem>> -> memref<128xi32, #tpu.memory_space<vmem>>
      %dma_start3A_77 = arith.constant 0 : i32
      %dma_start3A_78 = arith.constant 0 : i32
      %dma_start3A_79 = tpu.memref_slice %arg8[%dma_start3A_77, %dma_start3A_78] : memref<5120x128xf32, #tpu.memory_space<vmem_shared>> -> memref<5120x128xf32, #tpu.memory_space<vmem_shared>>
      tpu.enqueue_indirect_dma source(%arg7 : memref<128x128xf32, #tpu.memory_space<vmem>>) target(%dma_start3A_79 : memref<5120x128xf32, #tpu.memory_space<vmem_shared>>) offsets(%dma_start3A_76 : memref<128xi32, #tpu.memory_space<vmem>>) semaphore(%arg9 : memref<!tpu.dma_semaphore, #tpu.memory_space<semaphore_mem>>) {add = true}
      %mul3A_80 = arith.constant 8 : i32
      %mul3A_81 = arith.muli %scan3A_20, %mul3A_80 : i32
      %add3A_82 = arith.constant 6 : i32
      %add3A_83 = arith.addi %mul3A_81, %add3A_82 : i32
      %dma_start3A_84 = arith.constant 0 : i32
      %dma_start3A_85 = tpu.memref_slice %arg6[%add3A_83, %dma_start3A_84] : memref<80x128xi32, #tpu.memory_space<vmem>> -> memref<1x128xi32, #tpu.memory_space<vmem>>
      %dma_start3A_86 = tpu.memref_squeeze %dma_start3A_85 : memref<1x128xi32, #tpu.memory_space<vmem>> -> memref<128xi32, #tpu.memory_space<vmem>>
      %dma_start3A_87 = arith.constant 0 : i32
      %dma_start3A_88 = arith.constant 0 : i32
      %dma_start3A_89 = tpu.memref_slice %arg8[%dma_start3A_87, %dma_start3A_88] : memref<5120x128xf32, #tpu.memory_space<vmem_shared>> -> memref<5120x128xf32, #tpu.memory_space<vmem_shared>>
      tpu.enqueue_indirect_dma source(%arg7 : memref<128x128xf32, #tpu.memory_space<vmem>>) target(%dma_start3A_89 : memref<5120x128xf32, #tpu.memory_space<vmem_shared>>) offsets(%dma_start3A_86 : memref<128xi32, #tpu.memory_space<vmem>>) semaphore(%arg9 : memref<!tpu.dma_semaphore, #tpu.memory_space<semaphore_mem>>) {add = true}
      %mul3A_90 = arith.constant 8 : i32
      %mul3A_91 = arith.muli %scan3A_20, %mul3A_90 : i32
      %add3A_92 = arith.constant 7 : i32
      %add3A_93 = arith.addi %mul3A_91, %add3A_92 : i32
      %dma_start3A_94 = arith.constant 0 : i32
      %dma_start3A_95 = tpu.memref_slice %arg6[%add3A_93, %dma_start3A_94] : memref<80x128xi32, #tpu.memory_space<vmem>> -> memref<1x128xi32, #tpu.memory_space<vmem>>
      %dma_start3A_96 = tpu.memref_squeeze %dma_start3A_95 : memref<1x128xi32, #tpu.memory_space<vmem>> -> memref<128xi32, #tpu.memory_space<vmem>>
      %dma_start3A_97 = arith.constant 0 : i32
      %dma_start3A_98 = arith.constant 0 : i32
      %dma_start3A_99 = tpu.memref_slice %arg8[%dma_start3A_97, %dma_start3A_98] : memref<5120x128xf32, #tpu.memory_space<vmem_shared>> -> memref<5120x128xf32, #tpu.memory_space<vmem_shared>>
      tpu.enqueue_indirect_dma source(%arg7 : memref<128x128xf32, #tpu.memory_space<vmem>>) target(%dma_start3A_99 : memref<5120x128xf32, #tpu.memory_space<vmem_shared>>) offsets(%dma_start3A_96 : memref<128xi32, #tpu.memory_space<vmem>>) semaphore(%arg9 : memref<!tpu.dma_semaphore, #tpu.memory_space<semaphore_mem>>) {add = true}
      %dma_wait3A = arith.constant 0 : i32
      %dma_wait3A_100 = tpu.memref_slice %arg6[%add3A_24, %dma_wait3A] : memref<80x128xi32, #tpu.memory_space<vmem>> -> memref<1x128xi32, #tpu.memory_space<vmem>>
      %dma_wait3A_101 = tpu.memref_squeeze %dma_wait3A_100 : memref<1x128xi32, #tpu.memory_space<vmem>> -> memref<128xi32, #tpu.memory_space<vmem>>
      %dma_wait3A_102 = arith.constant 0 : i32
      %dma_wait3A_103 = arith.constant 0 : i32
      %dma_wait3A_104 = tpu.memref_slice %arg8[%dma_wait3A_102, %dma_wait3A_103] : memref<5120x128xf32, #tpu.memory_space<vmem_shared>> -> memref<5120x128xf32, #tpu.memory_space<vmem_shared>>
      tpu.wait_indirect_dma semaphore(%arg9 : memref<!tpu.dma_semaphore, #tpu.memory_space<semaphore_mem>>) src(%arg7 : memref<128x128xf32, #tpu.memory_space<vmem>>) dst(%dma_wait3A_104 : memref<5120x128xf32, #tpu.memory_space<vmem_shared>>)
      %dma_wait3A_105 = arith.constant 0 : i32
      %dma_wait3A_106 = tpu.memref_slice %arg6[%add3A_33, %dma_wait3A_105] : memref<80x128xi32, #tpu.memory_space<vmem>> -> memref<1x128xi32, #tpu.memory_space<vmem>>
      %dma_wait3A_107 = tpu.memref_squeeze %dma_wait3A_106 : memref<1x128xi32, #tpu.memory_space<vmem>> -> memref<128xi32, #tpu.memory_space<vmem>>
      %dma_wait3A_108 = arith.constant 0 : i32
      %dma_wait3A_109 = arith.constant 0 : i32
      %dma_wait3A_110 = tpu.memref_slice %arg8[%dma_wait3A_108, %dma_wait3A_109] : memref<5120x128xf32, #tpu.memory_space<vmem_shared>> -> memref<5120x128xf32, #tpu.memory_space<vmem_shared>>
      tpu.wait_indirect_dma semaphore(%arg9 : memref<!tpu.dma_semaphore, #tpu.memory_space<semaphore_mem>>) src(%arg7 : memref<128x128xf32, #tpu.memory_space<vmem>>) dst(%dma_wait3A_110 : memref<5120x128xf32, #tpu.memory_space<vmem_shared>>)
      %dma_wait3A_111 = arith.constant 0 : i32
      %dma_wait3A_112 = tpu.memref_slice %arg6[%add3A_43, %dma_wait3A_111] : memref<80x128xi32, #tpu.memory_space<vmem>> -> memref<1x128xi32, #tpu.memory_space<vmem>>
      %dma_wait3A_113 = tpu.memref_squeeze %dma_wait3A_112 : memref<1x128xi32, #tpu.memory_space<vmem>> -> memref<128xi32, #tpu.memory_space<vmem>>
      %dma_wait3A_114 = arith.constant 0 : i32
      %dma_wait3A_115 = arith.constant 0 : i32
      %dma_wait3A_116 = tpu.memref_slice %arg8[%dma_wait3A_114, %dma_wait3A_115] : memref<5120x128xf32, #tpu.memory_space<vmem_shared>> -> memref<5120x128xf32, #tpu.memory_space<vmem_shared>>
      tpu.wait_indirect_dma semaphore(%arg9 : memref<!tpu.dma_semaphore, #tpu.memory_space<semaphore_mem>>) src(%arg7 : memref<128x128xf32, #tpu.memory_space<vmem>>) dst(%dma_wait3A_116 : memref<5120x128xf32, #tpu.memory_space<vmem_shared>>)
      %dma_wait3A_117 = arith.constant 0 : i32
      %dma_wait3A_118 = tpu.memref_slice %arg6[%add3A_53, %dma_wait3A_117] : memref<80x128xi32, #tpu.memory_space<vmem>> -> memref<1x128xi32, #tpu.memory_space<vmem>>
      %dma_wait3A_119 = tpu.memref_squeeze %dma_wait3A_118 : memref<1x128xi32, #tpu.memory_space<vmem>> -> memref<128xi32, #tpu.memory_space<vmem>>
      %dma_wait3A_120 = arith.constant 0 : i32
      %dma_wait3A_121 = arith.constant 0 : i32
      %dma_wait3A_122 = tpu.memref_slice %arg8[%dma_wait3A_120, %dma_wait3A_121] : memref<5120x128xf32, #tpu.memory_space<vmem_shared>> -> memref<5120x128xf32, #tpu.memory_space<vmem_shared>>
      tpu.wait_indirect_dma semaphore(%arg9 : memref<!tpu.dma_semaphore, #tpu.memory_space<semaphore_mem>>) src(%arg7 : memref<128x128xf32, #tpu.memory_space<vmem>>) dst(%dma_wait3A_122 : memref<5120x128xf32, #tpu.memory_space<vmem_shared>>)
      %dma_wait3A_123 = arith.constant 0 : i32
      %dma_wait3A_124 = tpu.memref_slice %arg6[%add3A_63, %dma_wait3A_123] : memref<80x128xi32, #tpu.memory_space<vmem>> -> memref<1x128xi32, #tpu.memory_space<vmem>>
      %dma_wait3A_125 = tpu.memref_squeeze %dma_wait3A_124 : memref<1x128xi32, #tpu.memory_space<vmem>> -> memref<128xi32, #tpu.memory_space<vmem>>
      %dma_wait3A_126 = arith.constant 0 : i32
      %dma_wait3A_127 = arith.constant 0 : i32
      %dma_wait3A_128 = tpu.memref_slice %arg8[%dma_wait3A_126, %dma_wait3A_127] : memref<5120x128xf32, #tpu.memory_space<vmem_shared>> -> memref<5120x128xf32, #tpu.memory_space<vmem_shared>>
      tpu.wait_indirect_dma semaphore(%arg9 : memref<!tpu.dma_semaphore, #tpu.memory_space<semaphore_mem>>) src(%arg7 : memref<128x128xf32, #tpu.memory_space<vmem>>) dst(%dma_wait3A_128 : memref<5120x128xf32, #tpu.memory_space<vmem_shared>>)
      %dma_wait3A_129 = arith.constant 0 : i32
      %dma_wait3A_130 = tpu.memref_slice %arg6[%add3A_73, %dma_wait3A_129] : memref<80x128xi32, #tpu.memory_space<vmem>> -> memref<1x128xi32, #tpu.memory_space<vmem>>
      %dma_wait3A_131 = tpu.memref_squeeze %dma_wait3A_130 : memref<1x128xi32, #tpu.memory_space<vmem>> -> memref<128xi32, #tpu.memory_space<vmem>>
      %dma_wait3A_132 = arith.constant 0 : i32
      %dma_wait3A_133 = arith.constant 0 : i32
      %dma_wait3A_134 = tpu.memref_slice %arg8[%dma_wait3A_132, %dma_wait3A_133] : memref<5120x128xf32, #tpu.memory_space<vmem_shared>> -> memref<5120x128xf32, #tpu.memory_space<vmem_shared>>
      tpu.wait_indirect_dma semaphore(%arg9 : memref<!tpu.dma_semaphore, #tpu.memory_space<semaphore_mem>>) src(%arg7 : memref<128x128xf32, #tpu.memory_space<vmem>>) dst(%dma_wait3A_134 : memref<5120x128xf32, #tpu.memory_space<vmem_shared>>)
      %dma_wait3A_135 = arith.constant 0 : i32
      %dma_wait3A_136 = tpu.memref_slice %arg6[%add3A_83, %dma_wait3A_135] : memref<80x128xi32, #tpu.memory_space<vmem>> -> memref<1x128xi32, #tpu.memory_space<vmem>>
      %dma_wait3A_137 = tpu.memref_squeeze %dma_wait3A_136 : memref<1x128xi32, #tpu.memory_space<vmem>> -> memref<128xi32, #tpu.memory_space<vmem>>
      %dma_wait3A_138 = arith.constant 0 : i32
      %dma_wait3A_139 = arith.constant 0 : i32
      %dma_wait3A_140 = tpu.memref_slice %arg8[%dma_wait3A_138, %dma_wait3A_139] : memref<5120x128xf32, #tpu.memory_space<vmem_shared>> -> memref<5120x128xf32, #tpu.memory_space<vmem_shared>>
      tpu.wait_indirect_dma semaphore(%arg9 : memref<!tpu.dma_semaphore, #tpu.memory_space<semaphore_mem>>) src(%arg7 : memref<128x128xf32, #tpu.memory_space<vmem>>) dst(%dma_wait3A_140 : memref<5120x128xf32, #tpu.memory_space<vmem_shared>>)
      %dma_wait3A_141 = arith.constant 0 : i32
      %dma_wait3A_142 = tpu.memref_slice %arg6[%add3A_93, %dma_wait3A_141] : memref<80x128xi32, #tpu.memory_space<vmem>> -> memref<1x128xi32, #tpu.memory_space<vmem>>
      %dma_wait3A_143 = tpu.memref_squeeze %dma_wait3A_142 : memref<1x128xi32, #tpu.memory_space<vmem>> -> memref<128xi32, #tpu.memory_space<vmem>>
      %dma_wait3A_144 = arith.constant 0 : i32
      %dma_wait3A_145 = arith.constant 0 : i32
      %dma_wait3A_146 = tpu.memref_slice %arg8[%dma_wait3A_144, %dma_wait3A_145] : memref<5120x128xf32, #tpu.memory_space<vmem_shared>> -> memref<5120x128xf32, #tpu.memory_space<vmem_shared>>
      tpu.wait_indirect_dma semaphore(%arg9 : memref<!tpu.dma_semaphore, #tpu.memory_space<semaphore_mem>>) src(%arg7 : memref<128x128xf32, #tpu.memory_space<vmem>>) dst(%dma_wait3A_146 : memref<5120x128xf32, #tpu.memory_space<vmem_shared>>)
    }
    %scan3A_11 = arith.constant 10 : i32
    %barrier3A_12 = arith.constant 0 : index
    tpu.barrier barrier_id(%barrier3A_12)
    %mul3A_13 = arith.constant 320 : i32
    %mul3A_14 = arith.muli %arg1, %mul3A_13 : i32
    %mul3A_15 = arith.constant 5120 : i32
    %mul3A_16 = arith.muli %arg0, %mul3A_15 : i32
    %mul3A_17 = arith.constant 320 : i32
    %mul3A_18 = arith.muli %arg1, %mul3A_17 : i32
    %add3A_19 = arith.addi %mul3A_16, %mul3A_18 : i32
    "tpu.region"() ({
      %run_scoped3A = tpu.sem_alloc : memref<!tpu.dma_semaphore, #tpu.memory_space<semaphore_mem>>
      %dma_start3A = arith.constant 0 : i32
      %dma_start3A_20 = tpu.memref_slice %arg5[%add3A_19, %dma_start3A] : memref<10240x128xf32, #tpu.memory_space<hbm>> -> memref<320x128xf32, #tpu.memory_space<hbm>>
      %dma_start3A_21 = arith.constant 0 : i32
      %dma_start3A_22 = tpu.memref_slice %arg8[%mul3A_14, %dma_start3A_21] : memref<5120x128xf32, #tpu.memory_space<vmem_shared>> -> memref<320x128xf32, #tpu.memory_space<vmem_shared>>
      tpu.enqueue_dma source(%dma_start3A_22 : memref<320x128xf32, #tpu.memory_space<vmem_shared>>) target(%dma_start3A_20 : memref<320x128xf32, #tpu.memory_space<hbm>>) target_semaphore(%run_scoped3A : memref<!tpu.dma_semaphore, #tpu.memory_space<semaphore_mem>>)
      %dma_wait3A = arith.constant 0 : i32
      %dma_wait3A_23 = tpu.memref_slice %arg5[%add3A_19, %dma_wait3A] : memref<10240x128xf32, #tpu.memory_space<hbm>> -> memref<320x128xf32, #tpu.memory_space<hbm>>
      %dma_wait3A_24 = arith.constant 0 : i32
      %dma_wait3A_25 = tpu.memref_slice %arg8[%mul3A_14, %dma_wait3A_24] : memref<5120x128xf32, #tpu.memory_space<vmem_shared>> -> memref<320x128xf32, #tpu.memory_space<vmem_shared>>
      tpu.wait_dma2 semaphore(%run_scoped3A : memref<!tpu.dma_semaphore, #tpu.memory_space<semaphore_mem>>) src(%dma_wait3A_25 : memref<320x128xf32, #tpu.memory_space<vmem_shared>>) dst(%dma_wait3A_23 : memref<320x128xf32, #tpu.memory_space<hbm>>)
      tpu.yield
    }) : () -> ()
    return
  }
}

#map = affine_map<(d0, d1) -> (0, 0)>
module attributes {stable_mosaic.version = 14 : i64} {
  func.func @sc_pass(%arg0: i32, %arg1: i32, %arg2: memref<10112x128xf32, #tpu.memory_space<hbm>>, %arg3: memref<2560x128xi32, #tpu.memory_space<hbm>>, %arg4: memref<2560x128xi32, #tpu.memory_space<hbm>>, %arg5: memref<5120x128xf32, #tpu.memory_space<hbm>>, %arg6: memref<10240x128xf32, #tpu.memory_space<hbm>>, %arg7: memref<40x128xi32, #tpu.memory_space<vmem>>, %arg8: memref<40x128xi32, #tpu.memory_space<vmem>>, %arg9: memref<128x128xf32, #tpu.memory_space<vmem>>, %arg10: memref<128x128xf32, #tpu.memory_space<vmem>>, %arg11: memref<5120x128xf32, #tpu.memory_space<vmem_shared>>, %arg12: memref<!tpu.dma_semaphore, #tpu.memory_space<semaphore_mem>>, %arg13: memref<!tpu.dma_semaphore, #tpu.memory_space<semaphore_mem>>) attributes {dimension_semantics = [#tpu.dimension_semantics<core_parallel>, #tpu.dimension_semantics<subcore_parallel>], iteration_bounds = array<i64: 2, 16>, scalar_prefetch = 0 : i64, scratch_operands = 7 : i64, tpu.core_type = #tpu.core_type<sc_vector_subcore>, window_params = [{transform_indices = #map}, {transform_indices = #map}, {transform_indices = #map}, {transform_indices = #map}, {transform_indices = #map}]} {
    %mul3A = arith.constant 2 : i32
    %mul3A_0 = arith.muli %arg1, %mul3A : i32
    %add3A = arith.addi %mul3A_0, %arg0 : i32
    %mul3A_1 = arith.constant 320 : i32
    %mul3A_2 = arith.muli %arg1, %mul3A_1 : i32
    %mul3A_3 = arith.constant 320 : i32
    %mul3A_4 = arith.muli %arg1, %mul3A_3 : i32
    "tpu.region"() ({
      %run_scoped3A = tpu.sem_alloc : memref<!tpu.dma_semaphore, #tpu.memory_space<semaphore_mem>>
      %dma_start3A_45 = arith.constant 0 : i32
      %dma_start3A_46 = tpu.memref_slice %arg11[%mul3A_4, %dma_start3A_45] : memref<5120x128xf32, #tpu.memory_space<vmem_shared>> -> memref<320x128xf32, #tpu.memory_space<vmem_shared>>
      %dma_start3A_47 = arith.constant 0 : i32
      %dma_start3A_48 = tpu.memref_slice %arg5[%mul3A_2, %dma_start3A_47] : memref<5120x128xf32, #tpu.memory_space<hbm>> -> memref<320x128xf32, #tpu.memory_space<hbm>>
      tpu.enqueue_dma source(%dma_start3A_48 : memref<320x128xf32, #tpu.memory_space<hbm>>) target(%dma_start3A_46 : memref<320x128xf32, #tpu.memory_space<vmem_shared>>) target_semaphore(%run_scoped3A : memref<!tpu.dma_semaphore, #tpu.memory_space<semaphore_mem>>)
      %dma_wait3A = arith.constant 0 : i32
      %dma_wait3A_49 = tpu.memref_slice %arg11[%mul3A_4, %dma_wait3A] : memref<5120x128xf32, #tpu.memory_space<vmem_shared>> -> memref<320x128xf32, #tpu.memory_space<vmem_shared>>
      %dma_wait3A_50 = arith.constant 0 : i32
      %dma_wait3A_51 = tpu.memref_slice %arg5[%mul3A_2, %dma_wait3A_50] : memref<5120x128xf32, #tpu.memory_space<hbm>> -> memref<320x128xf32, #tpu.memory_space<hbm>>
      tpu.wait_dma2 semaphore(%run_scoped3A : memref<!tpu.dma_semaphore, #tpu.memory_space<semaphore_mem>>) src(%dma_wait3A_51 : memref<320x128xf32, #tpu.memory_space<hbm>>) dst(%dma_wait3A_49 : memref<320x128xf32, #tpu.memory_space<vmem_shared>>)
      tpu.yield
    }) : () -> ()
    %barrier3A = arith.constant 0 : index
    tpu.barrier barrier_id(%barrier3A)
    %mul3A_5 = arith.constant 80 : i32
    %mul3A_6 = arith.muli %add3A, %mul3A_5 : i32
    %add3A_7 = arith.constant 0 : i32
    %add3A_8 = arith.addi %mul3A_6, %add3A_7 : i32
    "tpu.region"() ({
      %run_scoped3A = tpu.sem_alloc : memref<!tpu.dma_semaphore, #tpu.memory_space<semaphore_mem>>
      %dma_start3A_45 = arith.constant 0 : i32
      %dma_start3A_46 = tpu.memref_slice %arg3[%add3A_8, %dma_start3A_45] : memref<2560x128xi32, #tpu.memory_space<hbm>> -> memref<40x128xi32, #tpu.memory_space<hbm>>
      %dma_start3A_47 = arith.constant 0 : i32
      %dma_start3A_48 = tpu.memref_slice %arg3[%add3A_8, %dma_start3A_47] : memref<2560x128xi32, #tpu.memory_space<hbm>> -> memref<40x128xi32, #tpu.memory_space<hbm>>
      tpu.enqueue_dma source(%dma_start3A_48 : memref<40x128xi32, #tpu.memory_space<hbm>>) target(%arg7 : memref<40x128xi32, #tpu.memory_space<vmem>>) target_semaphore(%run_scoped3A : memref<!tpu.dma_semaphore, #tpu.memory_space<semaphore_mem>>)
      %dma_wait3A = arith.constant 0 : i32
      %dma_wait3A_49 = tpu.memref_slice %arg3[%add3A_8, %dma_wait3A] : memref<2560x128xi32, #tpu.memory_space<hbm>> -> memref<40x128xi32, #tpu.memory_space<hbm>>
      %dma_wait3A_50 = arith.constant 0 : i32
      %dma_wait3A_51 = tpu.memref_slice %arg3[%add3A_8, %dma_wait3A_50] : memref<2560x128xi32, #tpu.memory_space<hbm>> -> memref<40x128xi32, #tpu.memory_space<hbm>>
      tpu.wait_dma2 semaphore(%run_scoped3A : memref<!tpu.dma_semaphore, #tpu.memory_space<semaphore_mem>>) src(%dma_wait3A_51 : memref<40x128xi32, #tpu.memory_space<hbm>>) dst(%arg7 : memref<40x128xi32, #tpu.memory_space<vmem>>)
      tpu.yield
    }) : () -> ()
    "tpu.region"() ({
      %run_scoped3A = tpu.sem_alloc : memref<!tpu.dma_semaphore, #tpu.memory_space<semaphore_mem>>
      %dma_start3A_45 = arith.constant 0 : i32
      %dma_start3A_46 = tpu.memref_slice %arg4[%add3A_8, %dma_start3A_45] : memref<2560x128xi32, #tpu.memory_space<hbm>> -> memref<40x128xi32, #tpu.memory_space<hbm>>
      %dma_start3A_47 = arith.constant 0 : i32
      %dma_start3A_48 = tpu.memref_slice %arg4[%add3A_8, %dma_start3A_47] : memref<2560x128xi32, #tpu.memory_space<hbm>> -> memref<40x128xi32, #tpu.memory_space<hbm>>
      tpu.enqueue_dma source(%dma_start3A_48 : memref<40x128xi32, #tpu.memory_space<hbm>>) target(%arg8 : memref<40x128xi32, #tpu.memory_space<vmem>>) target_semaphore(%run_scoped3A : memref<!tpu.dma_semaphore, #tpu.memory_space<semaphore_mem>>)
      %dma_wait3A = arith.constant 0 : i32
      %dma_wait3A_49 = tpu.memref_slice %arg4[%add3A_8, %dma_wait3A] : memref<2560x128xi32, #tpu.memory_space<hbm>> -> memref<40x128xi32, #tpu.memory_space<hbm>>
      %dma_wait3A_50 = arith.constant 0 : i32
      %dma_wait3A_51 = tpu.memref_slice %arg4[%add3A_8, %dma_wait3A_50] : memref<2560x128xi32, #tpu.memory_space<hbm>> -> memref<40x128xi32, #tpu.memory_space<hbm>>
      tpu.wait_dma2 semaphore(%run_scoped3A : memref<!tpu.dma_semaphore, #tpu.memory_space<semaphore_mem>>) src(%dma_wait3A_51 : memref<40x128xi32, #tpu.memory_space<hbm>>) dst(%arg8 : memref<40x128xi32, #tpu.memory_space<vmem>>)
      tpu.yield
    }) : () -> ()
    %dma_start3A = arith.constant 0 : i32
    %dma_start3A_9 = arith.constant 0 : i32
    %dma_start3A_10 = tpu.memref_slice %arg7[%dma_start3A, %dma_start3A_9] : memref<40x128xi32, #tpu.memory_space<vmem>> -> memref<1x128xi32, #tpu.memory_space<vmem>>
    %dma_start3A_11 = tpu.memref_squeeze %dma_start3A_10 : memref<1x128xi32, #tpu.memory_space<vmem>> -> memref<128xi32, #tpu.memory_space<vmem>>
    %dma_start3A_12 = arith.constant 0 : i32
    %dma_start3A_13 = arith.constant 0 : i32
    %dma_start3A_14 = tpu.memref_slice %arg2[%dma_start3A_12, %dma_start3A_13] : memref<10112x128xf32, #tpu.memory_space<hbm>> -> memref<10112x128xf32, #tpu.memory_space<hbm>>
    tpu.enqueue_indirect_dma source(%dma_start3A_14 : memref<10112x128xf32, #tpu.memory_space<hbm>>) target(%arg9 : memref<128x128xf32, #tpu.memory_space<vmem>>) offsets(%dma_start3A_11 : memref<128xi32, #tpu.memory_space<vmem>>) semaphore(%arg12 : memref<!tpu.dma_semaphore, #tpu.memory_space<semaphore_mem>>)
    %scan3A = arith.constant 0 : i32
    %scan3A_15 = arith.constant 0 : i32
    %scan3A_16 = arith.constant 20 : i32
    %scan3A_17 = arith.addi %scan3A_15, %scan3A_16 : i32
    %scan3A_18 = arith.constant 1 : i32
    scf.for %scan3A_45 = %scan3A_15 to %scan3A_17 step %scan3A_18  : i32 {
      %mul3A_46 = arith.constant 2 : i32
      %mul3A_47 = arith.muli %mul3A_46, %scan3A_45 : i32
      %add3A_48 = arith.constant 1 : i32
      %add3A_49 = arith.addi %mul3A_47, %add3A_48 : i32
      %dma_start3A_50 = arith.constant 0 : i32
      %dma_start3A_51 = tpu.memref_slice %arg7[%add3A_49, %dma_start3A_50] : memref<40x128xi32, #tpu.memory_space<vmem>> -> memref<1x128xi32, #tpu.memory_space<vmem>>
      %dma_start3A_52 = tpu.memref_squeeze %dma_start3A_51 : memref<1x128xi32, #tpu.memory_space<vmem>> -> memref<128xi32, #tpu.memory_space<vmem>>
      %dma_start3A_53 = arith.constant 0 : i32
      %dma_start3A_54 = arith.constant 0 : i32
      %dma_start3A_55 = tpu.memref_slice %arg2[%dma_start3A_53, %dma_start3A_54] : memref<10112x128xf32, #tpu.memory_space<hbm>> -> memref<10112x128xf32, #tpu.memory_space<hbm>>
      tpu.enqueue_indirect_dma source(%dma_start3A_55 : memref<10112x128xf32, #tpu.memory_space<hbm>>) target(%arg10 : memref<128x128xf32, #tpu.memory_space<vmem>>) offsets(%dma_start3A_52 : memref<128xi32, #tpu.memory_space<vmem>>) semaphore(%arg13 : memref<!tpu.dma_semaphore, #tpu.memory_space<semaphore_mem>>)
      %dma_wait3A = arith.constant 0 : i32
      %dma_wait3A_56 = tpu.memref_slice %arg7[%mul3A_47, %dma_wait3A] : memref<40x128xi32, #tpu.memory_space<vmem>> -> memref<1x128xi32, #tpu.memory_space<vmem>>
      %dma_wait3A_57 = tpu.memref_squeeze %dma_wait3A_56 : memref<1x128xi32, #tpu.memory_space<vmem>> -> memref<128xi32, #tpu.memory_space<vmem>>
      %dma_wait3A_58 = arith.constant 0 : i32
      %dma_wait3A_59 = arith.constant 0 : i32
      %dma_wait3A_60 = tpu.memref_slice %arg2[%dma_wait3A_58, %dma_wait3A_59] : memref<10112x128xf32, #tpu.memory_space<hbm>> -> memref<10112x128xf32, #tpu.memory_space<hbm>>
      tpu.wait_indirect_dma semaphore(%arg12 : memref<!tpu.dma_semaphore, #tpu.memory_space<semaphore_mem>>) src(%dma_wait3A_60 : memref<10112x128xf32, #tpu.memory_space<hbm>>) dst(%arg9 : memref<128x128xf32, #tpu.memory_space<vmem>>)
      "tpu.region"() ({
        %run_scoped3A = tpu.sem_alloc : memref<!tpu.dma_semaphore, #tpu.memory_space<semaphore_mem>>
        %dma_start3A_75 = arith.constant 0 : i32
        %dma_start3A_76 = tpu.memref_slice %arg8[%mul3A_47, %dma_start3A_75] : memref<40x128xi32, #tpu.memory_space<vmem>> -> memref<1x128xi32, #tpu.memory_space<vmem>>
        %dma_start3A_77 = tpu.memref_squeeze %dma_start3A_76 : memref<1x128xi32, #tpu.memory_space<vmem>> -> memref<128xi32, #tpu.memory_space<vmem>>
        %dma_start3A_78 = arith.constant 0 : i32
        %dma_start3A_79 = arith.constant 0 : i32
        %dma_start3A_80 = tpu.memref_slice %arg11[%dma_start3A_78, %dma_start3A_79] : memref<5120x128xf32, #tpu.memory_space<vmem_shared>> -> memref<5120x128xf32, #tpu.memory_space<vmem_shared>>
        tpu.enqueue_indirect_dma source(%arg9 : memref<128x128xf32, #tpu.memory_space<vmem>>) target(%dma_start3A_80 : memref<5120x128xf32, #tpu.memory_space<vmem_shared>>) offsets(%dma_start3A_77 : memref<128xi32, #tpu.memory_space<vmem>>) semaphore(%run_scoped3A : memref<!tpu.dma_semaphore, #tpu.memory_space<semaphore_mem>>) {add = true}
        %dma_wait3A_81 = arith.constant 0 : i32
        %dma_wait3A_82 = tpu.memref_slice %arg8[%mul3A_47, %dma_wait3A_81] : memref<40x128xi32, #tpu.memory_space<vmem>> -> memref<1x128xi32, #tpu.memory_space<vmem>>
        %dma_wait3A_83 = tpu.memref_squeeze %dma_wait3A_82 : memref<1x128xi32, #tpu.memory_space<vmem>> -> memref<128xi32, #tpu.memory_space<vmem>>
        %dma_wait3A_84 = arith.constant 0 : i32
        %dma_wait3A_85 = arith.constant 0 : i32
        %dma_wait3A_86 = tpu.memref_slice %arg11[%dma_wait3A_84, %dma_wait3A_85] : memref<5120x128xf32, #tpu.memory_space<vmem_shared>> -> memref<5120x128xf32, #tpu.memory_space<vmem_shared>>
        tpu.wait_indirect_dma semaphore(%run_scoped3A : memref<!tpu.dma_semaphore, #tpu.memory_space<semaphore_mem>>) src(%arg9 : memref<128x128xf32, #tpu.memory_space<vmem>>) dst(%dma_wait3A_86 : memref<5120x128xf32, #tpu.memory_space<vmem_shared>>)
        tpu.yield
      }) : () -> ()
      %add3A_61 = arith.constant 2 : i32
      %add3A_62 = arith.addi %mul3A_47, %add3A_61 : i32
      %lt3A = arith.constant 40 : i32
      %lt3A_63 = arith.cmpi slt, %add3A_62, %lt3A : i32
      %convert_element_type3A = arith.extui %lt3A_63 : i1 to i32
      %cond3A = arith.constant 0 : i32
      %cond3A_64 = arith.cmpi ne, %convert_element_type3A, %cond3A : i32
      scf.if %cond3A_64 {
        %add3A_75 = arith.constant 2 : i32
        %add3A_76 = arith.addi %mul3A_47, %add3A_75 : i32
        %dma_start3A_77 = arith.constant 0 : i32
        %dma_start3A_78 = tpu.memref_slice %arg7[%add3A_76, %dma_start3A_77] : memref<40x128xi32, #tpu.memory_space<vmem>> -> memref<1x128xi32, #tpu.memory_space<vmem>>
        %dma_start3A_79 = tpu.memref_squeeze %dma_start3A_78 : memref<1x128xi32, #tpu.memory_space<vmem>> -> memref<128xi32, #tpu.memory_space<vmem>>
        %dma_start3A_80 = arith.constant 0 : i32
        %dma_start3A_81 = arith.constant 0 : i32
        %dma_start3A_82 = tpu.memref_slice %arg2[%dma_start3A_80, %dma_start3A_81] : memref<10112x128xf32, #tpu.memory_space<hbm>> -> memref<10112x128xf32, #tpu.memory_space<hbm>>
        tpu.enqueue_indirect_dma source(%dma_start3A_82 : memref<10112x128xf32, #tpu.memory_space<hbm>>) target(%arg9 : memref<128x128xf32, #tpu.memory_space<vmem>>) offsets(%dma_start3A_79 : memref<128xi32, #tpu.memory_space<vmem>>) semaphore(%arg12 : memref<!tpu.dma_semaphore, #tpu.memory_space<semaphore_mem>>)
      } else {
      }
      %add3A_65 = arith.constant 1 : i32
      %add3A_66 = arith.addi %mul3A_47, %add3A_65 : i32
      %dma_wait3A_67 = arith.constant 0 : i32
      %dma_wait3A_68 = tpu.memref_slice %arg7[%add3A_66, %dma_wait3A_67] : memref<40x128xi32, #tpu.memory_space<vmem>> -> memref<1x128xi32, #tpu.memory_space<vmem>>
      %dma_wait3A_69 = tpu.memref_squeeze %dma_wait3A_68 : memref<1x128xi32, #tpu.memory_space<vmem>> -> memref<128xi32, #tpu.memory_space<vmem>>
      %dma_wait3A_70 = arith.constant 0 : i32
      %dma_wait3A_71 = arith.constant 0 : i32
      %dma_wait3A_72 = tpu.memref_slice %arg2[%dma_wait3A_70, %dma_wait3A_71] : memref<10112x128xf32, #tpu.memory_space<hbm>> -> memref<10112x128xf32, #tpu.memory_space<hbm>>
      tpu.wait_indirect_dma semaphore(%arg13 : memref<!tpu.dma_semaphore, #tpu.memory_space<semaphore_mem>>) src(%dma_wait3A_72 : memref<10112x128xf32, #tpu.memory_space<hbm>>) dst(%arg10 : memref<128x128xf32, #tpu.memory_space<vmem>>)
      %add3A_73 = arith.constant 1 : i32
      %add3A_74 = arith.addi %mul3A_47, %add3A_73 : i32
      "tpu.region"() ({
        %run_scoped3A = tpu.sem_alloc : memref<!tpu.dma_semaphore, #tpu.memory_space<semaphore_mem>>
        %dma_start3A_75 = arith.constant 0 : i32
        %dma_start3A_76 = tpu.memref_slice %arg8[%add3A_74, %dma_start3A_75] : memref<40x128xi32, #tpu.memory_space<vmem>> -> memref<1x128xi32, #tpu.memory_space<vmem>>
        %dma_start3A_77 = tpu.memref_squeeze %dma_start3A_76 : memref<1x128xi32, #tpu.memory_space<vmem>> -> memref<128xi32, #tpu.memory_space<vmem>>
        %dma_start3A_78 = arith.constant 0 : i32
        %dma_start3A_79 = arith.constant 0 : i32
        %dma_start3A_80 = tpu.memref_slice %arg11[%dma_start3A_78, %dma_start3A_79] : memref<5120x128xf32, #tpu.memory_space<vmem_shared>> -> memref<5120x128xf32, #tpu.memory_space<vmem_shared>>
        tpu.enqueue_indirect_dma source(%arg10 : memref<128x128xf32, #tpu.memory_space<vmem>>) target(%dma_start3A_80 : memref<5120x128xf32, #tpu.memory_space<vmem_shared>>) offsets(%dma_start3A_77 : memref<128xi32, #tpu.memory_space<vmem>>) semaphore(%run_scoped3A : memref<!tpu.dma_semaphore, #tpu.memory_space<semaphore_mem>>) {add = true}
        %dma_wait3A_81 = arith.constant 0 : i32
        %dma_wait3A_82 = tpu.memref_slice %arg8[%add3A_74, %dma_wait3A_81] : memref<40x128xi32, #tpu.memory_space<vmem>> -> memref<1x128xi32, #tpu.memory_space<vmem>>
        %dma_wait3A_83 = tpu.memref_squeeze %dma_wait3A_82 : memref<1x128xi32, #tpu.memory_space<vmem>> -> memref<128xi32, #tpu.memory_space<vmem>>
        %dma_wait3A_84 = arith.constant 0 : i32
        %dma_wait3A_85 = arith.constant 0 : i32
        %dma_wait3A_86 = tpu.memref_slice %arg11[%dma_wait3A_84, %dma_wait3A_85] : memref<5120x128xf32, #tpu.memory_space<vmem_shared>> -> memref<5120x128xf32, #tpu.memory_space<vmem_shared>>
        tpu.wait_indirect_dma semaphore(%run_scoped3A : memref<!tpu.dma_semaphore, #tpu.memory_space<semaphore_mem>>) src(%arg10 : memref<128x128xf32, #tpu.memory_space<vmem>>) dst(%dma_wait3A_86 : memref<5120x128xf32, #tpu.memory_space<vmem_shared>>)
        tpu.yield
      }) : () -> ()
    }
    %scan3A_19 = arith.constant 20 : i32
    %mul3A_20 = arith.constant 80 : i32
    %mul3A_21 = arith.muli %add3A, %mul3A_20 : i32
    %add3A_22 = arith.constant 40 : i32
    %add3A_23 = arith.addi %mul3A_21, %add3A_22 : i32
    "tpu.region"() ({
      %run_scoped3A = tpu.sem_alloc : memref<!tpu.dma_semaphore, #tpu.memory_space<semaphore_mem>>
      %dma_start3A_45 = arith.constant 0 : i32
      %dma_start3A_46 = tpu.memref_slice %arg3[%add3A_23, %dma_start3A_45] : memref<2560x128xi32, #tpu.memory_space<hbm>> -> memref<40x128xi32, #tpu.memory_space<hbm>>
      %dma_start3A_47 = arith.constant 0 : i32
      %dma_start3A_48 = tpu.memref_slice %arg3[%add3A_23, %dma_start3A_47] : memref<2560x128xi32, #tpu.memory_space<hbm>> -> memref<40x128xi32, #tpu.memory_space<hbm>>
      tpu.enqueue_dma source(%dma_start3A_48 : memref<40x128xi32, #tpu.memory_space<hbm>>) target(%arg7 : memref<40x128xi32, #tpu.memory_space<vmem>>) target_semaphore(%run_scoped3A : memref<!tpu.dma_semaphore, #tpu.memory_space<semaphore_mem>>)
      %dma_wait3A = arith.constant 0 : i32
      %dma_wait3A_49 = tpu.memref_slice %arg3[%add3A_23, %dma_wait3A] : memref<2560x128xi32, #tpu.memory_space<hbm>> -> memref<40x128xi32, #tpu.memory_space<hbm>>
      %dma_wait3A_50 = arith.constant 0 : i32
      %dma_wait3A_51 = tpu.memref_slice %arg3[%add3A_23, %dma_wait3A_50] : memref<2560x128xi32, #tpu.memory_space<hbm>> -> memref<40x128xi32, #tpu.memory_space<hbm>>
      tpu.wait_dma2 semaphore(%run_scoped3A : memref<!tpu.dma_semaphore, #tpu.memory_space<semaphore_mem>>) src(%dma_wait3A_51 : memref<40x128xi32, #tpu.memory_space<hbm>>) dst(%arg7 : memref<40x128xi32, #tpu.memory_space<vmem>>)
      tpu.yield
    }) : () -> ()
    "tpu.region"() ({
      %run_scoped3A = tpu.sem_alloc : memref<!tpu.dma_semaphore, #tpu.memory_space<semaphore_mem>>
      %dma_start3A_45 = arith.constant 0 : i32
      %dma_start3A_46 = tpu.memref_slice %arg4[%add3A_23, %dma_start3A_45] : memref<2560x128xi32, #tpu.memory_space<hbm>> -> memref<40x128xi32, #tpu.memory_space<hbm>>
      %dma_start3A_47 = arith.constant 0 : i32
      %dma_start3A_48 = tpu.memref_slice %arg4[%add3A_23, %dma_start3A_47] : memref<2560x128xi32, #tpu.memory_space<hbm>> -> memref<40x128xi32, #tpu.memory_space<hbm>>
      tpu.enqueue_dma source(%dma_start3A_48 : memref<40x128xi32, #tpu.memory_space<hbm>>) target(%arg8 : memref<40x128xi32, #tpu.memory_space<vmem>>) target_semaphore(%run_scoped3A : memref<!tpu.dma_semaphore, #tpu.memory_space<semaphore_mem>>)
      %dma_wait3A = arith.constant 0 : i32
      %dma_wait3A_49 = tpu.memref_slice %arg4[%add3A_23, %dma_wait3A] : memref<2560x128xi32, #tpu.memory_space<hbm>> -> memref<40x128xi32, #tpu.memory_space<hbm>>
      %dma_wait3A_50 = arith.constant 0 : i32
      %dma_wait3A_51 = tpu.memref_slice %arg4[%add3A_23, %dma_wait3A_50] : memref<2560x128xi32, #tpu.memory_space<hbm>> -> memref<40x128xi32, #tpu.memory_space<hbm>>
      tpu.wait_dma2 semaphore(%run_scoped3A : memref<!tpu.dma_semaphore, #tpu.memory_space<semaphore_mem>>) src(%dma_wait3A_51 : memref<40x128xi32, #tpu.memory_space<hbm>>) dst(%arg8 : memref<40x128xi32, #tpu.memory_space<vmem>>)
      tpu.yield
    }) : () -> ()
    %dma_start3A_24 = arith.constant 0 : i32
    %dma_start3A_25 = arith.constant 0 : i32
    %dma_start3A_26 = tpu.memref_slice %arg7[%dma_start3A_24, %dma_start3A_25] : memref<40x128xi32, #tpu.memory_space<vmem>> -> memref<1x128xi32, #tpu.memory_space<vmem>>
    %dma_start3A_27 = tpu.memref_squeeze %dma_start3A_26 : memref<1x128xi32, #tpu.memory_space<vmem>> -> memref<128xi32, #tpu.memory_space<vmem>>
    %dma_start3A_28 = arith.constant 0 : i32
    %dma_start3A_29 = arith.constant 0 : i32
    %dma_start3A_30 = tpu.memref_slice %arg2[%dma_start3A_28, %dma_start3A_29] : memref<10112x128xf32, #tpu.memory_space<hbm>> -> memref<10112x128xf32, #tpu.memory_space<hbm>>
    tpu.enqueue_indirect_dma source(%dma_start3A_30 : memref<10112x128xf32, #tpu.memory_space<hbm>>) target(%arg9 : memref<128x128xf32, #tpu.memory_space<vmem>>) offsets(%dma_start3A_27 : memref<128xi32, #tpu.memory_space<vmem>>) semaphore(%arg12 : memref<!tpu.dma_semaphore, #tpu.memory_space<semaphore_mem>>)
    %scan3A_31 = arith.constant 0 : i32
    %scan3A_32 = arith.constant 0 : i32
    %scan3A_33 = arith.constant 20 : i32
    %scan3A_34 = arith.addi %scan3A_32, %scan3A_33 : i32
    %scan3A_35 = arith.constant 1 : i32
    scf.for %scan3A_45 = %scan3A_32 to %scan3A_34 step %scan3A_35  : i32 {
      %mul3A_46 = arith.constant 2 : i32
      %mul3A_47 = arith.muli %mul3A_46, %scan3A_45 : i32
      %add3A_48 = arith.constant 1 : i32
      %add3A_49 = arith.addi %mul3A_47, %add3A_48 : i32
      %dma_start3A_50 = arith.constant 0 : i32
      %dma_start3A_51 = tpu.memref_slice %arg7[%add3A_49, %dma_start3A_50] : memref<40x128xi32, #tpu.memory_space<vmem>> -> memref<1x128xi32, #tpu.memory_space<vmem>>
      %dma_start3A_52 = tpu.memref_squeeze %dma_start3A_51 : memref<1x128xi32, #tpu.memory_space<vmem>> -> memref<128xi32, #tpu.memory_space<vmem>>
      %dma_start3A_53 = arith.constant 0 : i32
      %dma_start3A_54 = arith.constant 0 : i32
      %dma_start3A_55 = tpu.memref_slice %arg2[%dma_start3A_53, %dma_start3A_54] : memref<10112x128xf32, #tpu.memory_space<hbm>> -> memref<10112x128xf32, #tpu.memory_space<hbm>>
      tpu.enqueue_indirect_dma source(%dma_start3A_55 : memref<10112x128xf32, #tpu.memory_space<hbm>>) target(%arg10 : memref<128x128xf32, #tpu.memory_space<vmem>>) offsets(%dma_start3A_52 : memref<128xi32, #tpu.memory_space<vmem>>) semaphore(%arg13 : memref<!tpu.dma_semaphore, #tpu.memory_space<semaphore_mem>>)
      %dma_wait3A = arith.constant 0 : i32
      %dma_wait3A_56 = tpu.memref_slice %arg7[%mul3A_47, %dma_wait3A] : memref<40x128xi32, #tpu.memory_space<vmem>> -> memref<1x128xi32, #tpu.memory_space<vmem>>
      %dma_wait3A_57 = tpu.memref_squeeze %dma_wait3A_56 : memref<1x128xi32, #tpu.memory_space<vmem>> -> memref<128xi32, #tpu.memory_space<vmem>>
      %dma_wait3A_58 = arith.constant 0 : i32
      %dma_wait3A_59 = arith.constant 0 : i32
      %dma_wait3A_60 = tpu.memref_slice %arg2[%dma_wait3A_58, %dma_wait3A_59] : memref<10112x128xf32, #tpu.memory_space<hbm>> -> memref<10112x128xf32, #tpu.memory_space<hbm>>
      tpu.wait_indirect_dma semaphore(%arg12 : memref<!tpu.dma_semaphore, #tpu.memory_space<semaphore_mem>>) src(%dma_wait3A_60 : memref<10112x128xf32, #tpu.memory_space<hbm>>) dst(%arg9 : memref<128x128xf32, #tpu.memory_space<vmem>>)
      "tpu.region"() ({
        %run_scoped3A = tpu.sem_alloc : memref<!tpu.dma_semaphore, #tpu.memory_space<semaphore_mem>>
        %dma_start3A_75 = arith.constant 0 : i32
        %dma_start3A_76 = tpu.memref_slice %arg8[%mul3A_47, %dma_start3A_75] : memref<40x128xi32, #tpu.memory_space<vmem>> -> memref<1x128xi32, #tpu.memory_space<vmem>>
        %dma_start3A_77 = tpu.memref_squeeze %dma_start3A_76 : memref<1x128xi32, #tpu.memory_space<vmem>> -> memref<128xi32, #tpu.memory_space<vmem>>
        %dma_start3A_78 = arith.constant 0 : i32
        %dma_start3A_79 = arith.constant 0 : i32
        %dma_start3A_80 = tpu.memref_slice %arg11[%dma_start3A_78, %dma_start3A_79] : memref<5120x128xf32, #tpu.memory_space<vmem_shared>> -> memref<5120x128xf32, #tpu.memory_space<vmem_shared>>
        tpu.enqueue_indirect_dma source(%arg9 : memref<128x128xf32, #tpu.memory_space<vmem>>) target(%dma_start3A_80 : memref<5120x128xf32, #tpu.memory_space<vmem_shared>>) offsets(%dma_start3A_77 : memref<128xi32, #tpu.memory_space<vmem>>) semaphore(%run_scoped3A : memref<!tpu.dma_semaphore, #tpu.memory_space<semaphore_mem>>) {add = true}
        %dma_wait3A_81 = arith.constant 0 : i32
        %dma_wait3A_82 = tpu.memref_slice %arg8[%mul3A_47, %dma_wait3A_81] : memref<40x128xi32, #tpu.memory_space<vmem>> -> memref<1x128xi32, #tpu.memory_space<vmem>>
        %dma_wait3A_83 = tpu.memref_squeeze %dma_wait3A_82 : memref<1x128xi32, #tpu.memory_space<vmem>> -> memref<128xi32, #tpu.memory_space<vmem>>
        %dma_wait3A_84 = arith.constant 0 : i32
        %dma_wait3A_85 = arith.constant 0 : i32
        %dma_wait3A_86 = tpu.memref_slice %arg11[%dma_wait3A_84, %dma_wait3A_85] : memref<5120x128xf32, #tpu.memory_space<vmem_shared>> -> memref<5120x128xf32, #tpu.memory_space<vmem_shared>>
        tpu.wait_indirect_dma semaphore(%run_scoped3A : memref<!tpu.dma_semaphore, #tpu.memory_space<semaphore_mem>>) src(%arg9 : memref<128x128xf32, #tpu.memory_space<vmem>>) dst(%dma_wait3A_86 : memref<5120x128xf32, #tpu.memory_space<vmem_shared>>)
        tpu.yield
      }) : () -> ()
      %add3A_61 = arith.constant 2 : i32
      %add3A_62 = arith.addi %mul3A_47, %add3A_61 : i32
      %lt3A = arith.constant 40 : i32
      %lt3A_63 = arith.cmpi slt, %add3A_62, %lt3A : i32
      %convert_element_type3A = arith.extui %lt3A_63 : i1 to i32
      %cond3A = arith.constant 0 : i32
      %cond3A_64 = arith.cmpi ne, %convert_element_type3A, %cond3A : i32
      scf.if %cond3A_64 {
        %add3A_75 = arith.constant 2 : i32
        %add3A_76 = arith.addi %mul3A_47, %add3A_75 : i32
        %dma_start3A_77 = arith.constant 0 : i32
        %dma_start3A_78 = tpu.memref_slice %arg7[%add3A_76, %dma_start3A_77] : memref<40x128xi32, #tpu.memory_space<vmem>> -> memref<1x128xi32, #tpu.memory_space<vmem>>
        %dma_start3A_79 = tpu.memref_squeeze %dma_start3A_78 : memref<1x128xi32, #tpu.memory_space<vmem>> -> memref<128xi32, #tpu.memory_space<vmem>>
        %dma_start3A_80 = arith.constant 0 : i32
        %dma_start3A_81 = arith.constant 0 : i32
        %dma_start3A_82 = tpu.memref_slice %arg2[%dma_start3A_80, %dma_start3A_81] : memref<10112x128xf32, #tpu.memory_space<hbm>> -> memref<10112x128xf32, #tpu.memory_space<hbm>>
        tpu.enqueue_indirect_dma source(%dma_start3A_82 : memref<10112x128xf32, #tpu.memory_space<hbm>>) target(%arg9 : memref<128x128xf32, #tpu.memory_space<vmem>>) offsets(%dma_start3A_79 : memref<128xi32, #tpu.memory_space<vmem>>) semaphore(%arg12 : memref<!tpu.dma_semaphore, #tpu.memory_space<semaphore_mem>>)
      } else {
      }
      %add3A_65 = arith.constant 1 : i32
      %add3A_66 = arith.addi %mul3A_47, %add3A_65 : i32
      %dma_wait3A_67 = arith.constant 0 : i32
      %dma_wait3A_68 = tpu.memref_slice %arg7[%add3A_66, %dma_wait3A_67] : memref<40x128xi32, #tpu.memory_space<vmem>> -> memref<1x128xi32, #tpu.memory_space<vmem>>
      %dma_wait3A_69 = tpu.memref_squeeze %dma_wait3A_68 : memref<1x128xi32, #tpu.memory_space<vmem>> -> memref<128xi32, #tpu.memory_space<vmem>>
      %dma_wait3A_70 = arith.constant 0 : i32
      %dma_wait3A_71 = arith.constant 0 : i32
      %dma_wait3A_72 = tpu.memref_slice %arg2[%dma_wait3A_70, %dma_wait3A_71] : memref<10112x128xf32, #tpu.memory_space<hbm>> -> memref<10112x128xf32, #tpu.memory_space<hbm>>
      tpu.wait_indirect_dma semaphore(%arg13 : memref<!tpu.dma_semaphore, #tpu.memory_space<semaphore_mem>>) src(%dma_wait3A_72 : memref<10112x128xf32, #tpu.memory_space<hbm>>) dst(%arg10 : memref<128x128xf32, #tpu.memory_space<vmem>>)
      %add3A_73 = arith.constant 1 : i32
      %add3A_74 = arith.addi %mul3A_47, %add3A_73 : i32
      "tpu.region"() ({
        %run_scoped3A = tpu.sem_alloc : memref<!tpu.dma_semaphore, #tpu.memory_space<semaphore_mem>>
        %dma_start3A_75 = arith.constant 0 : i32
        %dma_start3A_76 = tpu.memref_slice %arg8[%add3A_74, %dma_start3A_75] : memref<40x128xi32, #tpu.memory_space<vmem>> -> memref<1x128xi32, #tpu.memory_space<vmem>>
        %dma_start3A_77 = tpu.memref_squeeze %dma_start3A_76 : memref<1x128xi32, #tpu.memory_space<vmem>> -> memref<128xi32, #tpu.memory_space<vmem>>
        %dma_start3A_78 = arith.constant 0 : i32
        %dma_start3A_79 = arith.constant 0 : i32
        %dma_start3A_80 = tpu.memref_slice %arg11[%dma_start3A_78, %dma_start3A_79] : memref<5120x128xf32, #tpu.memory_space<vmem_shared>> -> memref<5120x128xf32, #tpu.memory_space<vmem_shared>>
        tpu.enqueue_indirect_dma source(%arg10 : memref<128x128xf32, #tpu.memory_space<vmem>>) target(%dma_start3A_80 : memref<5120x128xf32, #tpu.memory_space<vmem_shared>>) offsets(%dma_start3A_77 : memref<128xi32, #tpu.memory_space<vmem>>) semaphore(%run_scoped3A : memref<!tpu.dma_semaphore, #tpu.memory_space<semaphore_mem>>) {add = true}
        %dma_wait3A_81 = arith.constant 0 : i32
        %dma_wait3A_82 = tpu.memref_slice %arg8[%add3A_74, %dma_wait3A_81] : memref<40x128xi32, #tpu.memory_space<vmem>> -> memref<1x128xi32, #tpu.memory_space<vmem>>
        %dma_wait3A_83 = tpu.memref_squeeze %dma_wait3A_82 : memref<1x128xi32, #tpu.memory_space<vmem>> -> memref<128xi32, #tpu.memory_space<vmem>>
        %dma_wait3A_84 = arith.constant 0 : i32
        %dma_wait3A_85 = arith.constant 0 : i32
        %dma_wait3A_86 = tpu.memref_slice %arg11[%dma_wait3A_84, %dma_wait3A_85] : memref<5120x128xf32, #tpu.memory_space<vmem_shared>> -> memref<5120x128xf32, #tpu.memory_space<vmem_shared>>
        tpu.wait_indirect_dma semaphore(%run_scoped3A : memref<!tpu.dma_semaphore, #tpu.memory_space<semaphore_mem>>) src(%arg10 : memref<128x128xf32, #tpu.memory_space<vmem>>) dst(%dma_wait3A_86 : memref<5120x128xf32, #tpu.memory_space<vmem_shared>>)
        tpu.yield
      }) : () -> ()
    }
    %scan3A_36 = arith.constant 20 : i32
    %barrier3A_37 = arith.constant 0 : index
    tpu.barrier barrier_id(%barrier3A_37)
    %mul3A_38 = arith.constant 320 : i32
    %mul3A_39 = arith.muli %arg1, %mul3A_38 : i32
    %mul3A_40 = arith.constant 5120 : i32
    %mul3A_41 = arith.muli %arg0, %mul3A_40 : i32
    %mul3A_42 = arith.constant 320 : i32
    %mul3A_43 = arith.muli %arg1, %mul3A_42 : i32
    %add3A_44 = arith.addi %mul3A_41, %mul3A_43 : i32
    "tpu.region"() ({
      %run_scoped3A = tpu.sem_alloc : memref<!tpu.dma_semaphore, #tpu.memory_space<semaphore_mem>>
      %dma_start3A_45 = arith.constant 0 : i32
      %dma_start3A_46 = tpu.memref_slice %arg6[%add3A_44, %dma_start3A_45] : memref<10240x128xf32, #tpu.memory_space<hbm>> -> memref<320x128xf32, #tpu.memory_space<hbm>>
      %dma_start3A_47 = arith.constant 0 : i32
      %dma_start3A_48 = tpu.memref_slice %arg11[%mul3A_39, %dma_start3A_47] : memref<5120x128xf32, #tpu.memory_space<vmem_shared>> -> memref<320x128xf32, #tpu.memory_space<vmem_shared>>
      tpu.enqueue_dma source(%dma_start3A_48 : memref<320x128xf32, #tpu.memory_space<vmem_shared>>) target(%dma_start3A_46 : memref<320x128xf32, #tpu.memory_space<hbm>>) target_semaphore(%run_scoped3A : memref<!tpu.dma_semaphore, #tpu.memory_space<semaphore_mem>>)
      %dma_wait3A = arith.constant 0 : i32
      %dma_wait3A_49 = tpu.memref_slice %arg6[%add3A_44, %dma_wait3A] : memref<10240x128xf32, #tpu.memory_space<hbm>> -> memref<320x128xf32, #tpu.memory_space<hbm>>
      %dma_wait3A_50 = arith.constant 0 : i32
      %dma_wait3A_51 = tpu.memref_slice %arg11[%mul3A_39, %dma_wait3A_50] : memref<5120x128xf32, #tpu.memory_space<vmem_shared>> -> memref<320x128xf32, #tpu.memory_space<vmem_shared>>
      tpu.wait_dma2 semaphore(%run_scoped3A : memref<!tpu.dma_semaphore, #tpu.memory_space<semaphore_mem>>) src(%dma_wait3A_51 : memref<320x128xf32, #tpu.memory_space<vmem_shared>>) dst(%dma_wait3A_49 : memref<320x128xf32, #tpu.memory_space<hbm>>)
      tpu.yield
    }) : () -> ()
    return
  }
}

#map = affine_map<(d0, d1) -> (0, 0)>
module attributes {stable_mosaic.version = 14 : i64} {
  func.func @sc_pass(%arg0: i32, %arg1: i32, %arg2: memref<5120x128xf32, #tpu.memory_space<hbm>>, %arg3: memref<2560x128xi32, #tpu.memory_space<hbm>>, %arg4: memref<2560x128xi32, #tpu.memory_space<hbm>>, %arg5: memref<10112x128xf32, #tpu.memory_space<hbm>>, %arg6: memref<20224x128xf32, #tpu.memory_space<hbm>>, %arg7: memref<40x128xi32, #tpu.memory_space<vmem>>, %arg8: memref<40x128xi32, #tpu.memory_space<vmem>>, %arg9: memref<128x128xf32, #tpu.memory_space<vmem>>, %arg10: memref<128x128xf32, #tpu.memory_space<vmem>>, %arg11: memref<10112x128xf32, #tpu.memory_space<vmem_shared>>, %arg12: memref<!tpu.dma_semaphore, #tpu.memory_space<semaphore_mem>>, %arg13: memref<!tpu.dma_semaphore, #tpu.memory_space<semaphore_mem>>) attributes {dimension_semantics = [#tpu.dimension_semantics<core_parallel>, #tpu.dimension_semantics<subcore_parallel>], iteration_bounds = array<i64: 2, 16>, scalar_prefetch = 0 : i64, scratch_operands = 7 : i64, tpu.core_type = #tpu.core_type<sc_vector_subcore>, window_params = [{transform_indices = #map}, {transform_indices = #map}, {transform_indices = #map}, {transform_indices = #map}, {transform_indices = #map}]} {
    %mul3A = arith.constant 2 : i32
    %mul3A_0 = arith.muli %arg1, %mul3A : i32
    %add3A = arith.addi %mul3A_0, %arg0 : i32
    %mul3A_1 = arith.constant 632 : i32
    %mul3A_2 = arith.muli %arg1, %mul3A_1 : i32
    %mul3A_3 = arith.constant 632 : i32
    %mul3A_4 = arith.muli %arg1, %mul3A_3 : i32
    "tpu.region"() ({
      %run_scoped3A = tpu.sem_alloc : memref<!tpu.dma_semaphore, #tpu.memory_space<semaphore_mem>>
      %dma_start3A_45 = arith.constant 0 : i32
      %dma_start3A_46 = tpu.memref_slice %arg11[%mul3A_4, %dma_start3A_45] : memref<10112x128xf32, #tpu.memory_space<vmem_shared>> -> memref<632x128xf32, #tpu.memory_space<vmem_shared>>
      %dma_start3A_47 = arith.constant 0 : i32
      %dma_start3A_48 = tpu.memref_slice %arg5[%mul3A_2, %dma_start3A_47] : memref<10112x128xf32, #tpu.memory_space<hbm>> -> memref<632x128xf32, #tpu.memory_space<hbm>>
      tpu.enqueue_dma source(%dma_start3A_48 : memref<632x128xf32, #tpu.memory_space<hbm>>) target(%dma_start3A_46 : memref<632x128xf32, #tpu.memory_space<vmem_shared>>) target_semaphore(%run_scoped3A : memref<!tpu.dma_semaphore, #tpu.memory_space<semaphore_mem>>)
      %dma_wait3A = arith.constant 0 : i32
      %dma_wait3A_49 = tpu.memref_slice %arg11[%mul3A_4, %dma_wait3A] : memref<10112x128xf32, #tpu.memory_space<vmem_shared>> -> memref<632x128xf32, #tpu.memory_space<vmem_shared>>
      %dma_wait3A_50 = arith.constant 0 : i32
      %dma_wait3A_51 = tpu.memref_slice %arg5[%mul3A_2, %dma_wait3A_50] : memref<10112x128xf32, #tpu.memory_space<hbm>> -> memref<632x128xf32, #tpu.memory_space<hbm>>
      tpu.wait_dma2 semaphore(%run_scoped3A : memref<!tpu.dma_semaphore, #tpu.memory_space<semaphore_mem>>) src(%dma_wait3A_51 : memref<632x128xf32, #tpu.memory_space<hbm>>) dst(%dma_wait3A_49 : memref<632x128xf32, #tpu.memory_space<vmem_shared>>)
      tpu.yield
    }) : () -> ()
    %barrier3A = arith.constant 0 : index
    tpu.barrier barrier_id(%barrier3A)
    %mul3A_5 = arith.constant 80 : i32
    %mul3A_6 = arith.muli %add3A, %mul3A_5 : i32
    %add3A_7 = arith.constant 0 : i32
    %add3A_8 = arith.addi %mul3A_6, %add3A_7 : i32
    "tpu.region"() ({
      %run_scoped3A = tpu.sem_alloc : memref<!tpu.dma_semaphore, #tpu.memory_space<semaphore_mem>>
      %dma_start3A_45 = arith.constant 0 : i32
      %dma_start3A_46 = tpu.memref_slice %arg3[%add3A_8, %dma_start3A_45] : memref<2560x128xi32, #tpu.memory_space<hbm>> -> memref<40x128xi32, #tpu.memory_space<hbm>>
      %dma_start3A_47 = arith.constant 0 : i32
      %dma_start3A_48 = tpu.memref_slice %arg3[%add3A_8, %dma_start3A_47] : memref<2560x128xi32, #tpu.memory_space<hbm>> -> memref<40x128xi32, #tpu.memory_space<hbm>>
      tpu.enqueue_dma source(%dma_start3A_48 : memref<40x128xi32, #tpu.memory_space<hbm>>) target(%arg7 : memref<40x128xi32, #tpu.memory_space<vmem>>) target_semaphore(%run_scoped3A : memref<!tpu.dma_semaphore, #tpu.memory_space<semaphore_mem>>)
      %dma_wait3A = arith.constant 0 : i32
      %dma_wait3A_49 = tpu.memref_slice %arg3[%add3A_8, %dma_wait3A] : memref<2560x128xi32, #tpu.memory_space<hbm>> -> memref<40x128xi32, #tpu.memory_space<hbm>>
      %dma_wait3A_50 = arith.constant 0 : i32
      %dma_wait3A_51 = tpu.memref_slice %arg3[%add3A_8, %dma_wait3A_50] : memref<2560x128xi32, #tpu.memory_space<hbm>> -> memref<40x128xi32, #tpu.memory_space<hbm>>
      tpu.wait_dma2 semaphore(%run_scoped3A : memref<!tpu.dma_semaphore, #tpu.memory_space<semaphore_mem>>) src(%dma_wait3A_51 : memref<40x128xi32, #tpu.memory_space<hbm>>) dst(%arg7 : memref<40x128xi32, #tpu.memory_space<vmem>>)
      tpu.yield
    }) : () -> ()
    "tpu.region"() ({
      %run_scoped3A = tpu.sem_alloc : memref<!tpu.dma_semaphore, #tpu.memory_space<semaphore_mem>>
      %dma_start3A_45 = arith.constant 0 : i32
      %dma_start3A_46 = tpu.memref_slice %arg4[%add3A_8, %dma_start3A_45] : memref<2560x128xi32, #tpu.memory_space<hbm>> -> memref<40x128xi32, #tpu.memory_space<hbm>>
      %dma_start3A_47 = arith.constant 0 : i32
      %dma_start3A_48 = tpu.memref_slice %arg4[%add3A_8, %dma_start3A_47] : memref<2560x128xi32, #tpu.memory_space<hbm>> -> memref<40x128xi32, #tpu.memory_space<hbm>>
      tpu.enqueue_dma source(%dma_start3A_48 : memref<40x128xi32, #tpu.memory_space<hbm>>) target(%arg8 : memref<40x128xi32, #tpu.memory_space<vmem>>) target_semaphore(%run_scoped3A : memref<!tpu.dma_semaphore, #tpu.memory_space<semaphore_mem>>)
      %dma_wait3A = arith.constant 0 : i32
      %dma_wait3A_49 = tpu.memref_slice %arg4[%add3A_8, %dma_wait3A] : memref<2560x128xi32, #tpu.memory_space<hbm>> -> memref<40x128xi32, #tpu.memory_space<hbm>>
      %dma_wait3A_50 = arith.constant 0 : i32
      %dma_wait3A_51 = tpu.memref_slice %arg4[%add3A_8, %dma_wait3A_50] : memref<2560x128xi32, #tpu.memory_space<hbm>> -> memref<40x128xi32, #tpu.memory_space<hbm>>
      tpu.wait_dma2 semaphore(%run_scoped3A : memref<!tpu.dma_semaphore, #tpu.memory_space<semaphore_mem>>) src(%dma_wait3A_51 : memref<40x128xi32, #tpu.memory_space<hbm>>) dst(%arg8 : memref<40x128xi32, #tpu.memory_space<vmem>>)
      tpu.yield
    }) : () -> ()
    %dma_start3A = arith.constant 0 : i32
    %dma_start3A_9 = arith.constant 0 : i32
    %dma_start3A_10 = tpu.memref_slice %arg7[%dma_start3A, %dma_start3A_9] : memref<40x128xi32, #tpu.memory_space<vmem>> -> memref<1x128xi32, #tpu.memory_space<vmem>>
    %dma_start3A_11 = tpu.memref_squeeze %dma_start3A_10 : memref<1x128xi32, #tpu.memory_space<vmem>> -> memref<128xi32, #tpu.memory_space<vmem>>
    %dma_start3A_12 = arith.constant 0 : i32
    %dma_start3A_13 = arith.constant 0 : i32
    %dma_start3A_14 = tpu.memref_slice %arg2[%dma_start3A_12, %dma_start3A_13] : memref<5120x128xf32, #tpu.memory_space<hbm>> -> memref<5120x128xf32, #tpu.memory_space<hbm>>
    tpu.enqueue_indirect_dma source(%dma_start3A_14 : memref<5120x128xf32, #tpu.memory_space<hbm>>) target(%arg9 : memref<128x128xf32, #tpu.memory_space<vmem>>) offsets(%dma_start3A_11 : memref<128xi32, #tpu.memory_space<vmem>>) semaphore(%arg12 : memref<!tpu.dma_semaphore, #tpu.memory_space<semaphore_mem>>)
    %scan3A = arith.constant 0 : i32
    %scan3A_15 = arith.constant 0 : i32
    %scan3A_16 = arith.constant 20 : i32
    %scan3A_17 = arith.addi %scan3A_15, %scan3A_16 : i32
    %scan3A_18 = arith.constant 1 : i32
    scf.for %scan3A_45 = %scan3A_15 to %scan3A_17 step %scan3A_18  : i32 {
      %mul3A_46 = arith.constant 2 : i32
      %mul3A_47 = arith.muli %mul3A_46, %scan3A_45 : i32
      %add3A_48 = arith.constant 1 : i32
      %add3A_49 = arith.addi %mul3A_47, %add3A_48 : i32
      %dma_start3A_50 = arith.constant 0 : i32
      %dma_start3A_51 = tpu.memref_slice %arg7[%add3A_49, %dma_start3A_50] : memref<40x128xi32, #tpu.memory_space<vmem>> -> memref<1x128xi32, #tpu.memory_space<vmem>>
      %dma_start3A_52 = tpu.memref_squeeze %dma_start3A_51 : memref<1x128xi32, #tpu.memory_space<vmem>> -> memref<128xi32, #tpu.memory_space<vmem>>
      %dma_start3A_53 = arith.constant 0 : i32
      %dma_start3A_54 = arith.constant 0 : i32
      %dma_start3A_55 = tpu.memref_slice %arg2[%dma_start3A_53, %dma_start3A_54] : memref<5120x128xf32, #tpu.memory_space<hbm>> -> memref<5120x128xf32, #tpu.memory_space<hbm>>
      tpu.enqueue_indirect_dma source(%dma_start3A_55 : memref<5120x128xf32, #tpu.memory_space<hbm>>) target(%arg10 : memref<128x128xf32, #tpu.memory_space<vmem>>) offsets(%dma_start3A_52 : memref<128xi32, #tpu.memory_space<vmem>>) semaphore(%arg13 : memref<!tpu.dma_semaphore, #tpu.memory_space<semaphore_mem>>)
      %dma_wait3A = arith.constant 0 : i32
      %dma_wait3A_56 = tpu.memref_slice %arg7[%mul3A_47, %dma_wait3A] : memref<40x128xi32, #tpu.memory_space<vmem>> -> memref<1x128xi32, #tpu.memory_space<vmem>>
      %dma_wait3A_57 = tpu.memref_squeeze %dma_wait3A_56 : memref<1x128xi32, #tpu.memory_space<vmem>> -> memref<128xi32, #tpu.memory_space<vmem>>
      %dma_wait3A_58 = arith.constant 0 : i32
      %dma_wait3A_59 = arith.constant 0 : i32
      %dma_wait3A_60 = tpu.memref_slice %arg2[%dma_wait3A_58, %dma_wait3A_59] : memref<5120x128xf32, #tpu.memory_space<hbm>> -> memref<5120x128xf32, #tpu.memory_space<hbm>>
      tpu.wait_indirect_dma semaphore(%arg12 : memref<!tpu.dma_semaphore, #tpu.memory_space<semaphore_mem>>) src(%dma_wait3A_60 : memref<5120x128xf32, #tpu.memory_space<hbm>>) dst(%arg9 : memref<128x128xf32, #tpu.memory_space<vmem>>)
      "tpu.region"() ({
        %run_scoped3A = tpu.sem_alloc : memref<!tpu.dma_semaphore, #tpu.memory_space<semaphore_mem>>
        %dma_start3A_75 = arith.constant 0 : i32
        %dma_start3A_76 = tpu.memref_slice %arg8[%mul3A_47, %dma_start3A_75] : memref<40x128xi32, #tpu.memory_space<vmem>> -> memref<1x128xi32, #tpu.memory_space<vmem>>
        %dma_start3A_77 = tpu.memref_squeeze %dma_start3A_76 : memref<1x128xi32, #tpu.memory_space<vmem>> -> memref<128xi32, #tpu.memory_space<vmem>>
        %dma_start3A_78 = arith.constant 0 : i32
        %dma_start3A_79 = arith.constant 0 : i32
        %dma_start3A_80 = tpu.memref_slice %arg11[%dma_start3A_78, %dma_start3A_79] : memref<10112x128xf32, #tpu.memory_space<vmem_shared>> -> memref<10112x128xf32, #tpu.memory_space<vmem_shared>>
        tpu.enqueue_indirect_dma source(%arg9 : memref<128x128xf32, #tpu.memory_space<vmem>>) target(%dma_start3A_80 : memref<10112x128xf32, #tpu.memory_space<vmem_shared>>) offsets(%dma_start3A_77 : memref<128xi32, #tpu.memory_space<vmem>>) semaphore(%run_scoped3A : memref<!tpu.dma_semaphore, #tpu.memory_space<semaphore_mem>>) {add = true}
        %dma_wait3A_81 = arith.constant 0 : i32
        %dma_wait3A_82 = tpu.memref_slice %arg8[%mul3A_47, %dma_wait3A_81] : memref<40x128xi32, #tpu.memory_space<vmem>> -> memref<1x128xi32, #tpu.memory_space<vmem>>
        %dma_wait3A_83 = tpu.memref_squeeze %dma_wait3A_82 : memref<1x128xi32, #tpu.memory_space<vmem>> -> memref<128xi32, #tpu.memory_space<vmem>>
        %dma_wait3A_84 = arith.constant 0 : i32
        %dma_wait3A_85 = arith.constant 0 : i32
        %dma_wait3A_86 = tpu.memref_slice %arg11[%dma_wait3A_84, %dma_wait3A_85] : memref<10112x128xf32, #tpu.memory_space<vmem_shared>> -> memref<10112x128xf32, #tpu.memory_space<vmem_shared>>
        tpu.wait_indirect_dma semaphore(%run_scoped3A : memref<!tpu.dma_semaphore, #tpu.memory_space<semaphore_mem>>) src(%arg9 : memref<128x128xf32, #tpu.memory_space<vmem>>) dst(%dma_wait3A_86 : memref<10112x128xf32, #tpu.memory_space<vmem_shared>>)
        tpu.yield
      }) : () -> ()
      %add3A_61 = arith.constant 2 : i32
      %add3A_62 = arith.addi %mul3A_47, %add3A_61 : i32
      %lt3A = arith.constant 40 : i32
      %lt3A_63 = arith.cmpi slt, %add3A_62, %lt3A : i32
      %convert_element_type3A = arith.extui %lt3A_63 : i1 to i32
      %cond3A = arith.constant 0 : i32
      %cond3A_64 = arith.cmpi ne, %convert_element_type3A, %cond3A : i32
      scf.if %cond3A_64 {
        %add3A_75 = arith.constant 2 : i32
        %add3A_76 = arith.addi %mul3A_47, %add3A_75 : i32
        %dma_start3A_77 = arith.constant 0 : i32
        %dma_start3A_78 = tpu.memref_slice %arg7[%add3A_76, %dma_start3A_77] : memref<40x128xi32, #tpu.memory_space<vmem>> -> memref<1x128xi32, #tpu.memory_space<vmem>>
        %dma_start3A_79 = tpu.memref_squeeze %dma_start3A_78 : memref<1x128xi32, #tpu.memory_space<vmem>> -> memref<128xi32, #tpu.memory_space<vmem>>
        %dma_start3A_80 = arith.constant 0 : i32
        %dma_start3A_81 = arith.constant 0 : i32
        %dma_start3A_82 = tpu.memref_slice %arg2[%dma_start3A_80, %dma_start3A_81] : memref<5120x128xf32, #tpu.memory_space<hbm>> -> memref<5120x128xf32, #tpu.memory_space<hbm>>
        tpu.enqueue_indirect_dma source(%dma_start3A_82 : memref<5120x128xf32, #tpu.memory_space<hbm>>) target(%arg9 : memref<128x128xf32, #tpu.memory_space<vmem>>) offsets(%dma_start3A_79 : memref<128xi32, #tpu.memory_space<vmem>>) semaphore(%arg12 : memref<!tpu.dma_semaphore, #tpu.memory_space<semaphore_mem>>)
      } else {
      }
      %add3A_65 = arith.constant 1 : i32
      %add3A_66 = arith.addi %mul3A_47, %add3A_65 : i32
      %dma_wait3A_67 = arith.constant 0 : i32
      %dma_wait3A_68 = tpu.memref_slice %arg7[%add3A_66, %dma_wait3A_67] : memref<40x128xi32, #tpu.memory_space<vmem>> -> memref<1x128xi32, #tpu.memory_space<vmem>>
      %dma_wait3A_69 = tpu.memref_squeeze %dma_wait3A_68 : memref<1x128xi32, #tpu.memory_space<vmem>> -> memref<128xi32, #tpu.memory_space<vmem>>
      %dma_wait3A_70 = arith.constant 0 : i32
      %dma_wait3A_71 = arith.constant 0 : i32
      %dma_wait3A_72 = tpu.memref_slice %arg2[%dma_wait3A_70, %dma_wait3A_71] : memref<5120x128xf32, #tpu.memory_space<hbm>> -> memref<5120x128xf32, #tpu.memory_space<hbm>>
      tpu.wait_indirect_dma semaphore(%arg13 : memref<!tpu.dma_semaphore, #tpu.memory_space<semaphore_mem>>) src(%dma_wait3A_72 : memref<5120x128xf32, #tpu.memory_space<hbm>>) dst(%arg10 : memref<128x128xf32, #tpu.memory_space<vmem>>)
      %add3A_73 = arith.constant 1 : i32
      %add3A_74 = arith.addi %mul3A_47, %add3A_73 : i32
      "tpu.region"() ({
        %run_scoped3A = tpu.sem_alloc : memref<!tpu.dma_semaphore, #tpu.memory_space<semaphore_mem>>
        %dma_start3A_75 = arith.constant 0 : i32
        %dma_start3A_76 = tpu.memref_slice %arg8[%add3A_74, %dma_start3A_75] : memref<40x128xi32, #tpu.memory_space<vmem>> -> memref<1x128xi32, #tpu.memory_space<vmem>>
        %dma_start3A_77 = tpu.memref_squeeze %dma_start3A_76 : memref<1x128xi32, #tpu.memory_space<vmem>> -> memref<128xi32, #tpu.memory_space<vmem>>
        %dma_start3A_78 = arith.constant 0 : i32
        %dma_start3A_79 = arith.constant 0 : i32
        %dma_start3A_80 = tpu.memref_slice %arg11[%dma_start3A_78, %dma_start3A_79] : memref<10112x128xf32, #tpu.memory_space<vmem_shared>> -> memref<10112x128xf32, #tpu.memory_space<vmem_shared>>
        tpu.enqueue_indirect_dma source(%arg10 : memref<128x128xf32, #tpu.memory_space<vmem>>) target(%dma_start3A_80 : memref<10112x128xf32, #tpu.memory_space<vmem_shared>>) offsets(%dma_start3A_77 : memref<128xi32, #tpu.memory_space<vmem>>) semaphore(%run_scoped3A : memref<!tpu.dma_semaphore, #tpu.memory_space<semaphore_mem>>) {add = true}
        %dma_wait3A_81 = arith.constant 0 : i32
        %dma_wait3A_82 = tpu.memref_slice %arg8[%add3A_74, %dma_wait3A_81] : memref<40x128xi32, #tpu.memory_space<vmem>> -> memref<1x128xi32, #tpu.memory_space<vmem>>
        %dma_wait3A_83 = tpu.memref_squeeze %dma_wait3A_82 : memref<1x128xi32, #tpu.memory_space<vmem>> -> memref<128xi32, #tpu.memory_space<vmem>>
        %dma_wait3A_84 = arith.constant 0 : i32
        %dma_wait3A_85 = arith.constant 0 : i32
        %dma_wait3A_86 = tpu.memref_slice %arg11[%dma_wait3A_84, %dma_wait3A_85] : memref<10112x128xf32, #tpu.memory_space<vmem_shared>> -> memref<10112x128xf32, #tpu.memory_space<vmem_shared>>
        tpu.wait_indirect_dma semaphore(%run_scoped3A : memref<!tpu.dma_semaphore, #tpu.memory_space<semaphore_mem>>) src(%arg10 : memref<128x128xf32, #tpu.memory_space<vmem>>) dst(%dma_wait3A_86 : memref<10112x128xf32, #tpu.memory_space<vmem_shared>>)
        tpu.yield
      }) : () -> ()
    }
    %scan3A_19 = arith.constant 20 : i32
    %mul3A_20 = arith.constant 80 : i32
    %mul3A_21 = arith.muli %add3A, %mul3A_20 : i32
    %add3A_22 = arith.constant 40 : i32
    %add3A_23 = arith.addi %mul3A_21, %add3A_22 : i32
    "tpu.region"() ({
      %run_scoped3A = tpu.sem_alloc : memref<!tpu.dma_semaphore, #tpu.memory_space<semaphore_mem>>
      %dma_start3A_45 = arith.constant 0 : i32
      %dma_start3A_46 = tpu.memref_slice %arg3[%add3A_23, %dma_start3A_45] : memref<2560x128xi32, #tpu.memory_space<hbm>> -> memref<40x128xi32, #tpu.memory_space<hbm>>
      %dma_start3A_47 = arith.constant 0 : i32
      %dma_start3A_48 = tpu.memref_slice %arg3[%add3A_23, %dma_start3A_47] : memref<2560x128xi32, #tpu.memory_space<hbm>> -> memref<40x128xi32, #tpu.memory_space<hbm>>
      tpu.enqueue_dma source(%dma_start3A_48 : memref<40x128xi32, #tpu.memory_space<hbm>>) target(%arg7 : memref<40x128xi32, #tpu.memory_space<vmem>>) target_semaphore(%run_scoped3A : memref<!tpu.dma_semaphore, #tpu.memory_space<semaphore_mem>>)
      %dma_wait3A = arith.constant 0 : i32
      %dma_wait3A_49 = tpu.memref_slice %arg3[%add3A_23, %dma_wait3A] : memref<2560x128xi32, #tpu.memory_space<hbm>> -> memref<40x128xi32, #tpu.memory_space<hbm>>
      %dma_wait3A_50 = arith.constant 0 : i32
      %dma_wait3A_51 = tpu.memref_slice %arg3[%add3A_23, %dma_wait3A_50] : memref<2560x128xi32, #tpu.memory_space<hbm>> -> memref<40x128xi32, #tpu.memory_space<hbm>>
      tpu.wait_dma2 semaphore(%run_scoped3A : memref<!tpu.dma_semaphore, #tpu.memory_space<semaphore_mem>>) src(%dma_wait3A_51 : memref<40x128xi32, #tpu.memory_space<hbm>>) dst(%arg7 : memref<40x128xi32, #tpu.memory_space<vmem>>)
      tpu.yield
    }) : () -> ()
    "tpu.region"() ({
      %run_scoped3A = tpu.sem_alloc : memref<!tpu.dma_semaphore, #tpu.memory_space<semaphore_mem>>
      %dma_start3A_45 = arith.constant 0 : i32
      %dma_start3A_46 = tpu.memref_slice %arg4[%add3A_23, %dma_start3A_45] : memref<2560x128xi32, #tpu.memory_space<hbm>> -> memref<40x128xi32, #tpu.memory_space<hbm>>
      %dma_start3A_47 = arith.constant 0 : i32
      %dma_start3A_48 = tpu.memref_slice %arg4[%add3A_23, %dma_start3A_47] : memref<2560x128xi32, #tpu.memory_space<hbm>> -> memref<40x128xi32, #tpu.memory_space<hbm>>
      tpu.enqueue_dma source(%dma_start3A_48 : memref<40x128xi32, #tpu.memory_space<hbm>>) target(%arg8 : memref<40x128xi32, #tpu.memory_space<vmem>>) target_semaphore(%run_scoped3A : memref<!tpu.dma_semaphore, #tpu.memory_space<semaphore_mem>>)
      %dma_wait3A = arith.constant 0 : i32
      %dma_wait3A_49 = tpu.memref_slice %arg4[%add3A_23, %dma_wait3A] : memref<2560x128xi32, #tpu.memory_space<hbm>> -> memref<40x128xi32, #tpu.memory_space<hbm>>
      %dma_wait3A_50 = arith.constant 0 : i32
      %dma_wait3A_51 = tpu.memref_slice %arg4[%add3A_23, %dma_wait3A_50] : memref<2560x128xi32, #tpu.memory_space<hbm>> -> memref<40x128xi32, #tpu.memory_space<hbm>>
      tpu.wait_dma2 semaphore(%run_scoped3A : memref<!tpu.dma_semaphore, #tpu.memory_space<semaphore_mem>>) src(%dma_wait3A_51 : memref<40x128xi32, #tpu.memory_space<hbm>>) dst(%arg8 : memref<40x128xi32, #tpu.memory_space<vmem>>)
      tpu.yield
    }) : () -> ()
    %dma_start3A_24 = arith.constant 0 : i32
    %dma_start3A_25 = arith.constant 0 : i32
    %dma_start3A_26 = tpu.memref_slice %arg7[%dma_start3A_24, %dma_start3A_25] : memref<40x128xi32, #tpu.memory_space<vmem>> -> memref<1x128xi32, #tpu.memory_space<vmem>>
    %dma_start3A_27 = tpu.memref_squeeze %dma_start3A_26 : memref<1x128xi32, #tpu.memory_space<vmem>> -> memref<128xi32, #tpu.memory_space<vmem>>
    %dma_start3A_28 = arith.constant 0 : i32
    %dma_start3A_29 = arith.constant 0 : i32
    %dma_start3A_30 = tpu.memref_slice %arg2[%dma_start3A_28, %dma_start3A_29] : memref<5120x128xf32, #tpu.memory_space<hbm>> -> memref<5120x128xf32, #tpu.memory_space<hbm>>
    tpu.enqueue_indirect_dma source(%dma_start3A_30 : memref<5120x128xf32, #tpu.memory_space<hbm>>) target(%arg9 : memref<128x128xf32, #tpu.memory_space<vmem>>) offsets(%dma_start3A_27 : memref<128xi32, #tpu.memory_space<vmem>>) semaphore(%arg12 : memref<!tpu.dma_semaphore, #tpu.memory_space<semaphore_mem>>)
    %scan3A_31 = arith.constant 0 : i32
    %scan3A_32 = arith.constant 0 : i32
    %scan3A_33 = arith.constant 20 : i32
    %scan3A_34 = arith.addi %scan3A_32, %scan3A_33 : i32
    %scan3A_35 = arith.constant 1 : i32
    scf.for %scan3A_45 = %scan3A_32 to %scan3A_34 step %scan3A_35  : i32 {
      %mul3A_46 = arith.constant 2 : i32
      %mul3A_47 = arith.muli %mul3A_46, %scan3A_45 : i32
      %add3A_48 = arith.constant 1 : i32
      %add3A_49 = arith.addi %mul3A_47, %add3A_48 : i32
      %dma_start3A_50 = arith.constant 0 : i32
      %dma_start3A_51 = tpu.memref_slice %arg7[%add3A_49, %dma_start3A_50] : memref<40x128xi32, #tpu.memory_space<vmem>> -> memref<1x128xi32, #tpu.memory_space<vmem>>
      %dma_start3A_52 = tpu.memref_squeeze %dma_start3A_51 : memref<1x128xi32, #tpu.memory_space<vmem>> -> memref<128xi32, #tpu.memory_space<vmem>>
      %dma_start3A_53 = arith.constant 0 : i32
      %dma_start3A_54 = arith.constant 0 : i32
      %dma_start3A_55 = tpu.memref_slice %arg2[%dma_start3A_53, %dma_start3A_54] : memref<5120x128xf32, #tpu.memory_space<hbm>> -> memref<5120x128xf32, #tpu.memory_space<hbm>>
      tpu.enqueue_indirect_dma source(%dma_start3A_55 : memref<5120x128xf32, #tpu.memory_space<hbm>>) target(%arg10 : memref<128x128xf32, #tpu.memory_space<vmem>>) offsets(%dma_start3A_52 : memref<128xi32, #tpu.memory_space<vmem>>) semaphore(%arg13 : memref<!tpu.dma_semaphore, #tpu.memory_space<semaphore_mem>>)
      %dma_wait3A = arith.constant 0 : i32
      %dma_wait3A_56 = tpu.memref_slice %arg7[%mul3A_47, %dma_wait3A] : memref<40x128xi32, #tpu.memory_space<vmem>> -> memref<1x128xi32, #tpu.memory_space<vmem>>
      %dma_wait3A_57 = tpu.memref_squeeze %dma_wait3A_56 : memref<1x128xi32, #tpu.memory_space<vmem>> -> memref<128xi32, #tpu.memory_space<vmem>>
      %dma_wait3A_58 = arith.constant 0 : i32
      %dma_wait3A_59 = arith.constant 0 : i32
      %dma_wait3A_60 = tpu.memref_slice %arg2[%dma_wait3A_58, %dma_wait3A_59] : memref<5120x128xf32, #tpu.memory_space<hbm>> -> memref<5120x128xf32, #tpu.memory_space<hbm>>
      tpu.wait_indirect_dma semaphore(%arg12 : memref<!tpu.dma_semaphore, #tpu.memory_space<semaphore_mem>>) src(%dma_wait3A_60 : memref<5120x128xf32, #tpu.memory_space<hbm>>) dst(%arg9 : memref<128x128xf32, #tpu.memory_space<vmem>>)
      "tpu.region"() ({
        %run_scoped3A = tpu.sem_alloc : memref<!tpu.dma_semaphore, #tpu.memory_space<semaphore_mem>>
        %dma_start3A_75 = arith.constant 0 : i32
        %dma_start3A_76 = tpu.memref_slice %arg8[%mul3A_47, %dma_start3A_75] : memref<40x128xi32, #tpu.memory_space<vmem>> -> memref<1x128xi32, #tpu.memory_space<vmem>>
        %dma_start3A_77 = tpu.memref_squeeze %dma_start3A_76 : memref<1x128xi32, #tpu.memory_space<vmem>> -> memref<128xi32, #tpu.memory_space<vmem>>
        %dma_start3A_78 = arith.constant 0 : i32
        %dma_start3A_79 = arith.constant 0 : i32
        %dma_start3A_80 = tpu.memref_slice %arg11[%dma_start3A_78, %dma_start3A_79] : memref<10112x128xf32, #tpu.memory_space<vmem_shared>> -> memref<10112x128xf32, #tpu.memory_space<vmem_shared>>
        tpu.enqueue_indirect_dma source(%arg9 : memref<128x128xf32, #tpu.memory_space<vmem>>) target(%dma_start3A_80 : memref<10112x128xf32, #tpu.memory_space<vmem_shared>>) offsets(%dma_start3A_77 : memref<128xi32, #tpu.memory_space<vmem>>) semaphore(%run_scoped3A : memref<!tpu.dma_semaphore, #tpu.memory_space<semaphore_mem>>) {add = true}
        %dma_wait3A_81 = arith.constant 0 : i32
        %dma_wait3A_82 = tpu.memref_slice %arg8[%mul3A_47, %dma_wait3A_81] : memref<40x128xi32, #tpu.memory_space<vmem>> -> memref<1x128xi32, #tpu.memory_space<vmem>>
        %dma_wait3A_83 = tpu.memref_squeeze %dma_wait3A_82 : memref<1x128xi32, #tpu.memory_space<vmem>> -> memref<128xi32, #tpu.memory_space<vmem>>
        %dma_wait3A_84 = arith.constant 0 : i32
        %dma_wait3A_85 = arith.constant 0 : i32
        %dma_wait3A_86 = tpu.memref_slice %arg11[%dma_wait3A_84, %dma_wait3A_85] : memref<10112x128xf32, #tpu.memory_space<vmem_shared>> -> memref<10112x128xf32, #tpu.memory_space<vmem_shared>>
        tpu.wait_indirect_dma semaphore(%run_scoped3A : memref<!tpu.dma_semaphore, #tpu.memory_space<semaphore_mem>>) src(%arg9 : memref<128x128xf32, #tpu.memory_space<vmem>>) dst(%dma_wait3A_86 : memref<10112x128xf32, #tpu.memory_space<vmem_shared>>)
        tpu.yield
      }) : () -> ()
      %add3A_61 = arith.constant 2 : i32
      %add3A_62 = arith.addi %mul3A_47, %add3A_61 : i32
      %lt3A = arith.constant 40 : i32
      %lt3A_63 = arith.cmpi slt, %add3A_62, %lt3A : i32
      %convert_element_type3A = arith.extui %lt3A_63 : i1 to i32
      %cond3A = arith.constant 0 : i32
      %cond3A_64 = arith.cmpi ne, %convert_element_type3A, %cond3A : i32
      scf.if %cond3A_64 {
        %add3A_75 = arith.constant 2 : i32
        %add3A_76 = arith.addi %mul3A_47, %add3A_75 : i32
        %dma_start3A_77 = arith.constant 0 : i32
        %dma_start3A_78 = tpu.memref_slice %arg7[%add3A_76, %dma_start3A_77] : memref<40x128xi32, #tpu.memory_space<vmem>> -> memref<1x128xi32, #tpu.memory_space<vmem>>
        %dma_start3A_79 = tpu.memref_squeeze %dma_start3A_78 : memref<1x128xi32, #tpu.memory_space<vmem>> -> memref<128xi32, #tpu.memory_space<vmem>>
        %dma_start3A_80 = arith.constant 0 : i32
        %dma_start3A_81 = arith.constant 0 : i32
        %dma_start3A_82 = tpu.memref_slice %arg2[%dma_start3A_80, %dma_start3A_81] : memref<5120x128xf32, #tpu.memory_space<hbm>> -> memref<5120x128xf32, #tpu.memory_space<hbm>>
        tpu.enqueue_indirect_dma source(%dma_start3A_82 : memref<5120x128xf32, #tpu.memory_space<hbm>>) target(%arg9 : memref<128x128xf32, #tpu.memory_space<vmem>>) offsets(%dma_start3A_79 : memref<128xi32, #tpu.memory_space<vmem>>) semaphore(%arg12 : memref<!tpu.dma_semaphore, #tpu.memory_space<semaphore_mem>>)
      } else {
      }
      %add3A_65 = arith.constant 1 : i32
      %add3A_66 = arith.addi %mul3A_47, %add3A_65 : i32
      %dma_wait3A_67 = arith.constant 0 : i32
      %dma_wait3A_68 = tpu.memref_slice %arg7[%add3A_66, %dma_wait3A_67] : memref<40x128xi32, #tpu.memory_space<vmem>> -> memref<1x128xi32, #tpu.memory_space<vmem>>
      %dma_wait3A_69 = tpu.memref_squeeze %dma_wait3A_68 : memref<1x128xi32, #tpu.memory_space<vmem>> -> memref<128xi32, #tpu.memory_space<vmem>>
      %dma_wait3A_70 = arith.constant 0 : i32
      %dma_wait3A_71 = arith.constant 0 : i32
      %dma_wait3A_72 = tpu.memref_slice %arg2[%dma_wait3A_70, %dma_wait3A_71] : memref<5120x128xf32, #tpu.memory_space<hbm>> -> memref<5120x128xf32, #tpu.memory_space<hbm>>
      tpu.wait_indirect_dma semaphore(%arg13 : memref<!tpu.dma_semaphore, #tpu.memory_space<semaphore_mem>>) src(%dma_wait3A_72 : memref<5120x128xf32, #tpu.memory_space<hbm>>) dst(%arg10 : memref<128x128xf32, #tpu.memory_space<vmem>>)
      %add3A_73 = arith.constant 1 : i32
      %add3A_74 = arith.addi %mul3A_47, %add3A_73 : i32
      "tpu.region"() ({
        %run_scoped3A = tpu.sem_alloc : memref<!tpu.dma_semaphore, #tpu.memory_space<semaphore_mem>>
        %dma_start3A_75 = arith.constant 0 : i32
        %dma_start3A_76 = tpu.memref_slice %arg8[%add3A_74, %dma_start3A_75] : memref<40x128xi32, #tpu.memory_space<vmem>> -> memref<1x128xi32, #tpu.memory_space<vmem>>
        %dma_start3A_77 = tpu.memref_squeeze %dma_start3A_76 : memref<1x128xi32, #tpu.memory_space<vmem>> -> memref<128xi32, #tpu.memory_space<vmem>>
        %dma_start3A_78 = arith.constant 0 : i32
        %dma_start3A_79 = arith.constant 0 : i32
        %dma_start3A_80 = tpu.memref_slice %arg11[%dma_start3A_78, %dma_start3A_79] : memref<10112x128xf32, #tpu.memory_space<vmem_shared>> -> memref<10112x128xf32, #tpu.memory_space<vmem_shared>>
        tpu.enqueue_indirect_dma source(%arg10 : memref<128x128xf32, #tpu.memory_space<vmem>>) target(%dma_start3A_80 : memref<10112x128xf32, #tpu.memory_space<vmem_shared>>) offsets(%dma_start3A_77 : memref<128xi32, #tpu.memory_space<vmem>>) semaphore(%run_scoped3A : memref<!tpu.dma_semaphore, #tpu.memory_space<semaphore_mem>>) {add = true}
        %dma_wait3A_81 = arith.constant 0 : i32
        %dma_wait3A_82 = tpu.memref_slice %arg8[%add3A_74, %dma_wait3A_81] : memref<40x128xi32, #tpu.memory_space<vmem>> -> memref<1x128xi32, #tpu.memory_space<vmem>>
        %dma_wait3A_83 = tpu.memref_squeeze %dma_wait3A_82 : memref<1x128xi32, #tpu.memory_space<vmem>> -> memref<128xi32, #tpu.memory_space<vmem>>
        %dma_wait3A_84 = arith.constant 0 : i32
        %dma_wait3A_85 = arith.constant 0 : i32
        %dma_wait3A_86 = tpu.memref_slice %arg11[%dma_wait3A_84, %dma_wait3A_85] : memref<10112x128xf32, #tpu.memory_space<vmem_shared>> -> memref<10112x128xf32, #tpu.memory_space<vmem_shared>>
        tpu.wait_indirect_dma semaphore(%run_scoped3A : memref<!tpu.dma_semaphore, #tpu.memory_space<semaphore_mem>>) src(%arg10 : memref<128x128xf32, #tpu.memory_space<vmem>>) dst(%dma_wait3A_86 : memref<10112x128xf32, #tpu.memory_space<vmem_shared>>)
        tpu.yield
      }) : () -> ()
    }
    %scan3A_36 = arith.constant 20 : i32
    %barrier3A_37 = arith.constant 0 : index
    tpu.barrier barrier_id(%barrier3A_37)
    %mul3A_38 = arith.constant 632 : i32
    %mul3A_39 = arith.muli %arg1, %mul3A_38 : i32
    %mul3A_40 = arith.constant 10112 : i32
    %mul3A_41 = arith.muli %arg0, %mul3A_40 : i32
    %mul3A_42 = arith.constant 632 : i32
    %mul3A_43 = arith.muli %arg1, %mul3A_42 : i32
    %add3A_44 = arith.addi %mul3A_41, %mul3A_43 : i32
    "tpu.region"() ({
      %run_scoped3A = tpu.sem_alloc : memref<!tpu.dma_semaphore, #tpu.memory_space<semaphore_mem>>
      %dma_start3A_45 = arith.constant 0 : i32
      %dma_start3A_46 = tpu.memref_slice %arg6[%add3A_44, %dma_start3A_45] : memref<20224x128xf32, #tpu.memory_space<hbm>> -> memref<632x128xf32, #tpu.memory_space<hbm>>
      %dma_start3A_47 = arith.constant 0 : i32
      %dma_start3A_48 = tpu.memref_slice %arg11[%mul3A_39, %dma_start3A_47] : memref<10112x128xf32, #tpu.memory_space<vmem_shared>> -> memref<632x128xf32, #tpu.memory_space<vmem_shared>>
      tpu.enqueue_dma source(%dma_start3A_48 : memref<632x128xf32, #tpu.memory_space<vmem_shared>>) target(%dma_start3A_46 : memref<632x128xf32, #tpu.memory_space<hbm>>) target_semaphore(%run_scoped3A : memref<!tpu.dma_semaphore, #tpu.memory_space<semaphore_mem>>)
      %dma_wait3A = arith.constant 0 : i32
      %dma_wait3A_49 = tpu.memref_slice %arg6[%add3A_44, %dma_wait3A] : memref<20224x128xf32, #tpu.memory_space<hbm>> -> memref<632x128xf32, #tpu.memory_space<hbm>>
      %dma_wait3A_50 = arith.constant 0 : i32
      %dma_wait3A_51 = tpu.memref_slice %arg11[%mul3A_39, %dma_wait3A_50] : memref<10112x128xf32, #tpu.memory_space<vmem_shared>> -> memref<632x128xf32, #tpu.memory_space<vmem_shared>>
      tpu.wait_dma2 semaphore(%run_scoped3A : memref<!tpu.dma_semaphore, #tpu.memory_space<semaphore_mem>>) src(%dma_wait3A_51 : memref<632x128xf32, #tpu.memory_space<vmem_shared>>) dst(%dma_wait3A_49 : memref<632x128xf32, #tpu.memory_space<hbm>>)
      tpu.yield
    }) : () -> ()
    return
  }
}

module attributes {stable_mosaic.version = 14 : i64} {
  func.func @_tc_prep_body(%arg0: memref<10000x128xf32, #tpu.memory_space<vmem>>, %arg1: memref<128x128xf32, #tpu.memory_space<vmem>>, %arg2: memref<1x128xf32, #tpu.memory_space<vmem>>, %arg3: memref<2x10000x1xf32, #tpu.memory_space<vmem>>, %arg4: memref<10000x128xf32, #tpu.memory_space<vmem>>, %arg5: memref<10000x1xf32, #tpu.memory_space<vmem>>) attributes {dimension_semantics = [], scalar_prefetch = 0 : i64, scratch_operands = 0 : i64, tpu.core_type = #tpu.core_type<tc>} {
    %get3A = arith.constant 0 : index
    %get3A_0 = arith.constant 0 : index
    %get3A_1 = arith.constant 0 : index
    %get3A_2 = vector.load %arg3[%get3A, %get3A_0, %get3A_1] : memref<2x10000x1xf32, #tpu.memory_space<vmem>>, vector<1x10000x1xf32>
    %get3A_3 = vector.shape_cast %get3A_2 : vector<1x10000x1xf32> to vector<10000x1xf32>
    %get3A_4 = arith.constant 1 : index
    %get3A_5 = arith.constant 0 : index
    %get3A_6 = arith.constant 0 : index
    %get3A_7 = vector.load %arg3[%get3A_4, %get3A_5, %get3A_6] : memref<2x10000x1xf32, #tpu.memory_space<vmem>>, vector<1x10000x1xf32>
    %get3A_8 = vector.shape_cast %get3A_7 : vector<1x10000x1xf32> to vector<10000x1xf32>
    %add3A = arith.addf %get3A_3, %get3A_8 : vector<10000x1xf32>
    %gt3A = arith.constant 0.000000e+00 : f32
    %gt3A_9 = vector.broadcast %gt3A : f32 to vector<10000x1xf32>
    %gt3A_10 = arith.cmpf ogt, %add3A, %gt3A_9 : vector<10000x1xf32>
    %rsqrt3A = math.rsqrt %add3A : vector<10000x1xf32>
    %jit3A = arith.constant 0.000000e+00 : f32
    %broadcast_in_dim3A = vector.broadcast %jit3A : f32 to vector<10000x1xf32>
    %select_n3A = arith.select %gt3A_10, %rsqrt3A, %broadcast_in_dim3A : vector<10000x1xi1>, vector<10000x1xf32>
    %get3A_11 = arith.constant 0 : index
    %get3A_12 = arith.constant 0 : index
    %get3A_13 = vector.load %arg0[%get3A_11, %get3A_12] : memref<10000x128xf32, #tpu.memory_space<vmem>>, vector<10000x128xf32>
    %get3A_14 = arith.constant 0 : index
    %get3A_15 = arith.constant 0 : index
    %get3A_16 = vector.load %arg1[%get3A_14, %get3A_15] : memref<128x128xf32, #tpu.memory_space<vmem>>, vector<128x128xf32>
    %dot_general3A = arith.constant dense<0.000000e+00> : vector<10000x128xf32>
    %dot_general3A_17 = tpu.matmul %get3A_13, %get3A_16, %dot_general3A {dimension_numbers = #tpu.dot_dimension_numbers<[1], [0], [0], [1], [0, 0, 1, 1], [], []>, transpose_lhs_hint = false} : vector<10000x128xf32>, vector<128x128xf32>, vector<10000x128xf32> -> vector<10000x128xf32>
    %get3A_18 = arith.constant 0 : index
    %get3A_19 = arith.constant 0 : index
    %get3A_20 = vector.load %arg2[%get3A_18, %get3A_19] : memref<1x128xf32, #tpu.memory_space<vmem>>, vector<1x128xf32>
    %add3A_21 = vector.broadcast %get3A_20 : vector<1x128xf32> to vector<10000x128xf32>
    %add3A_22 = arith.addf %dot_general3A_17, %add3A_21 : vector<10000x128xf32>
    %mul3A = vector.broadcast %select_n3A : vector<10000x1xf32> to vector<10000x128xf32>
    %mul3A_23 = arith.mulf %add3A_22, %mul3A : vector<10000x128xf32>
    %swap3A = arith.constant 0 : index
    %swap3A_24 = arith.constant 0 : index
    %swap3A_25 = vector.load %arg4[%swap3A, %swap3A_24] : memref<10000x128xf32, #tpu.memory_space<vmem>>, vector<10000x128xf32>
    tpu.vector_store %arg4[%swap3A, %swap3A_24], %mul3A_23 {strides = array<i32>} : memref<10000x128xf32, #tpu.memory_space<vmem>>, vector<10000x128xf32>,
    %swap3A_26 = arith.constant 0 : index
    %swap3A_27 = arith.constant 0 : index
    %swap3A_28 = vector.load %arg5[%swap3A_26, %swap3A_27] : memref<10000x1xf32, #tpu.memory_space<vmem>>, vector<10000x1xf32>
    tpu.vector_store %arg5[%swap3A_26, %swap3A_27], %select_n3A {strides = array<i32>} : memref<10000x1xf32, #tpu.memory_space<vmem>>, vector<10000x1xf32>,
    return
  }
}

module attributes {stable_mosaic.version = 14 : i64} {
  func.func @_tc_edge_body(%arg0: memref<2x5120x128xf32, #tpu.memory_space<vmem>>, %arg1: memref<2x5120x1xf32, #tpu.memory_space<vmem>>, %arg2: memref<5120x128xf32, #tpu.memory_space<vmem>>) attributes {dimension_semantics = [], scalar_prefetch = 0 : i64, scratch_operands = 0 : i64, tpu.core_type = #tpu.core_type<tc>} {
    %get3A = arith.constant 0 : index
    %get3A_0 = arith.constant 0 : index
    %get3A_1 = arith.constant 0 : index
    %get3A_2 = vector.load %arg1[%get3A, %get3A_0, %get3A_1] : memref<2x5120x1xf32, #tpu.memory_space<vmem>>, vector<1x5120x1xf32>
    %get3A_3 = vector.shape_cast %get3A_2 : vector<1x5120x1xf32> to vector<5120x1xf32>
    %get3A_4 = arith.constant 1 : index
    %get3A_5 = arith.constant 0 : index
    %get3A_6 = arith.constant 0 : index
    %get3A_7 = vector.load %arg1[%get3A_4, %get3A_5, %get3A_6] : memref<2x5120x1xf32, #tpu.memory_space<vmem>>, vector<1x5120x1xf32>
    %get3A_8 = vector.shape_cast %get3A_7 : vector<1x5120x1xf32> to vector<5120x1xf32>
    %add3A = arith.addf %get3A_3, %get3A_8 : vector<5120x1xf32>
    %gt3A = arith.constant 0.000000e+00 : f32
    %gt3A_9 = vector.broadcast %gt3A : f32 to vector<5120x1xf32>
    %gt3A_10 = arith.cmpf ogt, %add3A, %gt3A_9 : vector<5120x1xf32>
    %div3A = arith.constant 1.000000e+00 : f32
    %div3A_11 = vector.broadcast %div3A : f32 to vector<5120x1xf32>
    %div3A_12 = arith.divf %div3A_11, %add3A : vector<5120x1xf32>
    %jit3A = arith.constant 0.000000e+00 : f32
    %broadcast_in_dim3A = vector.broadcast %jit3A : f32 to vector<5120x1xf32>
    %select_n3A = arith.select %gt3A_10, %div3A_12, %broadcast_in_dim3A : vector<5120x1xi1>, vector<5120x1xf32>
    %get3A_13 = arith.constant 0 : index
    %get3A_14 = arith.constant 0 : index
    %get3A_15 = arith.constant 0 : index
    %get3A_16 = vector.load %arg0[%get3A_13, %get3A_14, %get3A_15] : memref<2x5120x128xf32, #tpu.memory_space<vmem>>, vector<1x5120x128xf32>
    %get3A_17 = vector.shape_cast %get3A_16 : vector<1x5120x128xf32> to vector<5120x128xf32>
    %get3A_18 = arith.constant 1 : index
    %get3A_19 = arith.constant 0 : index
    %get3A_20 = arith.constant 0 : index
    %get3A_21 = vector.load %arg0[%get3A_18, %get3A_19, %get3A_20] : memref<2x5120x128xf32, #tpu.memory_space<vmem>>, vector<1x5120x128xf32>
    %get3A_22 = vector.shape_cast %get3A_21 : vector<1x5120x128xf32> to vector<5120x128xf32>
    %add3A_23 = arith.addf %get3A_17, %get3A_22 : vector<5120x128xf32>
    %mul3A = vector.broadcast %select_n3A : vector<5120x1xf32> to vector<5120x128xf32>
    %mul3A_24 = arith.mulf %add3A_23, %mul3A : vector<5120x128xf32>
    %swap3A = arith.constant 0 : index
    %swap3A_25 = arith.constant 0 : index
    %swap3A_26 = vector.load %arg2[%swap3A, %swap3A_25] : memref<5120x128xf32, #tpu.memory_space<vmem>>, vector<5120x128xf32>
    tpu.vector_store %arg2[%swap3A, %swap3A_25], %mul3A_24 {strides = array<i32>} : memref<5120x128xf32, #tpu.memory_space<vmem>>, vector<5120x128xf32>,
    return
  }
}

module attributes {stable_mosaic.version = 14 : i64} {
  func.func @_tc_l2_body(%arg0: memref<2x10000x128xf32, #tpu.memory_space<vmem>>, %arg1: memref<10000x1xf32, #tpu.memory_space<vmem>>, %arg2: memref<128x128xf32, #tpu.memory_space<vmem>>, %arg3: memref<1x128xf32, #tpu.memory_space<vmem>>, %arg4: memref<10000x128xf32, #tpu.memory_space<vmem>>) attributes {dimension_semantics = [], scalar_prefetch = 0 : i64, scratch_operands = 0 : i64, tpu.core_type = #tpu.core_type<tc>} {
    %get3A = arith.constant 0 : index
    %get3A_0 = arith.constant 0 : index
    %get3A_1 = arith.constant 0 : index
    %get3A_2 = vector.load %arg0[%get3A, %get3A_0, %get3A_1] : memref<2x10000x128xf32, #tpu.memory_space<vmem>>, vector<1x10000x128xf32>
    %get3A_3 = vector.shape_cast %get3A_2 : vector<1x10000x128xf32> to vector<10000x128xf32>
    %get3A_4 = arith.constant 1 : index
    %get3A_5 = arith.constant 0 : index
    %get3A_6 = arith.constant 0 : index
    %get3A_7 = vector.load %arg0[%get3A_4, %get3A_5, %get3A_6] : memref<2x10000x128xf32, #tpu.memory_space<vmem>>, vector<1x10000x128xf32>
    %get3A_8 = vector.shape_cast %get3A_7 : vector<1x10000x128xf32> to vector<10000x128xf32>
    %add3A = arith.addf %get3A_3, %get3A_8 : vector<10000x128xf32>
    %get3A_9 = arith.constant 0 : index
    %get3A_10 = arith.constant 0 : index
    %get3A_11 = vector.load %arg1[%get3A_9, %get3A_10] : memref<10000x1xf32, #tpu.memory_space<vmem>>, vector<10000x1xf32>
    %mul3A = vector.broadcast %get3A_11 : vector<10000x1xf32> to vector<10000x128xf32>
    %mul3A_12 = arith.mulf %add3A, %mul3A : vector<10000x128xf32>
    %max3A = arith.constant 0.000000e+00 : f32
    %max3A_13 = vector.broadcast %max3A : f32 to vector<10000x128xf32>
    %max3A_14 = arith.maximumf %mul3A_12, %max3A_13 : vector<10000x128xf32>
    %get3A_15 = arith.constant 0 : index
    %get3A_16 = arith.constant 0 : index
    %get3A_17 = vector.load %arg2[%get3A_15, %get3A_16] : memref<128x128xf32, #tpu.memory_space<vmem>>, vector<128x128xf32>
    %dot_general3A = arith.constant dense<0.000000e+00> : vector<10000x128xf32>
    %dot_general3A_18 = tpu.matmul %max3A_14, %get3A_17, %dot_general3A {dimension_numbers = #tpu.dot_dimension_numbers<[1], [0], [0], [1], [0, 0, 1, 1], [], []>, transpose_lhs_hint = false} : vector<10000x128xf32>, vector<128x128xf32>, vector<10000x128xf32> -> vector<10000x128xf32>
    %get3A_19 = arith.constant 0 : index
    %get3A_20 = arith.constant 0 : index
    %get3A_21 = vector.load %arg3[%get3A_19, %get3A_20] : memref<1x128xf32, #tpu.memory_space<vmem>>, vector<1x128xf32>
    %add3A_22 = vector.broadcast %get3A_21 : vector<1x128xf32> to vector<10000x128xf32>
    %add3A_23 = arith.addf %dot_general3A_18, %add3A_22 : vector<10000x128xf32>
    %get3A_24 = arith.constant 0 : index
    %get3A_25 = arith.constant 0 : index
    %get3A_26 = vector.load %arg1[%get3A_24, %get3A_25] : memref<10000x1xf32, #tpu.memory_space<vmem>>, vector<10000x1xf32>
    %mul3A_27 = vector.broadcast %get3A_26 : vector<10000x1xf32> to vector<10000x128xf32>
    %mul3A_28 = arith.mulf %add3A_23, %mul3A_27 : vector<10000x128xf32>
    %swap3A = arith.constant 0 : index
    %swap3A_29 = arith.constant 0 : index
    %swap3A_30 = vector.load %arg4[%swap3A, %swap3A_29] : memref<10000x128xf32, #tpu.memory_space<vmem>>, vector<10000x128xf32>
    tpu.vector_store %arg4[%swap3A, %swap3A_29], %mul3A_28 {strides = array<i32>} : memref<10000x128xf32, #tpu.memory_space<vmem>>, vector<10000x128xf32>,
    return
  }
}

module attributes {stable_mosaic.version = 14 : i64} {
  func.func @_tc_final_body(%arg0: memref<2x10000x128xf32, #tpu.memory_space<vmem>>, %arg1: memref<10000x1xf32, #tpu.memory_space<vmem>>, %arg2: memref<1x128xf32, #tpu.memory_space<vmem>>, %arg3: memref<1x1xf32, #tpu.memory_space<vmem>>, %arg4: memref<1x1xf32, #tpu.memory_space<vmem>>) attributes {dimension_semantics = [], scalar_prefetch = 0 : i64, scratch_operands = 0 : i64, tpu.core_type = #tpu.core_type<tc>} {
    %get3A = arith.constant 0 : index
    %get3A_0 = arith.constant 0 : index
    %get3A_1 = arith.constant 0 : index
    %get3A_2 = vector.load %arg0[%get3A, %get3A_0, %get3A_1] : memref<2x10000x128xf32, #tpu.memory_space<vmem>>, vector<1x10000x128xf32>
    %get3A_3 = vector.shape_cast %get3A_2 : vector<1x10000x128xf32> to vector<10000x128xf32>
    %get3A_4 = arith.constant 1 : index
    %get3A_5 = arith.constant 0 : index
    %get3A_6 = arith.constant 0 : index
    %get3A_7 = vector.load %arg0[%get3A_4, %get3A_5, %get3A_6] : memref<2x10000x128xf32, #tpu.memory_space<vmem>>, vector<1x10000x128xf32>
    %get3A_8 = vector.shape_cast %get3A_7 : vector<1x10000x128xf32> to vector<10000x128xf32>
    %add3A = arith.addf %get3A_3, %get3A_8 : vector<10000x128xf32>
    %get3A_9 = arith.constant 0 : index
    %get3A_10 = arith.constant 0 : index
    %get3A_11 = vector.load %arg1[%get3A_9, %get3A_10] : memref<10000x1xf32, #tpu.memory_space<vmem>>, vector<10000x1xf32>
    %mul3A = vector.broadcast %get3A_11 : vector<10000x1xf32> to vector<10000x128xf32>
    %mul3A_12 = arith.mulf %add3A, %mul3A : vector<10000x128xf32>
    %max3A = arith.constant 0.000000e+00 : f32
    %max3A_13 = vector.broadcast %max3A : f32 to vector<10000x128xf32>
    %max3A_14 = arith.maximumf %mul3A_12, %max3A_13 : vector<10000x128xf32>
    %reduce_sum3A = arith.constant dense<0.000000e+00> : vector<128xf32>
    %reduce_sum3A_15 = vector.multi_reduction <add>, %max3A_14, %reduce_sum3A [0] : vector<10000x128xf32> to vector<128xf32>
    %broadcast_in_dim3A = vector.shape_cast %reduce_sum3A_15 : vector<128xf32> to vector<1x128xf32>
    %mul3A_16 = arith.constant 9.99999974E-5 : f32
    %mul3A_17 = vector.broadcast %mul3A_16 : f32 to vector<1x128xf32>
    %mul3A_18 = arith.mulf %broadcast_in_dim3A, %mul3A_17 : vector<1x128xf32>
    %get3A_19 = arith.constant 0 : index
    %get3A_20 = arith.constant 0 : index
    %get3A_21 = vector.load %arg2[%get3A_19, %get3A_20] : memref<1x128xf32, #tpu.memory_space<vmem>>, vector<1x128xf32>
    %mul3A_22 = arith.mulf %mul3A_18, %get3A_21 : vector<1x128xf32>
    %reduce_sum3A_23 = arith.constant dense<0.000000e+00> : vector<1xf32>
    %reduce_sum3A_24 = vector.multi_reduction <add>, %mul3A_22, %reduce_sum3A_23 [1] : vector<1x128xf32> to vector<1xf32>
    %broadcast_in_dim3A_25 = vector.shape_cast %reduce_sum3A_24 : vector<1xf32> to vector<1x1xf32>
    %get3A_26 = arith.constant 0 : index
    %get3A_27 = arith.constant 0 : index
    %get3A_28 = vector.load %arg3[%get3A_26, %get3A_27] : memref<1x1xf32, #tpu.memory_space<vmem>>, vector<1x1xf32>
    %add3A_29 = arith.addf %broadcast_in_dim3A_25, %get3A_28 : vector<1x1xf32>
    %swap3A = arith.constant 0 : index
    %swap3A_30 = arith.constant 0 : index
    %swap3A_31 = vector.load %arg4[%swap3A, %swap3A_30] : memref<1x1xf32, #tpu.memory_space<vmem>>, vector<1x1xf32>
    tpu.vector_store %arg4[%swap3A, %swap3A_30], %add3A_29 {strides = array<i32>} : memref<1x1xf32, #tpu.memory_space<vmem>>, vector<1x1xf32>,
    return
  }
}

</mosaic_0001>

<sc_bundles>
// kernel: kernel.13.cloned.1.call-start
scs
__scs_entry_jumppad:
0x0: {  	(pc) =	sbr.rel $0x88, $3  }
0x1: {  	(tag) =	ssettag $0x0;
	lr =	simm.s32 $0x1  }
0x2: {  	[smem:$0x3F98] =	sst lr;
	_ =	strace $0xD0000000  }
0x3: {  	_ = 	snop  }
0x4: {  	_ = 	snop  }
0x5: {  	_ = 	snop  }
0x6: {  	_ = 	snop  }
0x7: {  	_ = 	snop  }
__scs_overlays_trampoline_lowered:
0x8: {  	[smem:$0x3FA7] =	sst s0  }
0x9: {  	[smem:$0x3FA8] =	sst s1  }
0xa: {  	[smem:$0x3FA9] =	sst s2  }
0xb: {  	[smem:$0x3FAA] =	sst s3  }
0xc: {  	[smem:$0x3FAB] =	sst s4  }
0xd: {  	[smem:$0x3FAC] =	sst s5  }
0xe: {  	[smem:$0x3FAD] =	sst s6  }
0xf: {  	[smem:$0x3FAE] =	sst s7  }
0x10: {  	[smem:$0x3FAF] =	sst s8  }
0x11: {  	[smem:$0x3FB0] =	sst s9;
	s0 =	simm.s32 @!p0 $0x0  }
0x12: {  	s1 =	sld [smem:$0x3F96];
	s0 =	simm.s32 @p0 $0x1  }
0x13: {  	[smem:$0x3FB1] =	sst s0;
	s0 =	simm.s32 @!p1 $0x0  }
0x14: {  	s2 =	sld [smem:$0x3F95];
	s0 =	simm.s32 @p1 $0x1  }
0x15: {  	[smem:$0x3FB2] =	sst s0;
	s0 =	simm.s32 @!p2 $0x0  }
0x16: {  	s3 =	sld [smem:$0x3FDB];
	s0 =	simm.s32 @p2 $0x1  }
0x17: {  	s4 =	simm.s32 $0x1BF5;
	[smem:$0x3FB4] =	sst s0  }
0x18: {  	s0 =	sld [smem:$0x3F97];
	_ =	swait.ge [sflag:s4], $0x0  }
0x19: {  	s7 =	sld [smem:$0x3F98]  }
0x1a: {  	s8 =	sadd.s32 $0xFFFFE003, lr  }
0x1b: {  	s9 =	sadd.s32 $0xFFFFFEF7, lr;
	s5 =	simm.s32 $0xFFFFFFFF;
	p2 =	slt.u32 s8, $0xFFFFF086  }
0x1c: {  	p1 =	slt.u32 s9, $0xF7A;
	s5 =	simm.s32 @!p2 $0x0  }
0x1d: {  	s5 =	simm.s32 @p1 $0x1;
	p0 =	seq.s32 s7, s2  }
0x1e: {  	s7 =	smul.u32 @!p0 $0xF7A, s2;
	p2 =	seq.s32 @!p0 s5, $0x0  }
0x1f: {  	s9 =	smul.u32 $0xF7A, s1;
	s8 =	simm.s32 @!p0 $0x1BF5;
	p2 =	por !p2, p0  }
0x20: {  	[sflag:s8] =	ssyncset.s32 @!p0 $0xFFFFF086;
	s6 =	sadd.s32 @!p0 s3, s7;
	s7 =	simm.s32 @!p0 $0x108  }
0x21: {  	s3 =	sadd.s32 s3, s9;
	s6 =	sadd.s32 @!p0 $0x88, s6;
	s7 =	simm.s32 @p2 $0x1082  }
0x22: {  	[simem:s7], [sflag:s8] =	dma.local @!p0 [hbm:s6], $0xF7A  }
0x23: {  	s9 =	sor.u32 $0xD0000000, s2;
	s6 =	simm.s32 $0x108;
	_ =	swait.ge @!p0 [sflag:s8], $0x0  }
0x24: {  	s3 =	sadd.s32 $0x88, s3;
	s6 =	simm.s32 @!p1 $0x1082;
	[sflag:s4] =	ssyncset.s32 $0xFFFFF086  }
0x25: {  	[simem:s6], [sflag:s4] =	dma.local [hbm:s3], $0xF7A  }
0x26: {  	[smem:$0x3F98] =	sst s1;
	(tag) =	ssettag s2;
	_ =	strace s9  }
0x27: {  	s1 =	sld [smem:$0x3FA8]  }
0x28: {  	s2 =	sld [smem:$0x3FA9]  }
0x29: {  	s4 =	sld [smem:$0x3FAB]  }
0x2a: {  	p0 =	seq.s32 s5, $0x0;
	s5 =	sld [smem:$0x3FAC]  }
0x2b: {  	s6 =	sld [smem:$0x3FAD]  }
0x2c: {  	s7 =	sld [smem:$0x3FAE]  }
0x2d: {  	s3 =	simm.s32 $0x108;
	s8 =	sld [smem:$0x3FAF]  }
0x2e: {  	s3 =	simm.s32 @!p0 $0x1082;
	s9 =	sld [smem:$0x3FB0]  }
0x2f: {  	lr =	sadd.s32 s0, s3;
	s0 =	sld [smem:$0x3FA7]  }
0x30: {  	s3 =	sld [smem:$0x3FAA]  }
0x31: {  	[smem:$0x3FB3] =	sst s10  }
0x32: {  	s10 =	sld [smem:$0x3FB1];
	_ =	sdelay $0x3  }
0x33: {  	p0 =	seq.s32 s10, $0x1;
	s10 =	sld [smem:$0x3FB3];
	_ =	sdelay $0x3  }
0x34: {  	[smem:$0x3FB3] =	sst s10  }
0x35: {  	s10 =	sld [smem:$0x3FB2];
	_ =	sdelay $0x3  }
0x36: {  	p1 =	seq.s32 s10, $0x1;
	s10 =	sld [smem:$0x3FB3];
	_ =	sdelay $0x3  }
0x37: {  	[smem:$0x3FB3] =	sst s10  }
0x38: {  	s10 =	sld [smem:$0x3FB4]  }
0x39: {  	_ = 	snop;
	(pc) =	sbr.ind lr, $3  }
0x3a: {  	_ = 	snop  }
0x3b: {  	_ = 	snop  }
0x3c: {  	p2 =	seq.s32 s10, $0x1;
	s10 =	sld [smem:$0x3FB3]  }
0x3d: {  	_ =	shalt  }
0x3e: {  	_ =	shalt  }
0x3f: {  	_ =	shalt  }
0x40: {  	_ =	shalt  }
0x41: {  	_ =	shalt  }
0x42: {  	_ =	shalt  }
0x43: {  	_ =	shalt  }
0x44: {  	_ =	shalt  }
0x45: {  	_ =	shalt  }
0x46: {  	_ =	shalt  }
0x47: {  	_ =	shalt  }
0x48: {  	_ =	shalt  }
0x49: {  	_ =	shalt  }
0x4a: {  	_ =	shalt  }
0x4b: {  	_ =	shalt  }
0x4c: {  	_ =	shalt  }
0x4d: {  	_ =	shalt  }
0x4e: {  	_ =	shalt  }
0x4f: {  	_ =	shalt  }
0x50: {  	_ =	shalt  }
0x51: {  	_ =	shalt  }
0x52: {  	_ =	shalt  }
0x53: {  	_ =	shalt  }
0x54: {  	_ =	shalt  }
0x55: {  	_ =	shalt  }
0x56: {  	_ =	shalt  }
0x57: {  	_ =	shalt  }
0x58: {  	_ =	shalt  }
0x59: {  	_ =	shalt  }
0x5a: {  	_ =	shalt  }
0x5b: {  	_ =	shalt  }
0x5c: {  	_ =	shalt  }
0x5d: {  	_ =	shalt  }
0x5e: {  	_ =	shalt  }
0x5f: {  	_ =	shalt  }
0x60: {  	_ =	shalt  }
0x61: {  	_ =	shalt  }
0x62: {  	_ =	shalt  }
0x63: {  	_ =	shalt  }
0x64: {  	_ =	shalt  }
0x65: {  	_ =	shalt  }
0x66: {  	_ =	shalt  }
0x67: {  	_ =	shalt  }
0x68: {  	_ =	shalt  }
0x69: {  	_ =	shalt  }
0x6a: {  	_ =	shalt  }
0x6b: {  	_ =	shalt  }
0x6c: {  	_ =	shalt  }
0x6d: {  	_ =	shalt  }
0x6e: {  	_ =	shalt  }
0x6f: {  	_ =	shalt  }
0x70: {  	_ =	shalt  }
0x71: {  	_ =	shalt  }
0x72: {  	_ =	shalt  }
0x73: {  	_ =	shalt  }
0x74: {  	_ =	shalt  }
0x75: {  	_ =	shalt  }
0x76: {  	_ =	shalt  }
0x77: {  	_ =	shalt  }
0x78: {  	_ =	shalt  }
0x79: {  	_ =	shalt  }
0x7a: {  	_ =	shalt  }
0x7b: {  	_ =	shalt  }
0x7c: {  	_ =	shalt  }
0x7d: {  	_ =	shalt  }
0x7e: {  	_ =	shalt  }
0x7f: {  	_ =	shalt  }
0x80: {  	_ =	shalt  }
0x81: {  	_ =	shalt  }
0x82: {  	_ =	shalt  }
0x83: {  	_ =	shalt  }
0x84: {  	_ =	shalt  }
0x85: {  	_ =	shalt  }
0x86: {  	_ =	shalt  }
0x87: {  	_ =	shalt  }
.Lfunc_end0:
.L_simem_size_0:
called_computation_lowered:
.L_overlay_start_0:
0x88: {  	s2 =	sld [smem:$0x3FD9]  }
0x89: {  	s3 =	sld [smem:$0x3FFE];
	_ =	sdelay $0x1  }
0x8a: {  	s1 =	srdreg.scid  }
0x8b: {  	s0 =	sand.u32 $0x1, s1  }
0x8c: {  	s16 =	sshll.u32 s0, $0xA;
	s2 =	sadd.s32 s3, s2  }
0x8d: {  	s2 =	sadd.s32 s2, s16  }
0x8e: {  	[smem:$0x3FBF] =	sst s2  }
0x8f: {  	_ = 	snop  }
0x90: {  	(tm) =	ssettm $0x1  }
0x91: {  	s17 =	sld [smem:$0x3FFB];
	_ =	sdelay $0x3  }
0x92: {  	_ =	strace s17  }
0x93: {  	s2 =	sld [smem:$0x3FFC];
	_ =	sdelay $0x3  }
0x94: {  	_ =	strace s2  }
0x95: {  	s2 =	sld [smem:$0x3FFD];
	_ =	sdelay $0x3  }
0x96: {  	_ =	strace s2  }
0x97: {  	_ =	strace $0x8FFFFFFF  }
0x98: {  	s18 =	sld [smem:$0x3FDB];
	_ =	sdelay $0x1  }
0x99: {  	s19 =	simm.s32 $_scs_section_size  }
0x9a: {  	s4 =	simm.s32 $_size__tile_overlayer_lowered;
	s5 =	simm.s32 $_tile_overlayer_lowered  }
0x9b: {  	s22 =	simm.s32 $0x1BFF;
	s21 =	sshll.u32 s5, $0x1;
	s2 =	sadd.s32 s19, s18  }
0x9c: {  	s6 =	simm.s32 $0x0;
	s20 =	sshll.u32 s4, $0x1;
	s4 =	sadd.s32 s21, s2  }
0x9d: {  	[timem:s6], [sflag:s22] =	dma.local [hbm:s4], s20  }
0x9e: {  	_ =	swait.ge [sflag:s22], s20  }
0x9f: {  	s3 =	ssub.s32 $0x0, s20;
	[sflag:s22] =	ssyncset.done $0x0  }
0xa0: {  	[sflag:s22] =	ssyncadd.s32 s3;
	_ =	sdelay $0x1  }
0xa1: {  	s23 =	simm.s32 $0x1B8B  }
0xa2: {  	_ =	swait.ge [sflag:s23], $0x1  }
0xa3: {  	[sflag:s23] =	ssyncset.done $0x0  }
0xa4: {  	s25 =	simm.s32 $0x1B8E;
	s24 =	sld [smem:$0x3FFE];
	[sflag:s23] =	ssyncadd.s32 $0xFFFFFFFF  }
0xa5: {  	s26 =	simm.s32 $execute0_lowered;
	[smem:$0x3FD2] =	sst s25  }
0xa6: {  	s4 =	sshll.u32 s26, $0x1;
	_ =	strace $0x80000046;
	[dreg:$0x1] =	wrdreg $0xFFFFFFFF  }
0xa7: {  	s28 =	simm.s32 $_size_execute0_lowered;
	s2 =	sadd.s32 s2, s4;
	[dreg:$0x0] =	wrdreg $0x0  }
0xa8: {  	s4 =	sshll.u32 s28, $0x1;
	[dreg:$0x2] =	wrdreg s2  }
0xa9: {  	[dreg:$0x3] =	wrdreg s4  }
0xaa: {  	[dreg:$0x4] =	wrdreg $0xC0  }
0xab: {  	_ =	task [dreg:s6], $0x5FFFF  }
0xac: {  	[dreg:$0x1] =	wrdreg $0xFFFFFFFF  }
0xad: {  	[dreg:$0x0] =	wrdreg $0x60  }
0xae: {  	[dreg:$0x2] =	wrdreg s24  }
0xaf: {  	[dreg:$0x3] =	wrdreg $0x68000  }
0xb0: {  	[dreg:$0x4] =	wrdreg $0xA  }
0xb1: {  	_ =	task.clear_ibuf [dreg:s6], $0x5FFFF;
	_ =	strace $0x90000046  }
0xb2: {  	s29 =	simm.s32 $0xA;
	_ =	strace $0x80000048  }
0xb3: {  	_ =	swait.ge [sflag:s29], $0x1  }
0xb4: {  	[sflag:s29] =	ssyncadd.s32 $0xFFFFFFFF  }
0xb5: {  	_ =	strace $0x90000048  }
0xb6: {  	_ =	sfence  }
0xb7: {  	s30 =	sld [smem:$0x0];
	_ =	sdelay $0x2  }
0xb8: {  	s31 =	sshll.u32 s1, $0xD;
	s1 =	sshrl.u32 s1, $0x2  }
0xb9: {  	s3 =	sand.u32 $0x4000, s31;
	s1 =	sadd.s32 s1, s30  }
0xba: {  	s0 =	sor.u32 s3, s0;
	s1 =	sshll.u32 s1, $0x11  }
0xbb: {  	s0 =	sor.u32 s1, s0  }
0xbc: {  	s0 =	sadd.s32 $0x8F2B, s0  }
0xbd: {  	[sflag:s0] =	ssyncadd.remote.s32 $0x1  }
0xbe: {  	_ =	sfence.sel $0xFFFF  }
0xbf: {  	[dreg:$0x0] =	wrdreg $0xFFFFFFFF;
	(pc) =	sbr.abs _section_cstart, $3  }
0xc0: {  	[dreg:$0x1] =	wrdreg $0xFFFFFFFF  }
0xc1: {  	_ =	task.clear_ibuf [dreg:s6], $0x2FFFF;
	_ =	strace $0x9FFFFFFF  }
0xc2: {  	(tm) =	ssettm $0x7FFFFFFF  }
0xc3: {  	_ =	shalt  }
tec
execute0_lowered:
.L_overlay_start_1:
0x0: {  	(tag) =	ssettag $0x1  }
0x1: {  	s1 =	srdreg.scid;
	s6 =	rddreg [dreg:$0x0]  }
0x2: {  	s0 =	stileid.u32;
	s2 =	rddreg [dreg:$0x1]  }
0x3: {  	s3 =	simm.s32 $0x0;
	s12 =	simm.s32 $0x2800;
	s13 =	simm.s32 $0x80  }
0x4: {  	s14 =	simm.s32 $0x1;
	s15 =	simm.s32 $0x0;
	s7 =	smul.u32 $0x2780, s0  }
0x5: {  	s5 =	sand.u32 $0x1, s1;
	s28 =	sshll.u32 s0, $0x1;
	s10 =	smul.u32 $0x4F000, s0  }
0x6: {  	[smem:$0x7FF] =	sst s3;
	s1 =	sor.u32 s5, s28;
	s8 =	smul.u32 $0x27800, s5  }
0x7: {  	s31 =	sshll.u32 s0, $0x6;
	s5 =	ssub.s32 $0x2, s5;
	s4 =	smul.u32 $0x500, s1  }
0x8: {  	s1 =	rddreg [dreg:$0x2];
	_ =	strace $0x80000047;
	s29 =	sshrl.u32 s5, $0x1  }
0x9: {  	s30 =	sshrl.u32 s10, $0x2;
	s8 =	sadd.s32 s7, s8;
	s7 =	sadd.s32 s7, s6  }
0xa: {  	s11 =	ssub.s32 s5, s29;
	s10 =	sadd.s32 s30, s2;
	s9 =	sadd.s32 s4, s6  }
0xb: {  	s4 =	sadd.s32 $0x3F800, s6;
	s8 =	sadd.s32 s8, s6;
	s5 =	sadd.s32 $0x18000, s7  }
0xc: {  	s6 =	sor.u32 $0x1C02, s31;
	s10 =	sshrl.u32 s10, $0x3;
	s7 =	sadd.s32 $0x4000, s9  }
0xd: {  	s8 =	sadd.s32 $0x40000, s8;
	s9 =	smax.u32 s11, $0x1;
	s11 =	simm.s32 $0x2  }
.LBB2_1:
0xe: {  	[spmem:s10], [sflag:s6] =	dma.local [hbm:s5], $0x2780  }
0xf: {  	_ =	swait.ge [sflag:s11], $0x2780  }
0x10: {  	[sflag:s11] =	ssyncset.done $0x0  }
0x11: {  	[sflag:s11] =	ssyncadd.s32 $0xFFFFD880  }
0x12: {  	[tilespmem:s3], [sflag:$0x2] =	stream.linear.gather [hbm4b:s7+s3], $0x2800, $0x38;
	[tilespmem:$0x1A400] =	vst v63  }
0x13: {  	_ =	swait.ge [sflag:s11], $0x2800  }
0x14: {  	[sflag:s11] =	ssyncset.done $0x0  }
0x15: {  	[sflag:s11] =	ssyncadd.s32 $0xFFFFD800  }
0x16: {  	[tilespmem:s12], [sflag:$0x2] =	stream.linear.gather [hbm4b:s4+s3], $0x4000, $0x38;
	[tilespmem:$0x1A400] =	vst v63  }
0x17: {  	_ =	swait.ge [sflag:s11], $0x4000  }
0x18: {  	[sflag:s11] =	ssyncset.done $0x0  }
0x19: {  	[sflag:s11] =	ssyncadd.s32 $0xFFFFC000  }
0x1a: {  	s16 =	simm.s32 $0x0;
	[bflag:$0x0] =	sbarrier.arrive $0xFFFF  }
0x1b: {  	[spmem:s2] =	stream.indirect.scatter.add.f32 [tilespmem:s12], [sflag:$0x1], $0x80, s16, s13, $0xb8;
	[tilespmem:$0x1A400] =	vst v63  }
0x1c: {  	s24 =	simm.s32 $0x80  }
0x1d: {  	[spmem:s2] =	stream.indirect.scatter.add.f32 [tilespmem:s12], [sflag:$0x1], $0x80, s24, s13, $0xb8;
	[tilespmem:$0x1A400] =	vst v63  }
0x1e: {  	s25 =	simm.s32 $0x100  }
0x1f: {  	[spmem:s2] =	stream.indirect.scatter.add.f32 [tilespmem:s12], [sflag:$0x1], $0x80, s25, s13, $0xb8;
	[tilespmem:$0x1A400] =	vst v63  }
0x20: {  	s26 =	simm.s32 $0x180  }
0x21: {  	[spmem:s2] =	stream.indirect.scatter.add.f32 [tilespmem:s12], [sflag:$0x1], $0x80, s26, s13, $0xb8;
	[tilespmem:$0x1A400] =	vst v63  }
0x22: {  	s28 =	simm.s32 $0x200  }
0x23: {  	[spmem:s2] =	stream.indirect.scatter.add.f32 [tilespmem:s12], [sflag:$0x1], $0x80, s28, s13, $0xb8;
	[tilespmem:$0x1A400] =	vst v63  }
0x24: {  	s29 =	simm.s32 $0x280  }
0x25: {  	[spmem:s2] =	stream.indirect.scatter.add.f32 [tilespmem:s12], [sflag:$0x1], $0x80, s29, s13, $0xb8;
	[tilespmem:$0x1A400] =	vst v63  }
0x26: {  	s30 =	simm.s32 $0x300  }
0x27: {  	[spmem:s2] =	stream.indirect.scatter.add.f32 [tilespmem:s12], [sflag:$0x1], $0x80, s30, s13, $0xb8;
	[tilespmem:$0x1A400] =	vst v63  }
0x28: {  	s31 =	simm.s32 $0x380  }
0x29: {  	[spmem:s2] =	stream.indirect.scatter.add.f32 [tilespmem:s12], [sflag:$0x1], $0x80, s31, s13, $0xb8;
	[tilespmem:$0x1A400] =	vst v63  }
0x2a: {  	_ =	swait.ge [sflag:s14], $0x4000  }
0x2b: {  	[sflag:s14] =	ssyncset.done $0x0  }
0x2c: {  	[sflag:s14] =	ssyncadd.s32 $0xFFFFC000  }
0x2d: {  	_ =	swait.ge [sflag:s14], $0x4000  }
0x2e: {  	[sflag:s14] =	ssyncset.done $0x0  }
0x2f: {  	[sflag:s14] =	ssyncadd.s32 $0xFFFFC000  }
0x30: {  	_ =	swait.ge [sflag:s14], $0x4000  }
0x31: {  	[sflag:s14] =	ssyncset.done $0x0  }
0x32: {  	[sflag:s14] =	ssyncadd.s32 $0xFFFFC000  }
0x33: {  	_ =	swait.ge [sflag:s14], $0x4000  }
0x34: {  	[sflag:s14] =	ssyncset.done $0x0  }
0x35: {  	[sflag:s14] =	ssyncadd.s32 $0xFFFFC000  }
0x36: {  	_ =	swait.ge [sflag:s14], $0x4000  }
0x37: {  	[sflag:s14] =	ssyncset.done $0x0  }
0x38: {  	[sflag:s14] =	ssyncadd.s32 $0xFFFFC000  }
0x39: {  	_ =	swait.ge [sflag:s14], $0x4000  }
0x3a: {  	[sflag:s14] =	ssyncset.done $0x0  }
0x3b: {  	[sflag:s14] =	ssyncadd.s32 $0xFFFFC000  }
0x3c: {  	_ =	swait.ge [sflag:s14], $0x4000  }
0x3d: {  	[sflag:s14] =	ssyncset.done $0x0  }
0x3e: {  	[sflag:s14] =	ssyncadd.s32 $0xFFFFC000  }
0x3f: {  	_ =	swait.ge [sflag:s14], $0x4000  }
0x40: {  	s18 =	simm.s32 $0x2000;
	s16 =	simm.s32 $0x1000;
	[sflag:s14] =	ssyncset.done $0x0  }
.LBB2_2:
0x41: {  	s19 =	sshra.s32 s16, $0x2  }
0x42: {  	[sflag:s14] =	ssyncadd.s32 $0xFFFFC000;
	s16 =	smov.u32 s18;
	s17 =	sadd.s32 $0x1000, s18  }
0x43: {  	[spmem:s2] =	stream.indirect.scatter.add.f32 [tilespmem:s12], [sflag:$0x1], $0x80, s19, s13, $0xb8;
	[tilespmem:$0x1A400] =	vst v63  }
0x44: {  	p0 =	sne.s32 s18, $0x9000;
	s18 =	sadd.s32 $0x80, s19  }
0x45: {  	[spmem:s2] =	stream.indirect.scatter.add.f32 [tilespmem:s12], [sflag:$0x1], $0x80, s18, s13, $0xb8;
	[tilespmem:$0x1A400] =	vst v63  }
0x46: {  	s18 =	sadd.s32 $0x100, s19  }
0x47: {  	[spmem:s2] =	stream.indirect.scatter.add.f32 [tilespmem:s12], [sflag:$0x1], $0x80, s18, s13, $0xb8;
	[tilespmem:$0x1A400] =	vst v63  }
0x48: {  	s18 =	sadd.s32 $0x180, s19  }
0x49: {  	[spmem:s2] =	stream.indirect.scatter.add.f32 [tilespmem:s12], [sflag:$0x1], $0x80, s18, s13, $0xb8;
	[tilespmem:$0x1A400] =	vst v63  }
0x4a: {  	s18 =	sadd.s32 $0x200, s19  }
0x4b: {  	[spmem:s2] =	stream.indirect.scatter.add.f32 [tilespmem:s12], [sflag:$0x1], $0x80, s18, s13, $0xb8;
	[tilespmem:$0x1A400] =	vst v63  }
0x4c: {  	s18 =	sadd.s32 $0x280, s19  }
0x4d: {  	[spmem:s2] =	stream.indirect.scatter.add.f32 [tilespmem:s12], [sflag:$0x1], $0x80, s18, s13, $0xb8;
	[tilespmem:$0x1A400] =	vst v63  }
0x4e: {  	s18 =	sadd.s32 $0x300, s19  }
0x4f: {  	[spmem:s2] =	stream.indirect.scatter.add.f32 [tilespmem:s12], [sflag:$0x1], $0x80, s18, s13, $0xb8;
	[tilespmem:$0x1A400] =	vst v63  }
0x50: {  	s18 =	sadd.s32 $0x380, s19  }
0x51: {  	[spmem:s2] =	stream.indirect.scatter.add.f32 [tilespmem:s12], [sflag:$0x1], $0x80, s18, s13, $0xb8;
	[tilespmem:$0x1A400] =	vst v63  }
0x52: {  	_ =	swait.ge [sflag:s14], $0x4000  }
0x53: {  	[sflag:s14] =	ssyncset.done $0x0  }
0x54: {  	[sflag:s14] =	ssyncadd.s32 $0xFFFFC000  }
0x55: {  	_ =	swait.ge [sflag:s14], $0x4000  }
0x56: {  	[sflag:s14] =	ssyncset.done $0x0  }
0x57: {  	[sflag:s14] =	ssyncadd.s32 $0xFFFFC000  }
0x58: {  	_ =	swait.ge [sflag:s14], $0x4000  }
0x59: {  	[sflag:s14] =	ssyncset.done $0x0  }
0x5a: {  	[sflag:s14] =	ssyncadd.s32 $0xFFFFC000  }
0x5b: {  	_ =	swait.ge [sflag:s14], $0x4000  }
0x5c: {  	[sflag:s14] =	ssyncset.done $0x0  }
0x5d: {  	[sflag:s14] =	ssyncadd.s32 $0xFFFFC000  }
0x5e: {  	_ =	swait.ge [sflag:s14], $0x4000  }
0x5f: {  	[sflag:s14] =	ssyncset.done $0x0  }
0x60: {  	[sflag:s14] =	ssyncadd.s32 $0xFFFFC000  }
0x61: {  	_ =	swait.ge [sflag:s14], $0x4000  }
0x62: {  	[sflag:s14] =	ssyncset.done $0x0  }
0x63: {  	[sflag:s14] =	ssyncadd.s32 $0xFFFFC000  }
.Ltmp0:
0x64: {  	_ =	swait.ge [sflag:s14], $0x4000;
	(pc) =	sbr.rel @p0 .LBB2_2-.Ltmp0, $4  }
0x65: {  	[sflag:s14] =	ssyncset.done $0x0  }
0x66: {  	[sflag:s14] =	ssyncadd.s32 $0xFFFFC000  }
0x67: {  	_ =	swait.ge [sflag:s14], $0x4000  }
0x68: {  	s18 =	smov.u32 s17;
	[sflag:s14] =	ssyncset.done $0x0  }
0x69: {  	s16 =	sshra.s32 s16, $0x2;
	[sflag:s14] =	ssyncadd.s32 $0xFFFFC000  }
0x6a: {  	[spmem:s2] =	stream.indirect.scatter.add.f32 [tilespmem:s12], [sflag:$0x1], $0x80, s16, s13, $0xb8;
	[tilespmem:$0x1A400] =	vst v63  }
0x6b: {  	s17 =	sadd.s32 $0x80, s16  }
0x6c: {  	[spmem:s2] =	stream.indirect.scatter.add.f32 [tilespmem:s12], [sflag:$0x1], $0x80, s17, s13, $0xb8;
	[tilespmem:$0x1A400] =	vst v63  }
0x6d: {  	s26 =	sadd.s32 $0x100, s16  }
0x6e: {  	[spmem:s2] =	stream.indirect.scatter.add.f32 [tilespmem:s12], [sflag:$0x1], $0x80, s26, s13, $0xb8;
	[tilespmem:$0x1A400] =	vst v63  }
0x6f: {  	s28 =	sadd.s32 $0x180, s16  }
0x70: {  	[spmem:s2] =	stream.indirect.scatter.add.f32 [tilespmem:s12], [sflag:$0x1], $0x80, s28, s13, $0xb8;
	[tilespmem:$0x1A400] =	vst v63  }
0x71: {  	s29 =	sadd.s32 $0x200, s16  }
0x72: {  	[spmem:s2] =	stream.indirect.scatter.add.f32 [tilespmem:s12], [sflag:$0x1], $0x80, s29, s13, $0xb8;
	[tilespmem:$0x1A400] =	vst v63  }
0x73: {  	s30 =	sadd.s32 $0x280, s16  }
0x74: {  	[spmem:s2] =	stream.indirect.scatter.add.f32 [tilespmem:s12], [sflag:$0x1], $0x80, s30, s13, $0xb8;
	[tilespmem:$0x1A400] =	vst v63  }
0x75: {  	s31 =	sadd.s32 $0x300, s16  }
0x76: {  	[spmem:s2] =	stream.indirect.scatter.add.f32 [tilespmem:s12], [sflag:$0x1], $0x80, s31, s13, $0xb8;
	[tilespmem:$0x1A400] =	vst v63  }
0x77: {  	s16 =	sadd.s32 $0x380, s16  }
0x78: {  	[spmem:s2] =	stream.indirect.scatter.add.f32 [tilespmem:s12], [sflag:$0x1], $0x80, s16, s13, $0xb8;
	[tilespmem:$0x1A400] =	vst v63  }
0x79: {  	_ =	swait.ge [sflag:s14], $0x4000  }
0x7a: {  	[sflag:s14] =	ssyncset.done $0x0  }
0x7b: {  	[sflag:s14] =	ssyncadd.s32 $0xFFFFC000  }
0x7c: {  	_ =	swait.ge [sflag:s14], $0x4000  }
0x7d: {  	[sflag:s14] =	ssyncset.done $0x0  }
0x7e: {  	[sflag:s14] =	ssyncadd.s32 $0xFFFFC000  }
0x7f: {  	_ =	swait.ge [sflag:s14], $0x4000  }
0x80: {  	[sflag:s14] =	ssyncset.done $0x0  }
0x81: {  	[sflag:s14] =	ssyncadd.s32 $0xFFFFC000  }
0x82: {  	_ =	swait.ge [sflag:s14], $0x4000  }
0x83: {  	[sflag:s14] =	ssyncset.done $0x0  }
0x84: {  	[sflag:s14] =	ssyncadd.s32 $0xFFFFC000  }
0x85: {  	_ =	swait.ge [sflag:s14], $0x4000  }
0x86: {  	[sflag:s14] =	ssyncset.done $0x0  }
0x87: {  	[sflag:s14] =	ssyncadd.s32 $0xFFFFC000  }
0x88: {  	_ =	swait.ge [sflag:s14], $0x4000  }
0x89: {  	[sflag:s14] =	ssyncset.done $0x0  }
0x8a: {  	[sflag:s14] =	ssyncadd.s32 $0xFFFFC000  }
0x8b: {  	_ =	swait.ge [sflag:s14], $0x4000  }
0x8c: {  	[sflag:s14] =	ssyncset.done $0x0  }
0x8d: {  	[sflag:s14] =	ssyncadd.s32 $0xFFFFC000  }
0x8e: {  	_ =	swait.ge [sflag:s14], $0x4000  }
0x8f: {  	s15 =	sadd.s32 $0x1, s15;
	[sflag:s14] =	ssyncset.done $0x0  }
0x90: {  	p0 =	sne.s32 s15, s9;
	[sflag:s14] =	ssyncadd.s32 $0xFFFFC000  }
.Ltmp1:
0x91: {  	[bflag:$0x0] =	sbarrier.arrive $0xFFFF;
	(pc) =	sbr.rel @p0 .LBB2_1-.Ltmp1, $4  }
0x92: {  	[hbm:s8], [sflag:s6] =	dma.local [spmem:s10], $0x2780  }
0x93: {  	_ =	swait.ge [sflag:s11], $0x2780  }
0x94: {  	[sflag:s11] =	ssyncset.done $0x0  }
0x95: {  	[sflag:s11] =	ssyncadd.s32 $0xFFFFD880  }
0x96: {  	_ =	sfence.sel $0x180000  }
0x97: {  	[bflag:$0x0] =	sbarrier.arrive $0xFFFF  }
0x98: {  	p0 =	sne.s32 s0, $0x0;
	_ =	strace $0x90000047  }
0x99: {  	s0 =	sadd.s32 @!p0 $0x100000, s1;
	[bflag:$0x2] =	sbarrier.arrive $0xFFFF  }
0x9a: {  	[sflag:s0] =	ssyncadd.tile.s32 @!p0 $0x1;
	_ =	shalt  }
.Lfunc_end2:
_tile_overlayer_lowered:
.L_overlay_start_2:
0x9b: {  	(tag) =	ssettag $0x2  }
0x9c: {  	s0 =	rddreg [dreg:$0x0];
	s2 =	stileid.u32  }
0x9d: {  	s1 =	rddreg [dreg:$0x1];
	p0 =	sne.s32 s2, $0x0  }
0x9e: {  	s3 =	rddreg [dreg:$0x2];
	[bflag:$0x3] =	sbarrier.arrive $0xFFFF;
	s2 =	simm.s32 @!p0 $0x1C02  }
0x9f: {  	[timem:s3], [sflag:s2] =	dma.local @!p0 [hbm:s0], s1  }
0xa0: {  	s0 =	simm.s32 @!p0 $0x2  }
0xa1: {  	_ =	swait.ge @!p0 [sflag:s0], s1  }
0xa2: {  	s1 =	ssub.s32 @!p0 $0x0, s1;
	[sflag:s0] =	ssyncset.done @!p0 $0x0  }
0xa3: {  	[sflag:s0] =	ssyncadd.s32 @!p0 s1  }
0xa4: {  	[bflag:$0x3] =	sbarrier.arrive $0xFFFF  }
0xa5: {  	_ =	shalt  }

// kernel: kernel.16.cloned.1.call-start
scs
__scs_entry_jumppad:
0x0: {  	(pc) =	sbr.rel $0x88, $3  }
0x1: {  	(tag) =	ssettag $0x0;
	lr =	simm.s32 $0x1  }
0x2: {  	[smem:$0x3F98] =	sst lr;
	_ =	strace $0xD0000000  }
0x3: {  	_ = 	snop  }
0x4: {  	_ = 	snop  }
0x5: {  	_ = 	snop  }
0x6: {  	_ = 	snop  }
0x7: {  	_ = 	snop  }
__scs_overlays_trampoline_lowered:
0x8: {  	[smem:$0x3FA7] =	sst s0  }
0x9: {  	[smem:$0x3FA8] =	sst s1  }
0xa: {  	[smem:$0x3FA9] =	sst s2  }
0xb: {  	[smem:$0x3FAA] =	sst s3  }
0xc: {  	[smem:$0x3FAB] =	sst s4  }
0xd: {  	[smem:$0x3FAC] =	sst s5  }
0xe: {  	[smem:$0x3FAD] =	sst s6  }
0xf: {  	[smem:$0x3FAE] =	sst s7  }
0x10: {  	[smem:$0x3FAF] =	sst s8  }
0x11: {  	[smem:$0x3FB0] =	sst s9;
	s0 =	simm.s32 @!p0 $0x0  }
0x12: {  	s1 =	sld [smem:$0x3F96];
	s0 =	simm.s32 @p0 $0x1  }
0x13: {  	[smem:$0x3FB1] =	sst s0;
	s0 =	simm.s32 @!p1 $0x0  }
0x14: {  	s2 =	sld [smem:$0x3F95];
	s0 =	simm.s32 @p1 $0x1  }
0x15: {  	[smem:$0x3FB2] =	sst s0;
	s0 =	simm.s32 @!p2 $0x0  }
0x16: {  	s3 =	sld [smem:$0x3FDB];
	s0 =	simm.s32 @p2 $0x1  }
0x17: {  	s4 =	simm.s32 $0x1BF5;
	[smem:$0x3FB4] =	sst s0  }
0x18: {  	s0 =	sld [smem:$0x3F97];
	_ =	swait.ge [sflag:s4], $0x0  }
0x19: {  	s7 =	sld [smem:$0x3F98]  }
0x1a: {  	s8 =	sadd.s32 $0xFFFFE003, lr  }
0x1b: {  	s9 =	sadd.s32 $0xFFFFFEF7, lr;
	s5 =	simm.s32 $0xFFFFFFFF;
	p2 =	slt.u32 s8, $0xFFFFF086  }
0x1c: {  	p1 =	slt.u32 s9, $0xF7A;
	s5 =	simm.s32 @!p2 $0x0  }
0x1d: {  	s5 =	simm.s32 @p1 $0x1;
	p0 =	seq.s32 s7, s2  }
0x1e: {  	s7 =	smul.u32 @!p0 $0xF7A, s2;
	p2 =	seq.s32 @!p0 s5, $0x0  }
0x1f: {  	s9 =	smul.u32 $0xF7A, s1;
	s8 =	simm.s32 @!p0 $0x1BF5;
	p2 =	por !p2, p0  }
0x20: {  	[sflag:s8] =	ssyncset.s32 @!p0 $0xFFFFF086;
	s6 =	sadd.s32 @!p0 s3, s7;
	s7 =	simm.s32 @!p0 $0x108  }
0x21: {  	s3 =	sadd.s32 s3, s9;
	s6 =	sadd.s32 @!p0 $0x88, s6;
	s7 =	simm.s32 @p2 $0x1082  }
0x22: {  	[simem:s7], [sflag:s8] =	dma.local @!p0 [hbm:s6], $0xF7A  }
0x23: {  	s9 =	sor.u32 $0xD0000000, s2;
	s6 =	simm.s32 $0x108;
	_ =	swait.ge @!p0 [sflag:s8], $0x0  }
0x24: {  	s3 =	sadd.s32 $0x88, s3;
	s6 =	simm.s32 @!p1 $0x1082;
	[sflag:s4] =	ssyncset.s32 $0xFFFFF086  }
0x25: {  	[simem:s6], [sflag:s4] =	dma.local [hbm:s3], $0xF7A  }
0x26: {  	[smem:$0x3F98] =	sst s1;
	(tag) =	ssettag s2;
	_ =	strace s9  }
0x27: {  	s1 =	sld [smem:$0x3FA8]  }
0x28: {  	s2 =	sld [smem:$0x3FA9]  }
0x29: {  	s4 =	sld [smem:$0x3FAB]  }
0x2a: {  	p0 =	seq.s32 s5, $0x0;
	s5 =	sld [smem:$0x3FAC]  }
0x2b: {  	s6 =	sld [smem:$0x3FAD]  }
0x2c: {  	s7 =	sld [smem:$0x3FAE]  }
0x2d: {  	s3 =	simm.s32 $0x108;
	s8 =	sld [smem:$0x3FAF]  }
0x2e: {  	s3 =	simm.s32 @!p0 $0x1082;
	s9 =	sld [smem:$0x3FB0]  }
0x2f: {  	lr =	sadd.s32 s0, s3;
	s0 =	sld [smem:$0x3FA7]  }
0x30: {  	s3 =	sld [smem:$0x3FAA]  }
0x31: {  	[smem:$0x3FB3] =	sst s10  }
0x32: {  	s10 =	sld [smem:$0x3FB1];
	_ =	sdelay $0x3  }
0x33: {  	p0 =	seq.s32 s10, $0x1;
	s10 =	sld [smem:$0x3FB3];
	_ =	sdelay $0x3  }
0x34: {  	[smem:$0x3FB3] =	sst s10  }
0x35: {  	s10 =	sld [smem:$0x3FB2];
	_ =	sdelay $0x3  }
0x36: {  	p1 =	seq.s32 s10, $0x1;
	s10 =	sld [smem:$0x3FB3];
	_ =	sdelay $0x3  }
0x37: {  	[smem:$0x3FB3] =	sst s10  }
0x38: {  	s10 =	sld [smem:$0x3FB4]  }
0x39: {  	_ = 	snop;
	(pc) =	sbr.ind lr, $3  }
0x3a: {  	_ = 	snop  }
0x3b: {  	_ = 	snop  }
0x3c: {  	p2 =	seq.s32 s10, $0x1;
	s10 =	sld [smem:$0x3FB3]  }
0x3d: {  	_ =	shalt  }
0x3e: {  	_ =	shalt  }
0x3f: {  	_ =	shalt  }
0x40: {  	_ =	shalt  }
0x41: {  	_ =	shalt  }
0x42: {  	_ =	shalt  }
0x43: {  	_ =	shalt  }
0x44: {  	_ =	shalt  }
0x45: {  	_ =	shalt  }
0x46: {  	_ =	shalt  }
0x47: {  	_ =	shalt  }
0x48: {  	_ =	shalt  }
0x49: {  	_ =	shalt  }
0x4a: {  	_ =	shalt  }
0x4b: {  	_ =	shalt  }
0x4c: {  	_ =	shalt  }
0x4d: {  	_ =	shalt  }
0x4e: {  	_ =	shalt  }
0x4f: {  	_ =	shalt  }
0x50: {  	_ =	shalt  }
0x51: {  	_ =	shalt  }
0x52: {  	_ =	shalt  }
0x53: {  	_ =	shalt  }
0x54: {  	_ =	shalt  }
0x55: {  	_ =	shalt  }
0x56: {  	_ =	shalt  }
0x57: {  	_ =	shalt  }
0x58: {  	_ =	shalt  }
0x59: {  	_ =	shalt  }
0x5a: {  	_ =	shalt  }
0x5b: {  	_ =	shalt  }
0x5c: {  	_ =	shalt  }
0x5d: {  	_ =	shalt  }
0x5e: {  	_ =	shalt  }
0x5f: {  	_ =	shalt  }
0x60: {  	_ =	shalt  }
0x61: {  	_ =	shalt  }
0x62: {  	_ =	shalt  }
0x63: {  	_ =	shalt  }
0x64: {  	_ =	shalt  }
0x65: {  	_ =	shalt  }
0x66: {  	_ =	shalt  }
0x67: {  	_ =	shalt  }
0x68: {  	_ =	shalt  }
0x69: {  	_ =	shalt  }
0x6a: {  	_ =	shalt  }
0x6b: {  	_ =	shalt  }
0x6c: {  	_ =	shalt  }
0x6d: {  	_ =	shalt  }
0x6e: {  	_ =	shalt  }
0x6f: {  	_ =	shalt  }
0x70: {  	_ =	shalt  }
0x71: {  	_ =	shalt  }
0x72: {  	_ =	shalt  }
0x73: {  	_ =	shalt  }
0x74: {  	_ =	shalt  }
0x75: {  	_ =	shalt  }
0x76: {  	_ =	shalt  }
0x77: {  	_ =	shalt  }
0x78: {  	_ =	shalt  }
0x79: {  	_ =	shalt  }
0x7a: {  	_ =	shalt  }
0x7b: {  	_ =	shalt  }
0x7c: {  	_ =	shalt  }
0x7d: {  	_ =	shalt  }
0x7e: {  	_ =	shalt  }
0x7f: {  	_ =	shalt  }
0x80: {  	_ =	shalt  }
0x81: {  	_ =	shalt  }
0x82: {  	_ =	shalt  }
0x83: {  	_ =	shalt  }
0x84: {  	_ =	shalt  }
0x85: {  	_ =	shalt  }
0x86: {  	_ =	shalt  }
0x87: {  	_ =	shalt  }
.Lfunc_end0:
.L_simem_size_0:
called_computation.1_lowered:
.L_overlay_start_0:
0x88: {  	s2 =	sld [smem:$0x3FD9]  }
0x89: {  	s3 =	sld [smem:$0x3FFE];
	_ =	sdelay $0x1  }
0x8a: {  	s1 =	srdreg.scid  }
0x8b: {  	s0 =	sand.u32 $0x1, s1  }
0x8c: {  	s17 =	sshll.u32 s0, $0xA;
	s2 =	sadd.s32 s3, s2  }
0x8d: {  	s2 =	sadd.s32 s2, s17  }
0x8e: {  	[smem:$0x3FBF] =	sst s2  }
0x8f: {  	_ = 	snop  }
0x90: {  	(tm) =	ssettm $0x1  }
0x91: {  	s18 =	sld [smem:$0x3FFB];
	_ =	sdelay $0x3  }
0x92: {  	_ =	strace s18  }
0x93: {  	s2 =	sld [smem:$0x3FFC];
	_ =	sdelay $0x3  }
0x94: {  	_ =	strace s2  }
0x95: {  	s2 =	sld [smem:$0x3FFD];
	_ =	sdelay $0x3  }
0x96: {  	_ =	strace s2  }
0x97: {  	_ =	strace $0x8FFFFFFF  }
0x98: {  	s19 =	sld [smem:$0x3FDB];
	_ =	sdelay $0x1  }
0x99: {  	s20 =	simm.s32 $_scs_section_size  }
0x9a: {  	s4 =	simm.s32 $_size__tile_overlayer_lowered;
	s5 =	simm.s32 $_tile_overlayer_lowered  }
0x9b: {  	s6 =	simm.s32 $0x1BFF;
	s21 =	sshll.u32 s5, $0x1;
	s3 =	sadd.s32 s20, s19  }
0x9c: {  	s22 =	simm.s32 $0x0;
	s4 =	sshll.u32 s4, $0x1;
	s5 =	sadd.s32 s21, s3  }
0x9d: {  	[timem:s22], [sflag:s6] =	dma.local [hbm:s5], s4  }
0x9e: {  	_ =	swait.ge [sflag:s6], s4  }
0x9f: {  	s4 =	ssub.s32 $0x0, s4;
	[sflag:s6] =	ssyncset.done $0x0  }
0xa0: {  	[sflag:s6] =	ssyncadd.s32 s4;
	_ =	sdelay $0x1  }
0xa1: {  	s23 =	simm.s32 $0x1B8B  }
0xa2: {  	_ =	swait.ge [sflag:s23], $0x1  }
0xa3: {  	[sflag:s23] =	ssyncset.done $0x0  }
0xa4: {  	[sflag:s23] =	ssyncadd.s32 $0xFFFFFFFF  }
0xa5: {  	s4 =	sld [smem:$0x0]  }
0xa6: {  	s5 =	sand.u32 $0xFFFFFFFE, s1  }
0xa7: {  	p0 =	sne.s32 s1, s5  }
0xa8: {  	s5 =	sshll.u32 @p0 s5, $0xE  }
0xa9: {  	s5 =	sadd.s32 @p0 $0x11B8D, s5;
	s6 =	sshll.u32 @p0 s4, $0x11  }
0xaa: {  	s5 =	sor.u32 @p0 s6, s5  }
0xab: {  	[sflag:s5] =	ssyncadd.remote.s32 @p0 $0x1;
	_ =	sdelay $0x1  }
0xac: {  	s5 =	simm.s32 @p0 $0x1B8D  }
0xad: {  	_ =	swait.eq @p0 [sflag:s5], $0x1  }
0xae: {  	[sflag:s5] =	ssyncadd.s32 @p0 $0xFFFFFFFF  }
0xaf: {  	s6 =	sshll.u32 @!p0 s1, $0xE  }
0xb0: {  	s6 =	sor.u32 @!p0 $0x4000, s6;
	s5 =	simm.s32 @!p0 $0x1B8D  }
0xb1: {  	s4 =	sshll.u32 @!p0 s4, $0x11;
	s6 =	sadd.s32 @!p0 $0x11B8D, s6;
	_ =	swait.eq @!p0 [sflag:s5], $0x1  }
0xb2: {  	s4 =	sor.u32 @!p0 s4, s6;
	[sflag:s5] =	ssyncadd.s32 @!p0 $0xFFFFFFFF  }
0xb3: {  	s25 =	simm.s32 $0x1B8E;
	s24 =	sld [smem:$0x3FFE];
	[sflag:s4] =	ssyncadd.remote.s32 @!p0 $0x1  }
0xb4: {  	s26 =	simm.s32 $execute0_lowered;
	[smem:$0x3FD2] =	sst s25  }
0xb5: {  	s5 =	sshll.u32 s26, $0x1;
	_ =	strace $0x80000049;
	[dreg:$0x1] =	wrdreg $0xFFFFFFFF  }
0xb6: {  	s28 =	simm.s32 $_size_execute0_lowered;
	s3 =	sadd.s32 s3, s5;
	[dreg:$0x0] =	wrdreg $0x0  }
0xb7: {  	s5 =	sshll.u32 s28, $0x1;
	[dreg:$0x2] =	wrdreg s3  }
0xb8: {  	[dreg:$0x3] =	wrdreg s5  }
0xb9: {  	[dreg:$0x4] =	wrdreg $0xC0  }
0xba: {  	_ =	task [dreg:s22], $0x5FFFF  }
0xbb: {  	[dreg:$0x1] =	wrdreg $0xFFFFFFFF  }
0xbc: {  	[dreg:$0x0] =	wrdreg $0x60  }
0xbd: {  	[dreg:$0x2] =	wrdreg s24  }
0xbe: {  	[dreg:$0x3] =	wrdreg $0x68000  }
0xbf: {  	[dreg:$0x4] =	wrdreg $0x9  }
0xc0: {  	_ =	task.clear_ibuf [dreg:s22], $0x5FFFF;
	_ =	strace $0x90000049  }
0xc1: {  	s29 =	simm.s32 $0x9;
	_ =	strace $0x8000004B  }
0xc2: {  	_ =	swait.ge [sflag:s29], $0x1  }
0xc3: {  	[sflag:s29] =	ssyncadd.s32 $0xFFFFFFFF  }
0xc4: {  	_ =	strace $0x9000004B  }
0xc5: {  	_ =	sfence  }
0xc6: {  	s30 =	sld [smem:$0x0];
	_ =	sdelay $0x2  }
0xc7: {  	s31 =	sshll.u32 s1, $0xD;
	s1 =	sshrl.u32 s1, $0x2  }
0xc8: {  	s4 =	sand.u32 $0x4000, s31;
	s1 =	sadd.s32 s1, s30  }
0xc9: {  	s0 =	sor.u32 s4, s0;
	s1 =	sshll.u32 s1, $0x11  }
0xca: {  	s0 =	sor.u32 s1, s0  }
0xcb: {  	s0 =	sadd.s32 $0x8F2B, s0  }
0xcc: {  	[sflag:s0] =	ssyncadd.remote.s32 $0x1  }
0xcd: {  	_ =	sfence.sel $0xFFFF  }
0xce: {  	[dreg:$0x0] =	wrdreg $0xFFFFFFFF;
	(pc) =	sbr.abs _section_cstart, $3  }
0xcf: {  	[dreg:$0x1] =	wrdreg $0xFFFFFFFF  }
0xd0: {  	_ =	task.clear_ibuf [dreg:s22], $0x2FFFF;
	_ =	strace $0x9FFFFFFF  }
0xd1: {  	(tm) =	ssettm $0x7FFFFFFF  }
tec
execute0_lowered:
.L_overlay_start_1:
0x0: {  	(tag) =	ssettag $0x1  }
0x1: {  	s1 =	srdreg.scid;
	s6 =	rddreg [dreg:$0x0]  }
0x2: {  	s0 =	stileid.u32;
	s2 =	rddreg [dreg:$0x1]  }
0x3: {  	s3 =	simm.s32 $0x0;
	s12 =	simm.s32 $0x2800;
	s13 =	simm.s32 $0x80  }
0x4: {  	s14 =	simm.s32 $0x1;
	s15 =	simm.s32 $0x0;
	s7 =	smul.u32 $0x1400, s0  }
0x5: {  	s5 =	sand.u32 $0x1, s1;
	s28 =	sshll.u32 s0, $0x1;
	s10 =	smul.u32 $0x28000, s0  }
0x6: {  	[smem:$0x7FF] =	sst s3;
	s1 =	sor.u32 s5, s28;
	s8 =	smul.u32 $0x14000, s5  }
0x7: {  	s31 =	sshll.u32 s0, $0x6;
	s5 =	ssub.s32 $0x2, s5;
	s4 =	smul.u32 $0x500, s1  }
0x8: {  	s1 =	rddreg [dreg:$0x2];
	_ =	strace $0x8000004A;
	s29 =	sshrl.u32 s5, $0x1  }
0x9: {  	s30 =	sshrl.u32 s10, $0x2;
	s8 =	sadd.s32 s7, s8;
	s7 =	sadd.s32 s7, s6  }
0xa: {  	s11 =	ssub.s32 s5, s29;
	s10 =	sadd.s32 s30, s2;
	s9 =	sadd.s32 s4, s6  }
0xb: {  	s4 =	sadd.s32 $0x3F800, s6;
	s8 =	sadd.s32 s8, s6;
	s5 =	sadd.s32 $0x8F000, s7  }
0xc: {  	s6 =	sor.u32 $0x1C02, s31;
	s10 =	sshrl.u32 s10, $0x3;
	s7 =	sadd.s32 $0xE000, s9  }
0xd: {  	s8 =	sadd.s32 $0xA3000, s8;
	s9 =	smax.u32 s11, $0x1;
	s11 =	simm.s32 $0x2  }
.LBB2_1:
0xe: {  	[spmem:s10], [sflag:s6] =	dma.local [hbm:s5], $0x1400  }
0xf: {  	_ =	swait.ge [sflag:s11], $0x1400  }
0x10: {  	[sflag:s11] =	ssyncset.done $0x0  }
0x11: {  	[sflag:s11] =	ssyncadd.s32 $0xFFFFEC00  }
0x12: {  	[tilespmem:s3], [sflag:$0x2] =	stream.linear.gather [hbm4b:s7+s3], $0x2800, $0x38;
	[tilespmem:$0x10800] =	vst v63  }
0x13: {  	_ =	swait.ge [sflag:s11], $0x2800  }
0x14: {  	[sflag:s11] =	ssyncset.done $0x0  }
0x15: {  	[sflag:s11] =	ssyncadd.s32 $0xFFFFD800  }
0x16: {  	[tilespmem:s12], [sflag:$0x2] =	stream.linear.gather [hbm4b:s4+s3], $0x4000, $0x38;
	[tilespmem:$0x10800] =	vst v63  }
0x17: {  	_ =	swait.ge [sflag:s11], $0x4000  }
0x18: {  	[sflag:s11] =	ssyncset.done $0x0  }
0x19: {  	[sflag:s11] =	ssyncadd.s32 $0xFFFFC000  }
0x1a: {  	s16 =	simm.s32 $0x0;
	[bflag:$0x0] =	sbarrier.arrive $0xFFFF  }
0x1b: {  	[spmem:s2] =	stream.indirect.scatter.add.f32 [tilespmem:s12], [sflag:$0x1], $0x80, s16, s13, $0xb8;
	[tilespmem:$0x10800] =	vst v63  }
0x1c: {  	s24 =	simm.s32 $0x80  }
0x1d: {  	[spmem:s2] =	stream.indirect.scatter.add.f32 [tilespmem:s12], [sflag:$0x1], $0x80, s24, s13, $0xb8;
	[tilespmem:$0x10800] =	vst v63  }
0x1e: {  	s25 =	simm.s32 $0x100  }
0x1f: {  	[spmem:s2] =	stream.indirect.scatter.add.f32 [tilespmem:s12], [sflag:$0x1], $0x80, s25, s13, $0xb8;
	[tilespmem:$0x10800] =	vst v63  }
0x20: {  	s26 =	simm.s32 $0x180  }
0x21: {  	[spmem:s2] =	stream.indirect.scatter.add.f32 [tilespmem:s12], [sflag:$0x1], $0x80, s26, s13, $0xb8;
	[tilespmem:$0x10800] =	vst v63  }
0x22: {  	s28 =	simm.s32 $0x200  }
0x23: {  	[spmem:s2] =	stream.indirect.scatter.add.f32 [tilespmem:s12], [sflag:$0x1], $0x80, s28, s13, $0xb8;
	[tilespmem:$0x10800] =	vst v63  }
0x24: {  	s29 =	simm.s32 $0x280  }
0x25: {  	[spmem:s2] =	stream.indirect.scatter.add.f32 [tilespmem:s12], [sflag:$0x1], $0x80, s29, s13, $0xb8;
	[tilespmem:$0x10800] =	vst v63  }
0x26: {  	s30 =	simm.s32 $0x300  }
0x27: {  	[spmem:s2] =	stream.indirect.scatter.add.f32 [tilespmem:s12], [sflag:$0x1], $0x80, s30, s13, $0xb8;
	[tilespmem:$0x10800] =	vst v63  }
0x28: {  	s31 =	simm.s32 $0x380  }
0x29: {  	[spmem:s2] =	stream.indirect.scatter.add.f32 [tilespmem:s12], [sflag:$0x1], $0x80, s31, s13, $0xb8;
	[tilespmem:$0x10800] =	vst v63  }
0x2a: {  	_ =	swait.ge [sflag:s14], $0x4000  }
0x2b: {  	[sflag:s14] =	ssyncset.done $0x0  }
0x2c: {  	[sflag:s14] =	ssyncadd.s32 $0xFFFFC000  }
0x2d: {  	_ =	swait.ge [sflag:s14], $0x4000  }
0x2e: {  	[sflag:s14] =	ssyncset.done $0x0  }
0x2f: {  	[sflag:s14] =	ssyncadd.s32 $0xFFFFC000  }
0x30: {  	_ =	swait.ge [sflag:s14], $0x4000  }
0x31: {  	[sflag:s14] =	ssyncset.done $0x0  }
0x32: {  	[sflag:s14] =	ssyncadd.s32 $0xFFFFC000  }
0x33: {  	_ =	swait.ge [sflag:s14], $0x4000  }
0x34: {  	[sflag:s14] =	ssyncset.done $0x0  }
0x35: {  	[sflag:s14] =	ssyncadd.s32 $0xFFFFC000  }
0x36: {  	_ =	swait.ge [sflag:s14], $0x4000  }
0x37: {  	[sflag:s14] =	ssyncset.done $0x0  }
0x38: {  	[sflag:s14] =	ssyncadd.s32 $0xFFFFC000  }
0x39: {  	_ =	swait.ge [sflag:s14], $0x4000  }
0x3a: {  	[sflag:s14] =	ssyncset.done $0x0  }
0x3b: {  	[sflag:s14] =	ssyncadd.s32 $0xFFFFC000  }
0x3c: {  	_ =	swait.ge [sflag:s14], $0x4000  }
0x3d: {  	[sflag:s14] =	ssyncset.done $0x0  }
0x3e: {  	[sflag:s14] =	ssyncadd.s32 $0xFFFFC000  }
0x3f: {  	_ =	swait.ge [sflag:s14], $0x4000  }
0x40: {  	s18 =	simm.s32 $0x2000;
	s16 =	simm.s32 $0x1000;
	[sflag:s14] =	ssyncset.done $0x0  }
.LBB2_2:
0x41: {  	s19 =	sshra.s32 s16, $0x2  }
0x42: {  	[sflag:s14] =	ssyncadd.s32 $0xFFFFC000;
	s16 =	smov.u32 s18;
	s17 =	sadd.s32 $0x1000, s18  }
0x43: {  	[spmem:s2] =	stream.indirect.scatter.add.f32 [tilespmem:s12], [sflag:$0x1], $0x80, s19, s13, $0xb8;
	[tilespmem:$0x10800] =	vst v63  }
0x44: {  	p0 =	sne.s32 s18, $0x9000;
	s18 =	sadd.s32 $0x80, s19  }
0x45: {  	[spmem:s2] =	stream.indirect.scatter.add.f32 [tilespmem:s12], [sflag:$0x1], $0x80, s18, s13, $0xb8;
	[tilespmem:$0x10800] =	vst v63  }
0x46: {  	s18 =	sadd.s32 $0x100, s19  }
0x47: {  	[spmem:s2] =	stream.indirect.scatter.add.f32 [tilespmem:s12], [sflag:$0x1], $0x80, s18, s13, $0xb8;
	[tilespmem:$0x10800] =	vst v63  }
0x48: {  	s18 =	sadd.s32 $0x180, s19  }
0x49: {  	[spmem:s2] =	stream.indirect.scatter.add.f32 [tilespmem:s12], [sflag:$0x1], $0x80, s18, s13, $0xb8;
	[tilespmem:$0x10800] =	vst v63  }
0x4a: {  	s18 =	sadd.s32 $0x200, s19  }
0x4b: {  	[spmem:s2] =	stream.indirect.scatter.add.f32 [tilespmem:s12], [sflag:$0x1], $0x80, s18, s13, $0xb8;
	[tilespmem:$0x10800] =	vst v63  }
0x4c: {  	s18 =	sadd.s32 $0x280, s19  }
0x4d: {  	[spmem:s2] =	stream.indirect.scatter.add.f32 [tilespmem:s12], [sflag:$0x1], $0x80, s18, s13, $0xb8;
	[tilespmem:$0x10800] =	vst v63  }
0x4e: {  	s18 =	sadd.s32 $0x300, s19  }
0x4f: {  	[spmem:s2] =	stream.indirect.scatter.add.f32 [tilespmem:s12], [sflag:$0x1], $0x80, s18, s13, $0xb8;
	[tilespmem:$0x10800] =	vst v63  }
0x50: {  	s18 =	sadd.s32 $0x380, s19  }
0x51: {  	[spmem:s2] =	stream.indirect.scatter.add.f32 [tilespmem:s12], [sflag:$0x1], $0x80, s18, s13, $0xb8;
	[tilespmem:$0x10800] =	vst v63  }
0x52: {  	_ =	swait.ge [sflag:s14], $0x4000  }
0x53: {  	[sflag:s14] =	ssyncset.done $0x0  }
0x54: {  	[sflag:s14] =	ssyncadd.s32 $0xFFFFC000  }
0x55: {  	_ =	swait.ge [sflag:s14], $0x4000  }
0x56: {  	[sflag:s14] =	ssyncset.done $0x0  }
0x57: {  	[sflag:s14] =	ssyncadd.s32 $0xFFFFC000  }
0x58: {  	_ =	swait.ge [sflag:s14], $0x4000  }
0x59: {  	[sflag:s14] =	ssyncset.done $0x0  }
0x5a: {  	[sflag:s14] =	ssyncadd.s32 $0xFFFFC000  }
0x5b: {  	_ =	swait.ge [sflag:s14], $0x4000  }
0x5c: {  	[sflag:s14] =	ssyncset.done $0x0  }
0x5d: {  	[sflag:s14] =	ssyncadd.s32 $0xFFFFC000  }
0x5e: {  	_ =	swait.ge [sflag:s14], $0x4000  }
0x5f: {  	[sflag:s14] =	ssyncset.done $0x0  }
0x60: {  	[sflag:s14] =	ssyncadd.s32 $0xFFFFC000  }
0x61: {  	_ =	swait.ge [sflag:s14], $0x4000  }
0x62: {  	[sflag:s14] =	ssyncset.done $0x0  }
0x63: {  	[sflag:s14] =	ssyncadd.s32 $0xFFFFC000  }
.Ltmp0:
0x64: {  	_ =	swait.ge [sflag:s14], $0x4000;
	(pc) =	sbr.rel @p0 .LBB2_2-.Ltmp0, $4  }
0x65: {  	[sflag:s14] =	ssyncset.done $0x0  }
0x66: {  	[sflag:s14] =	ssyncadd.s32 $0xFFFFC000  }
0x67: {  	_ =	swait.ge [sflag:s14], $0x4000  }
0x68: {  	s18 =	smov.u32 s17;
	[sflag:s14] =	ssyncset.done $0x0  }
0x69: {  	s16 =	sshra.s32 s16, $0x2;
	[sflag:s14] =	ssyncadd.s32 $0xFFFFC000  }
0x6a: {  	[spmem:s2] =	stream.indirect.scatter.add.f32 [tilespmem:s12], [sflag:$0x1], $0x80, s16, s13, $0xb8;
	[tilespmem:$0x10800] =	vst v63  }
0x6b: {  	s17 =	sadd.s32 $0x80, s16  }
0x6c: {  	[spmem:s2] =	stream.indirect.scatter.add.f32 [tilespmem:s12], [sflag:$0x1], $0x80, s17, s13, $0xb8;
	[tilespmem:$0x10800] =	vst v63  }
0x6d: {  	s26 =	sadd.s32 $0x100, s16  }
0x6e: {  	[spmem:s2] =	stream.indirect.scatter.add.f32 [tilespmem:s12], [sflag:$0x1], $0x80, s26, s13, $0xb8;
	[tilespmem:$0x10800] =	vst v63  }
0x6f: {  	s28 =	sadd.s32 $0x180, s16  }
0x70: {  	[spmem:s2] =	stream.indirect.scatter.add.f32 [tilespmem:s12], [sflag:$0x1], $0x80, s28, s13, $0xb8;
	[tilespmem:$0x10800] =	vst v63  }
0x71: {  	s29 =	sadd.s32 $0x200, s16  }
0x72: {  	[spmem:s2] =	stream.indirect.scatter.add.f32 [tilespmem:s12], [sflag:$0x1], $0x80, s29, s13, $0xb8;
	[tilespmem:$0x10800] =	vst v63  }
0x73: {  	s30 =	sadd.s32 $0x280, s16  }
0x74: {  	[spmem:s2] =	stream.indirect.scatter.add.f32 [tilespmem:s12], [sflag:$0x1], $0x80, s30, s13, $0xb8;
	[tilespmem:$0x10800] =	vst v63  }
0x75: {  	s31 =	sadd.s32 $0x300, s16  }
0x76: {  	[spmem:s2] =	stream.indirect.scatter.add.f32 [tilespmem:s12], [sflag:$0x1], $0x80, s31, s13, $0xb8;
	[tilespmem:$0x10800] =	vst v63  }
0x77: {  	s16 =	sadd.s32 $0x380, s16  }
0x78: {  	[spmem:s2] =	stream.indirect.scatter.add.f32 [tilespmem:s12], [sflag:$0x1], $0x80, s16, s13, $0xb8;
	[tilespmem:$0x10800] =	vst v63  }
0x79: {  	_ =	swait.ge [sflag:s14], $0x4000  }
0x7a: {  	[sflag:s14] =	ssyncset.done $0x0  }
0x7b: {  	[sflag:s14] =	ssyncadd.s32 $0xFFFFC000  }
0x7c: {  	_ =	swait.ge [sflag:s14], $0x4000  }
0x7d: {  	[sflag:s14] =	ssyncset.done $0x0  }
0x7e: {  	[sflag:s14] =	ssyncadd.s32 $0xFFFFC000  }
0x7f: {  	_ =	swait.ge [sflag:s14], $0x4000  }
0x80: {  	[sflag:s14] =	ssyncset.done $0x0  }
0x81: {  	[sflag:s14] =	ssyncadd.s32 $0xFFFFC000  }
0x82: {  	_ =	swait.ge [sflag:s14], $0x4000  }
0x83: {  	[sflag:s14] =	ssyncset.done $0x0  }
0x84: {  	[sflag:s14] =	ssyncadd.s32 $0xFFFFC000  }
0x85: {  	_ =	swait.ge [sflag:s14], $0x4000  }
0x86: {  	[sflag:s14] =	ssyncset.done $0x0  }
0x87: {  	[sflag:s14] =	ssyncadd.s32 $0xFFFFC000  }
0x88: {  	_ =	swait.ge [sflag:s14], $0x4000  }
0x89: {  	[sflag:s14] =	ssyncset.done $0x0  }
0x8a: {  	[sflag:s14] =	ssyncadd.s32 $0xFFFFC000  }
0x8b: {  	_ =	swait.ge [sflag:s14], $0x4000  }
0x8c: {  	[sflag:s14] =	ssyncset.done $0x0  }
0x8d: {  	[sflag:s14] =	ssyncadd.s32 $0xFFFFC000  }
0x8e: {  	_ =	swait.ge [sflag:s14], $0x4000  }
0x8f: {  	s15 =	sadd.s32 $0x1, s15;
	[sflag:s14] =	ssyncset.done $0x0  }
0x90: {  	p0 =	sne.s32 s15, s9;
	[sflag:s14] =	ssyncadd.s32 $0xFFFFC000  }
.Ltmp1:
0x91: {  	[bflag:$0x0] =	sbarrier.arrive $0xFFFF;
	(pc) =	sbr.rel @p0 .LBB2_1-.Ltmp1, $4  }
0x92: {  	[hbm:s8], [sflag:s6] =	dma.local [spmem:s10], $0x1400  }
0x93: {  	_ =	swait.ge [sflag:s11], $0x1400  }
0x94: {  	[sflag:s11] =	ssyncset.done $0x0  }
0x95: {  	[sflag:s11] =	ssyncadd.s32 $0xFFFFEC00  }
0x96: {  	_ =	sfence.sel $0x180000  }
0x97: {  	[bflag:$0x0] =	sbarrier.arrive $0xFFFF  }
0x98: {  	p0 =	sne.s32 s0, $0x0;
	_ =	strace $0x9000004A  }
0x99: {  	s0 =	sadd.s32 @!p0 $0x100000, s1;
	[bflag:$0x2] =	sbarrier.arrive $0xFFFF  }
0x9a: {  	[sflag:s0] =	ssyncadd.tile.s32 @!p0 $0x1;
	_ =	shalt  }
.Lfunc_end2:
_tile_overlayer_lowered:
.L_overlay_start_2:
0x9b: {  	(tag) =	ssettag $0x2  }
0x9c: {  	s0 =	rddreg [dreg:$0x0];
	s2 =	stileid.u32  }
0x9d: {  	s1 =	rddreg [dreg:$0x1];
	p0 =	sne.s32 s2, $0x0  }
0x9e: {  	s3 =	rddreg [dreg:$0x2];
	[bflag:$0x3] =	sbarrier.arrive $0xFFFF;
	s2 =	simm.s32 @!p0 $0x1C02  }
0x9f: {  	[timem:s3], [sflag:s2] =	dma.local @!p0 [hbm:s0], s1  }
0xa0: {  	s0 =	simm.s32 @!p0 $0x2  }
0xa1: {  	_ =	swait.ge @!p0 [sflag:s0], s1  }
0xa2: {  	s1 =	ssub.s32 @!p0 $0x0, s1;
	[sflag:s0] =	ssyncset.done @!p0 $0x0  }
0xa3: {  	[sflag:s0] =	ssyncadd.s32 @!p0 s1  }
0xa4: {  	[bflag:$0x3] =	sbarrier.arrive $0xFFFF  }
0xa5: {  	_ =	shalt  }

// kernel: kernel.19.cloned.1.call-start
scs
__scs_entry_jumppad:
0x0: {  	(pc) =	sbr.rel $0x88, $3  }
0x1: {  	(tag) =	ssettag $0x0;
	lr =	simm.s32 $0x1  }
0x2: {  	[smem:$0x3F98] =	sst lr;
	_ =	strace $0xD0000000  }
0x3: {  	_ = 	snop  }
0x4: {  	_ = 	snop  }
0x5: {  	_ = 	snop  }
0x6: {  	_ = 	snop  }
0x7: {  	_ = 	snop  }
__scs_overlays_trampoline_lowered:
0x8: {  	[smem:$0x3FA7] =	sst s0  }
0x9: {  	[smem:$0x3FA8] =	sst s1  }
0xa: {  	[smem:$0x3FA9] =	sst s2  }
0xb: {  	[smem:$0x3FAA] =	sst s3  }
0xc: {  	[smem:$0x3FAB] =	sst s4  }
0xd: {  	[smem:$0x3FAC] =	sst s5  }
0xe: {  	[smem:$0x3FAD] =	sst s6  }
0xf: {  	[smem:$0x3FAE] =	sst s7  }
0x10: {  	[smem:$0x3FAF] =	sst s8  }
0x11: {  	[smem:$0x3FB0] =	sst s9;
	s0 =	simm.s32 @!p0 $0x0  }
0x12: {  	s1 =	sld [smem:$0x3F96];
	s0 =	simm.s32 @p0 $0x1  }
0x13: {  	[smem:$0x3FB1] =	sst s0;
	s0 =	simm.s32 @!p1 $0x0  }
0x14: {  	s2 =	sld [smem:$0x3F95];
	s0 =	simm.s32 @p1 $0x1  }
0x15: {  	[smem:$0x3FB2] =	sst s0;
	s0 =	simm.s32 @!p2 $0x0  }
0x16: {  	s3 =	sld [smem:$0x3FDB];
	s0 =	simm.s32 @p2 $0x1  }
0x17: {  	s4 =	simm.s32 $0x1BF5;
	[smem:$0x3FB4] =	sst s0  }
0x18: {  	s0 =	sld [smem:$0x3F97];
	_ =	swait.ge [sflag:s4], $0x0  }
0x19: {  	s7 =	sld [smem:$0x3F98]  }
0x1a: {  	s8 =	sadd.s32 $0xFFFFE003, lr  }
0x1b: {  	s9 =	sadd.s32 $0xFFFFFEF7, lr;
	s5 =	simm.s32 $0xFFFFFFFF;
	p2 =	slt.u32 s8, $0xFFFFF086  }
0x1c: {  	p1 =	slt.u32 s9, $0xF7A;
	s5 =	simm.s32 @!p2 $0x0  }
0x1d: {  	s5 =	simm.s32 @p1 $0x1;
	p0 =	seq.s32 s7, s2  }
0x1e: {  	s7 =	smul.u32 @!p0 $0xF7A, s2;
	p2 =	seq.s32 @!p0 s5, $0x0  }
0x1f: {  	s9 =	smul.u32 $0xF7A, s1;
	s8 =	simm.s32 @!p0 $0x1BF5;
	p2 =	por !p2, p0  }
0x20: {  	[sflag:s8] =	ssyncset.s32 @!p0 $0xFFFFF086;
	s6 =	sadd.s32 @!p0 s3, s7;
	s7 =	simm.s32 @!p0 $0x108  }
0x21: {  	s3 =	sadd.s32 s3, s9;
	s6 =	sadd.s32 @!p0 $0x88, s6;
	s7 =	simm.s32 @p2 $0x1082  }
0x22: {  	[simem:s7], [sflag:s8] =	dma.local @!p0 [hbm:s6], $0xF7A  }
0x23: {  	s9 =	sor.u32 $0xD0000000, s2;
	s6 =	simm.s32 $0x108;
	_ =	swait.ge @!p0 [sflag:s8], $0x0  }
0x24: {  	s3 =	sadd.s32 $0x88, s3;
	s6 =	simm.s32 @!p1 $0x1082;
	[sflag:s4] =	ssyncset.s32 $0xFFFFF086  }
0x25: {  	[simem:s6], [sflag:s4] =	dma.local [hbm:s3], $0xF7A  }
0x26: {  	[smem:$0x3F98] =	sst s1;
	(tag) =	ssettag s2;
	_ =	strace s9  }
0x27: {  	s1 =	sld [smem:$0x3FA8]  }
0x28: {  	s2 =	sld [smem:$0x3FA9]  }
0x29: {  	s4 =	sld [smem:$0x3FAB]  }
0x2a: {  	p0 =	seq.s32 s5, $0x0;
	s5 =	sld [smem:$0x3FAC]  }
0x2b: {  	s6 =	sld [smem:$0x3FAD]  }
0x2c: {  	s7 =	sld [smem:$0x3FAE]  }
0x2d: {  	s3 =	simm.s32 $0x108;
	s8 =	sld [smem:$0x3FAF]  }
0x2e: {  	s3 =	simm.s32 @!p0 $0x1082;
	s9 =	sld [smem:$0x3FB0]  }
0x2f: {  	lr =	sadd.s32 s0, s3;
	s0 =	sld [smem:$0x3FA7]  }
0x30: {  	s3 =	sld [smem:$0x3FAA]  }
0x31: {  	[smem:$0x3FB3] =	sst s10  }
0x32: {  	s10 =	sld [smem:$0x3FB1];
	_ =	sdelay $0x3  }
0x33: {  	p0 =	seq.s32 s10, $0x1;
	s10 =	sld [smem:$0x3FB3];
	_ =	sdelay $0x3  }
0x34: {  	[smem:$0x3FB3] =	sst s10  }
0x35: {  	s10 =	sld [smem:$0x3FB2];
	_ =	sdelay $0x3  }
0x36: {  	p1 =	seq.s32 s10, $0x1;
	s10 =	sld [smem:$0x3FB3];
	_ =	sdelay $0x3  }
0x37: {  	[smem:$0x3FB3] =	sst s10  }
0x38: {  	s10 =	sld [smem:$0x3FB4]  }
0x39: {  	_ = 	snop;
	(pc) =	sbr.ind lr, $3  }
0x3a: {  	_ = 	snop  }
0x3b: {  	_ = 	snop  }
0x3c: {  	p2 =	seq.s32 s10, $0x1;
	s10 =	sld [smem:$0x3FB3]  }
0x3d: {  	_ =	shalt  }
0x3e: {  	_ =	shalt  }
0x3f: {  	_ =	shalt  }
0x40: {  	_ =	shalt  }
0x41: {  	_ =	shalt  }
0x42: {  	_ =	shalt  }
0x43: {  	_ =	shalt  }
0x44: {  	_ =	shalt  }
0x45: {  	_ =	shalt  }
0x46: {  	_ =	shalt  }
0x47: {  	_ =	shalt  }
0x48: {  	_ =	shalt  }
0x49: {  	_ =	shalt  }
0x4a: {  	_ =	shalt  }
0x4b: {  	_ =	shalt  }
0x4c: {  	_ =	shalt  }
0x4d: {  	_ =	shalt  }
0x4e: {  	_ =	shalt  }
0x4f: {  	_ =	shalt  }
0x50: {  	_ =	shalt  }
0x51: {  	_ =	shalt  }
0x52: {  	_ =	shalt  }
0x53: {  	_ =	shalt  }
0x54: {  	_ =	shalt  }
0x55: {  	_ =	shalt  }
0x56: {  	_ =	shalt  }
0x57: {  	_ =	shalt  }
0x58: {  	_ =	shalt  }
0x59: {  	_ =	shalt  }
0x5a: {  	_ =	shalt  }
0x5b: {  	_ =	shalt  }
0x5c: {  	_ =	shalt  }
0x5d: {  	_ =	shalt  }
0x5e: {  	_ =	shalt  }
0x5f: {  	_ =	shalt  }
0x60: {  	_ =	shalt  }
0x61: {  	_ =	shalt  }
0x62: {  	_ =	shalt  }
0x63: {  	_ =	shalt  }
0x64: {  	_ =	shalt  }
0x65: {  	_ =	shalt  }
0x66: {  	_ =	shalt  }
0x67: {  	_ =	shalt  }
0x68: {  	_ =	shalt  }
0x69: {  	_ =	shalt  }
0x6a: {  	_ =	shalt  }
0x6b: {  	_ =	shalt  }
0x6c: {  	_ =	shalt  }
0x6d: {  	_ =	shalt  }
0x6e: {  	_ =	shalt  }
0x6f: {  	_ =	shalt  }
0x70: {  	_ =	shalt  }
0x71: {  	_ =	shalt  }
0x72: {  	_ =	shalt  }
0x73: {  	_ =	shalt  }
0x74: {  	_ =	shalt  }
0x75: {  	_ =	shalt  }
0x76: {  	_ =	shalt  }
0x77: {  	_ =	shalt  }
0x78: {  	_ =	shalt  }
0x79: {  	_ =	shalt  }
0x7a: {  	_ =	shalt  }
0x7b: {  	_ =	shalt  }
0x7c: {  	_ =	shalt  }
0x7d: {  	_ =	shalt  }
0x7e: {  	_ =	shalt  }
0x7f: {  	_ =	shalt  }
0x80: {  	_ =	shalt  }
0x81: {  	_ =	shalt  }
0x82: {  	_ =	shalt  }
0x83: {  	_ =	shalt  }
0x84: {  	_ =	shalt  }
0x85: {  	_ =	shalt  }
0x86: {  	_ =	shalt  }
0x87: {  	_ =	shalt  }
.Lfunc_end0:
.L_simem_size_0:
called_computation.2_lowered:
.L_overlay_start_0:
0x88: {  	s2 =	sld [smem:$0x3FD9]  }
0x89: {  	s3 =	sld [smem:$0x3FFE];
	_ =	sdelay $0x1  }
0x8a: {  	s1 =	srdreg.scid  }
0x8b: {  	s0 =	sand.u32 $0x1, s1  }
0x8c: {  	s17 =	sshll.u32 s0, $0xA;
	s2 =	sadd.s32 s3, s2  }
0x8d: {  	s2 =	sadd.s32 s2, s17  }
0x8e: {  	[smem:$0x3FBF] =	sst s2  }
0x8f: {  	_ = 	snop  }
0x90: {  	(tm) =	ssettm $0x1  }
0x91: {  	s18 =	sld [smem:$0x3FFB];
	_ =	sdelay $0x3  }
0x92: {  	_ =	strace s18  }
0x93: {  	s2 =	sld [smem:$0x3FFC];
	_ =	sdelay $0x3  }
0x94: {  	_ =	strace s2  }
0x95: {  	s2 =	sld [smem:$0x3FFD];
	_ =	sdelay $0x3  }
0x96: {  	_ =	strace s2  }
0x97: {  	_ =	strace $0x8FFFFFFF  }
0x98: {  	s19 =	sld [smem:$0x3FDB];
	_ =	sdelay $0x1  }
0x99: {  	s20 =	simm.s32 $_scs_section_size  }
0x9a: {  	s4 =	simm.s32 $_size__tile_overlayer_lowered;
	s5 =	simm.s32 $_tile_overlayer_lowered  }
0x9b: {  	s6 =	simm.s32 $0x1BFF;
	s21 =	sshll.u32 s5, $0x1;
	s3 =	sadd.s32 s20, s19  }
0x9c: {  	s22 =	simm.s32 $0x0;
	s4 =	sshll.u32 s4, $0x1;
	s5 =	sadd.s32 s21, s3  }
0x9d: {  	[timem:s22], [sflag:s6] =	dma.local [hbm:s5], s4  }
0x9e: {  	_ =	swait.ge [sflag:s6], s4  }
0x9f: {  	s4 =	ssub.s32 $0x0, s4;
	[sflag:s6] =	ssyncset.done $0x0  }
0xa0: {  	[sflag:s6] =	ssyncadd.s32 s4;
	_ =	sdelay $0x1  }
0xa1: {  	s23 =	simm.s32 $0x1B8B  }
0xa2: {  	_ =	swait.ge [sflag:s23], $0x1  }
0xa3: {  	[sflag:s23] =	ssyncset.done $0x0  }
0xa4: {  	[sflag:s23] =	ssyncadd.s32 $0xFFFFFFFF  }
0xa5: {  	s4 =	sld [smem:$0x0]  }
0xa6: {  	s5 =	sand.u32 $0xFFFFFFFE, s1  }
0xa7: {  	p0 =	sne.s32 s1, s5  }
0xa8: {  	s5 =	sshll.u32 @p0 s5, $0xE  }
0xa9: {  	s5 =	sadd.s32 @p0 $0x11B8D, s5;
	s6 =	sshll.u32 @p0 s4, $0x11  }
0xaa: {  	s5 =	sor.u32 @p0 s6, s5  }
0xab: {  	[sflag:s5] =	ssyncadd.remote.s32 @p0 $0x1;
	_ =	sdelay $0x1  }
0xac: {  	s5 =	simm.s32 @p0 $0x1B8D  }
0xad: {  	_ =	swait.eq @p0 [sflag:s5], $0x1  }
0xae: {  	[sflag:s5] =	ssyncadd.s32 @p0 $0xFFFFFFFF  }
0xaf: {  	s6 =	sshll.u32 @!p0 s1, $0xE  }
0xb0: {  	s6 =	sor.u32 @!p0 $0x4000, s6;
	s5 =	simm.s32 @!p0 $0x1B8D  }
0xb1: {  	s4 =	sshll.u32 @!p0 s4, $0x11;
	s6 =	sadd.s32 @!p0 $0x11B8D, s6;
	_ =	swait.eq @!p0 [sflag:s5], $0x1  }
0xb2: {  	s4 =	sor.u32 @!p0 s4, s6;
	[sflag:s5] =	ssyncadd.s32 @!p0 $0xFFFFFFFF  }
0xb3: {  	s25 =	simm.s32 $0x1B8E;
	s24 =	sld [smem:$0x3FFE];
	[sflag:s4] =	ssyncadd.remote.s32 @!p0 $0x1  }
0xb4: {  	s26 =	simm.s32 $execute0_lowered;
	[smem:$0x3FD2] =	sst s25  }
0xb5: {  	s5 =	sshll.u32 s26, $0x1;
	_ =	strace $0x8000004C;
	[dreg:$0x1] =	wrdreg $0xFFFFFFFF  }
0xb6: {  	s28 =	simm.s32 $_size_execute0_lowered;
	s3 =	sadd.s32 s3, s5;
	[dreg:$0x0] =	wrdreg $0x0  }
0xb7: {  	s5 =	sshll.u32 s28, $0x1;
	[dreg:$0x2] =	wrdreg s3  }
0xb8: {  	[dreg:$0x3] =	wrdreg s5  }
0xb9: {  	[dreg:$0x4] =	wrdreg $0xC0  }
0xba: {  	_ =	task [dreg:s22], $0x5FFFF  }
0xbb: {  	[dreg:$0x1] =	wrdreg $0xFFFFFFFF  }
0xbc: {  	[dreg:$0x0] =	wrdreg $0x60  }
0xbd: {  	[dreg:$0x2] =	wrdreg s24  }
0xbe: {  	[dreg:$0x3] =	wrdreg $0xA8000  }
0xbf: {  	[dreg:$0x4] =	wrdreg $0xA  }
0xc0: {  	_ =	task.clear_ibuf [dreg:s22], $0x5FFFF;
	_ =	strace $0x9000004C  }
0xc1: {  	s29 =	simm.s32 $0xA;
	_ =	strace $0x8000004E  }
0xc2: {  	_ =	swait.ge [sflag:s29], $0x1  }
0xc3: {  	[sflag:s29] =	ssyncadd.s32 $0xFFFFFFFF  }
0xc4: {  	_ =	strace $0x9000004E  }
0xc5: {  	_ =	sfence  }
0xc6: {  	s30 =	sld [smem:$0x0];
	_ =	sdelay $0x2  }
0xc7: {  	s31 =	sshll.u32 s1, $0xD;
	s1 =	sshrl.u32 s1, $0x2  }
0xc8: {  	s4 =	sand.u32 $0x4000, s31;
	s1 =	sadd.s32 s1, s30  }
0xc9: {  	s0 =	sor.u32 s4, s0;
	s1 =	sshll.u32 s1, $0x11  }
0xca: {  	s0 =	sor.u32 s1, s0  }
0xcb: {  	s0 =	sadd.s32 $0x8F2B, s0  }
0xcc: {  	[sflag:s0] =	ssyncadd.remote.s32 $0x1  }
0xcd: {  	_ =	sfence.sel $0xFFFF  }
0xce: {  	[dreg:$0x0] =	wrdreg $0xFFFFFFFF;
	(pc) =	sbr.abs _section_cstart, $3  }
0xcf: {  	[dreg:$0x1] =	wrdreg $0xFFFFFFFF  }
0xd0: {  	_ =	task.clear_ibuf [dreg:s22], $0x2FFFF;
	_ =	strace $0x9FFFFFFF  }
0xd1: {  	(tm) =	ssettm $0x7FFFFFFF  }
tec
execute0_lowered:
.L_overlay_start_1:
0x0: {  	(tag) =	ssettag $0x1  }
0x1: {  	s5 =	rddreg [dreg:$0x0]  }
0x2: {  	s1 =	rddreg [dreg:$0x1]  }
0x3: {  	s0 =	rddreg [dreg:$0x2];
	s3 =	simm.s32 $0x0;
	s2 =	stileid.u32  }
0x4: {  	s6 =	srdreg.scid;
	s16 =	simm.s32 $0x80;
	s17 =	simm.s32 $0x2800  }
0x5: {  	s18 =	simm.s32 $0x6800;
	s19 =	simm.s32 $0x1;
	s20 =	simm.s32 $0x2  }
0x6: {  	s21 =	simm.s32 $0x1380;
	s22 =	simm.s32 $0x2700;
	s23 =	simm.s32 $0x2780  }
0x7: {  	s24 =	simm.s32 $0x0;
	[smem:$0x7FF] =	sst s3;
	s4 =	sadd.s32 $0x40000, s5  }
0x8: {  	s7 =	smul.u32 $0x1400, s2;
	s6 =	sand.u32 $0x1, s6;
	s9 =	sadd.s32 $0x4000, s5  }
0x9: {  	s10 =	sadd.s32 $0xE000, s5;
	s12 =	sshll.u32 s2, $0x1;
	s13 =	smul.u32 $0x28000, s2  }
0xa: {  	s29 =	sshll.u32 s2, $0x6;
	_ =	strace $0x8000004D;
	s8 =	smul.u32 $0x14000, s6  }
0xb: {  	s26 =	ssub.s32 $0x2, s6;
	s6 =	sor.u32 s6, s12;
	s11 =	sadd.s32 s7, s5  }
0xc: {  	s28 =	sshrl.u32 s26, $0x1;
	s13 =	sshrl.u32 s13, $0x2;
	s14 =	smul.u32 $0x2800, s6  }
0xd: {  	s30 =	smul.u32 $0x500, s6;
	s6 =	sor.u32 $0x1C03, s29;
	s7 =	sadd.s32 s7, s8  }
0xe: {  	s12 =	ssub.s32 s26, s28;
	s13 =	sadd.s32 s13, s1;
	s15 =	sadd.s32 s7, s5  }
0xf: {  	s14 =	sshrl.u32 s14, $0x3;
	s5 =	sadd.s32 $0x8F000, s11;
	s7 =	sadd.s32 s9, s30  }
0x10: {  	s8 =	sadd.s32 s10, s30;
	s12 =	smax.u32 s12, $0x1;
	s13 =	sshrl.u32 s13, $0x3  }
0x11: {  	s31 =	sadd.s32 $0x280, s14;
	s11 =	sadd.s32 $0xCB000, s15;
	s14 =	simm.s32 $0x3  }
0x12: {  	s15 =	simm.s32 $0x1400;
	s9 =	sadd.s32 s9, s31;
	s10 =	sadd.s32 s10, s31  }
.LBB2_1:
0x13: {  	[spmem:s13], [sflag:s6] =	dma.local [hbm:s5], $0x1400  }
0x14: {  	_ =	swait.ge [sflag:s14], $0x1400  }
0x15: {  	[sflag:s14] =	ssyncset.done $0x0  }
0x16: {  	[sflag:s14] =	ssyncadd.s32 $0xFFFFEC00  }
0x17: {  	[bflag:$0x0] =	sbarrier.arrive $0xFFFF  }
0x18: {  	[tilespmem:s3], [sflag:$0x3] =	stream.linear.gather [hbm4b:s7+s3], $0x1400, $0x38;
	[tilespmem:$0x14800] =	vst v63  }
0x19: {  	_ =	swait.ge [sflag:s14], $0x1400  }
0x1a: {  	[sflag:s14] =	ssyncset.done $0x0  }
0x1b: {  	[sflag:s14] =	ssyncadd.s32 $0xFFFFEC00  }
0x1c: {  	[tilespmem:s15], [sflag:$0x3] =	stream.linear.gather [hbm4b:s8+s3], $0x1400, $0x38;
	[tilespmem:$0x14800] =	vst v63  }
0x1d: {  	_ =	swait.ge [sflag:s14], $0x1400  }
0x1e: {  	[sflag:s14] =	ssyncset.done $0x0  }
0x1f: {  	[sflag:s14] =	ssyncadd.s32 $0xFFFFEC00  }
0x20: {  	[tilespmem:s17], [sflag:$0x1] =	stream.indirect.gather [hbm4b:s4+s16], $0x80, s3, s16, $0xb8;
	[tilespmem:$0x14800] =	vst v63  }
0x21: {  	s25 =	simm.s32 $0x80  }
0x22: {  	[tilespmem:s18], [sflag:$0x2] =	stream.indirect.gather [hbm4b:s4+s16], $0x80, s25, s16, $0xb8;
	[tilespmem:$0x14800] =	vst v63  }
0x23: {  	_ =	swait.ge [sflag:s19], $0x4000  }
0x24: {  	[sflag:s19] =	ssyncset.done $0x0  }
0x25: {  	s29 =	simm.s32 $0x1400;
	[sflag:s19] =	ssyncadd.s32 $0xFFFFC000  }
0x26: {  	[spmem:s1] =	stream.indirect.scatter.add.f32 [tilespmem:s17], [sflag:$0x3], $0x80, s29, s16, $0xb8;
	[tilespmem:$0x14800] =	vst v63  }
0x27: {  	_ =	swait.ge [sflag:s14], $0x4000  }
0x28: {  	[sflag:s14] =	ssyncset.done $0x0  }
0x29: {  	s30 =	simm.s32 $0x100;
	[sflag:s14] =	ssyncadd.s32 $0xFFFFC000  }
0x2a: {  	[tilespmem:s17], [sflag:$0x1] =	stream.indirect.gather [hbm4b:s4+s16], $0x80, s30, s16, $0xb8;
	[tilespmem:$0x14800] =	vst v63  }
0x2b: {  	_ =	swait.ge [sflag:s20], $0x4000  }
0x2c: {  	[sflag:s20] =	ssyncset.done $0x0  }
0x2d: {  	s31 =	simm.s32 $0x1480;
	[sflag:s20] =	ssyncadd.s32 $0xFFFFC000  }
0x2e: {  	[spmem:s1] =	stream.indirect.scatter.add.f32 [tilespmem:s18], [sflag:$0x3], $0x80, s31, s16, $0xb8;
	[tilespmem:$0x14800] =	vst v63  }
0x2f: {  	_ =	swait.ge [sflag:s14], $0x4000  }
0x30: {  	s26 =	simm.s32 $0x800;
	s25 =	simm.s32 $0x100;
	[sflag:s14] =	ssyncset.done $0x0  }
.LBB2_2:
0x31: {  	s28 =	sadd.s32 $0x80, s25  }
0x32: {  	[sflag:s14] =	ssyncadd.s32 $0xFFFFC000;
	s29 =	smov.u32 s26;
	s30 =	sadd.s32 $0x400, s26  }
0x33: {  	[tilespmem:s18], [sflag:$0x2] =	stream.indirect.gather [hbm4b:s4+s16], $0x80, s28, s16, $0xb8;
	[tilespmem:$0x14800] =	vst v63  }
0x34: {  	p0 =	sne.s32 s26, $0x4800;
	_ =	swait.ge [sflag:s19], $0x4000  }
0x35: {  	[sflag:s19] =	ssyncset.done $0x0  }
0x36: {  	s26 =	sadd.s32 $0x1400, s25;
	[sflag:s19] =	ssyncadd.s32 $0xFFFFC000  }
0x37: {  	[spmem:s1] =	stream.indirect.scatter.add.f32 [tilespmem:s17], [sflag:$0x3], $0x80, s26, s16, $0xb8;
	[tilespmem:$0x14800] =	vst v63  }
0x38: {  	_ =	swait.ge [sflag:s14], $0x4000  }
0x39: {  	[sflag:s14] =	ssyncset.done $0x0  }
0x3a: {  	s26 =	sadd.s32 $0x100, s25;
	[sflag:s14] =	ssyncadd.s32 $0xFFFFC000  }
0x3b: {  	[tilespmem:s17], [sflag:$0x1] =	stream.indirect.gather [hbm4b:s4+s16], $0x80, s26, s16, $0xb8;
	[tilespmem:$0x14800] =	vst v63  }
0x3c: {  	_ =	swait.ge [sflag:s20], $0x4000  }
.Ltmp0:
0x3d: {  	[sflag:s20] =	ssyncset.done $0x0;
	(pc) =	sbr.rel @p0 .LBB2_2-.Ltmp0, $4  }
0x3e: {  	s25 =	sadd.s32 $0x1480, s25;
	[sflag:s20] =	ssyncadd.s32 $0xFFFFC000  }
0x3f: {  	[spmem:s1] =	stream.indirect.scatter.add.f32 [tilespmem:s18], [sflag:$0x3], $0x80, s25, s16, $0xb8;
	[tilespmem:$0x14800] =	vst v63  }
0x40: {  	_ =	swait.ge [sflag:s14], $0x4000  }
0x41: {  	s26 =	smov.u32 s30;
	s25 =	sshra.s32 s29, $0x2;
	[sflag:s14] =	ssyncset.done $0x0  }
0x42: {  	s26 =	sadd.s32 $0x80, s25;
	[sflag:s14] =	ssyncadd.s32 $0xFFFFC000  }
0x43: {  	[tilespmem:s18], [sflag:$0x2] =	stream.indirect.gather [hbm4b:s4+s16], $0x80, s26, s16, $0xb8;
	[tilespmem:$0x14800] =	vst v63  }
0x44: {  	_ =	swait.ge [sflag:s19], $0x4000  }
0x45: {  	[sflag:s19] =	ssyncset.done $0x0  }
0x46: {  	s29 =	sadd.s32 $0x1400, s25;
	[sflag:s19] =	ssyncadd.s32 $0xFFFFC000  }
0x47: {  	[spmem:s1] =	stream.indirect.scatter.add.f32 [tilespmem:s17], [sflag:$0x3], $0x80, s29, s16, $0xb8;
	[tilespmem:$0x14800] =	vst v63  }
0x48: {  	_ =	swait.ge [sflag:s14], $0x4000  }
0x49: {  	[sflag:s14] =	ssyncset.done $0x0  }
0x4a: {  	s30 =	sadd.s32 $0x100, s25;
	[sflag:s14] =	ssyncadd.s32 $0xFFFFC000  }
0x4b: {  	[tilespmem:s17], [sflag:$0x1] =	stream.indirect.gather [hbm4b:s4+s16], $0x80, s30, s16, $0xb8;
	[tilespmem:$0x14800] =	vst v63  }
0x4c: {  	_ =	swait.ge [sflag:s20], $0x4000  }
0x4d: {  	[sflag:s20] =	ssyncset.done $0x0  }
0x4e: {  	s31 =	sadd.s32 $0x1480, s25;
	[sflag:s20] =	ssyncadd.s32 $0xFFFFC000  }
0x4f: {  	[spmem:s1] =	stream.indirect.scatter.add.f32 [tilespmem:s18], [sflag:$0x3], $0x80, s31, s16, $0xb8;
	[tilespmem:$0x14800] =	vst v63  }
0x50: {  	_ =	swait.ge [sflag:s14], $0x4000  }
0x51: {  	[sflag:s14] =	ssyncset.done $0x0  }
0x52: {  	[sflag:s14] =	ssyncadd.s32 $0xFFFFC000  }
0x53: {  	[tilespmem:s18], [sflag:$0x2] =	stream.indirect.gather [hbm4b:s4+s16], $0x80, s21, s16, $0xb8;
	[tilespmem:$0x14800] =	vst v63  }
0x54: {  	_ =	swait.ge [sflag:s19], $0x4000  }
0x55: {  	[sflag:s19] =	ssyncset.done $0x0  }
0x56: {  	[sflag:s19] =	ssyncadd.s32 $0xFFFFC000  }
0x57: {  	[spmem:s1] =	stream.indirect.scatter.add.f32 [tilespmem:s17], [sflag:$0x3], $0x80, s22, s16, $0xb8;
	[tilespmem:$0x14800] =	vst v63  }
0x58: {  	_ =	swait.ge [sflag:s14], $0x4000  }
0x59: {  	[sflag:s14] =	ssyncset.done $0x0  }
0x5a: {  	[sflag:s14] =	ssyncadd.s32 $0xFFFFC000  }
0x5b: {  	_ =	swait.ge [sflag:s20], $0x4000  }
0x5c: {  	[sflag:s20] =	ssyncset.done $0x0  }
0x5d: {  	[sflag:s20] =	ssyncadd.s32 $0xFFFFC000  }
0x5e: {  	[spmem:s1] =	stream.indirect.scatter.add.f32 [tilespmem:s18], [sflag:$0x3], $0x80, s23, s16, $0xb8;
	[tilespmem:$0x14800] =	vst v63  }
0x5f: {  	_ =	swait.ge [sflag:s14], $0x4000  }
0x60: {  	[sflag:s14] =	ssyncset.done $0x0  }
0x61: {  	s26 =	simm.s32 $0x0;
	[sflag:s14] =	ssyncadd.s32 $0xFFFFC000  }
0x62: {  	[tilespmem:s26], [sflag:$0x3] =	stream.linear.gather [hbm4b:s9+s26], $0x1400, $0x38;
	[tilespmem:$0x14800] =	vst v63  }
0x63: {  	_ =	swait.ge [sflag:s14], $0x1400  }
0x64: {  	[sflag:s14] =	ssyncset.done $0x0  }
0x65: {  	[sflag:s14] =	ssyncadd.s32 $0xFFFFEC00  }
0x66: {  	[tilespmem:s15], [sflag:$0x3] =	stream.linear.gather [hbm4b:s10+s26], $0x1400, $0x38;
	[tilespmem:$0x14800] =	vst v63  }
0x67: {  	_ =	swait.ge [sflag:s14], $0x1400  }
0x68: {  	[sflag:s14] =	ssyncset.done $0x0  }
0x69: {  	[sflag:s14] =	ssyncadd.s32 $0xFFFFEC00  }
0x6a: {  	[tilespmem:s17], [sflag:$0x1] =	stream.indirect.gather [hbm4b:s4+s16], $0x80, s26, s16, $0xb8;
	[tilespmem:$0x14800] =	vst v63  }
0x6b: {  	s28 =	simm.s32 $0x80  }
0x6c: {  	[tilespmem:s18], [sflag:$0x2] =	stream.indirect.gather [hbm4b:s4+s16], $0x80, s28, s16, $0xb8;
	[tilespmem:$0x14800] =	vst v63  }
0x6d: {  	_ =	swait.ge [sflag:s19], $0x4000  }
0x6e: {  	[sflag:s19] =	ssyncset.done $0x0  }
0x6f: {  	s29 =	simm.s32 $0x1400;
	[sflag:s19] =	ssyncadd.s32 $0xFFFFC000  }
0x70: {  	[spmem:s1] =	stream.indirect.scatter.add.f32 [tilespmem:s17], [sflag:$0x3], $0x80, s29, s16, $0xb8;
	[tilespmem:$0x14800] =	vst v63  }
0x71: {  	_ =	swait.ge [sflag:s14], $0x4000  }
0x72: {  	[sflag:s14] =	ssyncset.done $0x0  }
0x73: {  	s30 =	simm.s32 $0x100;
	[sflag:s14] =	ssyncadd.s32 $0xFFFFC000  }
0x74: {  	[tilespmem:s17], [sflag:$0x1] =	stream.indirect.gather [hbm4b:s4+s16], $0x80, s30, s16, $0xb8;
	[tilespmem:$0x14800] =	vst v63  }
0x75: {  	_ =	swait.ge [sflag:s20], $0x4000  }
0x76: {  	[sflag:s20] =	ssyncset.done $0x0  }
0x77: {  	s31 =	simm.s32 $0x1480;
	[sflag:s20] =	ssyncadd.s32 $0xFFFFC000  }
0x78: {  	[spmem:s1] =	stream.indirect.scatter.add.f32 [tilespmem:s18], [sflag:$0x3], $0x80, s31, s16, $0xb8;
	[tilespmem:$0x14800] =	vst v63  }
0x79: {  	_ =	swait.ge [sflag:s14], $0x4000  }
0x7a: {  	s25 =	simm.s32 $0x100;
	s26 =	simm.s32 $0x800;
	[sflag:s14] =	ssyncset.done $0x0  }
.LBB2_4:
0x7b: {  	s28 =	sadd.s32 $0x80, s25  }
0x7c: {  	[sflag:s14] =	ssyncadd.s32 $0xFFFFC000;
	s29 =	smov.u32 s26;
	s30 =	sadd.s32 $0x400, s26  }
0x7d: {  	[tilespmem:s18], [sflag:$0x2] =	stream.indirect.gather [hbm4b:s4+s16], $0x80, s28, s16, $0xb8;
	[tilespmem:$0x14800] =	vst v63  }
0x7e: {  	p0 =	sne.s32 s26, $0x4800;
	_ =	swait.ge [sflag:s19], $0x4000  }
0x7f: {  	[sflag:s19] =	ssyncset.done $0x0  }
0x80: {  	s26 =	sadd.s32 $0x1400, s25;
	[sflag:s19] =	ssyncadd.s32 $0xFFFFC000  }
0x81: {  	[spmem:s1] =	stream.indirect.scatter.add.f32 [tilespmem:s17], [sflag:$0x3], $0x80, s26, s16, $0xb8;
	[tilespmem:$0x14800] =	vst v63  }
0x82: {  	_ =	swait.ge [sflag:s14], $0x4000  }
0x83: {  	[sflag:s14] =	ssyncset.done $0x0  }
0x84: {  	s26 =	sadd.s32 $0x100, s25;
	[sflag:s14] =	ssyncadd.s32 $0xFFFFC000  }
0x85: {  	[tilespmem:s17], [sflag:$0x1] =	stream.indirect.gather [hbm4b:s4+s16], $0x80, s26, s16, $0xb8;
	[tilespmem:$0x14800] =	vst v63  }
0x86: {  	_ =	swait.ge [sflag:s20], $0x4000  }
.Ltmp1:
0x87: {  	[sflag:s20] =	ssyncset.done $0x0;
	(pc) =	sbr.rel @p0 .LBB2_4-.Ltmp1, $4  }
0x88: {  	s25 =	sadd.s32 $0x1480, s25;
	[sflag:s20] =	ssyncadd.s32 $0xFFFFC000  }
0x89: {  	[spmem:s1] =	stream.indirect.scatter.add.f32 [tilespmem:s18], [sflag:$0x3], $0x80, s25, s16, $0xb8;
	[tilespmem:$0x14800] =	vst v63  }
0x8a: {  	_ =	swait.ge [sflag:s14], $0x4000  }
0x8b: {  	s26 =	smov.u32 s30;
	s25 =	sshra.s32 s29, $0x2;
	[sflag:s14] =	ssyncset.done $0x0  }
0x8c: {  	s26 =	sadd.s32 $0x80, s25;
	[sflag:s14] =	ssyncadd.s32 $0xFFFFC000  }
0x8d: {  	[tilespmem:s18], [sflag:$0x2] =	stream.indirect.gather [hbm4b:s4+s16], $0x80, s26, s16, $0xb8;
	[tilespmem:$0x14800] =	vst v63  }
0x8e: {  	_ =	swait.ge [sflag:s19], $0x4000  }
0x8f: {  	[sflag:s19] =	ssyncset.done $0x0  }
0x90: {  	s29 =	sadd.s32 $0x1400, s25;
	[sflag:s19] =	ssyncadd.s32 $0xFFFFC000  }
0x91: {  	[spmem:s1] =	stream.indirect.scatter.add.f32 [tilespmem:s17], [sflag:$0x3], $0x80, s29, s16, $0xb8;
	[tilespmem:$0x14800] =	vst v63  }
0x92: {  	_ =	swait.ge [sflag:s14], $0x4000  }
0x93: {  	[sflag:s14] =	ssyncset.done $0x0  }
0x94: {  	s30 =	sadd.s32 $0x100, s25;
	[sflag:s14] =	ssyncadd.s32 $0xFFFFC000  }
0x95: {  	[tilespmem:s17], [sflag:$0x1] =	stream.indirect.gather [hbm4b:s4+s16], $0x80, s30, s16, $0xb8;
	[tilespmem:$0x14800] =	vst v63  }
0x96: {  	_ =	swait.ge [sflag:s20], $0x4000  }
0x97: {  	[sflag:s20] =	ssyncset.done $0x0  }
0x98: {  	s31 =	sadd.s32 $0x1480, s25;
	[sflag:s20] =	ssyncadd.s32 $0xFFFFC000  }
0x99: {  	[spmem:s1] =	stream.indirect.scatter.add.f32 [tilespmem:s18], [sflag:$0x3], $0x80, s31, s16, $0xb8;
	[tilespmem:$0x14800] =	vst v63  }
0x9a: {  	_ =	swait.ge [sflag:s14], $0x4000  }
0x9b: {  	[sflag:s14] =	ssyncset.done $0x0  }
0x9c: {  	[sflag:s14] =	ssyncadd.s32 $0xFFFFC000  }
0x9d: {  	[tilespmem:s18], [sflag:$0x2] =	stream.indirect.gather [hbm4b:s4+s16], $0x80, s21, s16, $0xb8;
	[tilespmem:$0x14800] =	vst v63  }
0x9e: {  	_ =	swait.ge [sflag:s19], $0x4000  }
0x9f: {  	[sflag:s19] =	ssyncset.done $0x0  }
0xa0: {  	[sflag:s19] =	ssyncadd.s32 $0xFFFFC000  }
0xa1: {  	[spmem:s1] =	stream.indirect.scatter.add.f32 [tilespmem:s17], [sflag:$0x3], $0x80, s22, s16, $0xb8;
	[tilespmem:$0x14800] =	vst v63  }
0xa2: {  	_ =	swait.ge [sflag:s14], $0x4000  }
0xa3: {  	[sflag:s14] =	ssyncset.done $0x0  }
0xa4: {  	[sflag:s14] =	ssyncadd.s32 $0xFFFFC000  }
0xa5: {  	_ =	swait.ge [sflag:s20], $0x4000  }
0xa6: {  	[sflag:s20] =	ssyncset.done $0x0  }
0xa7: {  	[sflag:s20] =	ssyncadd.s32 $0xFFFFC000  }
0xa8: {  	[spmem:s1] =	stream.indirect.scatter.add.f32 [tilespmem:s18], [sflag:$0x3], $0x80, s23, s16, $0xb8;
	[tilespmem:$0x14800] =	vst v63  }
0xa9: {  	_ =	swait.ge [sflag:s14], $0x4000  }
0xaa: {  	s24 =	sadd.s32 $0x1, s24;
	[sflag:s14] =	ssyncset.done $0x0  }
0xab: {  	p0 =	sne.s32 s24, s12;
	[sflag:s14] =	ssyncadd.s32 $0xFFFFC000  }
.Ltmp2:
0xac: {  	[bflag:$0x0] =	sbarrier.arrive $0xFFFF;
	(pc) =	sbr.rel @p0 .LBB2_1-.Ltmp2, $4  }
0xad: {  	[hbm:s11], [sflag:s6] =	dma.local [spmem:s13], $0x1400  }
0xae: {  	_ =	swait.ge [sflag:s14], $0x1400  }
0xaf: {  	[sflag:s14] =	ssyncset.done $0x0  }
0xb0: {  	[sflag:s14] =	ssyncadd.s32 $0xFFFFEC00  }
0xb1: {  	_ =	sfence.sel $0x180000  }
0xb2: {  	[bflag:$0x0] =	sbarrier.arrive $0xFFFF  }
0xb3: {  	p0 =	sne.s32 s2, $0x0;
	_ =	strace $0x9000004D  }
0xb4: {  	s0 =	sadd.s32 @!p0 $0x100000, s0;
	[bflag:$0x2] =	sbarrier.arrive $0xFFFF  }
0xb5: {  	[sflag:s0] =	ssyncadd.tile.s32 @!p0 $0x1;
	_ =	shalt  }
.Lfunc_end2:
_tile_overlayer_lowered:
.L_overlay_start_2:
0xb6: {  	(tag) =	ssettag $0x2  }
0xb7: {  	s0 =	rddreg [dreg:$0x0];
	s2 =	stileid.u32  }
0xb8: {  	s1 =	rddreg [dreg:$0x1];
	p0 =	sne.s32 s2, $0x0  }
0xb9: {  	s3 =	rddreg [dreg:$0x2];
	[bflag:$0x3] =	sbarrier.arrive $0xFFFF;
	s2 =	simm.s32 @!p0 $0x1C03  }
0xba: {  	[timem:s3], [sflag:s2] =	dma.local @!p0 [hbm:s0], s1  }
0xbb: {  	s0 =	simm.s32 @!p0 $0x3  }
0xbc: {  	_ =	swait.ge @!p0 [sflag:s0], s1  }
0xbd: {  	s1 =	ssub.s32 @!p0 $0x0, s1;
	[sflag:s0] =	ssyncset.done @!p0 $0x0  }
0xbe: {  	[sflag:s0] =	ssyncadd.s32 @!p0 s1  }
0xbf: {  	[bflag:$0x3] =	sbarrier.arrive $0xFFFF  }
0xc0: {  	_ =	shalt  }

// kernel: kernel.22.cloned.1.call-start
scs
__scs_entry_jumppad:
0x0: {  	(pc) =	sbr.rel $0x88, $3  }
0x1: {  	(tag) =	ssettag $0x0;
	lr =	simm.s32 $0x1  }
0x2: {  	[smem:$0x3F98] =	sst lr;
	_ =	strace $0xD0000000  }
0x3: {  	_ = 	snop  }
0x4: {  	_ = 	snop  }
0x5: {  	_ = 	snop  }
0x6: {  	_ = 	snop  }
0x7: {  	_ = 	snop  }
__scs_overlays_trampoline_lowered:
0x8: {  	[smem:$0x3FA7] =	sst s0  }
0x9: {  	[smem:$0x3FA8] =	sst s1  }
0xa: {  	[smem:$0x3FA9] =	sst s2  }
0xb: {  	[smem:$0x3FAA] =	sst s3  }
0xc: {  	[smem:$0x3FAB] =	sst s4  }
0xd: {  	[smem:$0x3FAC] =	sst s5  }
0xe: {  	[smem:$0x3FAD] =	sst s6  }
0xf: {  	[smem:$0x3FAE] =	sst s7  }
0x10: {  	[smem:$0x3FAF] =	sst s8  }
0x11: {  	[smem:$0x3FB0] =	sst s9;
	s0 =	simm.s32 @!p0 $0x0  }
0x12: {  	s1 =	sld [smem:$0x3F96];
	s0 =	simm.s32 @p0 $0x1  }
0x13: {  	[smem:$0x3FB1] =	sst s0;
	s0 =	simm.s32 @!p1 $0x0  }
0x14: {  	s2 =	sld [smem:$0x3F95];
	s0 =	simm.s32 @p1 $0x1  }
0x15: {  	[smem:$0x3FB2] =	sst s0;
	s0 =	simm.s32 @!p2 $0x0  }
0x16: {  	s3 =	sld [smem:$0x3FDB];
	s0 =	simm.s32 @p2 $0x1  }
0x17: {  	s4 =	simm.s32 $0x1BF5;
	[smem:$0x3FB4] =	sst s0  }
0x18: {  	s0 =	sld [smem:$0x3F97];
	_ =	swait.ge [sflag:s4], $0x0  }
0x19: {  	s7 =	sld [smem:$0x3F98]  }
0x1a: {  	s8 =	sadd.s32 $0xFFFFE003, lr  }
0x1b: {  	s9 =	sadd.s32 $0xFFFFFEF7, lr;
	s5 =	simm.s32 $0xFFFFFFFF;
	p2 =	slt.u32 s8, $0xFFFFF086  }
0x1c: {  	p1 =	slt.u32 s9, $0xF7A;
	s5 =	simm.s32 @!p2 $0x0  }
0x1d: {  	s5 =	simm.s32 @p1 $0x1;
	p0 =	seq.s32 s7, s2  }
0x1e: {  	s7 =	smul.u32 @!p0 $0xF7A, s2;
	p2 =	seq.s32 @!p0 s5, $0x0  }
0x1f: {  	s9 =	smul.u32 $0xF7A, s1;
	s8 =	simm.s32 @!p0 $0x1BF5;
	p2 =	por !p2, p0  }
0x20: {  	[sflag:s8] =	ssyncset.s32 @!p0 $0xFFFFF086;
	s6 =	sadd.s32 @!p0 s3, s7;
	s7 =	simm.s32 @!p0 $0x108  }
0x21: {  	s3 =	sadd.s32 s3, s9;
	s6 =	sadd.s32 @!p0 $0x88, s6;
	s7 =	simm.s32 @p2 $0x1082  }
0x22: {  	[simem:s7], [sflag:s8] =	dma.local @!p0 [hbm:s6], $0xF7A  }
0x23: {  	s9 =	sor.u32 $0xD0000000, s2;
	s6 =	simm.s32 $0x108;
	_ =	swait.ge @!p0 [sflag:s8], $0x0  }
0x24: {  	s3 =	sadd.s32 $0x88, s3;
	s6 =	simm.s32 @!p1 $0x1082;
	[sflag:s4] =	ssyncset.s32 $0xFFFFF086  }
0x25: {  	[simem:s6], [sflag:s4] =	dma.local [hbm:s3], $0xF7A  }
0x26: {  	[smem:$0x3F98] =	sst s1;
	(tag) =	ssettag s2;
	_ =	strace s9  }
0x27: {  	s1 =	sld [smem:$0x3FA8]  }
0x28: {  	s2 =	sld [smem:$0x3FA9]  }
0x29: {  	s4 =	sld [smem:$0x3FAB]  }
0x2a: {  	p0 =	seq.s32 s5, $0x0;
	s5 =	sld [smem:$0x3FAC]  }
0x2b: {  	s6 =	sld [smem:$0x3FAD]  }
0x2c: {  	s7 =	sld [smem:$0x3FAE]  }
0x2d: {  	s3 =	simm.s32 $0x108;
	s8 =	sld [smem:$0x3FAF]  }
0x2e: {  	s3 =	simm.s32 @!p0 $0x1082;
	s9 =	sld [smem:$0x3FB0]  }
0x2f: {  	lr =	sadd.s32 s0, s3;
	s0 =	sld [smem:$0x3FA7]  }
0x30: {  	s3 =	sld [smem:$0x3FAA]  }
0x31: {  	[smem:$0x3FB3] =	sst s10  }
0x32: {  	s10 =	sld [smem:$0x3FB1];
	_ =	sdelay $0x3  }
0x33: {  	p0 =	seq.s32 s10, $0x1;
	s10 =	sld [smem:$0x3FB3];
	_ =	sdelay $0x3  }
0x34: {  	[smem:$0x3FB3] =	sst s10  }
0x35: {  	s10 =	sld [smem:$0x3FB2];
	_ =	sdelay $0x3  }
0x36: {  	p1 =	seq.s32 s10, $0x1;
	s10 =	sld [smem:$0x3FB3];
	_ =	sdelay $0x3  }
0x37: {  	[smem:$0x3FB3] =	sst s10  }
0x38: {  	s10 =	sld [smem:$0x3FB4]  }
0x39: {  	_ = 	snop;
	(pc) =	sbr.ind lr, $3  }
0x3a: {  	_ = 	snop  }
0x3b: {  	_ = 	snop  }
0x3c: {  	p2 =	seq.s32 s10, $0x1;
	s10 =	sld [smem:$0x3FB3]  }
0x3d: {  	_ =	shalt  }
0x3e: {  	_ =	shalt  }
0x3f: {  	_ =	shalt  }
0x40: {  	_ =	shalt  }
0x41: {  	_ =	shalt  }
0x42: {  	_ =	shalt  }
0x43: {  	_ =	shalt  }
0x44: {  	_ =	shalt  }
0x45: {  	_ =	shalt  }
0x46: {  	_ =	shalt  }
0x47: {  	_ =	shalt  }
0x48: {  	_ =	shalt  }
0x49: {  	_ =	shalt  }
0x4a: {  	_ =	shalt  }
0x4b: {  	_ =	shalt  }
0x4c: {  	_ =	shalt  }
0x4d: {  	_ =	shalt  }
0x4e: {  	_ =	shalt  }
0x4f: {  	_ =	shalt  }
0x50: {  	_ =	shalt  }
0x51: {  	_ =	shalt  }
0x52: {  	_ =	shalt  }
0x53: {  	_ =	shalt  }
0x54: {  	_ =	shalt  }
0x55: {  	_ =	shalt  }
0x56: {  	_ =	shalt  }
0x57: {  	_ =	shalt  }
0x58: {  	_ =	shalt  }
0x59: {  	_ =	shalt  }
0x5a: {  	_ =	shalt  }
0x5b: {  	_ =	shalt  }
0x5c: {  	_ =	shalt  }
0x5d: {  	_ =	shalt  }
0x5e: {  	_ =	shalt  }
0x5f: {  	_ =	shalt  }
0x60: {  	_ =	shalt  }
0x61: {  	_ =	shalt  }
0x62: {  	_ =	shalt  }
0x63: {  	_ =	shalt  }
0x64: {  	_ =	shalt  }
0x65: {  	_ =	shalt  }
0x66: {  	_ =	shalt  }
0x67: {  	_ =	shalt  }
0x68: {  	_ =	shalt  }
0x69: {  	_ =	shalt  }
0x6a: {  	_ =	shalt  }
0x6b: {  	_ =	shalt  }
0x6c: {  	_ =	shalt  }
0x6d: {  	_ =	shalt  }
0x6e: {  	_ =	shalt  }
0x6f: {  	_ =	shalt  }
0x70: {  	_ =	shalt  }
0x71: {  	_ =	shalt  }
0x72: {  	_ =	shalt  }
0x73: {  	_ =	shalt  }
0x74: {  	_ =	shalt  }
0x75: {  	_ =	shalt  }
0x76: {  	_ =	shalt  }
0x77: {  	_ =	shalt  }
0x78: {  	_ =	shalt  }
0x79: {  	_ =	shalt  }
0x7a: {  	_ =	shalt  }
0x7b: {  	_ =	shalt  }
0x7c: {  	_ =	shalt  }
0x7d: {  	_ =	shalt  }
0x7e: {  	_ =	shalt  }
0x7f: {  	_ =	shalt  }
0x80: {  	_ =	shalt  }
0x81: {  	_ =	shalt  }
0x82: {  	_ =	shalt  }
0x83: {  	_ =	shalt  }
0x84: {  	_ =	shalt  }
0x85: {  	_ =	shalt  }
0x86: {  	_ =	shalt  }
0x87: {  	_ =	shalt  }
.Lfunc_end0:
.L_simem_size_0:
called_computation.3_lowered:
.L_overlay_start_0:
0x88: {  	s2 =	sld [smem:$0x3FD9]  }
0x89: {  	s3 =	sld [smem:$0x3FFE];
	_ =	sdelay $0x1  }
0x8a: {  	s1 =	srdreg.scid  }
0x8b: {  	s0 =	sand.u32 $0x1, s1  }
0x8c: {  	s16 =	sshll.u32 s0, $0xA;
	s2 =	sadd.s32 s3, s2  }
0x8d: {  	s2 =	sadd.s32 s2, s16  }
0x8e: {  	[smem:$0x3FBF] =	sst s2  }
0x8f: {  	_ = 	snop  }
0x90: {  	(tm) =	ssettm $0x1  }
0x91: {  	s17 =	sld [smem:$0x3FFB];
	_ =	sdelay $0x3  }
0x92: {  	_ =	strace s17  }
0x93: {  	s2 =	sld [smem:$0x3FFC];
	_ =	sdelay $0x3  }
0x94: {  	_ =	strace s2  }
0x95: {  	s2 =	sld [smem:$0x3FFD];
	_ =	sdelay $0x3  }
0x96: {  	_ =	strace s2  }
0x97: {  	_ =	strace $0x8FFFFFFF  }
0x98: {  	s18 =	sld [smem:$0x3FDB];
	_ =	sdelay $0x1  }
0x99: {  	s19 =	simm.s32 $_scs_section_size  }
0x9a: {  	s4 =	simm.s32 $_size__tile_overlayer_lowered;
	s5 =	simm.s32 $_tile_overlayer_lowered  }
0x9b: {  	s22 =	simm.s32 $0x1BFF;
	s21 =	sshll.u32 s5, $0x1;
	s2 =	sadd.s32 s19, s18  }
0x9c: {  	s6 =	simm.s32 $0x0;
	s20 =	sshll.u32 s4, $0x1;
	s4 =	sadd.s32 s21, s2  }
0x9d: {  	[timem:s6], [sflag:s22] =	dma.local [hbm:s4], s20  }
0x9e: {  	_ =	swait.ge [sflag:s22], s20  }
0x9f: {  	s3 =	ssub.s32 $0x0, s20;
	[sflag:s22] =	ssyncset.done $0x0  }
0xa0: {  	[sflag:s22] =	ssyncadd.s32 s3;
	_ =	sdelay $0x1  }
0xa1: {  	s23 =	simm.s32 $0x1B8B  }
0xa2: {  	_ =	swait.ge [sflag:s23], $0x1  }
0xa3: {  	[sflag:s23] =	ssyncset.done $0x0  }
0xa4: {  	s25 =	simm.s32 $0x1B8E;
	s24 =	sld [smem:$0x3FFE];
	[sflag:s23] =	ssyncadd.s32 $0xFFFFFFFF  }
0xa5: {  	s26 =	simm.s32 $execute0_lowered;
	[smem:$0x3FD2] =	sst s25  }
0xa6: {  	s4 =	sshll.u32 s26, $0x1;
	_ =	strace $0x8000004F;
	[dreg:$0x1] =	wrdreg $0xFFFFFFFF  }
0xa7: {  	s28 =	simm.s32 $_size_execute0_lowered;
	s2 =	sadd.s32 s2, s4;
	[dreg:$0x0] =	wrdreg $0x0  }
0xa8: {  	s4 =	sshll.u32 s28, $0x1;
	[dreg:$0x2] =	wrdreg s2  }
0xa9: {  	[dreg:$0x3] =	wrdreg s4  }
0xaa: {  	[dreg:$0x4] =	wrdreg $0xC0  }
0xab: {  	_ =	task [dreg:s6], $0x5FFFF  }
0xac: {  	[dreg:$0x1] =	wrdreg $0xFFFFFFFF  }
0xad: {  	[dreg:$0x0] =	wrdreg $0x60  }
0xae: {  	[dreg:$0x2] =	wrdreg s24  }
0xaf: {  	[dreg:$0x3] =	wrdreg $0xA8000  }
0xb0: {  	[dreg:$0x4] =	wrdreg $0x9  }
0xb1: {  	_ =	task.clear_ibuf [dreg:s6], $0x5FFFF;
	_ =	strace $0x9000004F  }
0xb2: {  	s29 =	simm.s32 $0x9;
	_ =	strace $0x80000051  }
0xb3: {  	_ =	swait.ge [sflag:s29], $0x1  }
0xb4: {  	[sflag:s29] =	ssyncadd.s32 $0xFFFFFFFF  }
0xb5: {  	_ =	strace $0x90000051  }
0xb6: {  	_ =	sfence  }
0xb7: {  	s30 =	sld [smem:$0x0];
	_ =	sdelay $0x2  }
0xb8: {  	s31 =	sshll.u32 s1, $0xD;
	s1 =	sshrl.u32 s1, $0x2  }
0xb9: {  	s3 =	sand.u32 $0x4000, s31;
	s1 =	sadd.s32 s1, s30  }
0xba: {  	s0 =	sor.u32 s3, s0;
	s1 =	sshll.u32 s1, $0x11  }
0xbb: {  	s0 =	sor.u32 s1, s0  }
0xbc: {  	s0 =	sadd.s32 $0x8F2B, s0  }
0xbd: {  	[sflag:s0] =	ssyncadd.remote.s32 $0x1  }
0xbe: {  	_ =	sfence.sel $0xFFFF  }
0xbf: {  	[dreg:$0x0] =	wrdreg $0xFFFFFFFF;
	(pc) =	sbr.abs _section_cstart, $3  }
0xc0: {  	[dreg:$0x1] =	wrdreg $0xFFFFFFFF  }
0xc1: {  	_ =	task.clear_ibuf [dreg:s6], $0x2FFFF;
	_ =	strace $0x9FFFFFFF  }
0xc2: {  	(tm) =	ssettm $0x7FFFFFFF  }
0xc3: {  	_ =	shalt  }
tec
execute0_lowered:
.L_overlay_start_1:
0x0: {  	(tag) =	ssettag $0x1  }
0x1: {  	s5 =	rddreg [dreg:$0x0]  }
0x2: {  	s1 =	rddreg [dreg:$0x1]  }
0x3: {  	s0 =	rddreg [dreg:$0x2];
	s3 =	simm.s32 $0x0;
	s2 =	stileid.u32  }
0x4: {  	s6 =	srdreg.scid;
	s16 =	simm.s32 $0x80;
	s17 =	simm.s32 $0x2800  }
0x5: {  	s18 =	simm.s32 $0x6800;
	s19 =	simm.s32 $0x1;
	s20 =	simm.s32 $0x2  }
0x6: {  	s21 =	simm.s32 $0x1380;
	s22 =	simm.s32 $0x2700;
	s23 =	simm.s32 $0x2780  }
0x7: {  	s24 =	simm.s32 $0x0;
	[smem:$0x7FF] =	sst s3;
	s4 =	sadd.s32 $0x3F800, s5  }
0x8: {  	s7 =	smul.u32 $0x2780, s2;
	s6 =	sand.u32 $0x1, s6;
	s9 =	sadd.s32 $0xE000, s5  }
0x9: {  	s10 =	sadd.s32 $0x4000, s5;
	s12 =	sshll.u32 s2, $0x1;
	s13 =	smul.u32 $0x4F000, s2  }
0xa: {  	s29 =	sshll.u32 s2, $0x6;
	_ =	strace $0x80000050;
	s8 =	smul.u32 $0x27800, s6  }
0xb: {  	s26 =	ssub.s32 $0x2, s6;
	s6 =	sor.u32 s6, s12;
	s11 =	sadd.s32 s7, s5  }
0xc: {  	s28 =	sshrl.u32 s26, $0x1;
	s13 =	sshrl.u32 s13, $0x2;
	s14 =	smul.u32 $0x2800, s6  }
0xd: {  	s30 =	smul.u32 $0x500, s6;
	s6 =	sor.u32 $0x1C03, s29;
	s7 =	sadd.s32 s7, s8  }
0xe: {  	s12 =	ssub.s32 s26, s28;
	s13 =	sadd.s32 s13, s1;
	s15 =	sadd.s32 s7, s5  }
0xf: {  	s14 =	sshrl.u32 s14, $0x3;
	s5 =	sadd.s32 $0x18000, s11;
	s7 =	sadd.s32 s9, s30  }
0x10: {  	s8 =	sadd.s32 s10, s30;
	s12 =	smax.u32 s12, $0x1;
	s13 =	sshrl.u32 s13, $0x3  }
0x11: {  	s31 =	sadd.s32 $0x280, s14;
	s11 =	sadd.s32 $0xCB000, s15;
	s14 =	simm.s32 $0x3  }
0x12: {  	s15 =	simm.s32 $0x1400;
	s9 =	sadd.s32 s9, s31;
	s10 =	sadd.s32 s10, s31  }
.LBB2_1:
0x13: {  	[spmem:s13], [sflag:s6] =	dma.local [hbm:s5], $0x2780  }
0x14: {  	_ =	swait.ge [sflag:s14], $0x2780  }
0x15: {  	[sflag:s14] =	ssyncset.done $0x0  }
0x16: {  	[sflag:s14] =	ssyncadd.s32 $0xFFFFD880  }
0x17: {  	[bflag:$0x0] =	sbarrier.arrive $0xFFFF  }
0x18: {  	[tilespmem:s3], [sflag:$0x3] =	stream.linear.gather [hbm4b:s7+s3], $0x1400, $0x38;
	[tilespmem:$0x1E400] =	vst v63  }
0x19: {  	_ =	swait.ge [sflag:s14], $0x1400  }
0x1a: {  	[sflag:s14] =	ssyncset.done $0x0  }
0x1b: {  	[sflag:s14] =	ssyncadd.s32 $0xFFFFEC00  }
0x1c: {  	[tilespmem:s15], [sflag:$0x3] =	stream.linear.gather [hbm4b:s8+s3], $0x1400, $0x38;
	[tilespmem:$0x1E400] =	vst v63  }
0x1d: {  	_ =	swait.ge [sflag:s14], $0x1400  }
0x1e: {  	[sflag:s14] =	ssyncset.done $0x0  }
0x1f: {  	[sflag:s14] =	ssyncadd.s32 $0xFFFFEC00  }
0x20: {  	[tilespmem:s17], [sflag:$0x1] =	stream.indirect.gather [hbm4b:s4+s16], $0x80, s3, s16, $0xb8;
	[tilespmem:$0x1E400] =	vst v63  }
0x21: {  	s25 =	simm.s32 $0x80  }
0x22: {  	[tilespmem:s18], [sflag:$0x2] =	stream.indirect.gather [hbm4b:s4+s16], $0x80, s25, s16, $0xb8;
	[tilespmem:$0x1E400] =	vst v63  }
0x23: {  	_ =	swait.ge [sflag:s19], $0x4000  }
0x24: {  	[sflag:s19] =	ssyncset.done $0x0  }
0x25: {  	s29 =	simm.s32 $0x1400;
	[sflag:s19] =	ssyncadd.s32 $0xFFFFC000  }
0x26: {  	[spmem:s1] =	stream.indirect.scatter.add.f32 [tilespmem:s17], [sflag:$0x3], $0x80, s29, s16, $0xb8;
	[tilespmem:$0x1E400] =	vst v63  }
0x27: {  	_ =	swait.ge [sflag:s14], $0x4000  }
0x28: {  	[sflag:s14] =	ssyncset.done $0x0  }
0x29: {  	s30 =	simm.s32 $0x100;
	[sflag:s14] =	ssyncadd.s32 $0xFFFFC000  }
0x2a: {  	[tilespmem:s17], [sflag:$0x1] =	stream.indirect.gather [hbm4b:s4+s16], $0x80, s30, s16, $0xb8;
	[tilespmem:$0x1E400] =	vst v63  }
0x2b: {  	_ =	swait.ge [sflag:s20], $0x4000  }
0x2c: {  	[sflag:s20] =	ssyncset.done $0x0  }
0x2d: {  	s31 =	simm.s32 $0x1480;
	[sflag:s20] =	ssyncadd.s32 $0xFFFFC000  }
0x2e: {  	[spmem:s1] =	stream.indirect.scatter.add.f32 [tilespmem:s18], [sflag:$0x3], $0x80, s31, s16, $0xb8;
	[tilespmem:$0x1E400] =	vst v63  }
0x2f: {  	_ =	swait.ge [sflag:s14], $0x4000  }
0x30: {  	s26 =	simm.s32 $0x800;
	s25 =	simm.s32 $0x100;
	[sflag:s14] =	ssyncset.done $0x0  }
.LBB2_2:
0x31: {  	s28 =	sadd.s32 $0x80, s25  }
0x32: {  	[sflag:s14] =	ssyncadd.s32 $0xFFFFC000;
	s29 =	smov.u32 s26;
	s30 =	sadd.s32 $0x400, s26  }
0x33: {  	[tilespmem:s18], [sflag:$0x2] =	stream.indirect.gather [hbm4b:s4+s16], $0x80, s28, s16, $0xb8;
	[tilespmem:$0x1E400] =	vst v63  }
0x34: {  	p0 =	sne.s32 s26, $0x4800;
	_ =	swait.ge [sflag:s19], $0x4000  }
0x35: {  	[sflag:s19] =	ssyncset.done $0x0  }
0x36: {  	s26 =	sadd.s32 $0x1400, s25;
	[sflag:s19] =	ssyncadd.s32 $0xFFFFC000  }
0x37: {  	[spmem:s1] =	stream.indirect.scatter.add.f32 [tilespmem:s17], [sflag:$0x3], $0x80, s26, s16, $0xb8;
	[tilespmem:$0x1E400] =	vst v63  }
0x38: {  	_ =	swait.ge [sflag:s14], $0x4000  }
0x39: {  	[sflag:s14] =	ssyncset.done $0x0  }
0x3a: {  	s26 =	sadd.s32 $0x100, s25;
	[sflag:s14] =	ssyncadd.s32 $0xFFFFC000  }
0x3b: {  	[tilespmem:s17], [sflag:$0x1] =	stream.indirect.gather [hbm4b:s4+s16], $0x80, s26, s16, $0xb8;
	[tilespmem:$0x1E400] =	vst v63  }
0x3c: {  	_ =	swait.ge [sflag:s20], $0x4000  }
.Ltmp0:
0x3d: {  	[sflag:s20] =	ssyncset.done $0x0;
	(pc) =	sbr.rel @p0 .LBB2_2-.Ltmp0, $4  }
0x3e: {  	s25 =	sadd.s32 $0x1480, s25;
	[sflag:s20] =	ssyncadd.s32 $0xFFFFC000  }
0x3f: {  	[spmem:s1] =	stream.indirect.scatter.add.f32 [tilespmem:s18], [sflag:$0x3], $0x80, s25, s16, $0xb8;
	[tilespmem:$0x1E400] =	vst v63  }
0x40: {  	_ =	swait.ge [sflag:s14], $0x4000  }
0x41: {  	s26 =	smov.u32 s30;
	s25 =	sshra.s32 s29, $0x2;
	[sflag:s14] =	ssyncset.done $0x0  }
0x42: {  	s26 =	sadd.s32 $0x80, s25;
	[sflag:s14] =	ssyncadd.s32 $0xFFFFC000  }
0x43: {  	[tilespmem:s18], [sflag:$0x2] =	stream.indirect.gather [hbm4b:s4+s16], $0x80, s26, s16, $0xb8;
	[tilespmem:$0x1E400] =	vst v63  }
0x44: {  	_ =	swait.ge [sflag:s19], $0x4000  }
0x45: {  	[sflag:s19] =	ssyncset.done $0x0  }
0x46: {  	s29 =	sadd.s32 $0x1400, s25;
	[sflag:s19] =	ssyncadd.s32 $0xFFFFC000  }
0x47: {  	[spmem:s1] =	stream.indirect.scatter.add.f32 [tilespmem:s17], [sflag:$0x3], $0x80, s29, s16, $0xb8;
	[tilespmem:$0x1E400] =	vst v63  }
0x48: {  	_ =	swait.ge [sflag:s14], $0x4000  }
0x49: {  	[sflag:s14] =	ssyncset.done $0x0  }
0x4a: {  	s30 =	sadd.s32 $0x100, s25;
	[sflag:s14] =	ssyncadd.s32 $0xFFFFC000  }
0x4b: {  	[tilespmem:s17], [sflag:$0x1] =	stream.indirect.gather [hbm4b:s4+s16], $0x80, s30, s16, $0xb8;
	[tilespmem:$0x1E400] =	vst v63  }
0x4c: {  	_ =	swait.ge [sflag:s20], $0x4000  }
0x4d: {  	[sflag:s20] =	ssyncset.done $0x0  }
0x4e: {  	s31 =	sadd.s32 $0x1480, s25;
	[sflag:s20] =	ssyncadd.s32 $0xFFFFC000  }
0x4f: {  	[spmem:s1] =	stream.indirect.scatter.add.f32 [tilespmem:s18], [sflag:$0x3], $0x80, s31, s16, $0xb8;
	[tilespmem:$0x1E400] =	vst v63  }
0x50: {  	_ =	swait.ge [sflag:s14], $0x4000  }
0x51: {  	[sflag:s14] =	ssyncset.done $0x0  }
0x52: {  	[sflag:s14] =	ssyncadd.s32 $0xFFFFC000  }
0x53: {  	[tilespmem:s18], [sflag:$0x2] =	stream.indirect.gather [hbm4b:s4+s16], $0x80, s21, s16, $0xb8;
	[tilespmem:$0x1E400] =	vst v63  }
0x54: {  	_ =	swait.ge [sflag:s19], $0x4000  }
0x55: {  	[sflag:s19] =	ssyncset.done $0x0  }
0x56: {  	[sflag:s19] =	ssyncadd.s32 $0xFFFFC000  }
0x57: {  	[spmem:s1] =	stream.indirect.scatter.add.f32 [tilespmem:s17], [sflag:$0x3], $0x80, s22, s16, $0xb8;
	[tilespmem:$0x1E400] =	vst v63  }
0x58: {  	_ =	swait.ge [sflag:s14], $0x4000  }
0x59: {  	[sflag:s14] =	ssyncset.done $0x0  }
0x5a: {  	[sflag:s14] =	ssyncadd.s32 $0xFFFFC000  }
0x5b: {  	_ =	swait.ge [sflag:s20], $0x4000  }
0x5c: {  	[sflag:s20] =	ssyncset.done $0x0  }
0x5d: {  	[sflag:s20] =	ssyncadd.s32 $0xFFFFC000  }
0x5e: {  	[spmem:s1] =	stream.indirect.scatter.add.f32 [tilespmem:s18], [sflag:$0x3], $0x80, s23, s16, $0xb8;
	[tilespmem:$0x1E400] =	vst v63  }
0x5f: {  	_ =	swait.ge [sflag:s14], $0x4000  }
0x60: {  	[sflag:s14] =	ssyncset.done $0x0  }
0x61: {  	s26 =	simm.s32 $0x0;
	[sflag:s14] =	ssyncadd.s32 $0xFFFFC000  }
0x62: {  	[tilespmem:s26], [sflag:$0x3] =	stream.linear.gather [hbm4b:s9+s26], $0x1400, $0x38;
	[tilespmem:$0x1E400] =	vst v63  }
0x63: {  	_ =	swait.ge [sflag:s14], $0x1400  }
0x64: {  	[sflag:s14] =	ssyncset.done $0x0  }
0x65: {  	[sflag:s14] =	ssyncadd.s32 $0xFFFFEC00  }
0x66: {  	[tilespmem:s15], [sflag:$0x3] =	stream.linear.gather [hbm4b:s10+s26], $0x1400, $0x38;
	[tilespmem:$0x1E400] =	vst v63  }
0x67: {  	_ =	swait.ge [sflag:s14], $0x1400  }
0x68: {  	[sflag:s14] =	ssyncset.done $0x0  }
0x69: {  	[sflag:s14] =	ssyncadd.s32 $0xFFFFEC00  }
0x6a: {  	[tilespmem:s17], [sflag:$0x1] =	stream.indirect.gather [hbm4b:s4+s16], $0x80, s26, s16, $0xb8;
	[tilespmem:$0x1E400] =	vst v63  }
0x6b: {  	s28 =	simm.s32 $0x80  }
0x6c: {  	[tilespmem:s18], [sflag:$0x2] =	stream.indirect.gather [hbm4b:s4+s16], $0x80, s28, s16, $0xb8;
	[tilespmem:$0x1E400] =	vst v63  }
0x6d: {  	_ =	swait.ge [sflag:s19], $0x4000  }
0x6e: {  	[sflag:s19] =	ssyncset.done $0x0  }
0x6f: {  	s29 =	simm.s32 $0x1400;
	[sflag:s19] =	ssyncadd.s32 $0xFFFFC000  }
0x70: {  	[spmem:s1] =	stream.indirect.scatter.add.f32 [tilespmem:s17], [sflag:$0x3], $0x80, s29, s16, $0xb8;
	[tilespmem:$0x1E400] =	vst v63  }
0x71: {  	_ =	swait.ge [sflag:s14], $0x4000  }
0x72: {  	[sflag:s14] =	ssyncset.done $0x0  }
0x73: {  	s30 =	simm.s32 $0x100;
	[sflag:s14] =	ssyncadd.s32 $0xFFFFC000  }
0x74: {  	[tilespmem:s17], [sflag:$0x1] =	stream.indirect.gather [hbm4b:s4+s16], $0x80, s30, s16, $0xb8;
	[tilespmem:$0x1E400] =	vst v63  }
0x75: {  	_ =	swait.ge [sflag:s20], $0x4000  }
0x76: {  	[sflag:s20] =	ssyncset.done $0x0  }
0x77: {  	s31 =	simm.s32 $0x1480;
	[sflag:s20] =	ssyncadd.s32 $0xFFFFC000  }
0x78: {  	[spmem:s1] =	stream.indirect.scatter.add.f32 [tilespmem:s18], [sflag:$0x3], $0x80, s31, s16, $0xb8;
	[tilespmem:$0x1E400] =	vst v63  }
0x79: {  	_ =	swait.ge [sflag:s14], $0x4000  }
0x7a: {  	s25 =	simm.s32 $0x100;
	s26 =	simm.s32 $0x800;
	[sflag:s14] =	ssyncset.done $0x0  }
.LBB2_4:
0x7b: {  	s28 =	sadd.s32 $0x80, s25  }
0x7c: {  	[sflag:s14] =	ssyncadd.s32 $0xFFFFC000;
	s29 =	smov.u32 s26;
	s30 =	sadd.s32 $0x400, s26  }
0x7d: {  	[tilespmem:s18], [sflag:$0x2] =	stream.indirect.gather [hbm4b:s4+s16], $0x80, s28, s16, $0xb8;
	[tilespmem:$0x1E400] =	vst v63  }
0x7e: {  	p0 =	sne.s32 s26, $0x4800;
	_ =	swait.ge [sflag:s19], $0x4000  }
0x7f: {  	[sflag:s19] =	ssyncset.done $0x0  }
0x80: {  	s26 =	sadd.s32 $0x1400, s25;
	[sflag:s19] =	ssyncadd.s32 $0xFFFFC000  }
0x81: {  	[spmem:s1] =	stream.indirect.scatter.add.f32 [tilespmem:s17], [sflag:$0x3], $0x80, s26, s16, $0xb8;
	[tilespmem:$0x1E400] =	vst v63  }
0x82: {  	_ =	swait.ge [sflag:s14], $0x4000  }
0x83: {  	[sflag:s14] =	ssyncset.done $0x0  }
0x84: {  	s26 =	sadd.s32 $0x100, s25;
	[sflag:s14] =	ssyncadd.s32 $0xFFFFC000  }
0x85: {  	[tilespmem:s17], [sflag:$0x1] =	stream.indirect.gather [hbm4b:s4+s16], $0x80, s26, s16, $0xb8;
	[tilespmem:$0x1E400] =	vst v63  }
0x86: {  	_ =	swait.ge [sflag:s20], $0x4000  }
.Ltmp1:
0x87: {  	[sflag:s20] =	ssyncset.done $0x0;
	(pc) =	sbr.rel @p0 .LBB2_4-.Ltmp1, $4  }
0x88: {  	s25 =	sadd.s32 $0x1480, s25;
	[sflag:s20] =	ssyncadd.s32 $0xFFFFC000  }
0x89: {  	[spmem:s1] =	stream.indirect.scatter.add.f32 [tilespmem:s18], [sflag:$0x3], $0x80, s25, s16, $0xb8;
	[tilespmem:$0x1E400] =	vst v63  }
0x8a: {  	_ =	swait.ge [sflag:s14], $0x4000  }
0x8b: {  	s26 =	smov.u32 s30;
	s25 =	sshra.s32 s29, $0x2;
	[sflag:s14] =	ssyncset.done $0x0  }
0x8c: {  	s26 =	sadd.s32 $0x80, s25;
	[sflag:s14] =	ssyncadd.s32 $0xFFFFC000  }
0x8d: {  	[tilespmem:s18], [sflag:$0x2] =	stream.indirect.gather [hbm4b:s4+s16], $0x80, s26, s16, $0xb8;
	[tilespmem:$0x1E400] =	vst v63  }
0x8e: {  	_ =	swait.ge [sflag:s19], $0x4000  }
0x8f: {  	[sflag:s19] =	ssyncset.done $0x0  }
0x90: {  	s29 =	sadd.s32 $0x1400, s25;
	[sflag:s19] =	ssyncadd.s32 $0xFFFFC000  }
0x91: {  	[spmem:s1] =	stream.indirect.scatter.add.f32 [tilespmem:s17], [sflag:$0x3], $0x80, s29, s16, $0xb8;
	[tilespmem:$0x1E400] =	vst v63  }
0x92: {  	_ =	swait.ge [sflag:s14], $0x4000  }
0x93: {  	[sflag:s14] =	ssyncset.done $0x0  }
0x94: {  	s30 =	sadd.s32 $0x100, s25;
	[sflag:s14] =	ssyncadd.s32 $0xFFFFC000  }
0x95: {  	[tilespmem:s17], [sflag:$0x1] =	stream.indirect.gather [hbm4b:s4+s16], $0x80, s30, s16, $0xb8;
	[tilespmem:$0x1E400] =	vst v63  }
0x96: {  	_ =	swait.ge [sflag:s20], $0x4000  }
0x97: {  	[sflag:s20] =	ssyncset.done $0x0  }
0x98: {  	s31 =	sadd.s32 $0x1480, s25;
	[sflag:s20] =	ssyncadd.s32 $0xFFFFC000  }
0x99: {  	[spmem:s1] =	stream.indirect.scatter.add.f32 [tilespmem:s18], [sflag:$0x3], $0x80, s31, s16, $0xb8;
	[tilespmem:$0x1E400] =	vst v63  }
0x9a: {  	_ =	swait.ge [sflag:s14], $0x4000  }
0x9b: {  	[sflag:s14] =	ssyncset.done $0x0  }
0x9c: {  	[sflag:s14] =	ssyncadd.s32 $0xFFFFC000  }
0x9d: {  	[tilespmem:s18], [sflag:$0x2] =	stream.indirect.gather [hbm4b:s4+s16], $0x80, s21, s16, $0xb8;
	[tilespmem:$0x1E400] =	vst v63  }
0x9e: {  	_ =	swait.ge [sflag:s19], $0x4000  }
0x9f: {  	[sflag:s19] =	ssyncset.done $0x0  }
0xa0: {  	[sflag:s19] =	ssyncadd.s32 $0xFFFFC000  }
0xa1: {  	[spmem:s1] =	stream.indirect.scatter.add.f32 [tilespmem:s17], [sflag:$0x3], $0x80, s22, s16, $0xb8;
	[tilespmem:$0x1E400] =	vst v63  }
0xa2: {  	_ =	swait.ge [sflag:s14], $0x4000  }
0xa3: {  	[sflag:s14] =	ssyncset.done $0x0  }
0xa4: {  	[sflag:s14] =	ssyncadd.s32 $0xFFFFC000  }
0xa5: {  	_ =	swait.ge [sflag:s20], $0x4000  }
0xa6: {  	[sflag:s20] =	ssyncset.done $0x0  }
0xa7: {  	[sflag:s20] =	ssyncadd.s32 $0xFFFFC000  }
0xa8: {  	[spmem:s1] =	stream.indirect.scatter.add.f32 [tilespmem:s18], [sflag:$0x3], $0x80, s23, s16, $0xb8;
	[tilespmem:$0x1E400] =	vst v63  }
0xa9: {  	_ =	swait.ge [sflag:s14], $0x4000  }
0xaa: {  	s24 =	sadd.s32 $0x1, s24;
	[sflag:s14] =	ssyncset.done $0x0  }
0xab: {  	p0 =	sne.s32 s24, s12;
	[sflag:s14] =	ssyncadd.s32 $0xFFFFC000  }
.Ltmp2:
0xac: {  	[bflag:$0x0] =	sbarrier.arrive $0xFFFF;
	(pc) =	sbr.rel @p0 .LBB2_1-.Ltmp2, $4  }
0xad: {  	[hbm:s11], [sflag:s6] =	dma.local [spmem:s13], $0x2780  }
0xae: {  	_ =	swait.ge [sflag:s14], $0x2780  }
0xaf: {  	[sflag:s14] =	ssyncset.done $0x0  }
0xb0: {  	[sflag:s14] =	ssyncadd.s32 $0xFFFFD880  }
0xb1: {  	_ =	sfence.sel $0x180000  }
0xb2: {  	[bflag:$0x0] =	sbarrier.arrive $0xFFFF  }
0xb3: {  	p0 =	sne.s32 s2, $0x0;
	_ =	strace $0x90000050  }
0xb4: {  	s0 =	sadd.s32 @!p0 $0x100000, s0;
	[bflag:$0x2] =	sbarrier.arrive $0xFFFF  }
0xb5: {  	[sflag:s0] =	ssyncadd.tile.s32 @!p0 $0x1;
	_ =	shalt  }
.Lfunc_end2:
_tile_overlayer_lowered:
.L_overlay_start_2:
0xb6: {  	(tag) =	ssettag $0x2  }
0xb7: {  	s0 =	rddreg [dreg:$0x0];
	s2 =	stileid.u32  }
0xb8: {  	s1 =	rddreg [dreg:$0x1];
	p0 =	sne.s32 s2, $0x0  }
0xb9: {  	s3 =	rddreg [dreg:$0x2];
	[bflag:$0x3] =	sbarrier.arrive $0xFFFF;
	s2 =	simm.s32 @!p0 $0x1C03  }
0xba: {  	[timem:s3], [sflag:s2] =	dma.local @!p0 [hbm:s0], s1  }
0xbb: {  	s0 =	simm.s32 @!p0 $0x3  }
0xbc: {  	_ =	swait.ge @!p0 [sflag:s0], s1  }
0xbd: {  	s1 =	ssub.s32 @!p0 $0x0, s1;
	[sflag:s0] =	ssyncset.done @!p0 $0x0  }
0xbe: {  	[sflag:s0] =	ssyncadd.s32 @!p0 s1  }
0xbf: {  	[bflag:$0x3] =	sbarrier.arrive $0xFFFF  }
0xc0: {  	_ =	shalt  }

// kernel: kernel.25.cloned.1.call-start
scs
__scs_entry_jumppad:
0x0: {  	(pc) =	sbr.rel $0x88, $3  }
0x1: {  	(tag) =	ssettag $0x0;
	lr =	simm.s32 $0x1  }
0x2: {  	[smem:$0x3F98] =	sst lr;
	_ =	strace $0xD0000000  }
0x3: {  	_ = 	snop  }
0x4: {  	_ = 	snop  }
0x5: {  	_ = 	snop  }
0x6: {  	_ = 	snop  }
0x7: {  	_ = 	snop  }
__scs_overlays_trampoline_lowered:
0x8: {  	[smem:$0x3FA7] =	sst s0  }
0x9: {  	[smem:$0x3FA8] =	sst s1  }
0xa: {  	[smem:$0x3FA9] =	sst s2  }
0xb: {  	[smem:$0x3FAA] =	sst s3  }
0xc: {  	[smem:$0x3FAB] =	sst s4  }
0xd: {  	[smem:$0x3FAC] =	sst s5  }
0xe: {  	[smem:$0x3FAD] =	sst s6  }
0xf: {  	[smem:$0x3FAE] =	sst s7  }
0x10: {  	[smem:$0x3FAF] =	sst s8  }
0x11: {  	[smem:$0x3FB0] =	sst s9;
	s0 =	simm.s32 @!p0 $0x0  }
0x12: {  	s1 =	sld [smem:$0x3F96];
	s0 =	simm.s32 @p0 $0x1  }
0x13: {  	[smem:$0x3FB1] =	sst s0;
	s0 =	simm.s32 @!p1 $0x0  }
0x14: {  	s2 =	sld [smem:$0x3F95];
	s0 =	simm.s32 @p1 $0x1  }
0x15: {  	[smem:$0x3FB2] =	sst s0;
	s0 =	simm.s32 @!p2 $0x0  }
0x16: {  	s3 =	sld [smem:$0x3FDB];
	s0 =	simm.s32 @p2 $0x1  }
0x17: {  	s4 =	simm.s32 $0x1BF5;
	[smem:$0x3FB4] =	sst s0  }
0x18: {  	s0 =	sld [smem:$0x3F97];
	_ =	swait.ge [sflag:s4], $0x0  }
0x19: {  	s7 =	sld [smem:$0x3F98]  }
0x1a: {  	s8 =	sadd.s32 $0xFFFFE003, lr  }
0x1b: {  	s9 =	sadd.s32 $0xFFFFFEF7, lr;
	s5 =	simm.s32 $0xFFFFFFFF;
	p2 =	slt.u32 s8, $0xFFFFF086  }
0x1c: {  	p1 =	slt.u32 s9, $0xF7A;
	s5 =	simm.s32 @!p2 $0x0  }
0x1d: {  	s5 =	simm.s32 @p1 $0x1;
	p0 =	seq.s32 s7, s2  }
0x1e: {  	s7 =	smul.u32 @!p0 $0xF7A, s2;
	p2 =	seq.s32 @!p0 s5, $0x0  }
0x1f: {  	s9 =	smul.u32 $0xF7A, s1;
	s8 =	simm.s32 @!p0 $0x1BF5;
	p2 =	por !p2, p0  }
0x20: {  	[sflag:s8] =	ssyncset.s32 @!p0 $0xFFFFF086;
	s6 =	sadd.s32 @!p0 s3, s7;
	s7 =	simm.s32 @!p0 $0x108  }
0x21: {  	s3 =	sadd.s32 s3, s9;
	s6 =	sadd.s32 @!p0 $0x88, s6;
	s7 =	simm.s32 @p2 $0x1082  }
0x22: {  	[simem:s7], [sflag:s8] =	dma.local @!p0 [hbm:s6], $0xF7A  }
0x23: {  	s9 =	sor.u32 $0xD0000000, s2;
	s6 =	simm.s32 $0x108;
	_ =	swait.ge @!p0 [sflag:s8], $0x0  }
0x24: {  	s3 =	sadd.s32 $0x88, s3;
	s6 =	simm.s32 @!p1 $0x1082;
	[sflag:s4] =	ssyncset.s32 $0xFFFFF086  }
0x25: {  	[simem:s6], [sflag:s4] =	dma.local [hbm:s3], $0xF7A  }
0x26: {  	[smem:$0x3F98] =	sst s1;
	(tag) =	ssettag s2;
	_ =	strace s9  }
0x27: {  	s1 =	sld [smem:$0x3FA8]  }
0x28: {  	s2 =	sld [smem:$0x3FA9]  }
0x29: {  	s4 =	sld [smem:$0x3FAB]  }
0x2a: {  	p0 =	seq.s32 s5, $0x0;
	s5 =	sld [smem:$0x3FAC]  }
0x2b: {  	s6 =	sld [smem:$0x3FAD]  }
0x2c: {  	s7 =	sld [smem:$0x3FAE]  }
0x2d: {  	s3 =	simm.s32 $0x108;
	s8 =	sld [smem:$0x3FAF]  }
0x2e: {  	s3 =	simm.s32 @!p0 $0x1082;
	s9 =	sld [smem:$0x3FB0]  }
0x2f: {  	lr =	sadd.s32 s0, s3;
	s0 =	sld [smem:$0x3FA7]  }
0x30: {  	s3 =	sld [smem:$0x3FAA]  }
0x31: {  	[smem:$0x3FB3] =	sst s10  }
0x32: {  	s10 =	sld [smem:$0x3FB1];
	_ =	sdelay $0x3  }
0x33: {  	p0 =	seq.s32 s10, $0x1;
	s10 =	sld [smem:$0x3FB3];
	_ =	sdelay $0x3  }
0x34: {  	[smem:$0x3FB3] =	sst s10  }
0x35: {  	s10 =	sld [smem:$0x3FB2];
	_ =	sdelay $0x3  }
0x36: {  	p1 =	seq.s32 s10, $0x1;
	s10 =	sld [smem:$0x3FB3];
	_ =	sdelay $0x3  }
0x37: {  	[smem:$0x3FB3] =	sst s10  }
0x38: {  	s10 =	sld [smem:$0x3FB4]  }
0x39: {  	_ = 	snop;
	(pc) =	sbr.ind lr, $3  }
0x3a: {  	_ = 	snop  }
0x3b: {  	_ = 	snop  }
0x3c: {  	p2 =	seq.s32 s10, $0x1;
	s10 =	sld [smem:$0x3FB3]  }
0x3d: {  	_ =	shalt  }
0x3e: {  	_ =	shalt  }
0x3f: {  	_ =	shalt  }
0x40: {  	_ =	shalt  }
0x41: {  	_ =	shalt  }
0x42: {  	_ =	shalt  }
0x43: {  	_ =	shalt  }
0x44: {  	_ =	shalt  }
0x45: {  	_ =	shalt  }
0x46: {  	_ =	shalt  }
0x47: {  	_ =	shalt  }
0x48: {  	_ =	shalt  }
0x49: {  	_ =	shalt  }
0x4a: {  	_ =	shalt  }
0x4b: {  	_ =	shalt  }
0x4c: {  	_ =	shalt  }
0x4d: {  	_ =	shalt  }
0x4e: {  	_ =	shalt  }
0x4f: {  	_ =	shalt  }
0x50: {  	_ =	shalt  }
0x51: {  	_ =	shalt  }
0x52: {  	_ =	shalt  }
0x53: {  	_ =	shalt  }
0x54: {  	_ =	shalt  }
0x55: {  	_ =	shalt  }
0x56: {  	_ =	shalt  }
0x57: {  	_ =	shalt  }
0x58: {  	_ =	shalt  }
0x59: {  	_ =	shalt  }
0x5a: {  	_ =	shalt  }
0x5b: {  	_ =	shalt  }
0x5c: {  	_ =	shalt  }
0x5d: {  	_ =	shalt  }
0x5e: {  	_ =	shalt  }
0x5f: {  	_ =	shalt  }
0x60: {  	_ =	shalt  }
0x61: {  	_ =	shalt  }
0x62: {  	_ =	shalt  }
0x63: {  	_ =	shalt  }
0x64: {  	_ =	shalt  }
0x65: {  	_ =	shalt  }
0x66: {  	_ =	shalt  }
0x67: {  	_ =	shalt  }
0x68: {  	_ =	shalt  }
0x69: {  	_ =	shalt  }
0x6a: {  	_ =	shalt  }
0x6b: {  	_ =	shalt  }
0x6c: {  	_ =	shalt  }
0x6d: {  	_ =	shalt  }
0x6e: {  	_ =	shalt  }
0x6f: {  	_ =	shalt  }
0x70: {  	_ =	shalt  }
0x71: {  	_ =	shalt  }
0x72: {  	_ =	shalt  }
0x73: {  	_ =	shalt  }
0x74: {  	_ =	shalt  }
0x75: {  	_ =	shalt  }
0x76: {  	_ =	shalt  }
0x77: {  	_ =	shalt  }
0x78: {  	_ =	shalt  }
0x79: {  	_ =	shalt  }
0x7a: {  	_ =	shalt  }
0x7b: {  	_ =	shalt  }
0x7c: {  	_ =	shalt  }
0x7d: {  	_ =	shalt  }
0x7e: {  	_ =	shalt  }
0x7f: {  	_ =	shalt  }
0x80: {  	_ =	shalt  }
0x81: {  	_ =	shalt  }
0x82: {  	_ =	shalt  }
0x83: {  	_ =	shalt  }
0x84: {  	_ =	shalt  }
0x85: {  	_ =	shalt  }
0x86: {  	_ =	shalt  }
0x87: {  	_ =	shalt  }
.Lfunc_end0:
.L_simem_size_0:
called_computation.4_lowered:
.L_overlay_start_0:
0x88: {  	s2 =	sld [smem:$0x3FD9]  }
0x89: {  	s3 =	sld [smem:$0x3FFE];
	_ =	sdelay $0x1  }
0x8a: {  	s1 =	srdreg.scid  }
0x8b: {  	s0 =	sand.u32 $0x1, s1  }
0x8c: {  	s16 =	sshll.u32 s0, $0xA;
	s2 =	sadd.s32 s3, s2  }
0x8d: {  	s2 =	sadd.s32 s2, s16  }
0x8e: {  	[smem:$0x3FBF] =	sst s2  }
0x8f: {  	_ = 	snop  }
0x90: {  	(tm) =	ssettm $0x1  }
0x91: {  	s17 =	sld [smem:$0x3FFB];
	_ =	sdelay $0x3  }
0x92: {  	_ =	strace s17  }
0x93: {  	s2 =	sld [smem:$0x3FFC];
	_ =	sdelay $0x3  }
0x94: {  	_ =	strace s2  }
0x95: {  	s2 =	sld [smem:$0x3FFD];
	_ =	sdelay $0x3  }
0x96: {  	_ =	strace s2  }
0x97: {  	_ =	strace $0x8FFFFFFF  }
0x98: {  	s18 =	sld [smem:$0x3FDB];
	_ =	sdelay $0x1  }
0x99: {  	s19 =	simm.s32 $_scs_section_size  }
0x9a: {  	s4 =	simm.s32 $_size__tile_overlayer_lowered;
	s5 =	simm.s32 $_tile_overlayer_lowered  }
0x9b: {  	s22 =	simm.s32 $0x1BFF;
	s21 =	sshll.u32 s5, $0x1;
	s2 =	sadd.s32 s19, s18  }
0x9c: {  	s6 =	simm.s32 $0x0;
	s20 =	sshll.u32 s4, $0x1;
	s4 =	sadd.s32 s21, s2  }
0x9d: {  	[timem:s6], [sflag:s22] =	dma.local [hbm:s4], s20  }
0x9e: {  	_ =	swait.ge [sflag:s22], s20  }
0x9f: {  	s3 =	ssub.s32 $0x0, s20;
	[sflag:s22] =	ssyncset.done $0x0  }
0xa0: {  	[sflag:s22] =	ssyncadd.s32 s3;
	_ =	sdelay $0x1  }
0xa1: {  	s23 =	simm.s32 $0x1B8B  }
0xa2: {  	_ =	swait.ge [sflag:s23], $0x1  }
0xa3: {  	[sflag:s23] =	ssyncset.done $0x0  }
0xa4: {  	s25 =	simm.s32 $0x1B8E;
	s24 =	sld [smem:$0x3FFE];
	[sflag:s23] =	ssyncadd.s32 $0xFFFFFFFF  }
0xa5: {  	s26 =	simm.s32 $execute0_lowered;
	[smem:$0x3FD2] =	sst s25  }
0xa6: {  	s4 =	sshll.u32 s26, $0x1;
	_ =	strace $0x80000052;
	[dreg:$0x1] =	wrdreg $0xFFFFFFFF  }
0xa7: {  	s28 =	simm.s32 $_size_execute0_lowered;
	s2 =	sadd.s32 s2, s4;
	[dreg:$0x0] =	wrdreg $0x0  }
0xa8: {  	s4 =	sshll.u32 s28, $0x1;
	[dreg:$0x2] =	wrdreg s2  }
0xa9: {  	[dreg:$0x3] =	wrdreg s4  }
0xaa: {  	[dreg:$0x4] =	wrdreg $0xC0  }
0xab: {  	_ =	task [dreg:s6], $0x5FFFF  }
0xac: {  	[dreg:$0x1] =	wrdreg $0xFFFFFFFF  }
0xad: {  	[dreg:$0x0] =	wrdreg $0x60  }
0xae: {  	[dreg:$0x2] =	wrdreg s24  }
0xaf: {  	[dreg:$0x3] =	wrdreg $0xA8000  }
0xb0: {  	[dreg:$0x4] =	wrdreg $0x9  }
0xb1: {  	_ =	task.clear_ibuf [dreg:s6], $0x5FFFF;
	_ =	strace $0x90000052  }
0xb2: {  	s29 =	simm.s32 $0x9;
	_ =	strace $0x80000054  }
0xb3: {  	_ =	swait.ge [sflag:s29], $0x1  }
0xb4: {  	[sflag:s29] =	ssyncadd.s32 $0xFFFFFFFF  }
0xb5: {  	_ =	strace $0x90000054  }
0xb6: {  	_ =	sfence  }
0xb7: {  	s30 =	sld [smem:$0x0];
	_ =	sdelay $0x2  }
0xb8: {  	s31 =	sshll.u32 s1, $0xD;
	s1 =	sshrl.u32 s1, $0x2  }
0xb9: {  	s3 =	sand.u32 $0x4000, s31;
	s1 =	sadd.s32 s1, s30  }
0xba: {  	s0 =	sor.u32 s3, s0;
	s1 =	sshll.u32 s1, $0x11  }
0xbb: {  	s0 =	sor.u32 s1, s0  }
0xbc: {  	s0 =	sadd.s32 $0x8F2B, s0  }
0xbd: {  	[sflag:s0] =	ssyncadd.remote.s32 $0x1  }
0xbe: {  	_ =	sfence.sel $0xFFFF  }
0xbf: {  	[dreg:$0x0] =	wrdreg $0xFFFFFFFF;
	(pc) =	sbr.abs _section_cstart, $3  }
0xc0: {  	[dreg:$0x1] =	wrdreg $0xFFFFFFFF  }
0xc1: {  	_ =	task.clear_ibuf [dreg:s6], $0x2FFFF;
	_ =	strace $0x9FFFFFFF  }
0xc2: {  	(tm) =	ssettm $0x7FFFFFFF  }
0xc3: {  	_ =	shalt  }
tec
execute0_lowered:
.L_overlay_start_1:
0x0: {  	(tag) =	ssettag $0x1  }
0x1: {  	s5 =	rddreg [dreg:$0x0]  }
0x2: {  	s1 =	rddreg [dreg:$0x1]  }
0x3: {  	s0 =	rddreg [dreg:$0x2];
	s3 =	simm.s32 $0x0;
	s2 =	stileid.u32  }
0x4: {  	s6 =	srdreg.scid;
	s16 =	simm.s32 $0x80;
	s17 =	simm.s32 $0x2800  }
0x5: {  	s18 =	simm.s32 $0x6800;
	s19 =	simm.s32 $0x1;
	s20 =	simm.s32 $0x2  }
0x6: {  	s21 =	simm.s32 $0x1380;
	s22 =	simm.s32 $0x2700;
	s23 =	simm.s32 $0x2780  }
0x7: {  	s24 =	simm.s32 $0x0;
	[smem:$0x7FF] =	sst s3;
	s4 =	sadd.s32 $0x3F800, s5  }
0x8: {  	s7 =	smul.u32 $0x1400, s2;
	s6 =	sand.u32 $0x1, s6;
	s9 =	sadd.s32 $0x4000, s5  }
0x9: {  	s10 =	sadd.s32 $0xE000, s5;
	s12 =	sshll.u32 s2, $0x1;
	s13 =	smul.u32 $0x28000, s2  }
0xa: {  	s29 =	sshll.u32 s2, $0x6;
	_ =	strace $0x80000053;
	s8 =	smul.u32 $0x14000, s6  }
0xb: {  	s26 =	ssub.s32 $0x2, s6;
	s6 =	sor.u32 s6, s12;
	s11 =	sadd.s32 s7, s5  }
0xc: {  	s28 =	sshrl.u32 s26, $0x1;
	s13 =	sshrl.u32 s13, $0x2;
	s14 =	smul.u32 $0x2800, s6  }
0xd: {  	s30 =	smul.u32 $0x500, s6;
	s6 =	sor.u32 $0x1C03, s29;
	s7 =	sadd.s32 s7, s8  }
0xe: {  	s12 =	ssub.s32 s26, s28;
	s13 =	sadd.s32 s13, s1;
	s15 =	sadd.s32 s7, s5  }
0xf: {  	s14 =	sshrl.u32 s14, $0x3;
	s5 =	sadd.s32 $0x8F000, s11;
	s7 =	sadd.s32 s9, s30  }
0x10: {  	s8 =	sadd.s32 s10, s30;
	s12 =	smax.u32 s12, $0x1;
	s13 =	sshrl.u32 s13, $0x3  }
0x11: {  	s31 =	sadd.s32 $0x280, s14;
	s11 =	sadd.s32 $0x67000, s15;
	s14 =	simm.s32 $0x3  }
0x12: {  	s15 =	simm.s32 $0x1400;
	s9 =	sadd.s32 s9, s31;
	s10 =	sadd.s32 s10, s31  }
.LBB2_1:
0x13: {  	[spmem:s13], [sflag:s6] =	dma.local [hbm:s5], $0x1400  }
0x14: {  	_ =	swait.ge [sflag:s14], $0x1400  }
0x15: {  	[sflag:s14] =	ssyncset.done $0x0  }
0x16: {  	[sflag:s14] =	ssyncadd.s32 $0xFFFFEC00  }
0x17: {  	[bflag:$0x0] =	sbarrier.arrive $0xFFFF  }
0x18: {  	[tilespmem:s3], [sflag:$0x3] =	stream.linear.gather [hbm4b:s7+s3], $0x1400, $0x38;
	[tilespmem:$0x14800] =	vst v63  }
0x19: {  	_ =	swait.ge [sflag:s14], $0x1400  }
0x1a: {  	[sflag:s14] =	ssyncset.done $0x0  }
0x1b: {  	[sflag:s14] =	ssyncadd.s32 $0xFFFFEC00  }
0x1c: {  	[tilespmem:s15], [sflag:$0x3] =	stream.linear.gather [hbm4b:s8+s3], $0x1400, $0x38;
	[tilespmem:$0x14800] =	vst v63  }
0x1d: {  	_ =	swait.ge [sflag:s14], $0x1400  }
0x1e: {  	[sflag:s14] =	ssyncset.done $0x0  }
0x1f: {  	[sflag:s14] =	ssyncadd.s32 $0xFFFFEC00  }
0x20: {  	[tilespmem:s17], [sflag:$0x1] =	stream.indirect.gather [hbm4b:s4+s16], $0x80, s3, s16, $0xb8;
	[tilespmem:$0x14800] =	vst v63  }
0x21: {  	s25 =	simm.s32 $0x80  }
0x22: {  	[tilespmem:s18], [sflag:$0x2] =	stream.indirect.gather [hbm4b:s4+s16], $0x80, s25, s16, $0xb8;
	[tilespmem:$0x14800] =	vst v63  }
0x23: {  	_ =	swait.ge [sflag:s19], $0x4000  }
0x24: {  	[sflag:s19] =	ssyncset.done $0x0  }
0x25: {  	s29 =	simm.s32 $0x1400;
	[sflag:s19] =	ssyncadd.s32 $0xFFFFC000  }
0x26: {  	[spmem:s1] =	stream.indirect.scatter.add.f32 [tilespmem:s17], [sflag:$0x3], $0x80, s29, s16, $0xb8;
	[tilespmem:$0x14800] =	vst v63  }
0x27: {  	_ =	swait.ge [sflag:s14], $0x4000  }
0x28: {  	[sflag:s14] =	ssyncset.done $0x0  }
0x29: {  	s30 =	simm.s32 $0x100;
	[sflag:s14] =	ssyncadd.s32 $0xFFFFC000  }
0x2a: {  	[tilespmem:s17], [sflag:$0x1] =	stream.indirect.gather [hbm4b:s4+s16], $0x80, s30, s16, $0xb8;
	[tilespmem:$0x14800] =	vst v63  }
0x2b: {  	_ =	swait.ge [sflag:s20], $0x4000  }
0x2c: {  	[sflag:s20] =	ssyncset.done $0x0  }
0x2d: {  	s31 =	simm.s32 $0x1480;
	[sflag:s20] =	ssyncadd.s32 $0xFFFFC000  }
0x2e: {  	[spmem:s1] =	stream.indirect.scatter.add.f32 [tilespmem:s18], [sflag:$0x3], $0x80, s31, s16, $0xb8;
	[tilespmem:$0x14800] =	vst v63  }
0x2f: {  	_ =	swait.ge [sflag:s14], $0x4000  }
0x30: {  	s26 =	simm.s32 $0x800;
	s25 =	simm.s32 $0x100;
	[sflag:s14] =	ssyncset.done $0x0  }
.LBB2_2:
0x31: {  	s28 =	sadd.s32 $0x80, s25  }
0x32: {  	[sflag:s14] =	ssyncadd.s32 $0xFFFFC000;
	s29 =	smov.u32 s26;
	s30 =	sadd.s32 $0x400, s26  }
0x33: {  	[tilespmem:s18], [sflag:$0x2] =	stream.indirect.gather [hbm4b:s4+s16], $0x80, s28, s16, $0xb8;
	[tilespmem:$0x14800] =	vst v63  }
0x34: {  	p0 =	sne.s32 s26, $0x4800;
	_ =	swait.ge [sflag:s19], $0x4000  }
0x35: {  	[sflag:s19] =	ssyncset.done $0x0  }
0x36: {  	s26 =	sadd.s32 $0x1400, s25;
	[sflag:s19] =	ssyncadd.s32 $0xFFFFC000  }
0x37: {  	[spmem:s1] =	stream.indirect.scatter.add.f32 [tilespmem:s17], [sflag:$0x3], $0x80, s26, s16, $0xb8;
	[tilespmem:$0x14800] =	vst v63  }
0x38: {  	_ =	swait.ge [sflag:s14], $0x4000  }
0x39: {  	[sflag:s14] =	ssyncset.done $0x0  }
0x3a: {  	s26 =	sadd.s32 $0x100, s25;
	[sflag:s14] =	ssyncadd.s32 $0xFFFFC000  }
0x3b: {  	[tilespmem:s17], [sflag:$0x1] =	stream.indirect.gather [hbm4b:s4+s16], $0x80, s26, s16, $0xb8;
	[tilespmem:$0x14800] =	vst v63  }
0x3c: {  	_ =	swait.ge [sflag:s20], $0x4000  }
.Ltmp0:
0x3d: {  	[sflag:s20] =	ssyncset.done $0x0;
	(pc) =	sbr.rel @p0 .LBB2_2-.Ltmp0, $4  }
0x3e: {  	s25 =	sadd.s32 $0x1480, s25;
	[sflag:s20] =	ssyncadd.s32 $0xFFFFC000  }
0x3f: {  	[spmem:s1] =	stream.indirect.scatter.add.f32 [tilespmem:s18], [sflag:$0x3], $0x80, s25, s16, $0xb8;
	[tilespmem:$0x14800] =	vst v63  }
0x40: {  	_ =	swait.ge [sflag:s14], $0x4000  }
0x41: {  	s26 =	smov.u32 s30;
	s25 =	sshra.s32 s29, $0x2;
	[sflag:s14] =	ssyncset.done $0x0  }
0x42: {  	s26 =	sadd.s32 $0x80, s25;
	[sflag:s14] =	ssyncadd.s32 $0xFFFFC000  }
0x43: {  	[tilespmem:s18], [sflag:$0x2] =	stream.indirect.gather [hbm4b:s4+s16], $0x80, s26, s16, $0xb8;
	[tilespmem:$0x14800] =	vst v63  }
0x44: {  	_ =	swait.ge [sflag:s19], $0x4000  }
0x45: {  	[sflag:s19] =	ssyncset.done $0x0  }
0x46: {  	s29 =	sadd.s32 $0x1400, s25;
	[sflag:s19] =	ssyncadd.s32 $0xFFFFC000  }
0x47: {  	[spmem:s1] =	stream.indirect.scatter.add.f32 [tilespmem:s17], [sflag:$0x3], $0x80, s29, s16, $0xb8;
	[tilespmem:$0x14800] =	vst v63  }
0x48: {  	_ =	swait.ge [sflag:s14], $0x4000  }
0x49: {  	[sflag:s14] =	ssyncset.done $0x0  }
0x4a: {  	s30 =	sadd.s32 $0x100, s25;
	[sflag:s14] =	ssyncadd.s32 $0xFFFFC000  }
0x4b: {  	[tilespmem:s17], [sflag:$0x1] =	stream.indirect.gather [hbm4b:s4+s16], $0x80, s30, s16, $0xb8;
	[tilespmem:$0x14800] =	vst v63  }
0x4c: {  	_ =	swait.ge [sflag:s20], $0x4000  }
0x4d: {  	[sflag:s20] =	ssyncset.done $0x0  }
0x4e: {  	s31 =	sadd.s32 $0x1480, s25;
	[sflag:s20] =	ssyncadd.s32 $0xFFFFC000  }
0x4f: {  	[spmem:s1] =	stream.indirect.scatter.add.f32 [tilespmem:s18], [sflag:$0x3], $0x80, s31, s16, $0xb8;
	[tilespmem:$0x14800] =	vst v63  }
0x50: {  	_ =	swait.ge [sflag:s14], $0x4000  }
0x51: {  	[sflag:s14] =	ssyncset.done $0x0  }
0x52: {  	[sflag:s14] =	ssyncadd.s32 $0xFFFFC000  }
0x53: {  	[tilespmem:s18], [sflag:$0x2] =	stream.indirect.gather [hbm4b:s4+s16], $0x80, s21, s16, $0xb8;
	[tilespmem:$0x14800] =	vst v63  }
0x54: {  	_ =	swait.ge [sflag:s19], $0x4000  }
0x55: {  	[sflag:s19] =	ssyncset.done $0x0  }
0x56: {  	[sflag:s19] =	ssyncadd.s32 $0xFFFFC000  }
0x57: {  	[spmem:s1] =	stream.indirect.scatter.add.f32 [tilespmem:s17], [sflag:$0x3], $0x80, s22, s16, $0xb8;
	[tilespmem:$0x14800] =	vst v63  }
0x58: {  	_ =	swait.ge [sflag:s14], $0x4000  }
0x59: {  	[sflag:s14] =	ssyncset.done $0x0  }
0x5a: {  	[sflag:s14] =	ssyncadd.s32 $0xFFFFC000  }
0x5b: {  	_ =	swait.ge [sflag:s20], $0x4000  }
0x5c: {  	[sflag:s20] =	ssyncset.done $0x0  }
0x5d: {  	[sflag:s20] =	ssyncadd.s32 $0xFFFFC000  }
0x5e: {  	[spmem:s1] =	stream.indirect.scatter.add.f32 [tilespmem:s18], [sflag:$0x3], $0x80, s23, s16, $0xb8;
	[tilespmem:$0x14800] =	vst v63  }
0x5f: {  	_ =	swait.ge [sflag:s14], $0x4000  }
0x60: {  	[sflag:s14] =	ssyncset.done $0x0  }
0x61: {  	s26 =	simm.s32 $0x0;
	[sflag:s14] =	ssyncadd.s32 $0xFFFFC000  }
0x62: {  	[tilespmem:s26], [sflag:$0x3] =	stream.linear.gather [hbm4b:s9+s26], $0x1400, $0x38;
	[tilespmem:$0x14800] =	vst v63  }
0x63: {  	_ =	swait.ge [sflag:s14], $0x1400  }
0x64: {  	[sflag:s14] =	ssyncset.done $0x0  }
0x65: {  	[sflag:s14] =	ssyncadd.s32 $0xFFFFEC00  }
0x66: {  	[tilespmem:s15], [sflag:$0x3] =	stream.linear.gather [hbm4b:s10+s26], $0x1400, $0x38;
	[tilespmem:$0x14800] =	vst v63  }
0x67: {  	_ =	swait.ge [sflag:s14], $0x1400  }
0x68: {  	[sflag:s14] =	ssyncset.done $0x0  }
0x69: {  	[sflag:s14] =	ssyncadd.s32 $0xFFFFEC00  }
0x6a: {  	[tilespmem:s17], [sflag:$0x1] =	stream.indirect.gather [hbm4b:s4+s16], $0x80, s26, s16, $0xb8;
	[tilespmem:$0x14800] =	vst v63  }
0x6b: {  	s28 =	simm.s32 $0x80  }
0x6c: {  	[tilespmem:s18], [sflag:$0x2] =	stream.indirect.gather [hbm4b:s4+s16], $0x80, s28, s16, $0xb8;
	[tilespmem:$0x14800] =	vst v63  }
0x6d: {  	_ =	swait.ge [sflag:s19], $0x4000  }
0x6e: {  	[sflag:s19] =	ssyncset.done $0x0  }
0x6f: {  	s29 =	simm.s32 $0x1400;
	[sflag:s19] =	ssyncadd.s32 $0xFFFFC000  }
0x70: {  	[spmem:s1] =	stream.indirect.scatter.add.f32 [tilespmem:s17], [sflag:$0x3], $0x80, s29, s16, $0xb8;
	[tilespmem:$0x14800] =	vst v63  }
0x71: {  	_ =	swait.ge [sflag:s14], $0x4000  }
0x72: {  	[sflag:s14] =	ssyncset.done $0x0  }
0x73: {  	s30 =	simm.s32 $0x100;
	[sflag:s14] =	ssyncadd.s32 $0xFFFFC000  }
0x74: {  	[tilespmem:s17], [sflag:$0x1] =	stream.indirect.gather [hbm4b:s4+s16], $0x80, s30, s16, $0xb8;
	[tilespmem:$0x14800] =	vst v63  }
0x75: {  	_ =	swait.ge [sflag:s20], $0x4000  }
0x76: {  	[sflag:s20] =	ssyncset.done $0x0  }
0x77: {  	s31 =	simm.s32 $0x1480;
	[sflag:s20] =	ssyncadd.s32 $0xFFFFC000  }
0x78: {  	[spmem:s1] =	stream.indirect.scatter.add.f32 [tilespmem:s18], [sflag:$0x3], $0x80, s31, s16, $0xb8;
	[tilespmem:$0x14800] =	vst v63  }
0x79: {  	_ =	swait.ge [sflag:s14], $0x4000  }
0x7a: {  	s25 =	simm.s32 $0x100;
	s26 =	simm.s32 $0x800;
	[sflag:s14] =	ssyncset.done $0x0  }
.LBB2_4:
0x7b: {  	s28 =	sadd.s32 $0x80, s25  }
0x7c: {  	[sflag:s14] =	ssyncadd.s32 $0xFFFFC000;
	s29 =	smov.u32 s26;
	s30 =	sadd.s32 $0x400, s26  }
0x7d: {  	[tilespmem:s18], [sflag:$0x2] =	stream.indirect.gather [hbm4b:s4+s16], $0x80, s28, s16, $0xb8;
	[tilespmem:$0x14800] =	vst v63  }
0x7e: {  	p0 =	sne.s32 s26, $0x4800;
	_ =	swait.ge [sflag:s19], $0x4000  }
0x7f: {  	[sflag:s19] =	ssyncset.done $0x0  }
0x80: {  	s26 =	sadd.s32 $0x1400, s25;
	[sflag:s19] =	ssyncadd.s32 $0xFFFFC000  }
0x81: {  	[spmem:s1] =	stream.indirect.scatter.add.f32 [tilespmem:s17], [sflag:$0x3], $0x80, s26, s16, $0xb8;
	[tilespmem:$0x14800] =	vst v63  }
0x82: {  	_ =	swait.ge [sflag:s14], $0x4000  }
0x83: {  	[sflag:s14] =	ssyncset.done $0x0  }
0x84: {  	s26 =	sadd.s32 $0x100, s25;
	[sflag:s14] =	ssyncadd.s32 $0xFFFFC000  }
0x85: {  	[tilespmem:s17], [sflag:$0x1] =	stream.indirect.gather [hbm4b:s4+s16], $0x80, s26, s16, $0xb8;
	[tilespmem:$0x14800] =	vst v63  }
0x86: {  	_ =	swait.ge [sflag:s20], $0x4000  }
.Ltmp1:
0x87: {  	[sflag:s20] =	ssyncset.done $0x0;
	(pc) =	sbr.rel @p0 .LBB2_4-.Ltmp1, $4  }
0x88: {  	s25 =	sadd.s32 $0x1480, s25;
	[sflag:s20] =	ssyncadd.s32 $0xFFFFC000  }
0x89: {  	[spmem:s1] =	stream.indirect.scatter.add.f32 [tilespmem:s18], [sflag:$0x3], $0x80, s25, s16, $0xb8;
	[tilespmem:$0x14800] =	vst v63  }
0x8a: {  	_ =	swait.ge [sflag:s14], $0x4000  }
0x8b: {  	s26 =	smov.u32 s30;
	s25 =	sshra.s32 s29, $0x2;
	[sflag:s14] =	ssyncset.done $0x0  }
0x8c: {  	s26 =	sadd.s32 $0x80, s25;
	[sflag:s14] =	ssyncadd.s32 $0xFFFFC000  }
0x8d: {  	[tilespmem:s18], [sflag:$0x2] =	stream.indirect.gather [hbm4b:s4+s16], $0x80, s26, s16, $0xb8;
	[tilespmem:$0x14800] =	vst v63  }
0x8e: {  	_ =	swait.ge [sflag:s19], $0x4000  }
0x8f: {  	[sflag:s19] =	ssyncset.done $0x0  }
0x90: {  	s29 =	sadd.s32 $0x1400, s25;
	[sflag:s19] =	ssyncadd.s32 $0xFFFFC000  }
0x91: {  	[spmem:s1] =	stream.indirect.scatter.add.f32 [tilespmem:s17], [sflag:$0x3], $0x80, s29, s16, $0xb8;
	[tilespmem:$0x14800] =	vst v63  }
0x92: {  	_ =	swait.ge [sflag:s14], $0x4000  }
0x93: {  	[sflag:s14] =	ssyncset.done $0x0  }
0x94: {  	s30 =	sadd.s32 $0x100, s25;
	[sflag:s14] =	ssyncadd.s32 $0xFFFFC000  }
0x95: {  	[tilespmem:s17], [sflag:$0x1] =	stream.indirect.gather [hbm4b:s4+s16], $0x80, s30, s16, $0xb8;
	[tilespmem:$0x14800] =	vst v63  }
0x96: {  	_ =	swait.ge [sflag:s20], $0x4000  }
0x97: {  	[sflag:s20] =	ssyncset.done $0x0  }
0x98: {  	s31 =	sadd.s32 $0x1480, s25;
	[sflag:s20] =	ssyncadd.s32 $0xFFFFC000  }
0x99: {  	[spmem:s1] =	stream.indirect.scatter.add.f32 [tilespmem:s18], [sflag:$0x3], $0x80, s31, s16, $0xb8;
	[tilespmem:$0x14800] =	vst v63  }
0x9a: {  	_ =	swait.ge [sflag:s14], $0x4000  }
0x9b: {  	[sflag:s14] =	ssyncset.done $0x0  }
0x9c: {  	[sflag:s14] =	ssyncadd.s32 $0xFFFFC000  }
0x9d: {  	[tilespmem:s18], [sflag:$0x2] =	stream.indirect.gather [hbm4b:s4+s16], $0x80, s21, s16, $0xb8;
	[tilespmem:$0x14800] =	vst v63  }
0x9e: {  	_ =	swait.ge [sflag:s19], $0x4000  }
0x9f: {  	[sflag:s19] =	ssyncset.done $0x0  }
0xa0: {  	[sflag:s19] =	ssyncadd.s32 $0xFFFFC000  }
0xa1: {  	[spmem:s1] =	stream.indirect.scatter.add.f32 [tilespmem:s17], [sflag:$0x3], $0x80, s22, s16, $0xb8;
	[tilespmem:$0x14800] =	vst v63  }
0xa2: {  	_ =	swait.ge [sflag:s14], $0x4000  }
0xa3: {  	[sflag:s14] =	ssyncset.done $0x0  }
0xa4: {  	[sflag:s14] =	ssyncadd.s32 $0xFFFFC000  }
0xa5: {  	_ =	swait.ge [sflag:s20], $0x4000  }
0xa6: {  	[sflag:s20] =	ssyncset.done $0x0  }
0xa7: {  	[sflag:s20] =	ssyncadd.s32 $0xFFFFC000  }
0xa8: {  	[spmem:s1] =	stream.indirect.scatter.add.f32 [tilespmem:s18], [sflag:$0x3], $0x80, s23, s16, $0xb8;
	[tilespmem:$0x14800] =	vst v63  }
0xa9: {  	_ =	swait.ge [sflag:s14], $0x4000  }
0xaa: {  	s24 =	sadd.s32 $0x1, s24;
	[sflag:s14] =	ssyncset.done $0x0  }
0xab: {  	p0 =	sne.s32 s24, s12;
	[sflag:s14] =	ssyncadd.s32 $0xFFFFC000  }
.Ltmp2:
0xac: {  	[bflag:$0x0] =	sbarrier.arrive $0xFFFF;
	(pc) =	sbr.rel @p0 .LBB2_1-.Ltmp2, $4  }
0xad: {  	[hbm:s11], [sflag:s6] =	dma.local [spmem:s13], $0x1400  }
0xae: {  	_ =	swait.ge [sflag:s14], $0x1400  }
0xaf: {  	[sflag:s14] =	ssyncset.done $0x0  }
0xb0: {  	[sflag:s14] =	ssyncadd.s32 $0xFFFFEC00  }
0xb1: {  	_ =	sfence.sel $0x180000  }
0xb2: {  	[bflag:$0x0] =	sbarrier.arrive $0xFFFF  }
0xb3: {  	p0 =	sne.s32 s2, $0x0;
	_ =	strace $0x90000053  }
0xb4: {  	s0 =	sadd.s32 @!p0 $0x100000, s0;
	[bflag:$0x2] =	sbarrier.arrive $0xFFFF  }
0xb5: {  	[sflag:s0] =	ssyncadd.tile.s32 @!p0 $0x1;
	_ =	shalt  }
.Lfunc_end2:
_tile_overlayer_lowered:
.L_overlay_start_2:
0xb6: {  	(tag) =	ssettag $0x2  }
0xb7: {  	s0 =	rddreg [dreg:$0x0];
	s2 =	stileid.u32  }
0xb8: {  	s1 =	rddreg [dreg:$0x1];
	p0 =	sne.s32 s2, $0x0  }
0xb9: {  	s3 =	rddreg [dreg:$0x2];
	[bflag:$0x3] =	sbarrier.arrive $0xFFFF;
	s2 =	simm.s32 @!p0 $0x1C03  }
0xba: {  	[timem:s3], [sflag:s2] =	dma.local @!p0 [hbm:s0], s1  }
0xbb: {  	s0 =	simm.s32 @!p0 $0x3  }
0xbc: {  	_ =	swait.ge @!p0 [sflag:s0], s1  }
0xbd: {  	s1 =	ssub.s32 @!p0 $0x0, s1;
	[sflag:s0] =	ssyncset.done @!p0 $0x0  }
0xbe: {  	[sflag:s0] =	ssyncadd.s32 @!p0 s1  }
0xbf: {  	[bflag:$0x3] =	sbarrier.arrive $0xFFFF  }
0xc0: {  	_ =	shalt  }

// kernel: kernel.28.cloned.1.call-start
scs
__scs_entry_jumppad:
0x0: {  	(pc) =	sbr.rel $0x88, $3  }
0x1: {  	(tag) =	ssettag $0x0;
	lr =	simm.s32 $0x1  }
0x2: {  	[smem:$0x3F98] =	sst lr;
	_ =	strace $0xD0000000  }
0x3: {  	_ = 	snop  }
0x4: {  	_ = 	snop  }
0x5: {  	_ = 	snop  }
0x6: {  	_ = 	snop  }
0x7: {  	_ = 	snop  }
__scs_overlays_trampoline_lowered:
0x8: {  	[smem:$0x3FA7] =	sst s0  }
0x9: {  	[smem:$0x3FA8] =	sst s1  }
0xa: {  	[smem:$0x3FA9] =	sst s2  }
0xb: {  	[smem:$0x3FAA] =	sst s3  }
0xc: {  	[smem:$0x3FAB] =	sst s4  }
0xd: {  	[smem:$0x3FAC] =	sst s5  }
0xe: {  	[smem:$0x3FAD] =	sst s6  }
0xf: {  	[smem:$0x3FAE] =	sst s7  }
0x10: {  	[smem:$0x3FAF] =	sst s8  }
0x11: {  	[smem:$0x3FB0] =	sst s9;
	s0 =	simm.s32 @!p0 $0x0  }
0x12: {  	s1 =	sld [smem:$0x3F96];
	s0 =	simm.s32 @p0 $0x1  }
0x13: {  	[smem:$0x3FB1] =	sst s0;
	s0 =	simm.s32 @!p1 $0x0  }
0x14: {  	s2 =	sld [smem:$0x3F95];
	s0 =	simm.s32 @p1 $0x1  }
0x15: {  	[smem:$0x3FB2] =	sst s0;
	s0 =	simm.s32 @!p2 $0x0  }
0x16: {  	s3 =	sld [smem:$0x3FDB];
	s0 =	simm.s32 @p2 $0x1  }
0x17: {  	s4 =	simm.s32 $0x1BF5;
	[smem:$0x3FB4] =	sst s0  }
0x18: {  	s0 =	sld [smem:$0x3F97];
	_ =	swait.ge [sflag:s4], $0x0  }
0x19: {  	s7 =	sld [smem:$0x3F98]  }
0x1a: {  	s8 =	sadd.s32 $0xFFFFE003, lr  }
0x1b: {  	s9 =	sadd.s32 $0xFFFFFEF7, lr;
	s5 =	simm.s32 $0xFFFFFFFF;
	p2 =	slt.u32 s8, $0xFFFFF086  }
0x1c: {  	p1 =	slt.u32 s9, $0xF7A;
	s5 =	simm.s32 @!p2 $0x0  }
0x1d: {  	s5 =	simm.s32 @p1 $0x1;
	p0 =	seq.s32 s7, s2  }
0x1e: {  	s7 =	smul.u32 @!p0 $0xF7A, s2;
	p2 =	seq.s32 @!p0 s5, $0x0  }
0x1f: {  	s9 =	smul.u32 $0xF7A, s1;
	s8 =	simm.s32 @!p0 $0x1BF5;
	p2 =	por !p2, p0  }
0x20: {  	[sflag:s8] =	ssyncset.s32 @!p0 $0xFFFFF086;
	s6 =	sadd.s32 @!p0 s3, s7;
	s7 =	simm.s32 @!p0 $0x108  }
0x21: {  	s3 =	sadd.s32 s3, s9;
	s6 =	sadd.s32 @!p0 $0x88, s6;
	s7 =	simm.s32 @p2 $0x1082  }
0x22: {  	[simem:s7], [sflag:s8] =	dma.local @!p0 [hbm:s6], $0xF7A  }
0x23: {  	s9 =	sor.u32 $0xD0000000, s2;
	s6 =	simm.s32 $0x108;
	_ =	swait.ge @!p0 [sflag:s8], $0x0  }
0x24: {  	s3 =	sadd.s32 $0x88, s3;
	s6 =	simm.s32 @!p1 $0x1082;
	[sflag:s4] =	ssyncset.s32 $0xFFFFF086  }
0x25: {  	[simem:s6], [sflag:s4] =	dma.local [hbm:s3], $0xF7A  }
0x26: {  	[smem:$0x3F98] =	sst s1;
	(tag) =	ssettag s2;
	_ =	strace s9  }
0x27: {  	s1 =	sld [smem:$0x3FA8]  }
0x28: {  	s2 =	sld [smem:$0x3FA9]  }
0x29: {  	s4 =	sld [smem:$0x3FAB]  }
0x2a: {  	p0 =	seq.s32 s5, $0x0;
	s5 =	sld [smem:$0x3FAC]  }
0x2b: {  	s6 =	sld [smem:$0x3FAD]  }
0x2c: {  	s7 =	sld [smem:$0x3FAE]  }
0x2d: {  	s3 =	simm.s32 $0x108;
	s8 =	sld [smem:$0x3FAF]  }
0x2e: {  	s3 =	simm.s32 @!p0 $0x1082;
	s9 =	sld [smem:$0x3FB0]  }
0x2f: {  	lr =	sadd.s32 s0, s3;
	s0 =	sld [smem:$0x3FA7]  }
0x30: {  	s3 =	sld [smem:$0x3FAA]  }
0x31: {  	[smem:$0x3FB3] =	sst s10  }
0x32: {  	s10 =	sld [smem:$0x3FB1];
	_ =	sdelay $0x3  }
0x33: {  	p0 =	seq.s32 s10, $0x1;
	s10 =	sld [smem:$0x3FB3];
	_ =	sdelay $0x3  }
0x34: {  	[smem:$0x3FB3] =	sst s10  }
0x35: {  	s10 =	sld [smem:$0x3FB2];
	_ =	sdelay $0x3  }
0x36: {  	p1 =	seq.s32 s10, $0x1;
	s10 =	sld [smem:$0x3FB3];
	_ =	sdelay $0x3  }
0x37: {  	[smem:$0x3FB3] =	sst s10  }
0x38: {  	s10 =	sld [smem:$0x3FB4]  }
0x39: {  	_ = 	snop;
	(pc) =	sbr.ind lr, $3  }
0x3a: {  	_ = 	snop  }
0x3b: {  	_ = 	snop  }
0x3c: {  	p2 =	seq.s32 s10, $0x1;
	s10 =	sld [smem:$0x3FB3]  }
0x3d: {  	_ =	shalt  }
0x3e: {  	_ =	shalt  }
0x3f: {  	_ =	shalt  }
0x40: {  	_ =	shalt  }
0x41: {  	_ =	shalt  }
0x42: {  	_ =	shalt  }
0x43: {  	_ =	shalt  }
0x44: {  	_ =	shalt  }
0x45: {  	_ =	shalt  }
0x46: {  	_ =	shalt  }
0x47: {  	_ =	shalt  }
0x48: {  	_ =	shalt  }
0x49: {  	_ =	shalt  }
0x4a: {  	_ =	shalt  }
0x4b: {  	_ =	shalt  }
0x4c: {  	_ =	shalt  }
0x4d: {  	_ =	shalt  }
0x4e: {  	_ =	shalt  }
0x4f: {  	_ =	shalt  }
0x50: {  	_ =	shalt  }
0x51: {  	_ =	shalt  }
0x52: {  	_ =	shalt  }
0x53: {  	_ =	shalt  }
0x54: {  	_ =	shalt  }
0x55: {  	_ =	shalt  }
0x56: {  	_ =	shalt  }
0x57: {  	_ =	shalt  }
0x58: {  	_ =	shalt  }
0x59: {  	_ =	shalt  }
0x5a: {  	_ =	shalt  }
0x5b: {  	_ =	shalt  }
0x5c: {  	_ =	shalt  }
0x5d: {  	_ =	shalt  }
0x5e: {  	_ =	shalt  }
0x5f: {  	_ =	shalt  }
0x60: {  	_ =	shalt  }
0x61: {  	_ =	shalt  }
0x62: {  	_ =	shalt  }
0x63: {  	_ =	shalt  }
0x64: {  	_ =	shalt  }
0x65: {  	_ =	shalt  }
0x66: {  	_ =	shalt  }
0x67: {  	_ =	shalt  }
0x68: {  	_ =	shalt  }
0x69: {  	_ =	shalt  }
0x6a: {  	_ =	shalt  }
0x6b: {  	_ =	shalt  }
0x6c: {  	_ =	shalt  }
0x6d: {  	_ =	shalt  }
0x6e: {  	_ =	shalt  }
0x6f: {  	_ =	shalt  }
0x70: {  	_ =	shalt  }
0x71: {  	_ =	shalt  }
0x72: {  	_ =	shalt  }
0x73: {  	_ =	shalt  }
0x74: {  	_ =	shalt  }
0x75: {  	_ =	shalt  }
0x76: {  	_ =	shalt  }
0x77: {  	_ =	shalt  }
0x78: {  	_ =	shalt  }
0x79: {  	_ =	shalt  }
0x7a: {  	_ =	shalt  }
0x7b: {  	_ =	shalt  }
0x7c: {  	_ =	shalt  }
0x7d: {  	_ =	shalt  }
0x7e: {  	_ =	shalt  }
0x7f: {  	_ =	shalt  }
0x80: {  	_ =	shalt  }
0x81: {  	_ =	shalt  }
0x82: {  	_ =	shalt  }
0x83: {  	_ =	shalt  }
0x84: {  	_ =	shalt  }
0x85: {  	_ =	shalt  }
0x86: {  	_ =	shalt  }
0x87: {  	_ =	shalt  }
.Lfunc_end0:
.L_simem_size_0:
called_computation.5_lowered:
.L_overlay_start_0:
0x88: {  	s2 =	sld [smem:$0x3FD9]  }
0x89: {  	s3 =	sld [smem:$0x3FFE];
	_ =	sdelay $0x1  }
0x8a: {  	s1 =	srdreg.scid  }
0x8b: {  	s0 =	sand.u32 $0x1, s1  }
0x8c: {  	s16 =	sshll.u32 s0, $0xA;
	s2 =	sadd.s32 s3, s2  }
0x8d: {  	s2 =	sadd.s32 s2, s16  }
0x8e: {  	[smem:$0x3FBF] =	sst s2  }
0x8f: {  	_ = 	snop  }
0x90: {  	(tm) =	ssettm $0x1  }
0x91: {  	s17 =	sld [smem:$0x3FFB];
	_ =	sdelay $0x3  }
0x92: {  	_ =	strace s17  }
0x93: {  	s2 =	sld [smem:$0x3FFC];
	_ =	sdelay $0x3  }
0x94: {  	_ =	strace s2  }
0x95: {  	s2 =	sld [smem:$0x3FFD];
	_ =	sdelay $0x3  }
0x96: {  	_ =	strace s2  }
0x97: {  	_ =	strace $0x8FFFFFFF  }
0x98: {  	s18 =	sld [smem:$0x3FDB];
	_ =	sdelay $0x1  }
0x99: {  	s19 =	simm.s32 $_scs_section_size  }
0x9a: {  	s4 =	simm.s32 $_size__tile_overlayer_lowered;
	s5 =	simm.s32 $_tile_overlayer_lowered  }
0x9b: {  	s22 =	simm.s32 $0x1BFF;
	s21 =	sshll.u32 s5, $0x1;
	s2 =	sadd.s32 s19, s18  }
0x9c: {  	s6 =	simm.s32 $0x0;
	s20 =	sshll.u32 s4, $0x1;
	s4 =	sadd.s32 s21, s2  }
0x9d: {  	[timem:s6], [sflag:s22] =	dma.local [hbm:s4], s20  }
0x9e: {  	_ =	swait.ge [sflag:s22], s20  }
0x9f: {  	s3 =	ssub.s32 $0x0, s20;
	[sflag:s22] =	ssyncset.done $0x0  }
0xa0: {  	[sflag:s22] =	ssyncadd.s32 s3;
	_ =	sdelay $0x1  }
0xa1: {  	s23 =	simm.s32 $0x1B8B  }
0xa2: {  	_ =	swait.ge [sflag:s23], $0x1  }
0xa3: {  	[sflag:s23] =	ssyncset.done $0x0  }
0xa4: {  	s25 =	simm.s32 $0x1B8E;
	s24 =	sld [smem:$0x3FFE];
	[sflag:s23] =	ssyncadd.s32 $0xFFFFFFFF  }
0xa5: {  	s26 =	simm.s32 $execute0_lowered;
	[smem:$0x3FD2] =	sst s25  }
0xa6: {  	s4 =	sshll.u32 s26, $0x1;
	_ =	strace $0x80000055;
	[dreg:$0x1] =	wrdreg $0xFFFFFFFF  }
0xa7: {  	s28 =	simm.s32 $_size_execute0_lowered;
	s2 =	sadd.s32 s2, s4;
	[dreg:$0x0] =	wrdreg $0x0  }
0xa8: {  	s4 =	sshll.u32 s28, $0x1;
	[dreg:$0x2] =	wrdreg s2  }
0xa9: {  	[dreg:$0x3] =	wrdreg s4  }
0xaa: {  	[dreg:$0x4] =	wrdreg $0xC0  }
0xab: {  	_ =	task [dreg:s6], $0x5FFFF  }
0xac: {  	[dreg:$0x1] =	wrdreg $0xFFFFFFFF  }
0xad: {  	[dreg:$0x0] =	wrdreg $0x60  }
0xae: {  	[dreg:$0x2] =	wrdreg s24  }
0xaf: {  	[dreg:$0x3] =	wrdreg $0xA8000  }
0xb0: {  	[dreg:$0x4] =	wrdreg $0x9  }
0xb1: {  	_ =	task.clear_ibuf [dreg:s6], $0x5FFFF;
	_ =	strace $0x90000055  }
0xb2: {  	s29 =	simm.s32 $0x9;
	_ =	strace $0x80000057  }
0xb3: {  	_ =	swait.ge [sflag:s29], $0x1  }
0xb4: {  	[sflag:s29] =	ssyncadd.s32 $0xFFFFFFFF  }
0xb5: {  	_ =	strace $0x90000057  }
0xb6: {  	_ =	sfence  }
0xb7: {  	s30 =	sld [smem:$0x0];
	_ =	sdelay $0x2  }
0xb8: {  	s31 =	sshll.u32 s1, $0xD;
	s1 =	sshrl.u32 s1, $0x2  }
0xb9: {  	s3 =	sand.u32 $0x4000, s31;
	s1 =	sadd.s32 s1, s30  }
0xba: {  	s0 =	sor.u32 s3, s0;
	s1 =	sshll.u32 s1, $0x11  }
0xbb: {  	s0 =	sor.u32 s1, s0  }
0xbc: {  	s0 =	sadd.s32 $0x8F2B, s0  }
0xbd: {  	[sflag:s0] =	ssyncadd.remote.s32 $0x1  }
0xbe: {  	_ =	sfence.sel $0xFFFF  }
0xbf: {  	[dreg:$0x0] =	wrdreg $0xFFFFFFFF;
	(pc) =	sbr.abs _section_cstart, $3  }
0xc0: {  	[dreg:$0x1] =	wrdreg $0xFFFFFFFF  }
0xc1: {  	_ =	task.clear_ibuf [dreg:s6], $0x2FFFF;
	_ =	strace $0x9FFFFFFF  }
0xc2: {  	(tm) =	ssettm $0x7FFFFFFF  }
0xc3: {  	_ =	shalt  }
tec
execute0_lowered:
.L_overlay_start_1:
0x0: {  	(tag) =	ssettag $0x1  }
0x1: {  	s5 =	rddreg [dreg:$0x0]  }
0x2: {  	s1 =	rddreg [dreg:$0x1]  }
0x3: {  	s0 =	rddreg [dreg:$0x2];
	s3 =	simm.s32 $0x0;
	s2 =	stileid.u32  }
0x4: {  	s6 =	srdreg.scid;
	s16 =	simm.s32 $0x80;
	s17 =	simm.s32 $0x2800  }
0x5: {  	s18 =	simm.s32 $0x6800;
	s19 =	simm.s32 $0x1;
	s20 =	simm.s32 $0x2  }
0x6: {  	s21 =	simm.s32 $0x1380;
	s22 =	simm.s32 $0x2700;
	s23 =	simm.s32 $0x2780  }
0x7: {  	s24 =	simm.s32 $0x0;
	[smem:$0x7FF] =	sst s3;
	s4 =	sadd.s32 $0x3F800, s5  }
0x8: {  	s7 =	smul.u32 $0x2780, s2;
	s6 =	sand.u32 $0x1, s6;
	s9 =	sadd.s32 $0xE000, s5  }
0x9: {  	s10 =	sadd.s32 $0x4000, s5;
	s12 =	sshll.u32 s2, $0x1;
	s13 =	smul.u32 $0x4F000, s2  }
0xa: {  	s29 =	sshll.u32 s2, $0x6;
	_ =	strace $0x80000056;
	s8 =	smul.u32 $0x27800, s6  }
0xb: {  	s26 =	ssub.s32 $0x2, s6;
	s6 =	sor.u32 s6, s12;
	s11 =	sadd.s32 s7, s5  }
0xc: {  	s28 =	sshrl.u32 s26, $0x1;
	s13 =	sshrl.u32 s13, $0x2;
	s14 =	smul.u32 $0x2800, s6  }
0xd: {  	s30 =	smul.u32 $0x500, s6;
	s6 =	sor.u32 $0x1C03, s29;
	s7 =	sadd.s32 s7, s8  }
0xe: {  	s12 =	ssub.s32 s26, s28;
	s13 =	sadd.s32 s13, s1;
	s15 =	sadd.s32 s7, s5  }
0xf: {  	s14 =	sshrl.u32 s14, $0x3;
	s5 =	sadd.s32 $0x18000, s11;
	s7 =	sadd.s32 s9, s30  }
0x10: {  	s8 =	sadd.s32 s10, s30;
	s12 =	smax.u32 s12, $0x1;
	s13 =	sshrl.u32 s13, $0x3  }
0x11: {  	s31 =	sadd.s32 $0x280, s14;
	s11 =	sadd.s32 $0x53800, s15;
	s14 =	simm.s32 $0x3  }
0x12: {  	s15 =	simm.s32 $0x1400;
	s9 =	sadd.s32 s9, s31;
	s10 =	sadd.s32 s10, s31  }
.LBB2_1:
0x13: {  	[spmem:s13], [sflag:s6] =	dma.local [hbm:s5], $0x2780  }
0x14: {  	_ =	swait.ge [sflag:s14], $0x2780  }
0x15: {  	[sflag:s14] =	ssyncset.done $0x0  }
0x16: {  	[sflag:s14] =	ssyncadd.s32 $0xFFFFD880  }
0x17: {  	[bflag:$0x0] =	sbarrier.arrive $0xFFFF  }
0x18: {  	[tilespmem:s3], [sflag:$0x3] =	stream.linear.gather [hbm4b:s7+s3], $0x1400, $0x38;
	[tilespmem:$0x1E400] =	vst v63  }
0x19: {  	_ =	swait.ge [sflag:s14], $0x1400  }
0x1a: {  	[sflag:s14] =	ssyncset.done $0x0  }
0x1b: {  	[sflag:s14] =	ssyncadd.s32 $0xFFFFEC00  }
0x1c: {  	[tilespmem:s15], [sflag:$0x3] =	stream.linear.gather [hbm4b:s8+s3], $0x1400, $0x38;
	[tilespmem:$0x1E400] =	vst v63  }
0x1d: {  	_ =	swait.ge [sflag:s14], $0x1400  }
0x1e: {  	[sflag:s14] =	ssyncset.done $0x0  }
0x1f: {  	[sflag:s14] =	ssyncadd.s32 $0xFFFFEC00  }
0x20: {  	[tilespmem:s17], [sflag:$0x1] =	stream.indirect.gather [hbm4b:s4+s16], $0x80, s3, s16, $0xb8;
	[tilespmem:$0x1E400] =	vst v63  }
0x21: {  	s25 =	simm.s32 $0x80  }
0x22: {  	[tilespmem:s18], [sflag:$0x2] =	stream.indirect.gather [hbm4b:s4+s16], $0x80, s25, s16, $0xb8;
	[tilespmem:$0x1E400] =	vst v63  }
0x23: {  	_ =	swait.ge [sflag:s19], $0x4000  }
0x24: {  	[sflag:s19] =	ssyncset.done $0x0  }
0x25: {  	s29 =	simm.s32 $0x1400;
	[sflag:s19] =	ssyncadd.s32 $0xFFFFC000  }
0x26: {  	[spmem:s1] =	stream.indirect.scatter.add.f32 [tilespmem:s17], [sflag:$0x3], $0x80, s29, s16, $0xb8;
	[tilespmem:$0x1E400] =	vst v63  }
0x27: {  	_ =	swait.ge [sflag:s14], $0x4000  }
0x28: {  	[sflag:s14] =	ssyncset.done $0x0  }
0x29: {  	s30 =	simm.s32 $0x100;
	[sflag:s14] =	ssyncadd.s32 $0xFFFFC000  }
0x2a: {  	[tilespmem:s17], [sflag:$0x1] =	stream.indirect.gather [hbm4b:s4+s16], $0x80, s30, s16, $0xb8;
	[tilespmem:$0x1E400] =	vst v63  }
0x2b: {  	_ =	swait.ge [sflag:s20], $0x4000  }
0x2c: {  	[sflag:s20] =	ssyncset.done $0x0  }
0x2d: {  	s31 =	simm.s32 $0x1480;
	[sflag:s20] =	ssyncadd.s32 $0xFFFFC000  }
0x2e: {  	[spmem:s1] =	stream.indirect.scatter.add.f32 [tilespmem:s18], [sflag:$0x3], $0x80, s31, s16, $0xb8;
	[tilespmem:$0x1E400] =	vst v63  }
0x2f: {  	_ =	swait.ge [sflag:s14], $0x4000  }
0x30: {  	s26 =	simm.s32 $0x800;
	s25 =	simm.s32 $0x100;
	[sflag:s14] =	ssyncset.done $0x0  }
.LBB2_2:
0x31: {  	s28 =	sadd.s32 $0x80, s25  }
0x32: {  	[sflag:s14] =	ssyncadd.s32 $0xFFFFC000;
	s29 =	smov.u32 s26;
	s30 =	sadd.s32 $0x400, s26  }
0x33: {  	[tilespmem:s18], [sflag:$0x2] =	stream.indirect.gather [hbm4b:s4+s16], $0x80, s28, s16, $0xb8;
	[tilespmem:$0x1E400] =	vst v63  }
0x34: {  	p0 =	sne.s32 s26, $0x4800;
	_ =	swait.ge [sflag:s19], $0x4000  }
0x35: {  	[sflag:s19] =	ssyncset.done $0x0  }
0x36: {  	s26 =	sadd.s32 $0x1400, s25;
	[sflag:s19] =	ssyncadd.s32 $0xFFFFC000  }
0x37: {  	[spmem:s1] =	stream.indirect.scatter.add.f32 [tilespmem:s17], [sflag:$0x3], $0x80, s26, s16, $0xb8;
	[tilespmem:$0x1E400] =	vst v63  }
0x38: {  	_ =	swait.ge [sflag:s14], $0x4000  }
0x39: {  	[sflag:s14] =	ssyncset.done $0x0  }
0x3a: {  	s26 =	sadd.s32 $0x100, s25;
	[sflag:s14] =	ssyncadd.s32 $0xFFFFC000  }
0x3b: {  	[tilespmem:s17], [sflag:$0x1] =	stream.indirect.gather [hbm4b:s4+s16], $0x80, s26, s16, $0xb8;
	[tilespmem:$0x1E400] =	vst v63  }
0x3c: {  	_ =	swait.ge [sflag:s20], $0x4000  }
.Ltmp0:
0x3d: {  	[sflag:s20] =	ssyncset.done $0x0;
	(pc) =	sbr.rel @p0 .LBB2_2-.Ltmp0, $4  }
0x3e: {  	s25 =	sadd.s32 $0x1480, s25;
	[sflag:s20] =	ssyncadd.s32 $0xFFFFC000  }
0x3f: {  	[spmem:s1] =	stream.indirect.scatter.add.f32 [tilespmem:s18], [sflag:$0x3], $0x80, s25, s16, $0xb8;
	[tilespmem:$0x1E400] =	vst v63  }
0x40: {  	_ =	swait.ge [sflag:s14], $0x4000  }
0x41: {  	s26 =	smov.u32 s30;
	s25 =	sshra.s32 s29, $0x2;
	[sflag:s14] =	ssyncset.done $0x0  }
0x42: {  	s26 =	sadd.s32 $0x80, s25;
	[sflag:s14] =	ssyncadd.s32 $0xFFFFC000  }
0x43: {  	[tilespmem:s18], [sflag:$0x2] =	stream.indirect.gather [hbm4b:s4+s16], $0x80, s26, s16, $0xb8;
	[tilespmem:$0x1E400] =	vst v63  }
0x44: {  	_ =	swait.ge [sflag:s19], $0x4000  }
0x45: {  	[sflag:s19] =	ssyncset.done $0x0  }
0x46: {  	s29 =	sadd.s32 $0x1400, s25;
	[sflag:s19] =	ssyncadd.s32 $0xFFFFC000  }
0x47: {  	[spmem:s1] =	stream.indirect.scatter.add.f32 [tilespmem:s17], [sflag:$0x3], $0x80, s29, s16, $0xb8;
	[tilespmem:$0x1E400] =	vst v63  }
0x48: {  	_ =	swait.ge [sflag:s14], $0x4000  }
0x49: {  	[sflag:s14] =	ssyncset.done $0x0  }
0x4a: {  	s30 =	sadd.s32 $0x100, s25;
	[sflag:s14] =	ssyncadd.s32 $0xFFFFC000  }
0x4b: {  	[tilespmem:s17], [sflag:$0x1] =	stream.indirect.gather [hbm4b:s4+s16], $0x80, s30, s16, $0xb8;
	[tilespmem:$0x1E400] =	vst v63  }
0x4c: {  	_ =	swait.ge [sflag:s20], $0x4000  }
0x4d: {  	[sflag:s20] =	ssyncset.done $0x0  }
0x4e: {  	s31 =	sadd.s32 $0x1480, s25;
	[sflag:s20] =	ssyncadd.s32 $0xFFFFC000  }
0x4f: {  	[spmem:s1] =	stream.indirect.scatter.add.f32 [tilespmem:s18], [sflag:$0x3], $0x80, s31, s16, $0xb8;
	[tilespmem:$0x1E400] =	vst v63  }
0x50: {  	_ =	swait.ge [sflag:s14], $0x4000  }
0x51: {  	[sflag:s14] =	ssyncset.done $0x0  }
0x52: {  	[sflag:s14] =	ssyncadd.s32 $0xFFFFC000  }
0x53: {  	[tilespmem:s18], [sflag:$0x2] =	stream.indirect.gather [hbm4b:s4+s16], $0x80, s21, s16, $0xb8;
	[tilespmem:$0x1E400] =	vst v63  }
0x54: {  	_ =	swait.ge [sflag:s19], $0x4000  }
0x55: {  	[sflag:s19] =	ssyncset.done $0x0  }
0x56: {  	[sflag:s19] =	ssyncadd.s32 $0xFFFFC000  }
0x57: {  	[spmem:s1] =	stream.indirect.scatter.add.f32 [tilespmem:s17], [sflag:$0x3], $0x80, s22, s16, $0xb8;
	[tilespmem:$0x1E400] =	vst v63  }
0x58: {  	_ =	swait.ge [sflag:s14], $0x4000  }
0x59: {  	[sflag:s14] =	ssyncset.done $0x0  }
0x5a: {  	[sflag:s14] =	ssyncadd.s32 $0xFFFFC000  }
0x5b: {  	_ =	swait.ge [sflag:s20], $0x4000  }
0x5c: {  	[sflag:s20] =	ssyncset.done $0x0  }
0x5d: {  	[sflag:s20] =	ssyncadd.s32 $0xFFFFC000  }
0x5e: {  	[spmem:s1] =	stream.indirect.scatter.add.f32 [tilespmem:s18], [sflag:$0x3], $0x80, s23, s16, $0xb8;
	[tilespmem:$0x1E400] =	vst v63  }
0x5f: {  	_ =	swait.ge [sflag:s14], $0x4000  }
0x60: {  	[sflag:s14] =	ssyncset.done $0x0  }
0x61: {  	s26 =	simm.s32 $0x0;
	[sflag:s14] =	ssyncadd.s32 $0xFFFFC000  }
0x62: {  	[tilespmem:s26], [sflag:$0x3] =	stream.linear.gather [hbm4b:s9+s26], $0x1400, $0x38;
	[tilespmem:$0x1E400] =	vst v63  }
0x63: {  	_ =	swait.ge [sflag:s14], $0x1400  }
0x64: {  	[sflag:s14] =	ssyncset.done $0x0  }
0x65: {  	[sflag:s14] =	ssyncadd.s32 $0xFFFFEC00  }
0x66: {  	[tilespmem:s15], [sflag:$0x3] =	stream.linear.gather [hbm4b:s10+s26], $0x1400, $0x38;
	[tilespmem:$0x1E400] =	vst v63  }
0x67: {  	_ =	swait.ge [sflag:s14], $0x1400  }
0x68: {  	[sflag:s14] =	ssyncset.done $0x0  }
0x69: {  	[sflag:s14] =	ssyncadd.s32 $0xFFFFEC00  }
0x6a: {  	[tilespmem:s17], [sflag:$0x1] =	stream.indirect.gather [hbm4b:s4+s16], $0x80, s26, s16, $0xb8;
	[tilespmem:$0x1E400] =	vst v63  }
0x6b: {  	s28 =	simm.s32 $0x80  }
0x6c: {  	[tilespmem:s18], [sflag:$0x2] =	stream.indirect.gather [hbm4b:s4+s16], $0x80, s28, s16, $0xb8;
	[tilespmem:$0x1E400] =	vst v63  }
0x6d: {  	_ =	swait.ge [sflag:s19], $0x4000  }
0x6e: {  	[sflag:s19] =	ssyncset.done $0x0  }
0x6f: {  	s29 =	simm.s32 $0x1400;
	[sflag:s19] =	ssyncadd.s32 $0xFFFFC000  }
0x70: {  	[spmem:s1] =	stream.indirect.scatter.add.f32 [tilespmem:s17], [sflag:$0x3], $0x80, s29, s16, $0xb8;
	[tilespmem:$0x1E400] =	vst v63  }
0x71: {  	_ =	swait.ge [sflag:s14], $0x4000  }
0x72: {  	[sflag:s14] =	ssyncset.done $0x0  }
0x73: {  	s30 =	simm.s32 $0x100;
	[sflag:s14] =	ssyncadd.s32 $0xFFFFC000  }
0x74: {  	[tilespmem:s17], [sflag:$0x1] =	stream.indirect.gather [hbm4b:s4+s16], $0x80, s30, s16, $0xb8;
	[tilespmem:$0x1E400] =	vst v63  }
0x75: {  	_ =	swait.ge [sflag:s20], $0x4000  }
0x76: {  	[sflag:s20] =	ssyncset.done $0x0  }
0x77: {  	s31 =	simm.s32 $0x1480;
	[sflag:s20] =	ssyncadd.s32 $0xFFFFC000  }
0x78: {  	[spmem:s1] =	stream.indirect.scatter.add.f32 [tilespmem:s18], [sflag:$0x3], $0x80, s31, s16, $0xb8;
	[tilespmem:$0x1E400] =	vst v63  }
0x79: {  	_ =	swait.ge [sflag:s14], $0x4000  }
0x7a: {  	s25 =	simm.s32 $0x100;
	s26 =	simm.s32 $0x800;
	[sflag:s14] =	ssyncset.done $0x0  }
.LBB2_4:
0x7b: {  	s28 =	sadd.s32 $0x80, s25  }
0x7c: {  	[sflag:s14] =	ssyncadd.s32 $0xFFFFC000;
	s29 =	smov.u32 s26;
	s30 =	sadd.s32 $0x400, s26  }
0x7d: {  	[tilespmem:s18], [sflag:$0x2] =	stream.indirect.gather [hbm4b:s4+s16], $0x80, s28, s16, $0xb8;
	[tilespmem:$0x1E400] =	vst v63  }
0x7e: {  	p0 =	sne.s32 s26, $0x4800;
	_ =	swait.ge [sflag:s19], $0x4000  }
0x7f: {  	[sflag:s19] =	ssyncset.done $0x0  }
0x80: {  	s26 =	sadd.s32 $0x1400, s25;
	[sflag:s19] =	ssyncadd.s32 $0xFFFFC000  }
0x81: {  	[spmem:s1] =	stream.indirect.scatter.add.f32 [tilespmem:s17], [sflag:$0x3], $0x80, s26, s16, $0xb8;
	[tilespmem:$0x1E400] =	vst v63  }
0x82: {  	_ =	swait.ge [sflag:s14], $0x4000  }
0x83: {  	[sflag:s14] =	ssyncset.done $0x0  }
0x84: {  	s26 =	sadd.s32 $0x100, s25;
	[sflag:s14] =	ssyncadd.s32 $0xFFFFC000  }
0x85: {  	[tilespmem:s17], [sflag:$0x1] =	stream.indirect.gather [hbm4b:s4+s16], $0x80, s26, s16, $0xb8;
	[tilespmem:$0x1E400] =	vst v63  }
0x86: {  	_ =	swait.ge [sflag:s20], $0x4000  }
.Ltmp1:
0x87: {  	[sflag:s20] =	ssyncset.done $0x0;
	(pc) =	sbr.rel @p0 .LBB2_4-.Ltmp1, $4  }
0x88: {  	s25 =	sadd.s32 $0x1480, s25;
	[sflag:s20] =	ssyncadd.s32 $0xFFFFC000  }
0x89: {  	[spmem:s1] =	stream.indirect.scatter.add.f32 [tilespmem:s18], [sflag:$0x3], $0x80, s25, s16, $0xb8;
	[tilespmem:$0x1E400] =	vst v63  }
0x8a: {  	_ =	swait.ge [sflag:s14], $0x4000  }
0x8b: {  	s26 =	smov.u32 s30;
	s25 =	sshra.s32 s29, $0x2;
	[sflag:s14] =	ssyncset.done $0x0  }
0x8c: {  	s26 =	sadd.s32 $0x80, s25;
	[sflag:s14] =	ssyncadd.s32 $0xFFFFC000  }
0x8d: {  	[tilespmem:s18], [sflag:$0x2] =	stream.indirect.gather [hbm4b:s4+s16], $0x80, s26, s16, $0xb8;
	[tilespmem:$0x1E400] =	vst v63  }
0x8e: {  	_ =	swait.ge [sflag:s19], $0x4000  }
0x8f: {  	[sflag:s19] =	ssyncset.done $0x0  }
0x90: {  	s29 =	sadd.s32 $0x1400, s25;
	[sflag:s19] =	ssyncadd.s32 $0xFFFFC000  }
0x91: {  	[spmem:s1] =	stream.indirect.scatter.add.f32 [tilespmem:s17], [sflag:$0x3], $0x80, s29, s16, $0xb8;
	[tilespmem:$0x1E400] =	vst v63  }
0x92: {  	_ =	swait.ge [sflag:s14], $0x4000  }
0x93: {  	[sflag:s14] =	ssyncset.done $0x0  }
0x94: {  	s30 =	sadd.s32 $0x100, s25;
	[sflag:s14] =	ssyncadd.s32 $0xFFFFC000  }
0x95: {  	[tilespmem:s17], [sflag:$0x1] =	stream.indirect.gather [hbm4b:s4+s16], $0x80, s30, s16, $0xb8;
	[tilespmem:$0x1E400] =	vst v63  }
0x96: {  	_ =	swait.ge [sflag:s20], $0x4000  }
0x97: {  	[sflag:s20] =	ssyncset.done $0x0  }
0x98: {  	s31 =	sadd.s32 $0x1480, s25;
	[sflag:s20] =	ssyncadd.s32 $0xFFFFC000  }
0x99: {  	[spmem:s1] =	stream.indirect.scatter.add.f32 [tilespmem:s18], [sflag:$0x3], $0x80, s31, s16, $0xb8;
	[tilespmem:$0x1E400] =	vst v63  }
0x9a: {  	_ =	swait.ge [sflag:s14], $0x4000  }
0x9b: {  	[sflag:s14] =	ssyncset.done $0x0  }
0x9c: {  	[sflag:s14] =	ssyncadd.s32 $0xFFFFC000  }
0x9d: {  	[tilespmem:s18], [sflag:$0x2] =	stream.indirect.gather [hbm4b:s4+s16], $0x80, s21, s16, $0xb8;
	[tilespmem:$0x1E400] =	vst v63  }
0x9e: {  	_ =	swait.ge [sflag:s19], $0x4000  }
0x9f: {  	[sflag:s19] =	ssyncset.done $0x0  }
0xa0: {  	[sflag:s19] =	ssyncadd.s32 $0xFFFFC000  }
0xa1: {  	[spmem:s1] =	stream.indirect.scatter.add.f32 [tilespmem:s17], [sflag:$0x3], $0x80, s22, s16, $0xb8;
	[tilespmem:$0x1E400] =	vst v63  }
0xa2: {  	_ =	swait.ge [sflag:s14], $0x4000  }
0xa3: {  	[sflag:s14] =	ssyncset.done $0x0  }
0xa4: {  	[sflag:s14] =	ssyncadd.s32 $0xFFFFC000  }
0xa5: {  	_ =	swait.ge [sflag:s20], $0x4000  }
0xa6: {  	[sflag:s20] =	ssyncset.done $0x0  }
0xa7: {  	[sflag:s20] =	ssyncadd.s32 $0xFFFFC000  }
0xa8: {  	[spmem:s1] =	stream.indirect.scatter.add.f32 [tilespmem:s18], [sflag:$0x3], $0x80, s23, s16, $0xb8;
	[tilespmem:$0x1E400] =	vst v63  }
0xa9: {  	_ =	swait.ge [sflag:s14], $0x4000  }
0xaa: {  	s24 =	sadd.s32 $0x1, s24;
	[sflag:s14] =	ssyncset.done $0x0  }
0xab: {  	p0 =	sne.s32 s24, s12;
	[sflag:s14] =	ssyncadd.s32 $0xFFFFC000  }
.Ltmp2:
0xac: {  	[bflag:$0x0] =	sbarrier.arrive $0xFFFF;
	(pc) =	sbr.rel @p0 .LBB2_1-.Ltmp2, $4  }
0xad: {  	[hbm:s11], [sflag:s6] =	dma.local [spmem:s13], $0x2780  }
0xae: {  	_ =	swait.ge [sflag:s14], $0x2780  }
0xaf: {  	[sflag:s14] =	ssyncset.done $0x0  }
0xb0: {  	[sflag:s14] =	ssyncadd.s32 $0xFFFFD880  }
0xb1: {  	_ =	sfence.sel $0x180000  }
0xb2: {  	[bflag:$0x0] =	sbarrier.arrive $0xFFFF  }
0xb3: {  	p0 =	sne.s32 s2, $0x0;
	_ =	strace $0x90000056  }
0xb4: {  	s0 =	sadd.s32 @!p0 $0x100000, s0;
	[bflag:$0x2] =	sbarrier.arrive $0xFFFF  }
0xb5: {  	[sflag:s0] =	ssyncadd.tile.s32 @!p0 $0x1;
	_ =	shalt  }
.Lfunc_end2:
_tile_overlayer_lowered:
.L_overlay_start_2:
0xb6: {  	(tag) =	ssettag $0x2  }
0xb7: {  	s0 =	rddreg [dreg:$0x0];
	s2 =	stileid.u32  }
0xb8: {  	s1 =	rddreg [dreg:$0x1];
	p0 =	sne.s32 s2, $0x0  }
0xb9: {  	s3 =	rddreg [dreg:$0x2];
	[bflag:$0x3] =	sbarrier.arrive $0xFFFF;
	s2 =	simm.s32 @!p0 $0x1C03  }
0xba: {  	[timem:s3], [sflag:s2] =	dma.local @!p0 [hbm:s0], s1  }
0xbb: {  	s0 =	simm.s32 @!p0 $0x3  }
0xbc: {  	_ =	swait.ge @!p0 [sflag:s0], s1  }
0xbd: {  	s1 =	ssub.s32 @!p0 $0x0, s1;
	[sflag:s0] =	ssyncset.done @!p0 $0x0  }
0xbe: {  	[sflag:s0] =	ssyncadd.s32 @!p0 s1  }
0xbf: {  	[bflag:$0x3] =	sbarrier.arrive $0xFFFF  }
0xc0: {  	_ =	shalt  }

</sc_bundles>
